<compile_context>
chip_gen: v7x
topology: tpu7x:2x2x1
jax: 0.10.2.dev20260603
libtpu: 0.0.44.dev20260713+nightly
codegen_flags: <defaults>
</compile_context>

<pallas_src>
import functools

import jax
import jax.numpy as jnp
import numpy as np
from jax import lax
from jax.experimental import pallas as pl
from jax.experimental.pallas import tpu as pltpu
from jax.experimental.pallas import tpu_sc as plsc

_ROWS = 8
_W = 1024
_SC_ROWS = 40
_SC_CW = 2000
_THREEFRY_C = 0x1BD11BDA
_F32_ONE_BITS = 0x3F800000
_TINY = np.float32(np.finfo(np.float32).tiny)
_NEG_INF = np.float32(-np.inf)
_INT_MAX = np.int32(2**31 - 1)


def _rotl(x, r):
    return (x << jnp.int32(r)) | lax.shift_right_logical(x, jnp.int32(32 - r))


def _threefry2x32(k0, k1, c1):
    k2 = k0 ^ k1 ^ jnp.int32(_THREEFRY_C)
    x0 = k0
    x1 = c1 + k1
    ks = (k0, k1, k2)
    rots = ((13, 15, 26, 6), (17, 29, 16, 24),
            (13, 15, 26, 6), (17, 29, 16, 24), (13, 15, 26, 6))
    for d in range(5):
        for r in rots[d]:
            x0 = x0 + x1
            x1 = _rotl(x1, r) ^ x0
        x0 = x0 + ks[(d + 1) % 3]
        x1 = x1 + ks[(d + 2) % 3] + jnp.int32(d + 1)
    return x0 ^ x1


def _bits_to_unit_float(bits):
    fb = lax.shift_right_logical(bits, jnp.int32(9)) | jnp.int32(_F32_ONE_BITS)
    return lax.bitcast_convert_type(fb, jnp.float32) - jnp.float32(1.0)


def _sc_bits(keys, V, vpad, row0):
    mesh = plsc.VectorSubcoreMesh(core_axis_name="c", subcore_axis_name="s")
    nstripes = vpad // 128
    per_w = (nstripes + 31) // 32

    @functools.partial(
        pl.kernel,
        out_type=jax.ShapeDtypeStruct((_SC_ROWS, vpad), jnp.int32),
        mesh=mesh,
        scratch_types=[
            pltpu.VMEM((_SC_ROWS, 128), jnp.int32),
            pltpu.VMEM((2, 16), jnp.int32),
        ],
    )
    def k(keys_hbm, out_hbm, buf, kbuf):
        wid = lax.axis_index("s") * 2 + lax.axis_index("c")
        pltpu.sync_copy(keys_hbm, kbuf)
        k0 = kbuf.at[0][...]
        k1 = kbuf.at[1][...]
        lane = lax.iota(jnp.int32, 16)

        @pl.loop(0, per_w)
        def _stripe(it):
            s = wid + it * 32

            @pl.when(s < nstripes)
            def _do():
                c0 = pl.multiple_of(s * 128, 128)

                @pl.loop(0, _SC_ROWS)
                def _row(r):
                    base = (row0 + r) * V + c0

                    for u in range(8):
                        ctr = (base + u * 16) + lane
                        buf.at[r, pl.ds(u * 16, 16)][...] = _threefry2x32(
                            k0, k1, ctr)

                pltpu.sync_copy(buf, out_hbm.at[:, pl.ds(c0, 128)])

    return k(keys)


def _make_tc_body(V, W, nch, blk0, with_bits):

    def _body(scal_ref, logits_ref, target_ref, *rest):
        if with_bits:
            bits_ref, out_ref = rest
        else:
            (out_ref,) = rest
        i = pl.program_id(0) + blk0
        R = _ROWS
        k0 = scal_ref[0]
        k1 = scal_ref[1]
        rowoff = (lax.broadcasted_iota(jnp.int32, (R, 1), 0) + i * R) * V
        lane = lax.broadcasted_iota(jnp.int32, (R, W), 1)

        def score_of(j, masked):
            x = logits_ref[:, pl.ds(j * W, W)]
            if with_bits:
                bits = bits_ref[:, pl.ds(j * W, W)]
            else:
                bits = _threefry2x32(k0, k1, (rowoff + j * W) + lane)
            floats = _bits_to_unit_float(bits)
            u = floats + _TINY
            g = -jnp.log(-jnp.log(u))
            score = x + g
            if masked:
                score = jnp.where(lane + j * W < V, score, _NEG_INF)
            return score

        def merge(carry, score, j):
            acc_s, acc_j = carry
            take = score > acc_s
            return (jnp.where(take, score, acc_s),
                    jnp.where(take, j, acc_j))

        def chunk2(jj, carry):
            s0 = score_of(jj * 2, False)
            s1 = score_of(jj * 2 + 1, False)
            carry = merge(carry, s0, jj * 2)
            return merge(carry, s1, jj * 2 + 1)

        acc0 = (jnp.full((R, W), _NEG_INF, jnp.float32),
                jnp.zeros((R, W), jnp.int32))
        carry = lax.fori_loop(0, (nch - 1) // 2, chunk2, acc0)
        for j in range(2 * ((nch - 1) // 2), nch):
            carry = merge(carry, score_of(j, masked=(j == nch - 1)), j)
        a_s, a_j = carry
        a_c = a_j * W + lane

        best = jnp.max(a_s, axis=1, keepdims=True)
        idx = jnp.min(jnp.where(a_s == best, a_c, _INT_MAX),
                      axis=1, keepdims=True)
        sample = idx.astype(jnp.float32)

        rctr = lax.broadcasted_iota(jnp.int32, (R, 1), 0) + i * R
        cbits = _threefry2x32(scal_ref[2], scal_ref[3], rctr)
        cp = jnp.maximum(jnp.float32(0.0), _bits_to_unit_float(cbits))

        t = target_ref[...]
        tcol = lax.broadcasted_iota(jnp.int32, t.shape, 1)
        tgt = jnp.sum(jnp.where(tcol == scal_ref[4], t, jnp.float32(0.0)),
                      axis=1, keepdims=True)

        thr = lax.bitcast_convert_type(scal_ref[5], jnp.float32)
        out_ref[...] = jnp.where(cp < thr, tgt, sample)

    return _body


def kernel(target, logits, step, summary_step):
    B, V = logits.shape
    T = target.shape[1]
    tc_rows = B - _SC_ROWS
    tc_blocks = tc_rows // _ROWS
    sc_blocks = _SC_ROWS // _ROWS

    skd = lax.bitcast_convert_type(
        jax.random.key_data(jax.random.fold_in(jax.random.key(42), summary_step)),
        jnp.int32)
    ckd = lax.bitcast_convert_type(
        jax.random.key_data(jax.random.fold_in(jax.random.key(7), step)),
        jnp.int32)
    stepf = jnp.asarray(step, jnp.float32)
    thr = jnp.float32(100.0) / (jnp.float32(100.0) + jnp.exp(stepf / jnp.float32(100.0)))
    scalars = jnp.concatenate([
        skd.reshape(2), ckd.reshape(2),
        jnp.asarray(step, jnp.int32).reshape(1),
        lax.bitcast_convert_type(thr, jnp.int32).reshape(1),
    ])

    nch = pl.cdiv(V, _W)
    vpad = nch * _W

    keys16 = jnp.tile(skd.reshape(2, 1), (1, 16))
    sc_bits = _sc_bits(keys16, V, vpad, tc_rows)

    wb = 2048
    nch_b = vpad // wb

    out_a = pl.pallas_call(
        _make_tc_body(V, _W, nch, 0, False),
        grid=(tc_blocks,),
        in_specs=[
            pl.BlockSpec(memory_space=pltpu.SMEM),
            pl.BlockSpec((_ROWS, vpad), lambda i: (i, 0)),
            pl.BlockSpec((_ROWS, T), lambda i: (i, 0)),
        ],
        out_specs=pl.BlockSpec((_ROWS, 1), lambda i: (i, 0)),
        out_shape=jax.ShapeDtypeStruct((tc_rows, 1), jnp.float32),
    )(scalars, logits, target)

    out_b = pl.pallas_call(
        _make_tc_body(V, wb, nch_b, tc_blocks, True),
        grid=(sc_blocks,),
        in_specs=[
            pl.BlockSpec(memory_space=pltpu.SMEM),
            pl.BlockSpec((_ROWS, vpad), lambda i, b=tc_blocks: (i + b, 0)),
            pl.BlockSpec((_ROWS, T), lambda i, b=tc_blocks: (i + b, 0)),
            pl.BlockSpec((_ROWS, vpad), lambda i: (i, 0)),
        ],
        out_specs=pl.BlockSpec((_ROWS, 1), lambda i: (i, 0)),
        out_shape=jax.ShapeDtypeStruct((_SC_ROWS, 1), jnp.float32),
    )(scalars, logits, target, sc_bits)

    return jnp.concatenate([out_a, out_b], axis=0)

# --- scband reference (transcript-rebuilt; emitter-appended) ---
"""Pipeline reference for scband-scheduled-sampling-73778948210974 (READ-ONLY COPY).

The authoritative reference and input builder live on the scoring server;
editing this copy changes nothing except your own understanding.
"""

import jax, jax.numpy as jnp
import numpy as np


def prob_thr_func(step):
    # inverse sigmoid decay schedule: k / (k + exp(step / k))
    k = 100.0
    return k / (k + jnp.exp(step / k))


def setup_inputs(seed: int = 0):
    key = jax.random.key(seed)
    k1, k2 = jax.random.split(key)
    # target plays the role of the teacher-forcing sequence; dtype float32 so that
    # sampled ids cast to target.dtype exactly as in the original layer
    target = jax.random.uniform(k1, (128, 32), dtype=jnp.float32)
    logits = jax.random.normal(k2, (128, 100000), dtype=jnp.float32)
    return {"target": target, "logits": logits, "step": 10, "summary_step": 1}


def reference(target, logits, step, summary_step):
    # log_prob_fn = log_softmax
    log_probs = jax.nn.log_softmax(logits, axis=-1)
    # tf.random.categorical(log_probs, 1) equivalent
    skey = jax.random.fold_in(jax.random.key(42), summary_step)
    samples = jax.random.categorical(skey, log_probs, axis=-1).reshape(-1, 1)
    samples = samples.astype(target.dtype)
    # scheduled-sampling flip threshold from the decay schedule
    flip_threshold = prob_thr_func(jnp.asarray(step, jnp.float32))
    ckey = jax.random.fold_in(jax.random.key(7), step)
    choose_prob = jax.random.uniform(ckey, (target.shape[0], 1), dtype=jnp.float32)
    tgt = jax.lax.dynamic_slice_in_dim(target, step, 1, axis=1)
    # summaries (tf_summary) are logging-only no-ops
    return jnp.where(choose_prob < flip_threshold, tgt, samples)

if __name__ == "__main__":
    import jax
    _d = setup_inputs()
    print(jax.jit(kernel)(*tuple(_d.values())))

</pallas_src>

<mosaic_0001>
#map = affine_map<(d0, d1) -> (0, 0)>
module attributes {stable_mosaic.version = 14 : i64} {
  func.func @k(%arg0: i32, %arg1: i32, %arg2: memref<2x16xi32, #tpu.memory_space<hbm>>, %arg3: memref<40x100352xi32, #tpu.memory_space<hbm>>, %arg4: memref<40x128xi32, #tpu.memory_space<vmem>>, %arg5: memref<2x16xi32, #tpu.memory_space<vmem>>) attributes {dimension_semantics = [#tpu.dimension_semantics<core_parallel>, #tpu.dimension_semantics<subcore_parallel>], iteration_bounds = array<i64: 2, 16>, scalar_prefetch = 0 : i64, scratch_operands = 2 : i64, tpu.core_type = #tpu.core_type<sc_vector_subcore>, window_params = [{transform_indices = #map}, {transform_indices = #map}]} {
    %mul3A = arith.constant 2 : i32
    %mul3A_0 = arith.muli %arg1, %mul3A : i32
    %add3A = arith.addi %mul3A_0, %arg0 : i32
    "tpu.region"() ({
      %run_scoped3A = tpu.sem_alloc : memref<!tpu.dma_semaphore, #tpu.memory_space<semaphore_mem>>
      tpu.enqueue_dma source(%arg2 : memref<2x16xi32, #tpu.memory_space<hbm>>) target(%arg5 : memref<2x16xi32, #tpu.memory_space<vmem>>) target_semaphore(%run_scoped3A : memref<!tpu.dma_semaphore, #tpu.memory_space<semaphore_mem>>)
      tpu.wait_dma2 semaphore(%run_scoped3A : memref<!tpu.dma_semaphore, #tpu.memory_space<semaphore_mem>>) src(%arg2 : memref<2x16xi32, #tpu.memory_space<hbm>>) dst(%arg5 : memref<2x16xi32, #tpu.memory_space<vmem>>)
      tpu.yield
    }) : () -> ()
    %get3A = arith.constant 0 : i32
    %get3A_1 = arith.index_cast %get3A : i32 to index
    %get3A_2 = arith.constant 0 : index
    %get3A_3 = tpu.vector_load %arg5[%get3A_1, %get3A_2] {strides = array<i32>} : memref<2x16xi32, #tpu.memory_space<vmem>>, vector<1x16xi32>,
    %get3A_4 = vector.shape_cast %get3A_3 : vector<1x16xi32> to vector<16xi32>
    %get3A_5 = arith.constant 1 : i32
    %get3A_6 = arith.index_cast %get3A_5 : i32 to index
    %get3A_7 = arith.constant 0 : index
    %get3A_8 = tpu.vector_load %arg5[%get3A_6, %get3A_7] {strides = array<i32>} : memref<2x16xi32, #tpu.memory_space<vmem>>, vector<1x16xi32>,
    %get3A_9 = vector.shape_cast %get3A_8 : vector<1x16xi32> to vector<16xi32>
    %iota3A = tpu.iota {dimensions = array<i32: 0>} : vector<16xi32>
    %scan3A = arith.constant 0 : i32
    %scan3A_10 = arith.constant 25 : i32
    %scan3A_11 = arith.addi %scan3A, %scan3A_10 : i32
    %scan3A_12 = arith.constant 1 : i32
    scf.for %scan3A_14 = %scan3A to %scan3A_11 step %scan3A_12  : i32 {
      %mul3A_15 = arith.constant 1 : i32
      %mul3A_16 = arith.muli %scan3A_14, %mul3A_15 : i32
      %add3A_17 = arith.constant 0 : i32
      %add3A_18 = arith.addi %add3A_17, %mul3A_16 : i32
      %mul3A_19 = arith.constant 32 : i32
      %mul3A_20 = arith.muli %add3A_18, %mul3A_19 : i32
      %add3A_21 = arith.addi %add3A, %mul3A_20 : i32
      %lt3A = arith.constant 784 : i32
      %lt3A_22 = arith.cmpi slt, %add3A_21, %lt3A : i32
      %convert_element_type3A = arith.extui %lt3A_22 : i1 to i32
      %cond3A = arith.constant 0 : i32
      %cond3A_23 = arith.cmpi ne, %convert_element_type3A, %cond3A : i32
      scf.if %cond3A_23 {
        %mul3A_24 = arith.constant 128 : i32
        %mul3A_25 = arith.muli %add3A_21, %mul3A_24 : i32
        %multiple_of3A = tpu.assume_multiple %mul3A_25, 128 : i32
        %scan3A_26 = arith.constant 0 : i32
        %scan3A_27 = arith.constant 40 : i32
        %scan3A_28 = arith.addi %scan3A_26, %scan3A_27 : i32
        %scan3A_29 = arith.constant 1 : i32
        scf.for %scan3A_31 = %scan3A_26 to %scan3A_28 step %scan3A_29  : i32 {
          %mul3A_32 = arith.constant 1 : i32
          %mul3A_33 = arith.muli %scan3A_31, %mul3A_32 : i32
          %add3A_34 = arith.constant 0 : i32
          %add3A_35 = arith.addi %add3A_34, %mul3A_33 : i32
          %add3A_36 = arith.constant 88 : i32
          %add3A_37 = arith.addi %add3A_36, %add3A_35 : i32
          %mul3A_38 = arith.constant 100000 : i32
          %mul3A_39 = arith.muli %add3A_37, %mul3A_38 : i32
          %add3A_40 = arith.addi %mul3A_39, %multiple_of3A : i32
          %add3A_41 = arith.constant 0 : i32
          %add3A_42 = arith.addi %add3A_40, %add3A_41 : i32
          %add3A_43 = vector.broadcast %add3A_42 : i32 to vector<16xi32>
          %add3A_44 = arith.addi %add3A_43, %iota3A : vector<16xi32>
          %xor3A = arith.xori %get3A_4, %get3A_9 : vector<16xi32>
          %xor3A_45 = arith.constant 466688986 : i32
          %xor3A_46 = vector.broadcast %xor3A_45 : i32 to vector<16xi32>
          %xor3A_47 = arith.xori %xor3A, %xor3A_46 : vector<16xi32>
          %add3A_48 = arith.addi %add3A_44, %get3A_9 : vector<16xi32>
          %add3A_49 = arith.addi %get3A_4, %add3A_48 : vector<16xi32>
          %shift_left3A = arith.constant 13 : i32
          %shift_left3A_50 = vector.broadcast %shift_left3A : i32 to vector<16xi32>
          %shift_left3A_51 = arith.shli %add3A_48, %shift_left3A_50 : vector<16xi32>
          %shift_right_logical3A = arith.constant 19 : i32
          %shift_right_logical3A_52 = vector.broadcast %shift_right_logical3A : i32 to vector<16xi32>
          %shift_right_logical3A_53 = arith.shrui %add3A_48, %shift_right_logical3A_52 : vector<16xi32>
          %or3A = arith.ori %shift_left3A_51, %shift_right_logical3A_53 : vector<16xi32>
          %xor3A_54 = arith.xori %or3A, %add3A_49 : vector<16xi32>
          %add3A_55 = arith.addi %add3A_49, %xor3A_54 : vector<16xi32>
          %shift_left3A_56 = arith.constant 15 : i32
          %shift_left3A_57 = vector.broadcast %shift_left3A_56 : i32 to vector<16xi32>
          %shift_left3A_58 = arith.shli %xor3A_54, %shift_left3A_57 : vector<16xi32>
          %shift_right_logical3A_59 = arith.constant 17 : i32
          %shift_right_logical3A_60 = vector.broadcast %shift_right_logical3A_59 : i32 to vector<16xi32>
          %shift_right_logical3A_61 = arith.shrui %xor3A_54, %shift_right_logical3A_60 : vector<16xi32>
          %or3A_62 = arith.ori %shift_left3A_58, %shift_right_logical3A_61 : vector<16xi32>
          %xor3A_63 = arith.xori %or3A_62, %add3A_55 : vector<16xi32>
          %add3A_64 = arith.addi %add3A_55, %xor3A_63 : vector<16xi32>
          %shift_left3A_65 = arith.constant 26 : i32
          %shift_left3A_66 = vector.broadcast %shift_left3A_65 : i32 to vector<16xi32>
          %shift_left3A_67 = arith.shli %xor3A_63, %shift_left3A_66 : vector<16xi32>
          %shift_right_logical3A_68 = arith.constant 6 : i32
          %shift_right_logical3A_69 = vector.broadcast %shift_right_logical3A_68 : i32 to vector<16xi32>
          %shift_right_logical3A_70 = arith.shrui %xor3A_63, %shift_right_logical3A_69 : vector<16xi32>
          %or3A_71 = arith.ori %shift_left3A_67, %shift_right_logical3A_70 : vector<16xi32>
          %xor3A_72 = arith.xori %or3A_71, %add3A_64 : vector<16xi32>
          %add3A_73 = arith.addi %add3A_64, %xor3A_72 : vector<16xi32>
          %shift_left3A_74 = arith.constant 6 : i32
          %shift_left3A_75 = vector.broadcast %shift_left3A_74 : i32 to vector<16xi32>
          %shift_left3A_76 = arith.shli %xor3A_72, %shift_left3A_75 : vector<16xi32>
          %shift_right_logical3A_77 = arith.constant 26 : i32
          %shift_right_logical3A_78 = vector.broadcast %shift_right_logical3A_77 : i32 to vector<16xi32>
          %shift_right_logical3A_79 = arith.shrui %xor3A_72, %shift_right_logical3A_78 : vector<16xi32>
          %or3A_80 = arith.ori %shift_left3A_76, %shift_right_logical3A_79 : vector<16xi32>
          %xor3A_81 = arith.xori %or3A_80, %add3A_73 : vector<16xi32>
          %add3A_82 = arith.addi %add3A_73, %get3A_9 : vector<16xi32>
          %add3A_83 = arith.addi %xor3A_81, %xor3A_47 : vector<16xi32>
          %add3A_84 = arith.constant 1 : i32
          %add3A_85 = vector.broadcast %add3A_84 : i32 to vector<16xi32>
          %add3A_86 = arith.addi %add3A_83, %add3A_85 : vector<16xi32>
          %add3A_87 = arith.addi %add3A_82, %add3A_86 : vector<16xi32>
          %shift_left3A_88 = arith.constant 17 : i32
          %shift_left3A_89 = vector.broadcast %shift_left3A_88 : i32 to vector<16xi32>
          %shift_left3A_90 = arith.shli %add3A_86, %shift_left3A_89 : vector<16xi32>
          %shift_right_logical3A_91 = arith.constant 15 : i32
          %shift_right_logical3A_92 = vector.broadcast %shift_right_logical3A_91 : i32 to vector<16xi32>
          %shift_right_logical3A_93 = arith.shrui %add3A_86, %shift_right_logical3A_92 : vector<16xi32>
          %or3A_94 = arith.ori %shift_left3A_90, %shift_right_logical3A_93 : vector<16xi32>
          %xor3A_95 = arith.xori %or3A_94, %add3A_87 : vector<16xi32>
          %add3A_96 = arith.addi %add3A_87, %xor3A_95 : vector<16xi32>
          %shift_left3A_97 = arith.constant 29 : i32
          %shift_left3A_98 = vector.broadcast %shift_left3A_97 : i32 to vector<16xi32>
          %shift_left3A_99 = arith.shli %xor3A_95, %shift_left3A_98 : vector<16xi32>
          %shift_right_logical3A_100 = arith.constant 3 : i32
          %shift_right_logical3A_101 = vector.broadcast %shift_right_logical3A_100 : i32 to vector<16xi32>
          %shift_right_logical3A_102 = arith.shrui %xor3A_95, %shift_right_logical3A_101 : vector<16xi32>
          %or3A_103 = arith.ori %shift_left3A_99, %shift_right_logical3A_102 : vector<16xi32>
          %xor3A_104 = arith.xori %or3A_103, %add3A_96 : vector<16xi32>
          %add3A_105 = arith.addi %add3A_96, %xor3A_104 : vector<16xi32>
          %shift_left3A_106 = arith.constant 16 : i32
          %shift_left3A_107 = vector.broadcast %shift_left3A_106 : i32 to vector<16xi32>
          %shift_left3A_108 = arith.shli %xor3A_104, %shift_left3A_107 : vector<16xi32>
          %shift_right_logical3A_109 = arith.constant 16 : i32
          %shift_right_logical3A_110 = vector.broadcast %shift_right_logical3A_109 : i32 to vector<16xi32>
          %shift_right_logical3A_111 = arith.shrui %xor3A_104, %shift_right_logical3A_110 : vector<16xi32>
          %or3A_112 = arith.ori %shift_left3A_108, %shift_right_logical3A_111 : vector<16xi32>
          %xor3A_113 = arith.xori %or3A_112, %add3A_105 : vector<16xi32>
          %add3A_114 = arith.addi %add3A_105, %xor3A_113 : vector<16xi32>
          %shift_left3A_115 = arith.constant 24 : i32
          %shift_left3A_116 = vector.broadcast %shift_left3A_115 : i32 to vector<16xi32>
          %shift_left3A_117 = arith.shli %xor3A_113, %shift_left3A_116 : vector<16xi32>
          %shift_right_logical3A_118 = arith.constant 8 : i32
          %shift_right_logical3A_119 = vector.broadcast %shift_right_logical3A_118 : i32 to vector<16xi32>
          %shift_right_logical3A_120 = arith.shrui %xor3A_113, %shift_right_logical3A_119 : vector<16xi32>
          %or3A_121 = arith.ori %shift_left3A_117, %shift_right_logical3A_120 : vector<16xi32>
          %xor3A_122 = arith.xori %or3A_121, %add3A_114 : vector<16xi32>
          %add3A_123 = arith.addi %add3A_114, %xor3A_47 : vector<16xi32>
          %add3A_124 = arith.addi %xor3A_122, %get3A_4 : vector<16xi32>
          %add3A_125 = arith.constant 2 : i32
          %add3A_126 = vector.broadcast %add3A_125 : i32 to vector<16xi32>
          %add3A_127 = arith.addi %add3A_124, %add3A_126 : vector<16xi32>
          %add3A_128 = arith.addi %add3A_123, %add3A_127 : vector<16xi32>
          %shift_left3A_129 = arith.constant 13 : i32
          %shift_left3A_130 = vector.broadcast %shift_left3A_129 : i32 to vector<16xi32>
          %shift_left3A_131 = arith.shli %add3A_127, %shift_left3A_130 : vector<16xi32>
          %shift_right_logical3A_132 = arith.constant 19 : i32
          %shift_right_logical3A_133 = vector.broadcast %shift_right_logical3A_132 : i32 to vector<16xi32>
          %shift_right_logical3A_134 = arith.shrui %add3A_127, %shift_right_logical3A_133 : vector<16xi32>
          %or3A_135 = arith.ori %shift_left3A_131, %shift_right_logical3A_134 : vector<16xi32>
          %xor3A_136 = arith.xori %or3A_135, %add3A_128 : vector<16xi32>
          %add3A_137 = arith.addi %add3A_128, %xor3A_136 : vector<16xi32>
          %shift_left3A_138 = arith.constant 15 : i32
          %shift_left3A_139 = vector.broadcast %shift_left3A_138 : i32 to vector<16xi32>
          %shift_left3A_140 = arith.shli %xor3A_136, %shift_left3A_139 : vector<16xi32>
          %shift_right_logical3A_141 = arith.constant 17 : i32
          %shift_right_logical3A_142 = vector.broadcast %shift_right_logical3A_141 : i32 to vector<16xi32>
          %shift_right_logical3A_143 = arith.shrui %xor3A_136, %shift_right_logical3A_142 : vector<16xi32>
          %or3A_144 = arith.ori %shift_left3A_140, %shift_right_logical3A_143 : vector<16xi32>
          %xor3A_145 = arith.xori %or3A_144, %add3A_137 : vector<16xi32>
          %add3A_146 = arith.addi %add3A_137, %xor3A_145 : vector<16xi32>
          %shift_left3A_147 = arith.constant 26 : i32
          %shift_left3A_148 = vector.broadcast %shift_left3A_147 : i32 to vector<16xi32>
          %shift_left3A_149 = arith.shli %xor3A_145, %shift_left3A_148 : vector<16xi32>
          %shift_right_logical3A_150 = arith.constant 6 : i32
          %shift_right_logical3A_151 = vector.broadcast %shift_right_logical3A_150 : i32 to vector<16xi32>
          %shift_right_logical3A_152 = arith.shrui %xor3A_145, %shift_right_logical3A_151 : vector<16xi32>
          %or3A_153 = arith.ori %shift_left3A_149, %shift_right_logical3A_152 : vector<16xi32>
          %xor3A_154 = arith.xori %or3A_153, %add3A_146 : vector<16xi32>
          %add3A_155 = arith.addi %add3A_146, %xor3A_154 : vector<16xi32>
          %shift_left3A_156 = arith.constant 6 : i32
          %shift_left3A_157 = vector.broadcast %shift_left3A_156 : i32 to vector<16xi32>
          %shift_left3A_158 = arith.shli %xor3A_154, %shift_left3A_157 : vector<16xi32>
          %shift_right_logical3A_159 = arith.constant 26 : i32
          %shift_right_logical3A_160 = vector.broadcast %shift_right_logical3A_159 : i32 to vector<16xi32>
          %shift_right_logical3A_161 = arith.shrui %xor3A_154, %shift_right_logical3A_160 : vector<16xi32>
          %or3A_162 = arith.ori %shift_left3A_158, %shift_right_logical3A_161 : vector<16xi32>
          %xor3A_163 = arith.xori %or3A_162, %add3A_155 : vector<16xi32>
          %add3A_164 = arith.addi %add3A_155, %get3A_4 : vector<16xi32>
          %add3A_165 = arith.addi %xor3A_163, %get3A_9 : vector<16xi32>
          %add3A_166 = arith.constant 3 : i32
          %add3A_167 = vector.broadcast %add3A_166 : i32 to vector<16xi32>
          %add3A_168 = arith.addi %add3A_165, %add3A_167 : vector<16xi32>
          %add3A_169 = arith.addi %add3A_164, %add3A_168 : vector<16xi32>
          %shift_left3A_170 = arith.constant 17 : i32
          %shift_left3A_171 = vector.broadcast %shift_left3A_170 : i32 to vector<16xi32>
          %shift_left3A_172 = arith.shli %add3A_168, %shift_left3A_171 : vector<16xi32>
          %shift_right_logical3A_173 = arith.constant 15 : i32
          %shift_right_logical3A_174 = vector.broadcast %shift_right_logical3A_173 : i32 to vector<16xi32>
          %shift_right_logical3A_175 = arith.shrui %add3A_168, %shift_right_logical3A_174 : vector<16xi32>
          %or3A_176 = arith.ori %shift_left3A_172, %shift_right_logical3A_175 : vector<16xi32>
          %xor3A_177 = arith.xori %or3A_176, %add3A_169 : vector<16xi32>
          %add3A_178 = arith.addi %add3A_169, %xor3A_177 : vector<16xi32>
          %shift_left3A_179 = arith.constant 29 : i32
          %shift_left3A_180 = vector.broadcast %shift_left3A_179 : i32 to vector<16xi32>
          %shift_left3A_181 = arith.shli %xor3A_177, %shift_left3A_180 : vector<16xi32>
          %shift_right_logical3A_182 = arith.constant 3 : i32
          %shift_right_logical3A_183 = vector.broadcast %shift_right_logical3A_182 : i32 to vector<16xi32>
          %shift_right_logical3A_184 = arith.shrui %xor3A_177, %shift_right_logical3A_183 : vector<16xi32>
          %or3A_185 = arith.ori %shift_left3A_181, %shift_right_logical3A_184 : vector<16xi32>
          %xor3A_186 = arith.xori %or3A_185, %add3A_178 : vector<16xi32>
          %add3A_187 = arith.addi %add3A_178, %xor3A_186 : vector<16xi32>
          %shift_left3A_188 = arith.constant 16 : i32
          %shift_left3A_189 = vector.broadcast %shift_left3A_188 : i32 to vector<16xi32>
          %shift_left3A_190 = arith.shli %xor3A_186, %shift_left3A_189 : vector<16xi32>
          %shift_right_logical3A_191 = arith.constant 16 : i32
          %shift_right_logical3A_192 = vector.broadcast %shift_right_logical3A_191 : i32 to vector<16xi32>
          %shift_right_logical3A_193 = arith.shrui %xor3A_186, %shift_right_logical3A_192 : vector<16xi32>
          %or3A_194 = arith.ori %shift_left3A_190, %shift_right_logical3A_193 : vector<16xi32>
          %xor3A_195 = arith.xori %or3A_194, %add3A_187 : vector<16xi32>
          %add3A_196 = arith.addi %add3A_187, %xor3A_195 : vector<16xi32>
          %shift_left3A_197 = arith.constant 24 : i32
          %shift_left3A_198 = vector.broadcast %shift_left3A_197 : i32 to vector<16xi32>
          %shift_left3A_199 = arith.shli %xor3A_195, %shift_left3A_198 : vector<16xi32>
          %shift_right_logical3A_200 = arith.constant 8 : i32
          %shift_right_logical3A_201 = vector.broadcast %shift_right_logical3A_200 : i32 to vector<16xi32>
          %shift_right_logical3A_202 = arith.shrui %xor3A_195, %shift_right_logical3A_201 : vector<16xi32>
          %or3A_203 = arith.ori %shift_left3A_199, %shift_right_logical3A_202 : vector<16xi32>
          %xor3A_204 = arith.xori %or3A_203, %add3A_196 : vector<16xi32>
          %add3A_205 = arith.addi %add3A_196, %get3A_9 : vector<16xi32>
          %add3A_206 = arith.addi %xor3A_204, %xor3A_47 : vector<16xi32>
          %add3A_207 = arith.constant 4 : i32
          %add3A_208 = vector.broadcast %add3A_207 : i32 to vector<16xi32>
          %add3A_209 = arith.addi %add3A_206, %add3A_208 : vector<16xi32>
          %add3A_210 = arith.addi %add3A_205, %add3A_209 : vector<16xi32>
          %shift_left3A_211 = arith.constant 13 : i32
          %shift_left3A_212 = vector.broadcast %shift_left3A_211 : i32 to vector<16xi32>
          %shift_left3A_213 = arith.shli %add3A_209, %shift_left3A_212 : vector<16xi32>
          %shift_right_logical3A_214 = arith.constant 19 : i32
          %shift_right_logical3A_215 = vector.broadcast %shift_right_logical3A_214 : i32 to vector<16xi32>
          %shift_right_logical3A_216 = arith.shrui %add3A_209, %shift_right_logical3A_215 : vector<16xi32>
          %or3A_217 = arith.ori %shift_left3A_213, %shift_right_logical3A_216 : vector<16xi32>
          %xor3A_218 = arith.xori %or3A_217, %add3A_210 : vector<16xi32>
          %add3A_219 = arith.addi %add3A_210, %xor3A_218 : vector<16xi32>
          %shift_left3A_220 = arith.constant 15 : i32
          %shift_left3A_221 = vector.broadcast %shift_left3A_220 : i32 to vector<16xi32>
          %shift_left3A_222 = arith.shli %xor3A_218, %shift_left3A_221 : vector<16xi32>
          %shift_right_logical3A_223 = arith.constant 17 : i32
          %shift_right_logical3A_224 = vector.broadcast %shift_right_logical3A_223 : i32 to vector<16xi32>
          %shift_right_logical3A_225 = arith.shrui %xor3A_218, %shift_right_logical3A_224 : vector<16xi32>
          %or3A_226 = arith.ori %shift_left3A_222, %shift_right_logical3A_225 : vector<16xi32>
          %xor3A_227 = arith.xori %or3A_226, %add3A_219 : vector<16xi32>
          %add3A_228 = arith.addi %add3A_219, %xor3A_227 : vector<16xi32>
          %shift_left3A_229 = arith.constant 26 : i32
          %shift_left3A_230 = vector.broadcast %shift_left3A_229 : i32 to vector<16xi32>
          %shift_left3A_231 = arith.shli %xor3A_227, %shift_left3A_230 : vector<16xi32>
          %shift_right_logical3A_232 = arith.constant 6 : i32
          %shift_right_logical3A_233 = vector.broadcast %shift_right_logical3A_232 : i32 to vector<16xi32>
          %shift_right_logical3A_234 = arith.shrui %xor3A_227, %shift_right_logical3A_233 : vector<16xi32>
          %or3A_235 = arith.ori %shift_left3A_231, %shift_right_logical3A_234 : vector<16xi32>
          %xor3A_236 = arith.xori %or3A_235, %add3A_228 : vector<16xi32>
          %add3A_237 = arith.addi %add3A_228, %xor3A_236 : vector<16xi32>
          %shift_left3A_238 = arith.constant 6 : i32
          %shift_left3A_239 = vector.broadcast %shift_left3A_238 : i32 to vector<16xi32>
          %shift_left3A_240 = arith.shli %xor3A_236, %shift_left3A_239 : vector<16xi32>
          %shift_right_logical3A_241 = arith.constant 26 : i32
          %shift_right_logical3A_242 = vector.broadcast %shift_right_logical3A_241 : i32 to vector<16xi32>
          %shift_right_logical3A_243 = arith.shrui %xor3A_236, %shift_right_logical3A_242 : vector<16xi32>
          %or3A_244 = arith.ori %shift_left3A_240, %shift_right_logical3A_243 : vector<16xi32>
          %xor3A_245 = arith.xori %or3A_244, %add3A_237 : vector<16xi32>
          %add3A_246 = arith.addi %add3A_237, %xor3A_47 : vector<16xi32>
          %add3A_247 = arith.addi %xor3A_245, %get3A_4 : vector<16xi32>
          %add3A_248 = arith.constant 5 : i32
          %add3A_249 = vector.broadcast %add3A_248 : i32 to vector<16xi32>
          %add3A_250 = arith.addi %add3A_247, %add3A_249 : vector<16xi32>
          %xor3A_251 = arith.xori %add3A_246, %add3A_250 : vector<16xi32>
          %swap3A = arith.index_cast %add3A_35 : i32 to index
          %swap3A_252 = arith.constant 0 : index
          %swap3A_253 = tpu.vector_load %arg4[%swap3A, %swap3A_252] {strides = array<i32>} : memref<40x128xi32, #tpu.memory_space<vmem>>, vector<1x16xi32>,
          %swap3A_254 = vector.shape_cast %swap3A_253 : vector<1x16xi32> to vector<16xi32>
          %swap3A_255 = vector.shape_cast %xor3A_251 : vector<16xi32> to vector<1x16xi32>
          tpu.vector_store %arg4[%swap3A, %swap3A_252], %swap3A_255 {strides = array<i32>} : memref<40x128xi32, #tpu.memory_space<vmem>>, vector<1x16xi32>,
          %add3A_256 = arith.constant 16 : i32
          %add3A_257 = arith.addi %add3A_40, %add3A_256 : i32
          %add3A_258 = vector.broadcast %add3A_257 : i32 to vector<16xi32>
          %add3A_259 = arith.addi %add3A_258, %iota3A : vector<16xi32>
          %xor3A_260 = arith.xori %get3A_4, %get3A_9 : vector<16xi32>
          %xor3A_261 = arith.constant 466688986 : i32
          %xor3A_262 = vector.broadcast %xor3A_261 : i32 to vector<16xi32>
          %xor3A_263 = arith.xori %xor3A_260, %xor3A_262 : vector<16xi32>
          %add3A_264 = arith.addi %add3A_259, %get3A_9 : vector<16xi32>
          %add3A_265 = arith.addi %get3A_4, %add3A_264 : vector<16xi32>
          %shift_left3A_266 = arith.constant 13 : i32
          %shift_left3A_267 = vector.broadcast %shift_left3A_266 : i32 to vector<16xi32>
          %shift_left3A_268 = arith.shli %add3A_264, %shift_left3A_267 : vector<16xi32>
          %shift_right_logical3A_269 = arith.constant 19 : i32
          %shift_right_logical3A_270 = vector.broadcast %shift_right_logical3A_269 : i32 to vector<16xi32>
          %shift_right_logical3A_271 = arith.shrui %add3A_264, %shift_right_logical3A_270 : vector<16xi32>
          %or3A_272 = arith.ori %shift_left3A_268, %shift_right_logical3A_271 : vector<16xi32>
          %xor3A_273 = arith.xori %or3A_272, %add3A_265 : vector<16xi32>
          %add3A_274 = arith.addi %add3A_265, %xor3A_273 : vector<16xi32>
          %shift_left3A_275 = arith.constant 15 : i32
          %shift_left3A_276 = vector.broadcast %shift_left3A_275 : i32 to vector<16xi32>
          %shift_left3A_277 = arith.shli %xor3A_273, %shift_left3A_276 : vector<16xi32>
          %shift_right_logical3A_278 = arith.constant 17 : i32
          %shift_right_logical3A_279 = vector.broadcast %shift_right_logical3A_278 : i32 to vector<16xi32>
          %shift_right_logical3A_280 = arith.shrui %xor3A_273, %shift_right_logical3A_279 : vector<16xi32>
          %or3A_281 = arith.ori %shift_left3A_277, %shift_right_logical3A_280 : vector<16xi32>
          %xor3A_282 = arith.xori %or3A_281, %add3A_274 : vector<16xi32>
          %add3A_283 = arith.addi %add3A_274, %xor3A_282 : vector<16xi32>
          %shift_left3A_284 = arith.constant 26 : i32
          %shift_left3A_285 = vector.broadcast %shift_left3A_284 : i32 to vector<16xi32>
          %shift_left3A_286 = arith.shli %xor3A_282, %shift_left3A_285 : vector<16xi32>
          %shift_right_logical3A_287 = arith.constant 6 : i32
          %shift_right_logical3A_288 = vector.broadcast %shift_right_logical3A_287 : i32 to vector<16xi32>
          %shift_right_logical3A_289 = arith.shrui %xor3A_282, %shift_right_logical3A_288 : vector<16xi32>
          %or3A_290 = arith.ori %shift_left3A_286, %shift_right_logical3A_289 : vector<16xi32>
          %xor3A_291 = arith.xori %or3A_290, %add3A_283 : vector<16xi32>
          %add3A_292 = arith.addi %add3A_283, %xor3A_291 : vector<16xi32>
          %shift_left3A_293 = arith.constant 6 : i32
          %shift_left3A_294 = vector.broadcast %shift_left3A_293 : i32 to vector<16xi32>
          %shift_left3A_295 = arith.shli %xor3A_291, %shift_left3A_294 : vector<16xi32>
          %shift_right_logical3A_296 = arith.constant 26 : i32
          %shift_right_logical3A_297 = vector.broadcast %shift_right_logical3A_296 : i32 to vector<16xi32>
          %shift_right_logical3A_298 = arith.shrui %xor3A_291, %shift_right_logical3A_297 : vector<16xi32>
          %or3A_299 = arith.ori %shift_left3A_295, %shift_right_logical3A_298 : vector<16xi32>
          %xor3A_300 = arith.xori %or3A_299, %add3A_292 : vector<16xi32>
          %add3A_301 = arith.addi %add3A_292, %get3A_9 : vector<16xi32>
          %add3A_302 = arith.addi %xor3A_300, %xor3A_263 : vector<16xi32>
          %add3A_303 = arith.constant 1 : i32
          %add3A_304 = vector.broadcast %add3A_303 : i32 to vector<16xi32>
          %add3A_305 = arith.addi %add3A_302, %add3A_304 : vector<16xi32>
          %add3A_306 = arith.addi %add3A_301, %add3A_305 : vector<16xi32>
          %shift_left3A_307 = arith.constant 17 : i32
          %shift_left3A_308 = vector.broadcast %shift_left3A_307 : i32 to vector<16xi32>
          %shift_left3A_309 = arith.shli %add3A_305, %shift_left3A_308 : vector<16xi32>
          %shift_right_logical3A_310 = arith.constant 15 : i32
          %shift_right_logical3A_311 = vector.broadcast %shift_right_logical3A_310 : i32 to vector<16xi32>
          %shift_right_logical3A_312 = arith.shrui %add3A_305, %shift_right_logical3A_311 : vector<16xi32>
          %or3A_313 = arith.ori %shift_left3A_309, %shift_right_logical3A_312 : vector<16xi32>
          %xor3A_314 = arith.xori %or3A_313, %add3A_306 : vector<16xi32>
          %add3A_315 = arith.addi %add3A_306, %xor3A_314 : vector<16xi32>
          %shift_left3A_316 = arith.constant 29 : i32
          %shift_left3A_317 = vector.broadcast %shift_left3A_316 : i32 to vector<16xi32>
          %shift_left3A_318 = arith.shli %xor3A_314, %shift_left3A_317 : vector<16xi32>
          %shift_right_logical3A_319 = arith.constant 3 : i32
          %shift_right_logical3A_320 = vector.broadcast %shift_right_logical3A_319 : i32 to vector<16xi32>
          %shift_right_logical3A_321 = arith.shrui %xor3A_314, %shift_right_logical3A_320 : vector<16xi32>
          %or3A_322 = arith.ori %shift_left3A_318, %shift_right_logical3A_321 : vector<16xi32>
          %xor3A_323 = arith.xori %or3A_322, %add3A_315 : vector<16xi32>
          %add3A_324 = arith.addi %add3A_315, %xor3A_323 : vector<16xi32>
          %shift_left3A_325 = arith.constant 16 : i32
          %shift_left3A_326 = vector.broadcast %shift_left3A_325 : i32 to vector<16xi32>
          %shift_left3A_327 = arith.shli %xor3A_323, %shift_left3A_326 : vector<16xi32>
          %shift_right_logical3A_328 = arith.constant 16 : i32
          %shift_right_logical3A_329 = vector.broadcast %shift_right_logical3A_328 : i32 to vector<16xi32>
          %shift_right_logical3A_330 = arith.shrui %xor3A_323, %shift_right_logical3A_329 : vector<16xi32>
          %or3A_331 = arith.ori %shift_left3A_327, %shift_right_logical3A_330 : vector<16xi32>
          %xor3A_332 = arith.xori %or3A_331, %add3A_324 : vector<16xi32>
          %add3A_333 = arith.addi %add3A_324, %xor3A_332 : vector<16xi32>
          %shift_left3A_334 = arith.constant 24 : i32
          %shift_left3A_335 = vector.broadcast %shift_left3A_334 : i32 to vector<16xi32>
          %shift_left3A_336 = arith.shli %xor3A_332, %shift_left3A_335 : vector<16xi32>
          %shift_right_logical3A_337 = arith.constant 8 : i32
          %shift_right_logical3A_338 = vector.broadcast %shift_right_logical3A_337 : i32 to vector<16xi32>
          %shift_right_logical3A_339 = arith.shrui %xor3A_332, %shift_right_logical3A_338 : vector<16xi32>
          %or3A_340 = arith.ori %shift_left3A_336, %shift_right_logical3A_339 : vector<16xi32>
          %xor3A_341 = arith.xori %or3A_340, %add3A_333 : vector<16xi32>
          %add3A_342 = arith.addi %add3A_333, %xor3A_263 : vector<16xi32>
          %add3A_343 = arith.addi %xor3A_341, %get3A_4 : vector<16xi32>
          %add3A_344 = arith.constant 2 : i32
          %add3A_345 = vector.broadcast %add3A_344 : i32 to vector<16xi32>
          %add3A_346 = arith.addi %add3A_343, %add3A_345 : vector<16xi32>
          %add3A_347 = arith.addi %add3A_342, %add3A_346 : vector<16xi32>
          %shift_left3A_348 = arith.constant 13 : i32
          %shift_left3A_349 = vector.broadcast %shift_left3A_348 : i32 to vector<16xi32>
          %shift_left3A_350 = arith.shli %add3A_346, %shift_left3A_349 : vector<16xi32>
          %shift_right_logical3A_351 = arith.constant 19 : i32
          %shift_right_logical3A_352 = vector.broadcast %shift_right_logical3A_351 : i32 to vector<16xi32>
          %shift_right_logical3A_353 = arith.shrui %add3A_346, %shift_right_logical3A_352 : vector<16xi32>
          %or3A_354 = arith.ori %shift_left3A_350, %shift_right_logical3A_353 : vector<16xi32>
          %xor3A_355 = arith.xori %or3A_354, %add3A_347 : vector<16xi32>
          %add3A_356 = arith.addi %add3A_347, %xor3A_355 : vector<16xi32>
          %shift_left3A_357 = arith.constant 15 : i32
          %shift_left3A_358 = vector.broadcast %shift_left3A_357 : i32 to vector<16xi32>
          %shift_left3A_359 = arith.shli %xor3A_355, %shift_left3A_358 : vector<16xi32>
          %shift_right_logical3A_360 = arith.constant 17 : i32
          %shift_right_logical3A_361 = vector.broadcast %shift_right_logical3A_360 : i32 to vector<16xi32>
          %shift_right_logical3A_362 = arith.shrui %xor3A_355, %shift_right_logical3A_361 : vector<16xi32>
          %or3A_363 = arith.ori %shift_left3A_359, %shift_right_logical3A_362 : vector<16xi32>
          %xor3A_364 = arith.xori %or3A_363, %add3A_356 : vector<16xi32>
          %add3A_365 = arith.addi %add3A_356, %xor3A_364 : vector<16xi32>
          %shift_left3A_366 = arith.constant 26 : i32
          %shift_left3A_367 = vector.broadcast %shift_left3A_366 : i32 to vector<16xi32>
          %shift_left3A_368 = arith.shli %xor3A_364, %shift_left3A_367 : vector<16xi32>
          %shift_right_logical3A_369 = arith.constant 6 : i32
          %shift_right_logical3A_370 = vector.broadcast %shift_right_logical3A_369 : i32 to vector<16xi32>
          %shift_right_logical3A_371 = arith.shrui %xor3A_364, %shift_right_logical3A_370 : vector<16xi32>
          %or3A_372 = arith.ori %shift_left3A_368, %shift_right_logical3A_371 : vector<16xi32>
          %xor3A_373 = arith.xori %or3A_372, %add3A_365 : vector<16xi32>
          %add3A_374 = arith.addi %add3A_365, %xor3A_373 : vector<16xi32>
          %shift_left3A_375 = arith.constant 6 : i32
          %shift_left3A_376 = vector.broadcast %shift_left3A_375 : i32 to vector<16xi32>
          %shift_left3A_377 = arith.shli %xor3A_373, %shift_left3A_376 : vector<16xi32>
          %shift_right_logical3A_378 = arith.constant 26 : i32
          %shift_right_logical3A_379 = vector.broadcast %shift_right_logical3A_378 : i32 to vector<16xi32>
          %shift_right_logical3A_380 = arith.shrui %xor3A_373, %shift_right_logical3A_379 : vector<16xi32>
          %or3A_381 = arith.ori %shift_left3A_377, %shift_right_logical3A_380 : vector<16xi32>
          %xor3A_382 = arith.xori %or3A_381, %add3A_374 : vector<16xi32>
          %add3A_383 = arith.addi %add3A_374, %get3A_4 : vector<16xi32>
          %add3A_384 = arith.addi %xor3A_382, %get3A_9 : vector<16xi32>
          %add3A_385 = arith.constant 3 : i32
          %add3A_386 = vector.broadcast %add3A_385 : i32 to vector<16xi32>
          %add3A_387 = arith.addi %add3A_384, %add3A_386 : vector<16xi32>
          %add3A_388 = arith.addi %add3A_383, %add3A_387 : vector<16xi32>
          %shift_left3A_389 = arith.constant 17 : i32
          %shift_left3A_390 = vector.broadcast %shift_left3A_389 : i32 to vector<16xi32>
          %shift_left3A_391 = arith.shli %add3A_387, %shift_left3A_390 : vector<16xi32>
          %shift_right_logical3A_392 = arith.constant 15 : i32
          %shift_right_logical3A_393 = vector.broadcast %shift_right_logical3A_392 : i32 to vector<16xi32>
          %shift_right_logical3A_394 = arith.shrui %add3A_387, %shift_right_logical3A_393 : vector<16xi32>
          %or3A_395 = arith.ori %shift_left3A_391, %shift_right_logical3A_394 : vector<16xi32>
          %xor3A_396 = arith.xori %or3A_395, %add3A_388 : vector<16xi32>
          %add3A_397 = arith.addi %add3A_388, %xor3A_396 : vector<16xi32>
          %shift_left3A_398 = arith.constant 29 : i32
          %shift_left3A_399 = vector.broadcast %shift_left3A_398 : i32 to vector<16xi32>
          %shift_left3A_400 = arith.shli %xor3A_396, %shift_left3A_399 : vector<16xi32>
          %shift_right_logical3A_401 = arith.constant 3 : i32
          %shift_right_logical3A_402 = vector.broadcast %shift_right_logical3A_401 : i32 to vector<16xi32>
          %shift_right_logical3A_403 = arith.shrui %xor3A_396, %shift_right_logical3A_402 : vector<16xi32>
          %or3A_404 = arith.ori %shift_left3A_400, %shift_right_logical3A_403 : vector<16xi32>
          %xor3A_405 = arith.xori %or3A_404, %add3A_397 : vector<16xi32>
          %add3A_406 = arith.addi %add3A_397, %xor3A_405 : vector<16xi32>
          %shift_left3A_407 = arith.constant 16 : i32
          %shift_left3A_408 = vector.broadcast %shift_left3A_407 : i32 to vector<16xi32>
          %shift_left3A_409 = arith.shli %xor3A_405, %shift_left3A_408 : vector<16xi32>
          %shift_right_logical3A_410 = arith.constant 16 : i32
          %shift_right_logical3A_411 = vector.broadcast %shift_right_logical3A_410 : i32 to vector<16xi32>
          %shift_right_logical3A_412 = arith.shrui %xor3A_405, %shift_right_logical3A_411 : vector<16xi32>
          %or3A_413 = arith.ori %shift_left3A_409, %shift_right_logical3A_412 : vector<16xi32>
          %xor3A_414 = arith.xori %or3A_413, %add3A_406 : vector<16xi32>
          %add3A_415 = arith.addi %add3A_406, %xor3A_414 : vector<16xi32>
          %shift_left3A_416 = arith.constant 24 : i32
          %shift_left3A_417 = vector.broadcast %shift_left3A_416 : i32 to vector<16xi32>
          %shift_left3A_418 = arith.shli %xor3A_414, %shift_left3A_417 : vector<16xi32>
          %shift_right_logical3A_419 = arith.constant 8 : i32
          %shift_right_logical3A_420 = vector.broadcast %shift_right_logical3A_419 : i32 to vector<16xi32>
          %shift_right_logical3A_421 = arith.shrui %xor3A_414, %shift_right_logical3A_420 : vector<16xi32>
          %or3A_422 = arith.ori %shift_left3A_418, %shift_right_logical3A_421 : vector<16xi32>
          %xor3A_423 = arith.xori %or3A_422, %add3A_415 : vector<16xi32>
          %add3A_424 = arith.addi %add3A_415, %get3A_9 : vector<16xi32>
          %add3A_425 = arith.addi %xor3A_423, %xor3A_263 : vector<16xi32>
          %add3A_426 = arith.constant 4 : i32
          %add3A_427 = vector.broadcast %add3A_426 : i32 to vector<16xi32>
          %add3A_428 = arith.addi %add3A_425, %add3A_427 : vector<16xi32>
          %add3A_429 = arith.addi %add3A_424, %add3A_428 : vector<16xi32>
          %shift_left3A_430 = arith.constant 13 : i32
          %shift_left3A_431 = vector.broadcast %shift_left3A_430 : i32 to vector<16xi32>
          %shift_left3A_432 = arith.shli %add3A_428, %shift_left3A_431 : vector<16xi32>
          %shift_right_logical3A_433 = arith.constant 19 : i32
          %shift_right_logical3A_434 = vector.broadcast %shift_right_logical3A_433 : i32 to vector<16xi32>
          %shift_right_logical3A_435 = arith.shrui %add3A_428, %shift_right_logical3A_434 : vector<16xi32>
          %or3A_436 = arith.ori %shift_left3A_432, %shift_right_logical3A_435 : vector<16xi32>
          %xor3A_437 = arith.xori %or3A_436, %add3A_429 : vector<16xi32>
          %add3A_438 = arith.addi %add3A_429, %xor3A_437 : vector<16xi32>
          %shift_left3A_439 = arith.constant 15 : i32
          %shift_left3A_440 = vector.broadcast %shift_left3A_439 : i32 to vector<16xi32>
          %shift_left3A_441 = arith.shli %xor3A_437, %shift_left3A_440 : vector<16xi32>
          %shift_right_logical3A_442 = arith.constant 17 : i32
          %shift_right_logical3A_443 = vector.broadcast %shift_right_logical3A_442 : i32 to vector<16xi32>
          %shift_right_logical3A_444 = arith.shrui %xor3A_437, %shift_right_logical3A_443 : vector<16xi32>
          %or3A_445 = arith.ori %shift_left3A_441, %shift_right_logical3A_444 : vector<16xi32>
          %xor3A_446 = arith.xori %or3A_445, %add3A_438 : vector<16xi32>
          %add3A_447 = arith.addi %add3A_438, %xor3A_446 : vector<16xi32>
          %shift_left3A_448 = arith.constant 26 : i32
          %shift_left3A_449 = vector.broadcast %shift_left3A_448 : i32 to vector<16xi32>
          %shift_left3A_450 = arith.shli %xor3A_446, %shift_left3A_449 : vector<16xi32>
          %shift_right_logical3A_451 = arith.constant 6 : i32
          %shift_right_logical3A_452 = vector.broadcast %shift_right_logical3A_451 : i32 to vector<16xi32>
          %shift_right_logical3A_453 = arith.shrui %xor3A_446, %shift_right_logical3A_452 : vector<16xi32>
          %or3A_454 = arith.ori %shift_left3A_450, %shift_right_logical3A_453 : vector<16xi32>
          %xor3A_455 = arith.xori %or3A_454, %add3A_447 : vector<16xi32>
          %add3A_456 = arith.addi %add3A_447, %xor3A_455 : vector<16xi32>
          %shift_left3A_457 = arith.constant 6 : i32
          %shift_left3A_458 = vector.broadcast %shift_left3A_457 : i32 to vector<16xi32>
          %shift_left3A_459 = arith.shli %xor3A_455, %shift_left3A_458 : vector<16xi32>
          %shift_right_logical3A_460 = arith.constant 26 : i32
          %shift_right_logical3A_461 = vector.broadcast %shift_right_logical3A_460 : i32 to vector<16xi32>
          %shift_right_logical3A_462 = arith.shrui %xor3A_455, %shift_right_logical3A_461 : vector<16xi32>
          %or3A_463 = arith.ori %shift_left3A_459, %shift_right_logical3A_462 : vector<16xi32>
          %xor3A_464 = arith.xori %or3A_463, %add3A_456 : vector<16xi32>
          %add3A_465 = arith.addi %add3A_456, %xor3A_263 : vector<16xi32>
          %add3A_466 = arith.addi %xor3A_464, %get3A_4 : vector<16xi32>
          %add3A_467 = arith.constant 5 : i32
          %add3A_468 = vector.broadcast %add3A_467 : i32 to vector<16xi32>
          %add3A_469 = arith.addi %add3A_466, %add3A_468 : vector<16xi32>
          %xor3A_470 = arith.xori %add3A_465, %add3A_469 : vector<16xi32>
          %swap3A_471 = arith.index_cast %add3A_35 : i32 to index
          %swap3A_472 = arith.constant 16 : index
          %swap3A_473 = tpu.vector_load %arg4[%swap3A_471, %swap3A_472] {strides = array<i32>} : memref<40x128xi32, #tpu.memory_space<vmem>>, vector<1x16xi32>,
          %swap3A_474 = vector.shape_cast %swap3A_473 : vector<1x16xi32> to vector<16xi32>
          %swap3A_475 = vector.shape_cast %xor3A_470 : vector<16xi32> to vector<1x16xi32>
          tpu.vector_store %arg4[%swap3A_471, %swap3A_472], %swap3A_475 {strides = array<i32>} : memref<40x128xi32, #tpu.memory_space<vmem>>, vector<1x16xi32>,
          %add3A_476 = arith.constant 32 : i32
          %add3A_477 = arith.addi %add3A_40, %add3A_476 : i32
          %add3A_478 = vector.broadcast %add3A_477 : i32 to vector<16xi32>
          %add3A_479 = arith.addi %add3A_478, %iota3A : vector<16xi32>
          %xor3A_480 = arith.xori %get3A_4, %get3A_9 : vector<16xi32>
          %xor3A_481 = arith.constant 466688986 : i32
          %xor3A_482 = vector.broadcast %xor3A_481 : i32 to vector<16xi32>
          %xor3A_483 = arith.xori %xor3A_480, %xor3A_482 : vector<16xi32>
          %add3A_484 = arith.addi %add3A_479, %get3A_9 : vector<16xi32>
          %add3A_485 = arith.addi %get3A_4, %add3A_484 : vector<16xi32>
          %shift_left3A_486 = arith.constant 13 : i32
          %shift_left3A_487 = vector.broadcast %shift_left3A_486 : i32 to vector<16xi32>
          %shift_left3A_488 = arith.shli %add3A_484, %shift_left3A_487 : vector<16xi32>
          %shift_right_logical3A_489 = arith.constant 19 : i32
          %shift_right_logical3A_490 = vector.broadcast %shift_right_logical3A_489 : i32 to vector<16xi32>
          %shift_right_logical3A_491 = arith.shrui %add3A_484, %shift_right_logical3A_490 : vector<16xi32>
          %or3A_492 = arith.ori %shift_left3A_488, %shift_right_logical3A_491 : vector<16xi32>
          %xor3A_493 = arith.xori %or3A_492, %add3A_485 : vector<16xi32>
          %add3A_494 = arith.addi %add3A_485, %xor3A_493 : vector<16xi32>
          %shift_left3A_495 = arith.constant 15 : i32
          %shift_left3A_496 = vector.broadcast %shift_left3A_495 : i32 to vector<16xi32>
          %shift_left3A_497 = arith.shli %xor3A_493, %shift_left3A_496 : vector<16xi32>
          %shift_right_logical3A_498 = arith.constant 17 : i32
          %shift_right_logical3A_499 = vector.broadcast %shift_right_logical3A_498 : i32 to vector<16xi32>
          %shift_right_logical3A_500 = arith.shrui %xor3A_493, %shift_right_logical3A_499 : vector<16xi32>
          %or3A_501 = arith.ori %shift_left3A_497, %shift_right_logical3A_500 : vector<16xi32>
          %xor3A_502 = arith.xori %or3A_501, %add3A_494 : vector<16xi32>
          %add3A_503 = arith.addi %add3A_494, %xor3A_502 : vector<16xi32>
          %shift_left3A_504 = arith.constant 26 : i32
          %shift_left3A_505 = vector.broadcast %shift_left3A_504 : i32 to vector<16xi32>
          %shift_left3A_506 = arith.shli %xor3A_502, %shift_left3A_505 : vector<16xi32>
          %shift_right_logical3A_507 = arith.constant 6 : i32
          %shift_right_logical3A_508 = vector.broadcast %shift_right_logical3A_507 : i32 to vector<16xi32>
          %shift_right_logical3A_509 = arith.shrui %xor3A_502, %shift_right_logical3A_508 : vector<16xi32>
          %or3A_510 = arith.ori %shift_left3A_506, %shift_right_logical3A_509 : vector<16xi32>
          %xor3A_511 = arith.xori %or3A_510, %add3A_503 : vector<16xi32>
          %add3A_512 = arith.addi %add3A_503, %xor3A_511 : vector<16xi32>
          %shift_left3A_513 = arith.constant 6 : i32
          %shift_left3A_514 = vector.broadcast %shift_left3A_513 : i32 to vector<16xi32>
          %shift_left3A_515 = arith.shli %xor3A_511, %shift_left3A_514 : vector<16xi32>
          %shift_right_logical3A_516 = arith.constant 26 : i32
          %shift_right_logical3A_517 = vector.broadcast %shift_right_logical3A_516 : i32 to vector<16xi32>
          %shift_right_logical3A_518 = arith.shrui %xor3A_511, %shift_right_logical3A_517 : vector<16xi32>
          %or3A_519 = arith.ori %shift_left3A_515, %shift_right_logical3A_518 : vector<16xi32>
          %xor3A_520 = arith.xori %or3A_519, %add3A_512 : vector<16xi32>
          %add3A_521 = arith.addi %add3A_512, %get3A_9 : vector<16xi32>
          %add3A_522 = arith.addi %xor3A_520, %xor3A_483 : vector<16xi32>
          %add3A_523 = arith.constant 1 : i32
          %add3A_524 = vector.broadcast %add3A_523 : i32 to vector<16xi32>
          %add3A_525 = arith.addi %add3A_522, %add3A_524 : vector<16xi32>
          %add3A_526 = arith.addi %add3A_521, %add3A_525 : vector<16xi32>
          %shift_left3A_527 = arith.constant 17 : i32
          %shift_left3A_528 = vector.broadcast %shift_left3A_527 : i32 to vector<16xi32>
          %shift_left3A_529 = arith.shli %add3A_525, %shift_left3A_528 : vector<16xi32>
          %shift_right_logical3A_530 = arith.constant 15 : i32
          %shift_right_logical3A_531 = vector.broadcast %shift_right_logical3A_530 : i32 to vector<16xi32>
          %shift_right_logical3A_532 = arith.shrui %add3A_525, %shift_right_logical3A_531 : vector<16xi32>
          %or3A_533 = arith.ori %shift_left3A_529, %shift_right_logical3A_532 : vector<16xi32>
          %xor3A_534 = arith.xori %or3A_533, %add3A_526 : vector<16xi32>
          %add3A_535 = arith.addi %add3A_526, %xor3A_534 : vector<16xi32>
          %shift_left3A_536 = arith.constant 29 : i32
          %shift_left3A_537 = vector.broadcast %shift_left3A_536 : i32 to vector<16xi32>
          %shift_left3A_538 = arith.shli %xor3A_534, %shift_left3A_537 : vector<16xi32>
          %shift_right_logical3A_539 = arith.constant 3 : i32
          %shift_right_logical3A_540 = vector.broadcast %shift_right_logical3A_539 : i32 to vector<16xi32>
          %shift_right_logical3A_541 = arith.shrui %xor3A_534, %shift_right_logical3A_540 : vector<16xi32>
          %or3A_542 = arith.ori %shift_left3A_538, %shift_right_logical3A_541 : vector<16xi32>
          %xor3A_543 = arith.xori %or3A_542, %add3A_535 : vector<16xi32>
          %add3A_544 = arith.addi %add3A_535, %xor3A_543 : vector<16xi32>
          %shift_left3A_545 = arith.constant 16 : i32
          %shift_left3A_546 = vector.broadcast %shift_left3A_545 : i32 to vector<16xi32>
          %shift_left3A_547 = arith.shli %xor3A_543, %shift_left3A_546 : vector<16xi32>
          %shift_right_logical3A_548 = arith.constant 16 : i32
          %shift_right_logical3A_549 = vector.broadcast %shift_right_logical3A_548 : i32 to vector<16xi32>
          %shift_right_logical3A_550 = arith.shrui %xor3A_543, %shift_right_logical3A_549 : vector<16xi32>
          %or3A_551 = arith.ori %shift_left3A_547, %shift_right_logical3A_550 : vector<16xi32>
          %xor3A_552 = arith.xori %or3A_551, %add3A_544 : vector<16xi32>
          %add3A_553 = arith.addi %add3A_544, %xor3A_552 : vector<16xi32>
          %shift_left3A_554 = arith.constant 24 : i32
          %shift_left3A_555 = vector.broadcast %shift_left3A_554 : i32 to vector<16xi32>
          %shift_left3A_556 = arith.shli %xor3A_552, %shift_left3A_555 : vector<16xi32>
          %shift_right_logical3A_557 = arith.constant 8 : i32
          %shift_right_logical3A_558 = vector.broadcast %shift_right_logical3A_557 : i32 to vector<16xi32>
          %shift_right_logical3A_559 = arith.shrui %xor3A_552, %shift_right_logical3A_558 : vector<16xi32>
          %or3A_560 = arith.ori %shift_left3A_556, %shift_right_logical3A_559 : vector<16xi32>
          %xor3A_561 = arith.xori %or3A_560, %add3A_553 : vector<16xi32>
          %add3A_562 = arith.addi %add3A_553, %xor3A_483 : vector<16xi32>
          %add3A_563 = arith.addi %xor3A_561, %get3A_4 : vector<16xi32>
          %add3A_564 = arith.constant 2 : i32
          %add3A_565 = vector.broadcast %add3A_564 : i32 to vector<16xi32>
          %add3A_566 = arith.addi %add3A_563, %add3A_565 : vector<16xi32>
          %add3A_567 = arith.addi %add3A_562, %add3A_566 : vector<16xi32>
          %shift_left3A_568 = arith.constant 13 : i32
          %shift_left3A_569 = vector.broadcast %shift_left3A_568 : i32 to vector<16xi32>
          %shift_left3A_570 = arith.shli %add3A_566, %shift_left3A_569 : vector<16xi32>
          %shift_right_logical3A_571 = arith.constant 19 : i32
          %shift_right_logical3A_572 = vector.broadcast %shift_right_logical3A_571 : i32 to vector<16xi32>
          %shift_right_logical3A_573 = arith.shrui %add3A_566, %shift_right_logical3A_572 : vector<16xi32>
          %or3A_574 = arith.ori %shift_left3A_570, %shift_right_logical3A_573 : vector<16xi32>
          %xor3A_575 = arith.xori %or3A_574, %add3A_567 : vector<16xi32>
          %add3A_576 = arith.addi %add3A_567, %xor3A_575 : vector<16xi32>
          %shift_left3A_577 = arith.constant 15 : i32
          %shift_left3A_578 = vector.broadcast %shift_left3A_577 : i32 to vector<16xi32>
          %shift_left3A_579 = arith.shli %xor3A_575, %shift_left3A_578 : vector<16xi32>
          %shift_right_logical3A_580 = arith.constant 17 : i32
          %shift_right_logical3A_581 = vector.broadcast %shift_right_logical3A_580 : i32 to vector<16xi32>
          %shift_right_logical3A_582 = arith.shrui %xor3A_575, %shift_right_logical3A_581 : vector<16xi32>
          %or3A_583 = arith.ori %shift_left3A_579, %shift_right_logical3A_582 : vector<16xi32>
          %xor3A_584 = arith.xori %or3A_583, %add3A_576 : vector<16xi32>
          %add3A_585 = arith.addi %add3A_576, %xor3A_584 : vector<16xi32>
          %shift_left3A_586 = arith.constant 26 : i32
          %shift_left3A_587 = vector.broadcast %shift_left3A_586 : i32 to vector<16xi32>
          %shift_left3A_588 = arith.shli %xor3A_584, %shift_left3A_587 : vector<16xi32>
          %shift_right_logical3A_589 = arith.constant 6 : i32
          %shift_right_logical3A_590 = vector.broadcast %shift_right_logical3A_589 : i32 to vector<16xi32>
          %shift_right_logical3A_591 = arith.shrui %xor3A_584, %shift_right_logical3A_590 : vector<16xi32>
          %or3A_592 = arith.ori %shift_left3A_588, %shift_right_logical3A_591 : vector<16xi32>
          %xor3A_593 = arith.xori %or3A_592, %add3A_585 : vector<16xi32>
          %add3A_594 = arith.addi %add3A_585, %xor3A_593 : vector<16xi32>
          %shift_left3A_595 = arith.constant 6 : i32
          %shift_left3A_596 = vector.broadcast %shift_left3A_595 : i32 to vector<16xi32>
          %shift_left3A_597 = arith.shli %xor3A_593, %shift_left3A_596 : vector<16xi32>
          %shift_right_logical3A_598 = arith.constant 26 : i32
          %shift_right_logical3A_599 = vector.broadcast %shift_right_logical3A_598 : i32 to vector<16xi32>
          %shift_right_logical3A_600 = arith.shrui %xor3A_593, %shift_right_logical3A_599 : vector<16xi32>
          %or3A_601 = arith.ori %shift_left3A_597, %shift_right_logical3A_600 : vector<16xi32>
          %xor3A_602 = arith.xori %or3A_601, %add3A_594 : vector<16xi32>
          %add3A_603 = arith.addi %add3A_594, %get3A_4 : vector<16xi32>
          %add3A_604 = arith.addi %xor3A_602, %get3A_9 : vector<16xi32>
          %add3A_605 = arith.constant 3 : i32
          %add3A_606 = vector.broadcast %add3A_605 : i32 to vector<16xi32>
          %add3A_607 = arith.addi %add3A_604, %add3A_606 : vector<16xi32>
          %add3A_608 = arith.addi %add3A_603, %add3A_607 : vector<16xi32>
          %shift_left3A_609 = arith.constant 17 : i32
          %shift_left3A_610 = vector.broadcast %shift_left3A_609 : i32 to vector<16xi32>
          %shift_left3A_611 = arith.shli %add3A_607, %shift_left3A_610 : vector<16xi32>
          %shift_right_logical3A_612 = arith.constant 15 : i32
          %shift_right_logical3A_613 = vector.broadcast %shift_right_logical3A_612 : i32 to vector<16xi32>
          %shift_right_logical3A_614 = arith.shrui %add3A_607, %shift_right_logical3A_613 : vector<16xi32>
          %or3A_615 = arith.ori %shift_left3A_611, %shift_right_logical3A_614 : vector<16xi32>
          %xor3A_616 = arith.xori %or3A_615, %add3A_608 : vector<16xi32>
          %add3A_617 = arith.addi %add3A_608, %xor3A_616 : vector<16xi32>
          %shift_left3A_618 = arith.constant 29 : i32
          %shift_left3A_619 = vector.broadcast %shift_left3A_618 : i32 to vector<16xi32>
          %shift_left3A_620 = arith.shli %xor3A_616, %shift_left3A_619 : vector<16xi32>
          %shift_right_logical3A_621 = arith.constant 3 : i32
          %shift_right_logical3A_622 = vector.broadcast %shift_right_logical3A_621 : i32 to vector<16xi32>
          %shift_right_logical3A_623 = arith.shrui %xor3A_616, %shift_right_logical3A_622 : vector<16xi32>
          %or3A_624 = arith.ori %shift_left3A_620, %shift_right_logical3A_623 : vector<16xi32>
          %xor3A_625 = arith.xori %or3A_624, %add3A_617 : vector<16xi32>
          %add3A_626 = arith.addi %add3A_617, %xor3A_625 : vector<16xi32>
          %shift_left3A_627 = arith.constant 16 : i32
          %shift_left3A_628 = vector.broadcast %shift_left3A_627 : i32 to vector<16xi32>
          %shift_left3A_629 = arith.shli %xor3A_625, %shift_left3A_628 : vector<16xi32>
          %shift_right_logical3A_630 = arith.constant 16 : i32
          %shift_right_logical3A_631 = vector.broadcast %shift_right_logical3A_630 : i32 to vector<16xi32>
          %shift_right_logical3A_632 = arith.shrui %xor3A_625, %shift_right_logical3A_631 : vector<16xi32>
          %or3A_633 = arith.ori %shift_left3A_629, %shift_right_logical3A_632 : vector<16xi32>
          %xor3A_634 = arith.xori %or3A_633, %add3A_626 : vector<16xi32>
          %add3A_635 = arith.addi %add3A_626, %xor3A_634 : vector<16xi32>
          %shift_left3A_636 = arith.constant 24 : i32
          %shift_left3A_637 = vector.broadcast %shift_left3A_636 : i32 to vector<16xi32>
          %shift_left3A_638 = arith.shli %xor3A_634, %shift_left3A_637 : vector<16xi32>
          %shift_right_logical3A_639 = arith.constant 8 : i32
          %shift_right_logical3A_640 = vector.broadcast %shift_right_logical3A_639 : i32 to vector<16xi32>
          %shift_right_logical3A_641 = arith.shrui %xor3A_634, %shift_right_logical3A_640 : vector<16xi32>
          %or3A_642 = arith.ori %shift_left3A_638, %shift_right_logical3A_641 : vector<16xi32>
          %xor3A_643 = arith.xori %or3A_642, %add3A_635 : vector<16xi32>
          %add3A_644 = arith.addi %add3A_635, %get3A_9 : vector<16xi32>
          %add3A_645 = arith.addi %xor3A_643, %xor3A_483 : vector<16xi32>
          %add3A_646 = arith.constant 4 : i32
          %add3A_647 = vector.broadcast %add3A_646 : i32 to vector<16xi32>
          %add3A_648 = arith.addi %add3A_645, %add3A_647 : vector<16xi32>
          %add3A_649 = arith.addi %add3A_644, %add3A_648 : vector<16xi32>
          %shift_left3A_650 = arith.constant 13 : i32
          %shift_left3A_651 = vector.broadcast %shift_left3A_650 : i32 to vector<16xi32>
          %shift_left3A_652 = arith.shli %add3A_648, %shift_left3A_651 : vector<16xi32>
          %shift_right_logical3A_653 = arith.constant 19 : i32
          %shift_right_logical3A_654 = vector.broadcast %shift_right_logical3A_653 : i32 to vector<16xi32>
          %shift_right_logical3A_655 = arith.shrui %add3A_648, %shift_right_logical3A_654 : vector<16xi32>
          %or3A_656 = arith.ori %shift_left3A_652, %shift_right_logical3A_655 : vector<16xi32>
          %xor3A_657 = arith.xori %or3A_656, %add3A_649 : vector<16xi32>
          %add3A_658 = arith.addi %add3A_649, %xor3A_657 : vector<16xi32>
          %shift_left3A_659 = arith.constant 15 : i32
          %shift_left3A_660 = vector.broadcast %shift_left3A_659 : i32 to vector<16xi32>
          %shift_left3A_661 = arith.shli %xor3A_657, %shift_left3A_660 : vector<16xi32>
          %shift_right_logical3A_662 = arith.constant 17 : i32
          %shift_right_logical3A_663 = vector.broadcast %shift_right_logical3A_662 : i32 to vector<16xi32>
          %shift_right_logical3A_664 = arith.shrui %xor3A_657, %shift_right_logical3A_663 : vector<16xi32>
          %or3A_665 = arith.ori %shift_left3A_661, %shift_right_logical3A_664 : vector<16xi32>
          %xor3A_666 = arith.xori %or3A_665, %add3A_658 : vector<16xi32>
          %add3A_667 = arith.addi %add3A_658, %xor3A_666 : vector<16xi32>
          %shift_left3A_668 = arith.constant 26 : i32
          %shift_left3A_669 = vector.broadcast %shift_left3A_668 : i32 to vector<16xi32>
          %shift_left3A_670 = arith.shli %xor3A_666, %shift_left3A_669 : vector<16xi32>
          %shift_right_logical3A_671 = arith.constant 6 : i32
          %shift_right_logical3A_672 = vector.broadcast %shift_right_logical3A_671 : i32 to vector<16xi32>
          %shift_right_logical3A_673 = arith.shrui %xor3A_666, %shift_right_logical3A_672 : vector<16xi32>
          %or3A_674 = arith.ori %shift_left3A_670, %shift_right_logical3A_673 : vector<16xi32>
          %xor3A_675 = arith.xori %or3A_674, %add3A_667 : vector<16xi32>
          %add3A_676 = arith.addi %add3A_667, %xor3A_675 : vector<16xi32>
          %shift_left3A_677 = arith.constant 6 : i32
          %shift_left3A_678 = vector.broadcast %shift_left3A_677 : i32 to vector<16xi32>
          %shift_left3A_679 = arith.shli %xor3A_675, %shift_left3A_678 : vector<16xi32>
          %shift_right_logical3A_680 = arith.constant 26 : i32
          %shift_right_logical3A_681 = vector.broadcast %shift_right_logical3A_680 : i32 to vector<16xi32>
          %shift_right_logical3A_682 = arith.shrui %xor3A_675, %shift_right_logical3A_681 : vector<16xi32>
          %or3A_683 = arith.ori %shift_left3A_679, %shift_right_logical3A_682 : vector<16xi32>
          %xor3A_684 = arith.xori %or3A_683, %add3A_676 : vector<16xi32>
          %add3A_685 = arith.addi %add3A_676, %xor3A_483 : vector<16xi32>
          %add3A_686 = arith.addi %xor3A_684, %get3A_4 : vector<16xi32>
          %add3A_687 = arith.constant 5 : i32
          %add3A_688 = vector.broadcast %add3A_687 : i32 to vector<16xi32>
          %add3A_689 = arith.addi %add3A_686, %add3A_688 : vector<16xi32>
          %xor3A_690 = arith.xori %add3A_685, %add3A_689 : vector<16xi32>
          %swap3A_691 = arith.index_cast %add3A_35 : i32 to index
          %swap3A_692 = arith.constant 32 : index
          %swap3A_693 = tpu.vector_load %arg4[%swap3A_691, %swap3A_692] {strides = array<i32>} : memref<40x128xi32, #tpu.memory_space<vmem>>, vector<1x16xi32>,
          %swap3A_694 = vector.shape_cast %swap3A_693 : vector<1x16xi32> to vector<16xi32>
          %swap3A_695 = vector.shape_cast %xor3A_690 : vector<16xi32> to vector<1x16xi32>
          tpu.vector_store %arg4[%swap3A_691, %swap3A_692], %swap3A_695 {strides = array<i32>} : memref<40x128xi32, #tpu.memory_space<vmem>>, vector<1x16xi32>,
          %add3A_696 = arith.constant 48 : i32
          %add3A_697 = arith.addi %add3A_40, %add3A_696 : i32
          %add3A_698 = vector.broadcast %add3A_697 : i32 to vector<16xi32>
          %add3A_699 = arith.addi %add3A_698, %iota3A : vector<16xi32>
          %xor3A_700 = arith.xori %get3A_4, %get3A_9 : vector<16xi32>
          %xor3A_701 = arith.constant 466688986 : i32
          %xor3A_702 = vector.broadcast %xor3A_701 : i32 to vector<16xi32>
          %xor3A_703 = arith.xori %xor3A_700, %xor3A_702 : vector<16xi32>
          %add3A_704 = arith.addi %add3A_699, %get3A_9 : vector<16xi32>
          %add3A_705 = arith.addi %get3A_4, %add3A_704 : vector<16xi32>
          %shift_left3A_706 = arith.constant 13 : i32
          %shift_left3A_707 = vector.broadcast %shift_left3A_706 : i32 to vector<16xi32>
          %shift_left3A_708 = arith.shli %add3A_704, %shift_left3A_707 : vector<16xi32>
          %shift_right_logical3A_709 = arith.constant 19 : i32
          %shift_right_logical3A_710 = vector.broadcast %shift_right_logical3A_709 : i32 to vector<16xi32>
          %shift_right_logical3A_711 = arith.shrui %add3A_704, %shift_right_logical3A_710 : vector<16xi32>
          %or3A_712 = arith.ori %shift_left3A_708, %shift_right_logical3A_711 : vector<16xi32>
          %xor3A_713 = arith.xori %or3A_712, %add3A_705 : vector<16xi32>
          %add3A_714 = arith.addi %add3A_705, %xor3A_713 : vector<16xi32>
          %shift_left3A_715 = arith.constant 15 : i32
          %shift_left3A_716 = vector.broadcast %shift_left3A_715 : i32 to vector<16xi32>
          %shift_left3A_717 = arith.shli %xor3A_713, %shift_left3A_716 : vector<16xi32>
          %shift_right_logical3A_718 = arith.constant 17 : i32
          %shift_right_logical3A_719 = vector.broadcast %shift_right_logical3A_718 : i32 to vector<16xi32>
          %shift_right_logical3A_720 = arith.shrui %xor3A_713, %shift_right_logical3A_719 : vector<16xi32>
          %or3A_721 = arith.ori %shift_left3A_717, %shift_right_logical3A_720 : vector<16xi32>
          %xor3A_722 = arith.xori %or3A_721, %add3A_714 : vector<16xi32>
          %add3A_723 = arith.addi %add3A_714, %xor3A_722 : vector<16xi32>
          %shift_left3A_724 = arith.constant 26 : i32
          %shift_left3A_725 = vector.broadcast %shift_left3A_724 : i32 to vector<16xi32>
          %shift_left3A_726 = arith.shli %xor3A_722, %shift_left3A_725 : vector<16xi32>
          %shift_right_logical3A_727 = arith.constant 6 : i32
          %shift_right_logical3A_728 = vector.broadcast %shift_right_logical3A_727 : i32 to vector<16xi32>
          %shift_right_logical3A_729 = arith.shrui %xor3A_722, %shift_right_logical3A_728 : vector<16xi32>
          %or3A_730 = arith.ori %shift_left3A_726, %shift_right_logical3A_729 : vector<16xi32>
          %xor3A_731 = arith.xori %or3A_730, %add3A_723 : vector<16xi32>
          %add3A_732 = arith.addi %add3A_723, %xor3A_731 : vector<16xi32>
          %shift_left3A_733 = arith.constant 6 : i32
          %shift_left3A_734 = vector.broadcast %shift_left3A_733 : i32 to vector<16xi32>
          %shift_left3A_735 = arith.shli %xor3A_731, %shift_left3A_734 : vector<16xi32>
          %shift_right_logical3A_736 = arith.constant 26 : i32
          %shift_right_logical3A_737 = vector.broadcast %shift_right_logical3A_736 : i32 to vector<16xi32>
          %shift_right_logical3A_738 = arith.shrui %xor3A_731, %shift_right_logical3A_737 : vector<16xi32>
          %or3A_739 = arith.ori %shift_left3A_735, %shift_right_logical3A_738 : vector<16xi32>
          %xor3A_740 = arith.xori %or3A_739, %add3A_732 : vector<16xi32>
          %add3A_741 = arith.addi %add3A_732, %get3A_9 : vector<16xi32>
          %add3A_742 = arith.addi %xor3A_740, %xor3A_703 : vector<16xi32>
          %add3A_743 = arith.constant 1 : i32
          %add3A_744 = vector.broadcast %add3A_743 : i32 to vector<16xi32>
          %add3A_745 = arith.addi %add3A_742, %add3A_744 : vector<16xi32>
          %add3A_746 = arith.addi %add3A_741, %add3A_745 : vector<16xi32>
          %shift_left3A_747 = arith.constant 17 : i32
          %shift_left3A_748 = vector.broadcast %shift_left3A_747 : i32 to vector<16xi32>
          %shift_left3A_749 = arith.shli %add3A_745, %shift_left3A_748 : vector<16xi32>
          %shift_right_logical3A_750 = arith.constant 15 : i32
          %shift_right_logical3A_751 = vector.broadcast %shift_right_logical3A_750 : i32 to vector<16xi32>
          %shift_right_logical3A_752 = arith.shrui %add3A_745, %shift_right_logical3A_751 : vector<16xi32>
          %or3A_753 = arith.ori %shift_left3A_749, %shift_right_logical3A_752 : vector<16xi32>
          %xor3A_754 = arith.xori %or3A_753, %add3A_746 : vector<16xi32>
          %add3A_755 = arith.addi %add3A_746, %xor3A_754 : vector<16xi32>
          %shift_left3A_756 = arith.constant 29 : i32
          %shift_left3A_757 = vector.broadcast %shift_left3A_756 : i32 to vector<16xi32>
          %shift_left3A_758 = arith.shli %xor3A_754, %shift_left3A_757 : vector<16xi32>
          %shift_right_logical3A_759 = arith.constant 3 : i32
          %shift_right_logical3A_760 = vector.broadcast %shift_right_logical3A_759 : i32 to vector<16xi32>
          %shift_right_logical3A_761 = arith.shrui %xor3A_754, %shift_right_logical3A_760 : vector<16xi32>
          %or3A_762 = arith.ori %shift_left3A_758, %shift_right_logical3A_761 : vector<16xi32>
          %xor3A_763 = arith.xori %or3A_762, %add3A_755 : vector<16xi32>
          %add3A_764 = arith.addi %add3A_755, %xor3A_763 : vector<16xi32>
          %shift_left3A_765 = arith.constant 16 : i32
          %shift_left3A_766 = vector.broadcast %shift_left3A_765 : i32 to vector<16xi32>
          %shift_left3A_767 = arith.shli %xor3A_763, %shift_left3A_766 : vector<16xi32>
          %shift_right_logical3A_768 = arith.constant 16 : i32
          %shift_right_logical3A_769 = vector.broadcast %shift_right_logical3A_768 : i32 to vector<16xi32>
          %shift_right_logical3A_770 = arith.shrui %xor3A_763, %shift_right_logical3A_769 : vector<16xi32>
          %or3A_771 = arith.ori %shift_left3A_767, %shift_right_logical3A_770 : vector<16xi32>
          %xor3A_772 = arith.xori %or3A_771, %add3A_764 : vector<16xi32>
          %add3A_773 = arith.addi %add3A_764, %xor3A_772 : vector<16xi32>
          %shift_left3A_774 = arith.constant 24 : i32
          %shift_left3A_775 = vector.broadcast %shift_left3A_774 : i32 to vector<16xi32>
          %shift_left3A_776 = arith.shli %xor3A_772, %shift_left3A_775 : vector<16xi32>
          %shift_right_logical3A_777 = arith.constant 8 : i32
          %shift_right_logical3A_778 = vector.broadcast %shift_right_logical3A_777 : i32 to vector<16xi32>
          %shift_right_logical3A_779 = arith.shrui %xor3A_772, %shift_right_logical3A_778 : vector<16xi32>
          %or3A_780 = arith.ori %shift_left3A_776, %shift_right_logical3A_779 : vector<16xi32>
          %xor3A_781 = arith.xori %or3A_780, %add3A_773 : vector<16xi32>
          %add3A_782 = arith.addi %add3A_773, %xor3A_703 : vector<16xi32>
          %add3A_783 = arith.addi %xor3A_781, %get3A_4 : vector<16xi32>
          %add3A_784 = arith.constant 2 : i32
          %add3A_785 = vector.broadcast %add3A_784 : i32 to vector<16xi32>
          %add3A_786 = arith.addi %add3A_783, %add3A_785 : vector<16xi32>
          %add3A_787 = arith.addi %add3A_782, %add3A_786 : vector<16xi32>
          %shift_left3A_788 = arith.constant 13 : i32
          %shift_left3A_789 = vector.broadcast %shift_left3A_788 : i32 to vector<16xi32>
          %shift_left3A_790 = arith.shli %add3A_786, %shift_left3A_789 : vector<16xi32>
          %shift_right_logical3A_791 = arith.constant 19 : i32
          %shift_right_logical3A_792 = vector.broadcast %shift_right_logical3A_791 : i32 to vector<16xi32>
          %shift_right_logical3A_793 = arith.shrui %add3A_786, %shift_right_logical3A_792 : vector<16xi32>
          %or3A_794 = arith.ori %shift_left3A_790, %shift_right_logical3A_793 : vector<16xi32>
          %xor3A_795 = arith.xori %or3A_794, %add3A_787 : vector<16xi32>
          %add3A_796 = arith.addi %add3A_787, %xor3A_795 : vector<16xi32>
          %shift_left3A_797 = arith.constant 15 : i32
          %shift_left3A_798 = vector.broadcast %shift_left3A_797 : i32 to vector<16xi32>
          %shift_left3A_799 = arith.shli %xor3A_795, %shift_left3A_798 : vector<16xi32>
          %shift_right_logical3A_800 = arith.constant 17 : i32
          %shift_right_logical3A_801 = vector.broadcast %shift_right_logical3A_800 : i32 to vector<16xi32>
          %shift_right_logical3A_802 = arith.shrui %xor3A_795, %shift_right_logical3A_801 : vector<16xi32>
          %or3A_803 = arith.ori %shift_left3A_799, %shift_right_logical3A_802 : vector<16xi32>
          %xor3A_804 = arith.xori %or3A_803, %add3A_796 : vector<16xi32>
          %add3A_805 = arith.addi %add3A_796, %xor3A_804 : vector<16xi32>
          %shift_left3A_806 = arith.constant 26 : i32
          %shift_left3A_807 = vector.broadcast %shift_left3A_806 : i32 to vector<16xi32>
          %shift_left3A_808 = arith.shli %xor3A_804, %shift_left3A_807 : vector<16xi32>
          %shift_right_logical3A_809 = arith.constant 6 : i32
          %shift_right_logical3A_810 = vector.broadcast %shift_right_logical3A_809 : i32 to vector<16xi32>
          %shift_right_logical3A_811 = arith.shrui %xor3A_804, %shift_right_logical3A_810 : vector<16xi32>
          %or3A_812 = arith.ori %shift_left3A_808, %shift_right_logical3A_811 : vector<16xi32>
          %xor3A_813 = arith.xori %or3A_812, %add3A_805 : vector<16xi32>
          %add3A_814 = arith.addi %add3A_805, %xor3A_813 : vector<16xi32>
          %shift_left3A_815 = arith.constant 6 : i32
          %shift_left3A_816 = vector.broadcast %shift_left3A_815 : i32 to vector<16xi32>
          %shift_left3A_817 = arith.shli %xor3A_813, %shift_left3A_816 : vector<16xi32>
          %shift_right_logical3A_818 = arith.constant 26 : i32
          %shift_right_logical3A_819 = vector.broadcast %shift_right_logical3A_818 : i32 to vector<16xi32>
          %shift_right_logical3A_820 = arith.shrui %xor3A_813, %shift_right_logical3A_819 : vector<16xi32>
          %or3A_821 = arith.ori %shift_left3A_817, %shift_right_logical3A_820 : vector<16xi32>
          %xor3A_822 = arith.xori %or3A_821, %add3A_814 : vector<16xi32>
          %add3A_823 = arith.addi %add3A_814, %get3A_4 : vector<16xi32>
          %add3A_824 = arith.addi %xor3A_822, %get3A_9 : vector<16xi32>
          %add3A_825 = arith.constant 3 : i32
          %add3A_826 = vector.broadcast %add3A_825 : i32 to vector<16xi32>
          %add3A_827 = arith.addi %add3A_824, %add3A_826 : vector<16xi32>
          %add3A_828 = arith.addi %add3A_823, %add3A_827 : vector<16xi32>
          %shift_left3A_829 = arith.constant 17 : i32
          %shift_left3A_830 = vector.broadcast %shift_left3A_829 : i32 to vector<16xi32>
          %shift_left3A_831 = arith.shli %add3A_827, %shift_left3A_830 : vector<16xi32>
          %shift_right_logical3A_832 = arith.constant 15 : i32
          %shift_right_logical3A_833 = vector.broadcast %shift_right_logical3A_832 : i32 to vector<16xi32>
          %shift_right_logical3A_834 = arith.shrui %add3A_827, %shift_right_logical3A_833 : vector<16xi32>
          %or3A_835 = arith.ori %shift_left3A_831, %shift_right_logical3A_834 : vector<16xi32>
          %xor3A_836 = arith.xori %or3A_835, %add3A_828 : vector<16xi32>
          %add3A_837 = arith.addi %add3A_828, %xor3A_836 : vector<16xi32>
          %shift_left3A_838 = arith.constant 29 : i32
          %shift_left3A_839 = vector.broadcast %shift_left3A_838 : i32 to vector<16xi32>
          %shift_left3A_840 = arith.shli %xor3A_836, %shift_left3A_839 : vector<16xi32>
          %shift_right_logical3A_841 = arith.constant 3 : i32
          %shift_right_logical3A_842 = vector.broadcast %shift_right_logical3A_841 : i32 to vector<16xi32>
          %shift_right_logical3A_843 = arith.shrui %xor3A_836, %shift_right_logical3A_842 : vector<16xi32>
          %or3A_844 = arith.ori %shift_left3A_840, %shift_right_logical3A_843 : vector<16xi32>
          %xor3A_845 = arith.xori %or3A_844, %add3A_837 : vector<16xi32>
          %add3A_846 = arith.addi %add3A_837, %xor3A_845 : vector<16xi32>
          %shift_left3A_847 = arith.constant 16 : i32
          %shift_left3A_848 = vector.broadcast %shift_left3A_847 : i32 to vector<16xi32>
          %shift_left3A_849 = arith.shli %xor3A_845, %shift_left3A_848 : vector<16xi32>
          %shift_right_logical3A_850 = arith.constant 16 : i32
          %shift_right_logical3A_851 = vector.broadcast %shift_right_logical3A_850 : i32 to vector<16xi32>
          %shift_right_logical3A_852 = arith.shrui %xor3A_845, %shift_right_logical3A_851 : vector<16xi32>
          %or3A_853 = arith.ori %shift_left3A_849, %shift_right_logical3A_852 : vector<16xi32>
          %xor3A_854 = arith.xori %or3A_853, %add3A_846 : vector<16xi32>
          %add3A_855 = arith.addi %add3A_846, %xor3A_854 : vector<16xi32>
          %shift_left3A_856 = arith.constant 24 : i32
          %shift_left3A_857 = vector.broadcast %shift_left3A_856 : i32 to vector<16xi32>
          %shift_left3A_858 = arith.shli %xor3A_854, %shift_left3A_857 : vector<16xi32>
          %shift_right_logical3A_859 = arith.constant 8 : i32
          %shift_right_logical3A_860 = vector.broadcast %shift_right_logical3A_859 : i32 to vector<16xi32>
          %shift_right_logical3A_861 = arith.shrui %xor3A_854, %shift_right_logical3A_860 : vector<16xi32>
          %or3A_862 = arith.ori %shift_left3A_858, %shift_right_logical3A_861 : vector<16xi32>
          %xor3A_863 = arith.xori %or3A_862, %add3A_855 : vector<16xi32>
          %add3A_864 = arith.addi %add3A_855, %get3A_9 : vector<16xi32>
          %add3A_865 = arith.addi %xor3A_863, %xor3A_703 : vector<16xi32>
          %add3A_866 = arith.constant 4 : i32
          %add3A_867 = vector.broadcast %add3A_866 : i32 to vector<16xi32>
          %add3A_868 = arith.addi %add3A_865, %add3A_867 : vector<16xi32>
          %add3A_869 = arith.addi %add3A_864, %add3A_868 : vector<16xi32>
          %shift_left3A_870 = arith.constant 13 : i32
          %shift_left3A_871 = vector.broadcast %shift_left3A_870 : i32 to vector<16xi32>
          %shift_left3A_872 = arith.shli %add3A_868, %shift_left3A_871 : vector<16xi32>
          %shift_right_logical3A_873 = arith.constant 19 : i32
          %shift_right_logical3A_874 = vector.broadcast %shift_right_logical3A_873 : i32 to vector<16xi32>
          %shift_right_logical3A_875 = arith.shrui %add3A_868, %shift_right_logical3A_874 : vector<16xi32>
          %or3A_876 = arith.ori %shift_left3A_872, %shift_right_logical3A_875 : vector<16xi32>
          %xor3A_877 = arith.xori %or3A_876, %add3A_869 : vector<16xi32>
          %add3A_878 = arith.addi %add3A_869, %xor3A_877 : vector<16xi32>
          %shift_left3A_879 = arith.constant 15 : i32
          %shift_left3A_880 = vector.broadcast %shift_left3A_879 : i32 to vector<16xi32>
          %shift_left3A_881 = arith.shli %xor3A_877, %shift_left3A_880 : vector<16xi32>
          %shift_right_logical3A_882 = arith.constant 17 : i32
          %shift_right_logical3A_883 = vector.broadcast %shift_right_logical3A_882 : i32 to vector<16xi32>
          %shift_right_logical3A_884 = arith.shrui %xor3A_877, %shift_right_logical3A_883 : vector<16xi32>
          %or3A_885 = arith.ori %shift_left3A_881, %shift_right_logical3A_884 : vector<16xi32>
          %xor3A_886 = arith.xori %or3A_885, %add3A_878 : vector<16xi32>
          %add3A_887 = arith.addi %add3A_878, %xor3A_886 : vector<16xi32>
          %shift_left3A_888 = arith.constant 26 : i32
          %shift_left3A_889 = vector.broadcast %shift_left3A_888 : i32 to vector<16xi32>
          %shift_left3A_890 = arith.shli %xor3A_886, %shift_left3A_889 : vector<16xi32>
          %shift_right_logical3A_891 = arith.constant 6 : i32
          %shift_right_logical3A_892 = vector.broadcast %shift_right_logical3A_891 : i32 to vector<16xi32>
          %shift_right_logical3A_893 = arith.shrui %xor3A_886, %shift_right_logical3A_892 : vector<16xi32>
          %or3A_894 = arith.ori %shift_left3A_890, %shift_right_logical3A_893 : vector<16xi32>
          %xor3A_895 = arith.xori %or3A_894, %add3A_887 : vector<16xi32>
          %add3A_896 = arith.addi %add3A_887, %xor3A_895 : vector<16xi32>
          %shift_left3A_897 = arith.constant 6 : i32
          %shift_left3A_898 = vector.broadcast %shift_left3A_897 : i32 to vector<16xi32>
          %shift_left3A_899 = arith.shli %xor3A_895, %shift_left3A_898 : vector<16xi32>
          %shift_right_logical3A_900 = arith.constant 26 : i32
          %shift_right_logical3A_901 = vector.broadcast %shift_right_logical3A_900 : i32 to vector<16xi32>
          %shift_right_logical3A_902 = arith.shrui %xor3A_895, %shift_right_logical3A_901 : vector<16xi32>
          %or3A_903 = arith.ori %shift_left3A_899, %shift_right_logical3A_902 : vector<16xi32>
          %xor3A_904 = arith.xori %or3A_903, %add3A_896 : vector<16xi32>
          %add3A_905 = arith.addi %add3A_896, %xor3A_703 : vector<16xi32>
          %add3A_906 = arith.addi %xor3A_904, %get3A_4 : vector<16xi32>
          %add3A_907 = arith.constant 5 : i32
          %add3A_908 = vector.broadcast %add3A_907 : i32 to vector<16xi32>
          %add3A_909 = arith.addi %add3A_906, %add3A_908 : vector<16xi32>
          %xor3A_910 = arith.xori %add3A_905, %add3A_909 : vector<16xi32>
          %swap3A_911 = arith.index_cast %add3A_35 : i32 to index
          %swap3A_912 = arith.constant 48 : index
          %swap3A_913 = tpu.vector_load %arg4[%swap3A_911, %swap3A_912] {strides = array<i32>} : memref<40x128xi32, #tpu.memory_space<vmem>>, vector<1x16xi32>,
          %swap3A_914 = vector.shape_cast %swap3A_913 : vector<1x16xi32> to vector<16xi32>
          %swap3A_915 = vector.shape_cast %xor3A_910 : vector<16xi32> to vector<1x16xi32>
          tpu.vector_store %arg4[%swap3A_911, %swap3A_912], %swap3A_915 {strides = array<i32>} : memref<40x128xi32, #tpu.memory_space<vmem>>, vector<1x16xi32>,
          %add3A_916 = arith.constant 64 : i32
          %add3A_917 = arith.addi %add3A_40, %add3A_916 : i32
          %add3A_918 = vector.broadcast %add3A_917 : i32 to vector<16xi32>
          %add3A_919 = arith.addi %add3A_918, %iota3A : vector<16xi32>
          %xor3A_920 = arith.xori %get3A_4, %get3A_9 : vector<16xi32>
          %xor3A_921 = arith.constant 466688986 : i32
          %xor3A_922 = vector.broadcast %xor3A_921 : i32 to vector<16xi32>
          %xor3A_923 = arith.xori %xor3A_920, %xor3A_922 : vector<16xi32>
          %add3A_924 = arith.addi %add3A_919, %get3A_9 : vector<16xi32>
          %add3A_925 = arith.addi %get3A_4, %add3A_924 : vector<16xi32>
          %shift_left3A_926 = arith.constant 13 : i32
          %shift_left3A_927 = vector.broadcast %shift_left3A_926 : i32 to vector<16xi32>
          %shift_left3A_928 = arith.shli %add3A_924, %shift_left3A_927 : vector<16xi32>
          %shift_right_logical3A_929 = arith.constant 19 : i32
          %shift_right_logical3A_930 = vector.broadcast %shift_right_logical3A_929 : i32 to vector<16xi32>
          %shift_right_logical3A_931 = arith.shrui %add3A_924, %shift_right_logical3A_930 : vector<16xi32>
          %or3A_932 = arith.ori %shift_left3A_928, %shift_right_logical3A_931 : vector<16xi32>
          %xor3A_933 = arith.xori %or3A_932, %add3A_925 : vector<16xi32>
          %add3A_934 = arith.addi %add3A_925, %xor3A_933 : vector<16xi32>
          %shift_left3A_935 = arith.constant 15 : i32
          %shift_left3A_936 = vector.broadcast %shift_left3A_935 : i32 to vector<16xi32>
          %shift_left3A_937 = arith.shli %xor3A_933, %shift_left3A_936 : vector<16xi32>
          %shift_right_logical3A_938 = arith.constant 17 : i32
          %shift_right_logical3A_939 = vector.broadcast %shift_right_logical3A_938 : i32 to vector<16xi32>
          %shift_right_logical3A_940 = arith.shrui %xor3A_933, %shift_right_logical3A_939 : vector<16xi32>
          %or3A_941 = arith.ori %shift_left3A_937, %shift_right_logical3A_940 : vector<16xi32>
          %xor3A_942 = arith.xori %or3A_941, %add3A_934 : vector<16xi32>
          %add3A_943 = arith.addi %add3A_934, %xor3A_942 : vector<16xi32>
          %shift_left3A_944 = arith.constant 26 : i32
          %shift_left3A_945 = vector.broadcast %shift_left3A_944 : i32 to vector<16xi32>
          %shift_left3A_946 = arith.shli %xor3A_942, %shift_left3A_945 : vector<16xi32>
          %shift_right_logical3A_947 = arith.constant 6 : i32
          %shift_right_logical3A_948 = vector.broadcast %shift_right_logical3A_947 : i32 to vector<16xi32>
          %shift_right_logical3A_949 = arith.shrui %xor3A_942, %shift_right_logical3A_948 : vector<16xi32>
          %or3A_950 = arith.ori %shift_left3A_946, %shift_right_logical3A_949 : vector<16xi32>
          %xor3A_951 = arith.xori %or3A_950, %add3A_943 : vector<16xi32>
          %add3A_952 = arith.addi %add3A_943, %xor3A_951 : vector<16xi32>
          %shift_left3A_953 = arith.constant 6 : i32
          %shift_left3A_954 = vector.broadcast %shift_left3A_953 : i32 to vector<16xi32>
          %shift_left3A_955 = arith.shli %xor3A_951, %shift_left3A_954 : vector<16xi32>
          %shift_right_logical3A_956 = arith.constant 26 : i32
          %shift_right_logical3A_957 = vector.broadcast %shift_right_logical3A_956 : i32 to vector<16xi32>
          %shift_right_logical3A_958 = arith.shrui %xor3A_951, %shift_right_logical3A_957 : vector<16xi32>
          %or3A_959 = arith.ori %shift_left3A_955, %shift_right_logical3A_958 : vector<16xi32>
          %xor3A_960 = arith.xori %or3A_959, %add3A_952 : vector<16xi32>
          %add3A_961 = arith.addi %add3A_952, %get3A_9 : vector<16xi32>
          %add3A_962 = arith.addi %xor3A_960, %xor3A_923 : vector<16xi32>
          %add3A_963 = arith.constant 1 : i32
          %add3A_964 = vector.broadcast %add3A_963 : i32 to vector<16xi32>
          %add3A_965 = arith.addi %add3A_962, %add3A_964 : vector<16xi32>
          %add3A_966 = arith.addi %add3A_961, %add3A_965 : vector<16xi32>
          %shift_left3A_967 = arith.constant 17 : i32
          %shift_left3A_968 = vector.broadcast %shift_left3A_967 : i32 to vector<16xi32>
          %shift_left3A_969 = arith.shli %add3A_965, %shift_left3A_968 : vector<16xi32>
          %shift_right_logical3A_970 = arith.constant 15 : i32
          %shift_right_logical3A_971 = vector.broadcast %shift_right_logical3A_970 : i32 to vector<16xi32>
          %shift_right_logical3A_972 = arith.shrui %add3A_965, %shift_right_logical3A_971 : vector<16xi32>
          %or3A_973 = arith.ori %shift_left3A_969, %shift_right_logical3A_972 : vector<16xi32>
          %xor3A_974 = arith.xori %or3A_973, %add3A_966 : vector<16xi32>
          %add3A_975 = arith.addi %add3A_966, %xor3A_974 : vector<16xi32>
          %shift_left3A_976 = arith.constant 29 : i32
          %shift_left3A_977 = vector.broadcast %shift_left3A_976 : i32 to vector<16xi32>
          %shift_left3A_978 = arith.shli %xor3A_974, %shift_left3A_977 : vector<16xi32>
          %shift_right_logical3A_979 = arith.constant 3 : i32
          %shift_right_logical3A_980 = vector.broadcast %shift_right_logical3A_979 : i32 to vector<16xi32>
          %shift_right_logical3A_981 = arith.shrui %xor3A_974, %shift_right_logical3A_980 : vector<16xi32>
          %or3A_982 = arith.ori %shift_left3A_978, %shift_right_logical3A_981 : vector<16xi32>
          %xor3A_983 = arith.xori %or3A_982, %add3A_975 : vector<16xi32>
          %add3A_984 = arith.addi %add3A_975, %xor3A_983 : vector<16xi32>
          %shift_left3A_985 = arith.constant 16 : i32
          %shift_left3A_986 = vector.broadcast %shift_left3A_985 : i32 to vector<16xi32>
          %shift_left3A_987 = arith.shli %xor3A_983, %shift_left3A_986 : vector<16xi32>
          %shift_right_logical3A_988 = arith.constant 16 : i32
          %shift_right_logical3A_989 = vector.broadcast %shift_right_logical3A_988 : i32 to vector<16xi32>
          %shift_right_logical3A_990 = arith.shrui %xor3A_983, %shift_right_logical3A_989 : vector<16xi32>
          %or3A_991 = arith.ori %shift_left3A_987, %shift_right_logical3A_990 : vector<16xi32>
          %xor3A_992 = arith.xori %or3A_991, %add3A_984 : vector<16xi32>
          %add3A_993 = arith.addi %add3A_984, %xor3A_992 : vector<16xi32>
          %shift_left3A_994 = arith.constant 24 : i32
          %shift_left3A_995 = vector.broadcast %shift_left3A_994 : i32 to vector<16xi32>
          %shift_left3A_996 = arith.shli %xor3A_992, %shift_left3A_995 : vector<16xi32>
          %shift_right_logical3A_997 = arith.constant 8 : i32
          %shift_right_logical3A_998 = vector.broadcast %shift_right_logical3A_997 : i32 to vector<16xi32>
          %shift_right_logical3A_999 = arith.shrui %xor3A_992, %shift_right_logical3A_998 : vector<16xi32>
          %or3A_1000 = arith.ori %shift_left3A_996, %shift_right_logical3A_999 : vector<16xi32>
          %xor3A_1001 = arith.xori %or3A_1000, %add3A_993 : vector<16xi32>
          %add3A_1002 = arith.addi %add3A_993, %xor3A_923 : vector<16xi32>
          %add3A_1003 = arith.addi %xor3A_1001, %get3A_4 : vector<16xi32>
          %add3A_1004 = arith.constant 2 : i32
          %add3A_1005 = vector.broadcast %add3A_1004 : i32 to vector<16xi32>
          %add3A_1006 = arith.addi %add3A_1003, %add3A_1005 : vector<16xi32>
          %add3A_1007 = arith.addi %add3A_1002, %add3A_1006 : vector<16xi32>
          %shift_left3A_1008 = arith.constant 13 : i32
          %shift_left3A_1009 = vector.broadcast %shift_left3A_1008 : i32 to vector<16xi32>
          %shift_left3A_1010 = arith.shli %add3A_1006, %shift_left3A_1009 : vector<16xi32>
          %shift_right_logical3A_1011 = arith.constant 19 : i32
          %shift_right_logical3A_1012 = vector.broadcast %shift_right_logical3A_1011 : i32 to vector<16xi32>
          %shift_right_logical3A_1013 = arith.shrui %add3A_1006, %shift_right_logical3A_1012 : vector<16xi32>
          %or3A_1014 = arith.ori %shift_left3A_1010, %shift_right_logical3A_1013 : vector<16xi32>
          %xor3A_1015 = arith.xori %or3A_1014, %add3A_1007 : vector<16xi32>
          %add3A_1016 = arith.addi %add3A_1007, %xor3A_1015 : vector<16xi32>
          %shift_left3A_1017 = arith.constant 15 : i32
          %shift_left3A_1018 = vector.broadcast %shift_left3A_1017 : i32 to vector<16xi32>
          %shift_left3A_1019 = arith.shli %xor3A_1015, %shift_left3A_1018 : vector<16xi32>
          %shift_right_logical3A_1020 = arith.constant 17 : i32
          %shift_right_logical3A_1021 = vector.broadcast %shift_right_logical3A_1020 : i32 to vector<16xi32>
          %shift_right_logical3A_1022 = arith.shrui %xor3A_1015, %shift_right_logical3A_1021 : vector<16xi32>
          %or3A_1023 = arith.ori %shift_left3A_1019, %shift_right_logical3A_1022 : vector<16xi32>
          %xor3A_1024 = arith.xori %or3A_1023, %add3A_1016 : vector<16xi32>
          %add3A_1025 = arith.addi %add3A_1016, %xor3A_1024 : vector<16xi32>
          %shift_left3A_1026 = arith.constant 26 : i32
          %shift_left3A_1027 = vector.broadcast %shift_left3A_1026 : i32 to vector<16xi32>
          %shift_left3A_1028 = arith.shli %xor3A_1024, %shift_left3A_1027 : vector<16xi32>
          %shift_right_logical3A_1029 = arith.constant 6 : i32
          %shift_right_logical3A_1030 = vector.broadcast %shift_right_logical3A_1029 : i32 to vector<16xi32>
          %shift_right_logical3A_1031 = arith.shrui %xor3A_1024, %shift_right_logical3A_1030 : vector<16xi32>
          %or3A_1032 = arith.ori %shift_left3A_1028, %shift_right_logical3A_1031 : vector<16xi32>
          %xor3A_1033 = arith.xori %or3A_1032, %add3A_1025 : vector<16xi32>
          %add3A_1034 = arith.addi %add3A_1025, %xor3A_1033 : vector<16xi32>
          %shift_left3A_1035 = arith.constant 6 : i32
          %shift_left3A_1036 = vector.broadcast %shift_left3A_1035 : i32 to vector<16xi32>
          %shift_left3A_1037 = arith.shli %xor3A_1033, %shift_left3A_1036 : vector<16xi32>
          %shift_right_logical3A_1038 = arith.constant 26 : i32
          %shift_right_logical3A_1039 = vector.broadcast %shift_right_logical3A_1038 : i32 to vector<16xi32>
          %shift_right_logical3A_1040 = arith.shrui %xor3A_1033, %shift_right_logical3A_1039 : vector<16xi32>
          %or3A_1041 = arith.ori %shift_left3A_1037, %shift_right_logical3A_1040 : vector<16xi32>
          %xor3A_1042 = arith.xori %or3A_1041, %add3A_1034 : vector<16xi32>
          %add3A_1043 = arith.addi %add3A_1034, %get3A_4 : vector<16xi32>
          %add3A_1044 = arith.addi %xor3A_1042, %get3A_9 : vector<16xi32>
          %add3A_1045 = arith.constant 3 : i32
          %add3A_1046 = vector.broadcast %add3A_1045 : i32 to vector<16xi32>
          %add3A_1047 = arith.addi %add3A_1044, %add3A_1046 : vector<16xi32>
          %add3A_1048 = arith.addi %add3A_1043, %add3A_1047 : vector<16xi32>
          %shift_left3A_1049 = arith.constant 17 : i32
          %shift_left3A_1050 = vector.broadcast %shift_left3A_1049 : i32 to vector<16xi32>
          %shift_left3A_1051 = arith.shli %add3A_1047, %shift_left3A_1050 : vector<16xi32>
          %shift_right_logical3A_1052 = arith.constant 15 : i32
          %shift_right_logical3A_1053 = vector.broadcast %shift_right_logical3A_1052 : i32 to vector<16xi32>
          %shift_right_logical3A_1054 = arith.shrui %add3A_1047, %shift_right_logical3A_1053 : vector<16xi32>
          %or3A_1055 = arith.ori %shift_left3A_1051, %shift_right_logical3A_1054 : vector<16xi32>
          %xor3A_1056 = arith.xori %or3A_1055, %add3A_1048 : vector<16xi32>
          %add3A_1057 = arith.addi %add3A_1048, %xor3A_1056 : vector<16xi32>
          %shift_left3A_1058 = arith.constant 29 : i32
          %shift_left3A_1059 = vector.broadcast %shift_left3A_1058 : i32 to vector<16xi32>
          %shift_left3A_1060 = arith.shli %xor3A_1056, %shift_left3A_1059 : vector<16xi32>
          %shift_right_logical3A_1061 = arith.constant 3 : i32
          %shift_right_logical3A_1062 = vector.broadcast %shift_right_logical3A_1061 : i32 to vector<16xi32>
          %shift_right_logical3A_1063 = arith.shrui %xor3A_1056, %shift_right_logical3A_1062 : vector<16xi32>
          %or3A_1064 = arith.ori %shift_left3A_1060, %shift_right_logical3A_1063 : vector<16xi32>
          %xor3A_1065 = arith.xori %or3A_1064, %add3A_1057 : vector<16xi32>
          %add3A_1066 = arith.addi %add3A_1057, %xor3A_1065 : vector<16xi32>
          %shift_left3A_1067 = arith.constant 16 : i32
          %shift_left3A_1068 = vector.broadcast %shift_left3A_1067 : i32 to vector<16xi32>
          %shift_left3A_1069 = arith.shli %xor3A_1065, %shift_left3A_1068 : vector<16xi32>
          %shift_right_logical3A_1070 = arith.constant 16 : i32
          %shift_right_logical3A_1071 = vector.broadcast %shift_right_logical3A_1070 : i32 to vector<16xi32>
          %shift_right_logical3A_1072 = arith.shrui %xor3A_1065, %shift_right_logical3A_1071 : vector<16xi32>
          %or3A_1073 = arith.ori %shift_left3A_1069, %shift_right_logical3A_1072 : vector<16xi32>
          %xor3A_1074 = arith.xori %or3A_1073, %add3A_1066 : vector<16xi32>
          %add3A_1075 = arith.addi %add3A_1066, %xor3A_1074 : vector<16xi32>
          %shift_left3A_1076 = arith.constant 24 : i32
          %shift_left3A_1077 = vector.broadcast %shift_left3A_1076 : i32 to vector<16xi32>
          %shift_left3A_1078 = arith.shli %xor3A_1074, %shift_left3A_1077 : vector<16xi32>
          %shift_right_logical3A_1079 = arith.constant 8 : i32
          %shift_right_logical3A_1080 = vector.broadcast %shift_right_logical3A_1079 : i32 to vector<16xi32>
          %shift_right_logical3A_1081 = arith.shrui %xor3A_1074, %shift_right_logical3A_1080 : vector<16xi32>
          %or3A_1082 = arith.ori %shift_left3A_1078, %shift_right_logical3A_1081 : vector<16xi32>
          %xor3A_1083 = arith.xori %or3A_1082, %add3A_1075 : vector<16xi32>
          %add3A_1084 = arith.addi %add3A_1075, %get3A_9 : vector<16xi32>
          %add3A_1085 = arith.addi %xor3A_1083, %xor3A_923 : vector<16xi32>
          %add3A_1086 = arith.constant 4 : i32
          %add3A_1087 = vector.broadcast %add3A_1086 : i32 to vector<16xi32>
          %add3A_1088 = arith.addi %add3A_1085, %add3A_1087 : vector<16xi32>
          %add3A_1089 = arith.addi %add3A_1084, %add3A_1088 : vector<16xi32>
          %shift_left3A_1090 = arith.constant 13 : i32
          %shift_left3A_1091 = vector.broadcast %shift_left3A_1090 : i32 to vector<16xi32>
          %shift_left3A_1092 = arith.shli %add3A_1088, %shift_left3A_1091 : vector<16xi32>
          %shift_right_logical3A_1093 = arith.constant 19 : i32
          %shift_right_logical3A_1094 = vector.broadcast %shift_right_logical3A_1093 : i32 to vector<16xi32>
          %shift_right_logical3A_1095 = arith.shrui %add3A_1088, %shift_right_logical3A_1094 : vector<16xi32>
          %or3A_1096 = arith.ori %shift_left3A_1092, %shift_right_logical3A_1095 : vector<16xi32>
          %xor3A_1097 = arith.xori %or3A_1096, %add3A_1089 : vector<16xi32>
          %add3A_1098 = arith.addi %add3A_1089, %xor3A_1097 : vector<16xi32>
          %shift_left3A_1099 = arith.constant 15 : i32
          %shift_left3A_1100 = vector.broadcast %shift_left3A_1099 : i32 to vector<16xi32>
          %shift_left3A_1101 = arith.shli %xor3A_1097, %shift_left3A_1100 : vector<16xi32>
          %shift_right_logical3A_1102 = arith.constant 17 : i32
          %shift_right_logical3A_1103 = vector.broadcast %shift_right_logical3A_1102 : i32 to vector<16xi32>
          %shift_right_logical3A_1104 = arith.shrui %xor3A_1097, %shift_right_logical3A_1103 : vector<16xi32>
          %or3A_1105 = arith.ori %shift_left3A_1101, %shift_right_logical3A_1104 : vector<16xi32>
          %xor3A_1106 = arith.xori %or3A_1105, %add3A_1098 : vector<16xi32>
          %add3A_1107 = arith.addi %add3A_1098, %xor3A_1106 : vector<16xi32>
          %shift_left3A_1108 = arith.constant 26 : i32
          %shift_left3A_1109 = vector.broadcast %shift_left3A_1108 : i32 to vector<16xi32>
          %shift_left3A_1110 = arith.shli %xor3A_1106, %shift_left3A_1109 : vector<16xi32>
          %shift_right_logical3A_1111 = arith.constant 6 : i32
          %shift_right_logical3A_1112 = vector.broadcast %shift_right_logical3A_1111 : i32 to vector<16xi32>
          %shift_right_logical3A_1113 = arith.shrui %xor3A_1106, %shift_right_logical3A_1112 : vector<16xi32>
          %or3A_1114 = arith.ori %shift_left3A_1110, %shift_right_logical3A_1113 : vector<16xi32>
          %xor3A_1115 = arith.xori %or3A_1114, %add3A_1107 : vector<16xi32>
          %add3A_1116 = arith.addi %add3A_1107, %xor3A_1115 : vector<16xi32>
          %shift_left3A_1117 = arith.constant 6 : i32
          %shift_left3A_1118 = vector.broadcast %shift_left3A_1117 : i32 to vector<16xi32>
          %shift_left3A_1119 = arith.shli %xor3A_1115, %shift_left3A_1118 : vector<16xi32>
          %shift_right_logical3A_1120 = arith.constant 26 : i32
          %shift_right_logical3A_1121 = vector.broadcast %shift_right_logical3A_1120 : i32 to vector<16xi32>
          %shift_right_logical3A_1122 = arith.shrui %xor3A_1115, %shift_right_logical3A_1121 : vector<16xi32>
          %or3A_1123 = arith.ori %shift_left3A_1119, %shift_right_logical3A_1122 : vector<16xi32>
          %xor3A_1124 = arith.xori %or3A_1123, %add3A_1116 : vector<16xi32>
          %add3A_1125 = arith.addi %add3A_1116, %xor3A_923 : vector<16xi32>
          %add3A_1126 = arith.addi %xor3A_1124, %get3A_4 : vector<16xi32>
          %add3A_1127 = arith.constant 5 : i32
          %add3A_1128 = vector.broadcast %add3A_1127 : i32 to vector<16xi32>
          %add3A_1129 = arith.addi %add3A_1126, %add3A_1128 : vector<16xi32>
          %xor3A_1130 = arith.xori %add3A_1125, %add3A_1129 : vector<16xi32>
          %swap3A_1131 = arith.index_cast %add3A_35 : i32 to index
          %swap3A_1132 = arith.constant 64 : index
          %swap3A_1133 = tpu.vector_load %arg4[%swap3A_1131, %swap3A_1132] {strides = array<i32>} : memref<40x128xi32, #tpu.memory_space<vmem>>, vector<1x16xi32>,
          %swap3A_1134 = vector.shape_cast %swap3A_1133 : vector<1x16xi32> to vector<16xi32>
          %swap3A_1135 = vector.shape_cast %xor3A_1130 : vector<16xi32> to vector<1x16xi32>
          tpu.vector_store %arg4[%swap3A_1131, %swap3A_1132], %swap3A_1135 {strides = array<i32>} : memref<40x128xi32, #tpu.memory_space<vmem>>, vector<1x16xi32>,
          %add3A_1136 = arith.constant 80 : i32
          %add3A_1137 = arith.addi %add3A_40, %add3A_1136 : i32
          %add3A_1138 = vector.broadcast %add3A_1137 : i32 to vector<16xi32>
          %add3A_1139 = arith.addi %add3A_1138, %iota3A : vector<16xi32>
          %xor3A_1140 = arith.xori %get3A_4, %get3A_9 : vector<16xi32>
          %xor3A_1141 = arith.constant 466688986 : i32
          %xor3A_1142 = vector.broadcast %xor3A_1141 : i32 to vector<16xi32>
          %xor3A_1143 = arith.xori %xor3A_1140, %xor3A_1142 : vector<16xi32>
          %add3A_1144 = arith.addi %add3A_1139, %get3A_9 : vector<16xi32>
          %add3A_1145 = arith.addi %get3A_4, %add3A_1144 : vector<16xi32>
          %shift_left3A_1146 = arith.constant 13 : i32
          %shift_left3A_1147 = vector.broadcast %shift_left3A_1146 : i32 to vector<16xi32>
          %shift_left3A_1148 = arith.shli %add3A_1144, %shift_left3A_1147 : vector<16xi32>
          %shift_right_logical3A_1149 = arith.constant 19 : i32
          %shift_right_logical3A_1150 = vector.broadcast %shift_right_logical3A_1149 : i32 to vector<16xi32>
          %shift_right_logical3A_1151 = arith.shrui %add3A_1144, %shift_right_logical3A_1150 : vector<16xi32>
          %or3A_1152 = arith.ori %shift_left3A_1148, %shift_right_logical3A_1151 : vector<16xi32>
          %xor3A_1153 = arith.xori %or3A_1152, %add3A_1145 : vector<16xi32>
          %add3A_1154 = arith.addi %add3A_1145, %xor3A_1153 : vector<16xi32>
          %shift_left3A_1155 = arith.constant 15 : i32
          %shift_left3A_1156 = vector.broadcast %shift_left3A_1155 : i32 to vector<16xi32>
          %shift_left3A_1157 = arith.shli %xor3A_1153, %shift_left3A_1156 : vector<16xi32>
          %shift_right_logical3A_1158 = arith.constant 17 : i32
          %shift_right_logical3A_1159 = vector.broadcast %shift_right_logical3A_1158 : i32 to vector<16xi32>
          %shift_right_logical3A_1160 = arith.shrui %xor3A_1153, %shift_right_logical3A_1159 : vector<16xi32>
          %or3A_1161 = arith.ori %shift_left3A_1157, %shift_right_logical3A_1160 : vector<16xi32>
          %xor3A_1162 = arith.xori %or3A_1161, %add3A_1154 : vector<16xi32>
          %add3A_1163 = arith.addi %add3A_1154, %xor3A_1162 : vector<16xi32>
          %shift_left3A_1164 = arith.constant 26 : i32
          %shift_left3A_1165 = vector.broadcast %shift_left3A_1164 : i32 to vector<16xi32>
          %shift_left3A_1166 = arith.shli %xor3A_1162, %shift_left3A_1165 : vector<16xi32>
          %shift_right_logical3A_1167 = arith.constant 6 : i32
          %shift_right_logical3A_1168 = vector.broadcast %shift_right_logical3A_1167 : i32 to vector<16xi32>
          %shift_right_logical3A_1169 = arith.shrui %xor3A_1162, %shift_right_logical3A_1168 : vector<16xi32>
          %or3A_1170 = arith.ori %shift_left3A_1166, %shift_right_logical3A_1169 : vector<16xi32>
          %xor3A_1171 = arith.xori %or3A_1170, %add3A_1163 : vector<16xi32>
          %add3A_1172 = arith.addi %add3A_1163, %xor3A_1171 : vector<16xi32>
          %shift_left3A_1173 = arith.constant 6 : i32
          %shift_left3A_1174 = vector.broadcast %shift_left3A_1173 : i32 to vector<16xi32>
          %shift_left3A_1175 = arith.shli %xor3A_1171, %shift_left3A_1174 : vector<16xi32>
          %shift_right_logical3A_1176 = arith.constant 26 : i32
          %shift_right_logical3A_1177 = vector.broadcast %shift_right_logical3A_1176 : i32 to vector<16xi32>
          %shift_right_logical3A_1178 = arith.shrui %xor3A_1171, %shift_right_logical3A_1177 : vector<16xi32>
          %or3A_1179 = arith.ori %shift_left3A_1175, %shift_right_logical3A_1178 : vector<16xi32>
          %xor3A_1180 = arith.xori %or3A_1179, %add3A_1172 : vector<16xi32>
          %add3A_1181 = arith.addi %add3A_1172, %get3A_9 : vector<16xi32>
          %add3A_1182 = arith.addi %xor3A_1180, %xor3A_1143 : vector<16xi32>
          %add3A_1183 = arith.constant 1 : i32
          %add3A_1184 = vector.broadcast %add3A_1183 : i32 to vector<16xi32>
          %add3A_1185 = arith.addi %add3A_1182, %add3A_1184 : vector<16xi32>
          %add3A_1186 = arith.addi %add3A_1181, %add3A_1185 : vector<16xi32>
          %shift_left3A_1187 = arith.constant 17 : i32
          %shift_left3A_1188 = vector.broadcast %shift_left3A_1187 : i32 to vector<16xi32>
          %shift_left3A_1189 = arith.shli %add3A_1185, %shift_left3A_1188 : vector<16xi32>
          %shift_right_logical3A_1190 = arith.constant 15 : i32
          %shift_right_logical3A_1191 = vector.broadcast %shift_right_logical3A_1190 : i32 to vector<16xi32>
          %shift_right_logical3A_1192 = arith.shrui %add3A_1185, %shift_right_logical3A_1191 : vector<16xi32>
          %or3A_1193 = arith.ori %shift_left3A_1189, %shift_right_logical3A_1192 : vector<16xi32>
          %xor3A_1194 = arith.xori %or3A_1193, %add3A_1186 : vector<16xi32>
          %add3A_1195 = arith.addi %add3A_1186, %xor3A_1194 : vector<16xi32>
          %shift_left3A_1196 = arith.constant 29 : i32
          %shift_left3A_1197 = vector.broadcast %shift_left3A_1196 : i32 to vector<16xi32>
          %shift_left3A_1198 = arith.shli %xor3A_1194, %shift_left3A_1197 : vector<16xi32>
          %shift_right_logical3A_1199 = arith.constant 3 : i32
          %shift_right_logical3A_1200 = vector.broadcast %shift_right_logical3A_1199 : i32 to vector<16xi32>
          %shift_right_logical3A_1201 = arith.shrui %xor3A_1194, %shift_right_logical3A_1200 : vector<16xi32>
          %or3A_1202 = arith.ori %shift_left3A_1198, %shift_right_logical3A_1201 : vector<16xi32>
          %xor3A_1203 = arith.xori %or3A_1202, %add3A_1195 : vector<16xi32>
          %add3A_1204 = arith.addi %add3A_1195, %xor3A_1203 : vector<16xi32>
          %shift_left3A_1205 = arith.constant 16 : i32
          %shift_left3A_1206 = vector.broadcast %shift_left3A_1205 : i32 to vector<16xi32>
          %shift_left3A_1207 = arith.shli %xor3A_1203, %shift_left3A_1206 : vector<16xi32>
          %shift_right_logical3A_1208 = arith.constant 16 : i32
          %shift_right_logical3A_1209 = vector.broadcast %shift_right_logical3A_1208 : i32 to vector<16xi32>
          %shift_right_logical3A_1210 = arith.shrui %xor3A_1203, %shift_right_logical3A_1209 : vector<16xi32>
          %or3A_1211 = arith.ori %shift_left3A_1207, %shift_right_logical3A_1210 : vector<16xi32>
          %xor3A_1212 = arith.xori %or3A_1211, %add3A_1204 : vector<16xi32>
          %add3A_1213 = arith.addi %add3A_1204, %xor3A_1212 : vector<16xi32>
          %shift_left3A_1214 = arith.constant 24 : i32
          %shift_left3A_1215 = vector.broadcast %shift_left3A_1214 : i32 to vector<16xi32>
          %shift_left3A_1216 = arith.shli %xor3A_1212, %shift_left3A_1215 : vector<16xi32>
          %shift_right_logical3A_1217 = arith.constant 8 : i32
          %shift_right_logical3A_1218 = vector.broadcast %shift_right_logical3A_1217 : i32 to vector<16xi32>
          %shift_right_logical3A_1219 = arith.shrui %xor3A_1212, %shift_right_logical3A_1218 : vector<16xi32>
          %or3A_1220 = arith.ori %shift_left3A_1216, %shift_right_logical3A_1219 : vector<16xi32>
          %xor3A_1221 = arith.xori %or3A_1220, %add3A_1213 : vector<16xi32>
          %add3A_1222 = arith.addi %add3A_1213, %xor3A_1143 : vector<16xi32>
          %add3A_1223 = arith.addi %xor3A_1221, %get3A_4 : vector<16xi32>
          %add3A_1224 = arith.constant 2 : i32
          %add3A_1225 = vector.broadcast %add3A_1224 : i32 to vector<16xi32>
          %add3A_1226 = arith.addi %add3A_1223, %add3A_1225 : vector<16xi32>
          %add3A_1227 = arith.addi %add3A_1222, %add3A_1226 : vector<16xi32>
          %shift_left3A_1228 = arith.constant 13 : i32
          %shift_left3A_1229 = vector.broadcast %shift_left3A_1228 : i32 to vector<16xi32>
          %shift_left3A_1230 = arith.shli %add3A_1226, %shift_left3A_1229 : vector<16xi32>
          %shift_right_logical3A_1231 = arith.constant 19 : i32
          %shift_right_logical3A_1232 = vector.broadcast %shift_right_logical3A_1231 : i32 to vector<16xi32>
          %shift_right_logical3A_1233 = arith.shrui %add3A_1226, %shift_right_logical3A_1232 : vector<16xi32>
          %or3A_1234 = arith.ori %shift_left3A_1230, %shift_right_logical3A_1233 : vector<16xi32>
          %xor3A_1235 = arith.xori %or3A_1234, %add3A_1227 : vector<16xi32>
          %add3A_1236 = arith.addi %add3A_1227, %xor3A_1235 : vector<16xi32>
          %shift_left3A_1237 = arith.constant 15 : i32
          %shift_left3A_1238 = vector.broadcast %shift_left3A_1237 : i32 to vector<16xi32>
          %shift_left3A_1239 = arith.shli %xor3A_1235, %shift_left3A_1238 : vector<16xi32>
          %shift_right_logical3A_1240 = arith.constant 17 : i32
          %shift_right_logical3A_1241 = vector.broadcast %shift_right_logical3A_1240 : i32 to vector<16xi32>
          %shift_right_logical3A_1242 = arith.shrui %xor3A_1235, %shift_right_logical3A_1241 : vector<16xi32>
          %or3A_1243 = arith.ori %shift_left3A_1239, %shift_right_logical3A_1242 : vector<16xi32>
          %xor3A_1244 = arith.xori %or3A_1243, %add3A_1236 : vector<16xi32>
          %add3A_1245 = arith.addi %add3A_1236, %xor3A_1244 : vector<16xi32>
          %shift_left3A_1246 = arith.constant 26 : i32
          %shift_left3A_1247 = vector.broadcast %shift_left3A_1246 : i32 to vector<16xi32>
          %shift_left3A_1248 = arith.shli %xor3A_1244, %shift_left3A_1247 : vector<16xi32>
          %shift_right_logical3A_1249 = arith.constant 6 : i32
          %shift_right_logical3A_1250 = vector.broadcast %shift_right_logical3A_1249 : i32 to vector<16xi32>
          %shift_right_logical3A_1251 = arith.shrui %xor3A_1244, %shift_right_logical3A_1250 : vector<16xi32>
          %or3A_1252 = arith.ori %shift_left3A_1248, %shift_right_logical3A_1251 : vector<16xi32>
          %xor3A_1253 = arith.xori %or3A_1252, %add3A_1245 : vector<16xi32>
          %add3A_1254 = arith.addi %add3A_1245, %xor3A_1253 : vector<16xi32>
          %shift_left3A_1255 = arith.constant 6 : i32
          %shift_left3A_1256 = vector.broadcast %shift_left3A_1255 : i32 to vector<16xi32>
          %shift_left3A_1257 = arith.shli %xor3A_1253, %shift_left3A_1256 : vector<16xi32>
          %shift_right_logical3A_1258 = arith.constant 26 : i32
          %shift_right_logical3A_1259 = vector.broadcast %shift_right_logical3A_1258 : i32 to vector<16xi32>
          %shift_right_logical3A_1260 = arith.shrui %xor3A_1253, %shift_right_logical3A_1259 : vector<16xi32>
          %or3A_1261 = arith.ori %shift_left3A_1257, %shift_right_logical3A_1260 : vector<16xi32>
          %xor3A_1262 = arith.xori %or3A_1261, %add3A_1254 : vector<16xi32>
          %add3A_1263 = arith.addi %add3A_1254, %get3A_4 : vector<16xi32>
          %add3A_1264 = arith.addi %xor3A_1262, %get3A_9 : vector<16xi32>
          %add3A_1265 = arith.constant 3 : i32
          %add3A_1266 = vector.broadcast %add3A_1265 : i32 to vector<16xi32>
          %add3A_1267 = arith.addi %add3A_1264, %add3A_1266 : vector<16xi32>
          %add3A_1268 = arith.addi %add3A_1263, %add3A_1267 : vector<16xi32>
          %shift_left3A_1269 = arith.constant 17 : i32
          %shift_left3A_1270 = vector.broadcast %shift_left3A_1269 : i32 to vector<16xi32>
          %shift_left3A_1271 = arith.shli %add3A_1267, %shift_left3A_1270 : vector<16xi32>
          %shift_right_logical3A_1272 = arith.constant 15 : i32
          %shift_right_logical3A_1273 = vector.broadcast %shift_right_logical3A_1272 : i32 to vector<16xi32>
          %shift_right_logical3A_1274 = arith.shrui %add3A_1267, %shift_right_logical3A_1273 : vector<16xi32>
          %or3A_1275 = arith.ori %shift_left3A_1271, %shift_right_logical3A_1274 : vector<16xi32>
          %xor3A_1276 = arith.xori %or3A_1275, %add3A_1268 : vector<16xi32>
          %add3A_1277 = arith.addi %add3A_1268, %xor3A_1276 : vector<16xi32>
          %shift_left3A_1278 = arith.constant 29 : i32
          %shift_left3A_1279 = vector.broadcast %shift_left3A_1278 : i32 to vector<16xi32>
          %shift_left3A_1280 = arith.shli %xor3A_1276, %shift_left3A_1279 : vector<16xi32>
          %shift_right_logical3A_1281 = arith.constant 3 : i32
          %shift_right_logical3A_1282 = vector.broadcast %shift_right_logical3A_1281 : i32 to vector<16xi32>
          %shift_right_logical3A_1283 = arith.shrui %xor3A_1276, %shift_right_logical3A_1282 : vector<16xi32>
          %or3A_1284 = arith.ori %shift_left3A_1280, %shift_right_logical3A_1283 : vector<16xi32>
          %xor3A_1285 = arith.xori %or3A_1284, %add3A_1277 : vector<16xi32>
          %add3A_1286 = arith.addi %add3A_1277, %xor3A_1285 : vector<16xi32>
          %shift_left3A_1287 = arith.constant 16 : i32
          %shift_left3A_1288 = vector.broadcast %shift_left3A_1287 : i32 to vector<16xi32>
          %shift_left3A_1289 = arith.shli %xor3A_1285, %shift_left3A_1288 : vector<16xi32>
          %shift_right_logical3A_1290 = arith.constant 16 : i32
          %shift_right_logical3A_1291 = vector.broadcast %shift_right_logical3A_1290 : i32 to vector<16xi32>
          %shift_right_logical3A_1292 = arith.shrui %xor3A_1285, %shift_right_logical3A_1291 : vector<16xi32>
          %or3A_1293 = arith.ori %shift_left3A_1289, %shift_right_logical3A_1292 : vector<16xi32>
          %xor3A_1294 = arith.xori %or3A_1293, %add3A_1286 : vector<16xi32>
          %add3A_1295 = arith.addi %add3A_1286, %xor3A_1294 : vector<16xi32>
          %shift_left3A_1296 = arith.constant 24 : i32
          %shift_left3A_1297 = vector.broadcast %shift_left3A_1296 : i32 to vector<16xi32>
          %shift_left3A_1298 = arith.shli %xor3A_1294, %shift_left3A_1297 : vector<16xi32>
          %shift_right_logical3A_1299 = arith.constant 8 : i32
          %shift_right_logical3A_1300 = vector.broadcast %shift_right_logical3A_1299 : i32 to vector<16xi32>
          %shift_right_logical3A_1301 = arith.shrui %xor3A_1294, %shift_right_logical3A_1300 : vector<16xi32>
          %or3A_1302 = arith.ori %shift_left3A_1298, %shift_right_logical3A_1301 : vector<16xi32>
          %xor3A_1303 = arith.xori %or3A_1302, %add3A_1295 : vector<16xi32>
          %add3A_1304 = arith.addi %add3A_1295, %get3A_9 : vector<16xi32>
          %add3A_1305 = arith.addi %xor3A_1303, %xor3A_1143 : vector<16xi32>
          %add3A_1306 = arith.constant 4 : i32
          %add3A_1307 = vector.broadcast %add3A_1306 : i32 to vector<16xi32>
          %add3A_1308 = arith.addi %add3A_1305, %add3A_1307 : vector<16xi32>
          %add3A_1309 = arith.addi %add3A_1304, %add3A_1308 : vector<16xi32>
          %shift_left3A_1310 = arith.constant 13 : i32
          %shift_left3A_1311 = vector.broadcast %shift_left3A_1310 : i32 to vector<16xi32>
          %shift_left3A_1312 = arith.shli %add3A_1308, %shift_left3A_1311 : vector<16xi32>
          %shift_right_logical3A_1313 = arith.constant 19 : i32
          %shift_right_logical3A_1314 = vector.broadcast %shift_right_logical3A_1313 : i32 to vector<16xi32>
          %shift_right_logical3A_1315 = arith.shrui %add3A_1308, %shift_right_logical3A_1314 : vector<16xi32>
          %or3A_1316 = arith.ori %shift_left3A_1312, %shift_right_logical3A_1315 : vector<16xi32>
          %xor3A_1317 = arith.xori %or3A_1316, %add3A_1309 : vector<16xi32>
          %add3A_1318 = arith.addi %add3A_1309, %xor3A_1317 : vector<16xi32>
          %shift_left3A_1319 = arith.constant 15 : i32
          %shift_left3A_1320 = vector.broadcast %shift_left3A_1319 : i32 to vector<16xi32>
          %shift_left3A_1321 = arith.shli %xor3A_1317, %shift_left3A_1320 : vector<16xi32>
          %shift_right_logical3A_1322 = arith.constant 17 : i32
          %shift_right_logical3A_1323 = vector.broadcast %shift_right_logical3A_1322 : i32 to vector<16xi32>
          %shift_right_logical3A_1324 = arith.shrui %xor3A_1317, %shift_right_logical3A_1323 : vector<16xi32>
          %or3A_1325 = arith.ori %shift_left3A_1321, %shift_right_logical3A_1324 : vector<16xi32>
          %xor3A_1326 = arith.xori %or3A_1325, %add3A_1318 : vector<16xi32>
          %add3A_1327 = arith.addi %add3A_1318, %xor3A_1326 : vector<16xi32>
          %shift_left3A_1328 = arith.constant 26 : i32
          %shift_left3A_1329 = vector.broadcast %shift_left3A_1328 : i32 to vector<16xi32>
          %shift_left3A_1330 = arith.shli %xor3A_1326, %shift_left3A_1329 : vector<16xi32>
          %shift_right_logical3A_1331 = arith.constant 6 : i32
          %shift_right_logical3A_1332 = vector.broadcast %shift_right_logical3A_1331 : i32 to vector<16xi32>
          %shift_right_logical3A_1333 = arith.shrui %xor3A_1326, %shift_right_logical3A_1332 : vector<16xi32>
          %or3A_1334 = arith.ori %shift_left3A_1330, %shift_right_logical3A_1333 : vector<16xi32>
          %xor3A_1335 = arith.xori %or3A_1334, %add3A_1327 : vector<16xi32>
          %add3A_1336 = arith.addi %add3A_1327, %xor3A_1335 : vector<16xi32>
          %shift_left3A_1337 = arith.constant 6 : i32
          %shift_left3A_1338 = vector.broadcast %shift_left3A_1337 : i32 to vector<16xi32>
          %shift_left3A_1339 = arith.shli %xor3A_1335, %shift_left3A_1338 : vector<16xi32>
          %shift_right_logical3A_1340 = arith.constant 26 : i32
          %shift_right_logical3A_1341 = vector.broadcast %shift_right_logical3A_1340 : i32 to vector<16xi32>
          %shift_right_logical3A_1342 = arith.shrui %xor3A_1335, %shift_right_logical3A_1341 : vector<16xi32>
          %or3A_1343 = arith.ori %shift_left3A_1339, %shift_right_logical3A_1342 : vector<16xi32>
          %xor3A_1344 = arith.xori %or3A_1343, %add3A_1336 : vector<16xi32>
          %add3A_1345 = arith.addi %add3A_1336, %xor3A_1143 : vector<16xi32>
          %add3A_1346 = arith.addi %xor3A_1344, %get3A_4 : vector<16xi32>
          %add3A_1347 = arith.constant 5 : i32
          %add3A_1348 = vector.broadcast %add3A_1347 : i32 to vector<16xi32>
          %add3A_1349 = arith.addi %add3A_1346, %add3A_1348 : vector<16xi32>
          %xor3A_1350 = arith.xori %add3A_1345, %add3A_1349 : vector<16xi32>
          %swap3A_1351 = arith.index_cast %add3A_35 : i32 to index
          %swap3A_1352 = arith.constant 80 : index
          %swap3A_1353 = tpu.vector_load %arg4[%swap3A_1351, %swap3A_1352] {strides = array<i32>} : memref<40x128xi32, #tpu.memory_space<vmem>>, vector<1x16xi32>,
          %swap3A_1354 = vector.shape_cast %swap3A_1353 : vector<1x16xi32> to vector<16xi32>
          %swap3A_1355 = vector.shape_cast %xor3A_1350 : vector<16xi32> to vector<1x16xi32>
          tpu.vector_store %arg4[%swap3A_1351, %swap3A_1352], %swap3A_1355 {strides = array<i32>} : memref<40x128xi32, #tpu.memory_space<vmem>>, vector<1x16xi32>,
          %add3A_1356 = arith.constant 96 : i32
          %add3A_1357 = arith.addi %add3A_40, %add3A_1356 : i32
          %add3A_1358 = vector.broadcast %add3A_1357 : i32 to vector<16xi32>
          %add3A_1359 = arith.addi %add3A_1358, %iota3A : vector<16xi32>
          %xor3A_1360 = arith.xori %get3A_4, %get3A_9 : vector<16xi32>
          %xor3A_1361 = arith.constant 466688986 : i32
          %xor3A_1362 = vector.broadcast %xor3A_1361 : i32 to vector<16xi32>
          %xor3A_1363 = arith.xori %xor3A_1360, %xor3A_1362 : vector<16xi32>
          %add3A_1364 = arith.addi %add3A_1359, %get3A_9 : vector<16xi32>
          %add3A_1365 = arith.addi %get3A_4, %add3A_1364 : vector<16xi32>
          %shift_left3A_1366 = arith.constant 13 : i32
          %shift_left3A_1367 = vector.broadcast %shift_left3A_1366 : i32 to vector<16xi32>
          %shift_left3A_1368 = arith.shli %add3A_1364, %shift_left3A_1367 : vector<16xi32>
          %shift_right_logical3A_1369 = arith.constant 19 : i32
          %shift_right_logical3A_1370 = vector.broadcast %shift_right_logical3A_1369 : i32 to vector<16xi32>
          %shift_right_logical3A_1371 = arith.shrui %add3A_1364, %shift_right_logical3A_1370 : vector<16xi32>
          %or3A_1372 = arith.ori %shift_left3A_1368, %shift_right_logical3A_1371 : vector<16xi32>
          %xor3A_1373 = arith.xori %or3A_1372, %add3A_1365 : vector<16xi32>
          %add3A_1374 = arith.addi %add3A_1365, %xor3A_1373 : vector<16xi32>
          %shift_left3A_1375 = arith.constant 15 : i32
          %shift_left3A_1376 = vector.broadcast %shift_left3A_1375 : i32 to vector<16xi32>
          %shift_left3A_1377 = arith.shli %xor3A_1373, %shift_left3A_1376 : vector<16xi32>
          %shift_right_logical3A_1378 = arith.constant 17 : i32
          %shift_right_logical3A_1379 = vector.broadcast %shift_right_logical3A_1378 : i32 to vector<16xi32>
          %shift_right_logical3A_1380 = arith.shrui %xor3A_1373, %shift_right_logical3A_1379 : vector<16xi32>
          %or3A_1381 = arith.ori %shift_left3A_1377, %shift_right_logical3A_1380 : vector<16xi32>
          %xor3A_1382 = arith.xori %or3A_1381, %add3A_1374 : vector<16xi32>
          %add3A_1383 = arith.addi %add3A_1374, %xor3A_1382 : vector<16xi32>
          %shift_left3A_1384 = arith.constant 26 : i32
          %shift_left3A_1385 = vector.broadcast %shift_left3A_1384 : i32 to vector<16xi32>
          %shift_left3A_1386 = arith.shli %xor3A_1382, %shift_left3A_1385 : vector<16xi32>
          %shift_right_logical3A_1387 = arith.constant 6 : i32
          %shift_right_logical3A_1388 = vector.broadcast %shift_right_logical3A_1387 : i32 to vector<16xi32>
          %shift_right_logical3A_1389 = arith.shrui %xor3A_1382, %shift_right_logical3A_1388 : vector<16xi32>
          %or3A_1390 = arith.ori %shift_left3A_1386, %shift_right_logical3A_1389 : vector<16xi32>
          %xor3A_1391 = arith.xori %or3A_1390, %add3A_1383 : vector<16xi32>
          %add3A_1392 = arith.addi %add3A_1383, %xor3A_1391 : vector<16xi32>
          %shift_left3A_1393 = arith.constant 6 : i32
          %shift_left3A_1394 = vector.broadcast %shift_left3A_1393 : i32 to vector<16xi32>
          %shift_left3A_1395 = arith.shli %xor3A_1391, %shift_left3A_1394 : vector<16xi32>
          %shift_right_logical3A_1396 = arith.constant 26 : i32
          %shift_right_logical3A_1397 = vector.broadcast %shift_right_logical3A_1396 : i32 to vector<16xi32>
          %shift_right_logical3A_1398 = arith.shrui %xor3A_1391, %shift_right_logical3A_1397 : vector<16xi32>
          %or3A_1399 = arith.ori %shift_left3A_1395, %shift_right_logical3A_1398 : vector<16xi32>
          %xor3A_1400 = arith.xori %or3A_1399, %add3A_1392 : vector<16xi32>
          %add3A_1401 = arith.addi %add3A_1392, %get3A_9 : vector<16xi32>
          %add3A_1402 = arith.addi %xor3A_1400, %xor3A_1363 : vector<16xi32>
          %add3A_1403 = arith.constant 1 : i32
          %add3A_1404 = vector.broadcast %add3A_1403 : i32 to vector<16xi32>
          %add3A_1405 = arith.addi %add3A_1402, %add3A_1404 : vector<16xi32>
          %add3A_1406 = arith.addi %add3A_1401, %add3A_1405 : vector<16xi32>
          %shift_left3A_1407 = arith.constant 17 : i32
          %shift_left3A_1408 = vector.broadcast %shift_left3A_1407 : i32 to vector<16xi32>
          %shift_left3A_1409 = arith.shli %add3A_1405, %shift_left3A_1408 : vector<16xi32>
          %shift_right_logical3A_1410 = arith.constant 15 : i32
          %shift_right_logical3A_1411 = vector.broadcast %shift_right_logical3A_1410 : i32 to vector<16xi32>
          %shift_right_logical3A_1412 = arith.shrui %add3A_1405, %shift_right_logical3A_1411 : vector<16xi32>
          %or3A_1413 = arith.ori %shift_left3A_1409, %shift_right_logical3A_1412 : vector<16xi32>
          %xor3A_1414 = arith.xori %or3A_1413, %add3A_1406 : vector<16xi32>
          %add3A_1415 = arith.addi %add3A_1406, %xor3A_1414 : vector<16xi32>
          %shift_left3A_1416 = arith.constant 29 : i32
          %shift_left3A_1417 = vector.broadcast %shift_left3A_1416 : i32 to vector<16xi32>
          %shift_left3A_1418 = arith.shli %xor3A_1414, %shift_left3A_1417 : vector<16xi32>
          %shift_right_logical3A_1419 = arith.constant 3 : i32
          %shift_right_logical3A_1420 = vector.broadcast %shift_right_logical3A_1419 : i32 to vector<16xi32>
          %shift_right_logical3A_1421 = arith.shrui %xor3A_1414, %shift_right_logical3A_1420 : vector<16xi32>
          %or3A_1422 = arith.ori %shift_left3A_1418, %shift_right_logical3A_1421 : vector<16xi32>
          %xor3A_1423 = arith.xori %or3A_1422, %add3A_1415 : vector<16xi32>
          %add3A_1424 = arith.addi %add3A_1415, %xor3A_1423 : vector<16xi32>
          %shift_left3A_1425 = arith.constant 16 : i32
          %shift_left3A_1426 = vector.broadcast %shift_left3A_1425 : i32 to vector<16xi32>
          %shift_left3A_1427 = arith.shli %xor3A_1423, %shift_left3A_1426 : vector<16xi32>
          %shift_right_logical3A_1428 = arith.constant 16 : i32
          %shift_right_logical3A_1429 = vector.broadcast %shift_right_logical3A_1428 : i32 to vector<16xi32>
          %shift_right_logical3A_1430 = arith.shrui %xor3A_1423, %shift_right_logical3A_1429 : vector<16xi32>
          %or3A_1431 = arith.ori %shift_left3A_1427, %shift_right_logical3A_1430 : vector<16xi32>
          %xor3A_1432 = arith.xori %or3A_1431, %add3A_1424 : vector<16xi32>
          %add3A_1433 = arith.addi %add3A_1424, %xor3A_1432 : vector<16xi32>
          %shift_left3A_1434 = arith.constant 24 : i32
          %shift_left3A_1435 = vector.broadcast %shift_left3A_1434 : i32 to vector<16xi32>
          %shift_left3A_1436 = arith.shli %xor3A_1432, %shift_left3A_1435 : vector<16xi32>
          %shift_right_logical3A_1437 = arith.constant 8 : i32
          %shift_right_logical3A_1438 = vector.broadcast %shift_right_logical3A_1437 : i32 to vector<16xi32>
          %shift_right_logical3A_1439 = arith.shrui %xor3A_1432, %shift_right_logical3A_1438 : vector<16xi32>
          %or3A_1440 = arith.ori %shift_left3A_1436, %shift_right_logical3A_1439 : vector<16xi32>
          %xor3A_1441 = arith.xori %or3A_1440, %add3A_1433 : vector<16xi32>
          %add3A_1442 = arith.addi %add3A_1433, %xor3A_1363 : vector<16xi32>
          %add3A_1443 = arith.addi %xor3A_1441, %get3A_4 : vector<16xi32>
          %add3A_1444 = arith.constant 2 : i32
          %add3A_1445 = vector.broadcast %add3A_1444 : i32 to vector<16xi32>
          %add3A_1446 = arith.addi %add3A_1443, %add3A_1445 : vector<16xi32>
          %add3A_1447 = arith.addi %add3A_1442, %add3A_1446 : vector<16xi32>
          %shift_left3A_1448 = arith.constant 13 : i32
          %shift_left3A_1449 = vector.broadcast %shift_left3A_1448 : i32 to vector<16xi32>
          %shift_left3A_1450 = arith.shli %add3A_1446, %shift_left3A_1449 : vector<16xi32>
          %shift_right_logical3A_1451 = arith.constant 19 : i32
          %shift_right_logical3A_1452 = vector.broadcast %shift_right_logical3A_1451 : i32 to vector<16xi32>
          %shift_right_logical3A_1453 = arith.shrui %add3A_1446, %shift_right_logical3A_1452 : vector<16xi32>
          %or3A_1454 = arith.ori %shift_left3A_1450, %shift_right_logical3A_1453 : vector<16xi32>
          %xor3A_1455 = arith.xori %or3A_1454, %add3A_1447 : vector<16xi32>
          %add3A_1456 = arith.addi %add3A_1447, %xor3A_1455 : vector<16xi32>
          %shift_left3A_1457 = arith.constant 15 : i32
          %shift_left3A_1458 = vector.broadcast %shift_left3A_1457 : i32 to vector<16xi32>
          %shift_left3A_1459 = arith.shli %xor3A_1455, %shift_left3A_1458 : vector<16xi32>
          %shift_right_logical3A_1460 = arith.constant 17 : i32
          %shift_right_logical3A_1461 = vector.broadcast %shift_right_logical3A_1460 : i32 to vector<16xi32>
          %shift_right_logical3A_1462 = arith.shrui %xor3A_1455, %shift_right_logical3A_1461 : vector<16xi32>
          %or3A_1463 = arith.ori %shift_left3A_1459, %shift_right_logical3A_1462 : vector<16xi32>
          %xor3A_1464 = arith.xori %or3A_1463, %add3A_1456 : vector<16xi32>
          %add3A_1465 = arith.addi %add3A_1456, %xor3A_1464 : vector<16xi32>
          %shift_left3A_1466 = arith.constant 26 : i32
          %shift_left3A_1467 = vector.broadcast %shift_left3A_1466 : i32 to vector<16xi32>
          %shift_left3A_1468 = arith.shli %xor3A_1464, %shift_left3A_1467 : vector<16xi32>
          %shift_right_logical3A_1469 = arith.constant 6 : i32
          %shift_right_logical3A_1470 = vector.broadcast %shift_right_logical3A_1469 : i32 to vector<16xi32>
          %shift_right_logical3A_1471 = arith.shrui %xor3A_1464, %shift_right_logical3A_1470 : vector<16xi32>
          %or3A_1472 = arith.ori %shift_left3A_1468, %shift_right_logical3A_1471 : vector<16xi32>
          %xor3A_1473 = arith.xori %or3A_1472, %add3A_1465 : vector<16xi32>
          %add3A_1474 = arith.addi %add3A_1465, %xor3A_1473 : vector<16xi32>
          %shift_left3A_1475 = arith.constant 6 : i32
          %shift_left3A_1476 = vector.broadcast %shift_left3A_1475 : i32 to vector<16xi32>
          %shift_left3A_1477 = arith.shli %xor3A_1473, %shift_left3A_1476 : vector<16xi32>
          %shift_right_logical3A_1478 = arith.constant 26 : i32
          %shift_right_logical3A_1479 = vector.broadcast %shift_right_logical3A_1478 : i32 to vector<16xi32>
          %shift_right_logical3A_1480 = arith.shrui %xor3A_1473, %shift_right_logical3A_1479 : vector<16xi32>
          %or3A_1481 = arith.ori %shift_left3A_1477, %shift_right_logical3A_1480 : vector<16xi32>
          %xor3A_1482 = arith.xori %or3A_1481, %add3A_1474 : vector<16xi32>
          %add3A_1483 = arith.addi %add3A_1474, %get3A_4 : vector<16xi32>
          %add3A_1484 = arith.addi %xor3A_1482, %get3A_9 : vector<16xi32>
          %add3A_1485 = arith.constant 3 : i32
          %add3A_1486 = vector.broadcast %add3A_1485 : i32 to vector<16xi32>
          %add3A_1487 = arith.addi %add3A_1484, %add3A_1486 : vector<16xi32>
          %add3A_1488 = arith.addi %add3A_1483, %add3A_1487 : vector<16xi32>
          %shift_left3A_1489 = arith.constant 17 : i32
          %shift_left3A_1490 = vector.broadcast %shift_left3A_1489 : i32 to vector<16xi32>
          %shift_left3A_1491 = arith.shli %add3A_1487, %shift_left3A_1490 : vector<16xi32>
          %shift_right_logical3A_1492 = arith.constant 15 : i32
          %shift_right_logical3A_1493 = vector.broadcast %shift_right_logical3A_1492 : i32 to vector<16xi32>
          %shift_right_logical3A_1494 = arith.shrui %add3A_1487, %shift_right_logical3A_1493 : vector<16xi32>
          %or3A_1495 = arith.ori %shift_left3A_1491, %shift_right_logical3A_1494 : vector<16xi32>
          %xor3A_1496 = arith.xori %or3A_1495, %add3A_1488 : vector<16xi32>
          %add3A_1497 = arith.addi %add3A_1488, %xor3A_1496 : vector<16xi32>
          %shift_left3A_1498 = arith.constant 29 : i32
          %shift_left3A_1499 = vector.broadcast %shift_left3A_1498 : i32 to vector<16xi32>
          %shift_left3A_1500 = arith.shli %xor3A_1496, %shift_left3A_1499 : vector<16xi32>
          %shift_right_logical3A_1501 = arith.constant 3 : i32
          %shift_right_logical3A_1502 = vector.broadcast %shift_right_logical3A_1501 : i32 to vector<16xi32>
          %shift_right_logical3A_1503 = arith.shrui %xor3A_1496, %shift_right_logical3A_1502 : vector<16xi32>
          %or3A_1504 = arith.ori %shift_left3A_1500, %shift_right_logical3A_1503 : vector<16xi32>
          %xor3A_1505 = arith.xori %or3A_1504, %add3A_1497 : vector<16xi32>
          %add3A_1506 = arith.addi %add3A_1497, %xor3A_1505 : vector<16xi32>
          %shift_left3A_1507 = arith.constant 16 : i32
          %shift_left3A_1508 = vector.broadcast %shift_left3A_1507 : i32 to vector<16xi32>
          %shift_left3A_1509 = arith.shli %xor3A_1505, %shift_left3A_1508 : vector<16xi32>
          %shift_right_logical3A_1510 = arith.constant 16 : i32
          %shift_right_logical3A_1511 = vector.broadcast %shift_right_logical3A_1510 : i32 to vector<16xi32>
          %shift_right_logical3A_1512 = arith.shrui %xor3A_1505, %shift_right_logical3A_1511 : vector<16xi32>
          %or3A_1513 = arith.ori %shift_left3A_1509, %shift_right_logical3A_1512 : vector<16xi32>
          %xor3A_1514 = arith.xori %or3A_1513, %add3A_1506 : vector<16xi32>
          %add3A_1515 = arith.addi %add3A_1506, %xor3A_1514 : vector<16xi32>
          %shift_left3A_1516 = arith.constant 24 : i32
          %shift_left3A_1517 = vector.broadcast %shift_left3A_1516 : i32 to vector<16xi32>
          %shift_left3A_1518 = arith.shli %xor3A_1514, %shift_left3A_1517 : vector<16xi32>
          %shift_right_logical3A_1519 = arith.constant 8 : i32
          %shift_right_logical3A_1520 = vector.broadcast %shift_right_logical3A_1519 : i32 to vector<16xi32>
          %shift_right_logical3A_1521 = arith.shrui %xor3A_1514, %shift_right_logical3A_1520 : vector<16xi32>
          %or3A_1522 = arith.ori %shift_left3A_1518, %shift_right_logical3A_1521 : vector<16xi32>
          %xor3A_1523 = arith.xori %or3A_1522, %add3A_1515 : vector<16xi32>
          %add3A_1524 = arith.addi %add3A_1515, %get3A_9 : vector<16xi32>
          %add3A_1525 = arith.addi %xor3A_1523, %xor3A_1363 : vector<16xi32>
          %add3A_1526 = arith.constant 4 : i32
          %add3A_1527 = vector.broadcast %add3A_1526 : i32 to vector<16xi32>
          %add3A_1528 = arith.addi %add3A_1525, %add3A_1527 : vector<16xi32>
          %add3A_1529 = arith.addi %add3A_1524, %add3A_1528 : vector<16xi32>
          %shift_left3A_1530 = arith.constant 13 : i32
          %shift_left3A_1531 = vector.broadcast %shift_left3A_1530 : i32 to vector<16xi32>
          %shift_left3A_1532 = arith.shli %add3A_1528, %shift_left3A_1531 : vector<16xi32>
          %shift_right_logical3A_1533 = arith.constant 19 : i32
          %shift_right_logical3A_1534 = vector.broadcast %shift_right_logical3A_1533 : i32 to vector<16xi32>
          %shift_right_logical3A_1535 = arith.shrui %add3A_1528, %shift_right_logical3A_1534 : vector<16xi32>
          %or3A_1536 = arith.ori %shift_left3A_1532, %shift_right_logical3A_1535 : vector<16xi32>
          %xor3A_1537 = arith.xori %or3A_1536, %add3A_1529 : vector<16xi32>
          %add3A_1538 = arith.addi %add3A_1529, %xor3A_1537 : vector<16xi32>
          %shift_left3A_1539 = arith.constant 15 : i32
          %shift_left3A_1540 = vector.broadcast %shift_left3A_1539 : i32 to vector<16xi32>
          %shift_left3A_1541 = arith.shli %xor3A_1537, %shift_left3A_1540 : vector<16xi32>
          %shift_right_logical3A_1542 = arith.constant 17 : i32
          %shift_right_logical3A_1543 = vector.broadcast %shift_right_logical3A_1542 : i32 to vector<16xi32>
          %shift_right_logical3A_1544 = arith.shrui %xor3A_1537, %shift_right_logical3A_1543 : vector<16xi32>
          %or3A_1545 = arith.ori %shift_left3A_1541, %shift_right_logical3A_1544 : vector<16xi32>
          %xor3A_1546 = arith.xori %or3A_1545, %add3A_1538 : vector<16xi32>
          %add3A_1547 = arith.addi %add3A_1538, %xor3A_1546 : vector<16xi32>
          %shift_left3A_1548 = arith.constant 26 : i32
          %shift_left3A_1549 = vector.broadcast %shift_left3A_1548 : i32 to vector<16xi32>
          %shift_left3A_1550 = arith.shli %xor3A_1546, %shift_left3A_1549 : vector<16xi32>
          %shift_right_logical3A_1551 = arith.constant 6 : i32
          %shift_right_logical3A_1552 = vector.broadcast %shift_right_logical3A_1551 : i32 to vector<16xi32>
          %shift_right_logical3A_1553 = arith.shrui %xor3A_1546, %shift_right_logical3A_1552 : vector<16xi32>
          %or3A_1554 = arith.ori %shift_left3A_1550, %shift_right_logical3A_1553 : vector<16xi32>
          %xor3A_1555 = arith.xori %or3A_1554, %add3A_1547 : vector<16xi32>
          %add3A_1556 = arith.addi %add3A_1547, %xor3A_1555 : vector<16xi32>
          %shift_left3A_1557 = arith.constant 6 : i32
          %shift_left3A_1558 = vector.broadcast %shift_left3A_1557 : i32 to vector<16xi32>
          %shift_left3A_1559 = arith.shli %xor3A_1555, %shift_left3A_1558 : vector<16xi32>
          %shift_right_logical3A_1560 = arith.constant 26 : i32
          %shift_right_logical3A_1561 = vector.broadcast %shift_right_logical3A_1560 : i32 to vector<16xi32>
          %shift_right_logical3A_1562 = arith.shrui %xor3A_1555, %shift_right_logical3A_1561 : vector<16xi32>
          %or3A_1563 = arith.ori %shift_left3A_1559, %shift_right_logical3A_1562 : vector<16xi32>
          %xor3A_1564 = arith.xori %or3A_1563, %add3A_1556 : vector<16xi32>
          %add3A_1565 = arith.addi %add3A_1556, %xor3A_1363 : vector<16xi32>
          %add3A_1566 = arith.addi %xor3A_1564, %get3A_4 : vector<16xi32>
          %add3A_1567 = arith.constant 5 : i32
          %add3A_1568 = vector.broadcast %add3A_1567 : i32 to vector<16xi32>
          %add3A_1569 = arith.addi %add3A_1566, %add3A_1568 : vector<16xi32>
          %xor3A_1570 = arith.xori %add3A_1565, %add3A_1569 : vector<16xi32>
          %swap3A_1571 = arith.index_cast %add3A_35 : i32 to index
          %swap3A_1572 = arith.constant 96 : index
          %swap3A_1573 = tpu.vector_load %arg4[%swap3A_1571, %swap3A_1572] {strides = array<i32>} : memref<40x128xi32, #tpu.memory_space<vmem>>, vector<1x16xi32>,
          %swap3A_1574 = vector.shape_cast %swap3A_1573 : vector<1x16xi32> to vector<16xi32>
          %swap3A_1575 = vector.shape_cast %xor3A_1570 : vector<16xi32> to vector<1x16xi32>
          tpu.vector_store %arg4[%swap3A_1571, %swap3A_1572], %swap3A_1575 {strides = array<i32>} : memref<40x128xi32, #tpu.memory_space<vmem>>, vector<1x16xi32>,
          %add3A_1576 = arith.constant 112 : i32
          %add3A_1577 = arith.addi %add3A_40, %add3A_1576 : i32
          %add3A_1578 = vector.broadcast %add3A_1577 : i32 to vector<16xi32>
          %add3A_1579 = arith.addi %add3A_1578, %iota3A : vector<16xi32>
          %xor3A_1580 = arith.xori %get3A_4, %get3A_9 : vector<16xi32>
          %xor3A_1581 = arith.constant 466688986 : i32
          %xor3A_1582 = vector.broadcast %xor3A_1581 : i32 to vector<16xi32>
          %xor3A_1583 = arith.xori %xor3A_1580, %xor3A_1582 : vector<16xi32>
          %add3A_1584 = arith.addi %add3A_1579, %get3A_9 : vector<16xi32>
          %add3A_1585 = arith.addi %get3A_4, %add3A_1584 : vector<16xi32>
          %shift_left3A_1586 = arith.constant 13 : i32
          %shift_left3A_1587 = vector.broadcast %shift_left3A_1586 : i32 to vector<16xi32>
          %shift_left3A_1588 = arith.shli %add3A_1584, %shift_left3A_1587 : vector<16xi32>
          %shift_right_logical3A_1589 = arith.constant 19 : i32
          %shift_right_logical3A_1590 = vector.broadcast %shift_right_logical3A_1589 : i32 to vector<16xi32>
          %shift_right_logical3A_1591 = arith.shrui %add3A_1584, %shift_right_logical3A_1590 : vector<16xi32>
          %or3A_1592 = arith.ori %shift_left3A_1588, %shift_right_logical3A_1591 : vector<16xi32>
          %xor3A_1593 = arith.xori %or3A_1592, %add3A_1585 : vector<16xi32>
          %add3A_1594 = arith.addi %add3A_1585, %xor3A_1593 : vector<16xi32>
          %shift_left3A_1595 = arith.constant 15 : i32
          %shift_left3A_1596 = vector.broadcast %shift_left3A_1595 : i32 to vector<16xi32>
          %shift_left3A_1597 = arith.shli %xor3A_1593, %shift_left3A_1596 : vector<16xi32>
          %shift_right_logical3A_1598 = arith.constant 17 : i32
          %shift_right_logical3A_1599 = vector.broadcast %shift_right_logical3A_1598 : i32 to vector<16xi32>
          %shift_right_logical3A_1600 = arith.shrui %xor3A_1593, %shift_right_logical3A_1599 : vector<16xi32>
          %or3A_1601 = arith.ori %shift_left3A_1597, %shift_right_logical3A_1600 : vector<16xi32>
          %xor3A_1602 = arith.xori %or3A_1601, %add3A_1594 : vector<16xi32>
          %add3A_1603 = arith.addi %add3A_1594, %xor3A_1602 : vector<16xi32>
          %shift_left3A_1604 = arith.constant 26 : i32
          %shift_left3A_1605 = vector.broadcast %shift_left3A_1604 : i32 to vector<16xi32>
          %shift_left3A_1606 = arith.shli %xor3A_1602, %shift_left3A_1605 : vector<16xi32>
          %shift_right_logical3A_1607 = arith.constant 6 : i32
          %shift_right_logical3A_1608 = vector.broadcast %shift_right_logical3A_1607 : i32 to vector<16xi32>
          %shift_right_logical3A_1609 = arith.shrui %xor3A_1602, %shift_right_logical3A_1608 : vector<16xi32>
          %or3A_1610 = arith.ori %shift_left3A_1606, %shift_right_logical3A_1609 : vector<16xi32>
          %xor3A_1611 = arith.xori %or3A_1610, %add3A_1603 : vector<16xi32>
          %add3A_1612 = arith.addi %add3A_1603, %xor3A_1611 : vector<16xi32>
          %shift_left3A_1613 = arith.constant 6 : i32
          %shift_left3A_1614 = vector.broadcast %shift_left3A_1613 : i32 to vector<16xi32>
          %shift_left3A_1615 = arith.shli %xor3A_1611, %shift_left3A_1614 : vector<16xi32>
          %shift_right_logical3A_1616 = arith.constant 26 : i32
          %shift_right_logical3A_1617 = vector.broadcast %shift_right_logical3A_1616 : i32 to vector<16xi32>
          %shift_right_logical3A_1618 = arith.shrui %xor3A_1611, %shift_right_logical3A_1617 : vector<16xi32>
          %or3A_1619 = arith.ori %shift_left3A_1615, %shift_right_logical3A_1618 : vector<16xi32>
          %xor3A_1620 = arith.xori %or3A_1619, %add3A_1612 : vector<16xi32>
          %add3A_1621 = arith.addi %add3A_1612, %get3A_9 : vector<16xi32>
          %add3A_1622 = arith.addi %xor3A_1620, %xor3A_1583 : vector<16xi32>
          %add3A_1623 = arith.constant 1 : i32
          %add3A_1624 = vector.broadcast %add3A_1623 : i32 to vector<16xi32>
          %add3A_1625 = arith.addi %add3A_1622, %add3A_1624 : vector<16xi32>
          %add3A_1626 = arith.addi %add3A_1621, %add3A_1625 : vector<16xi32>
          %shift_left3A_1627 = arith.constant 17 : i32
          %shift_left3A_1628 = vector.broadcast %shift_left3A_1627 : i32 to vector<16xi32>
          %shift_left3A_1629 = arith.shli %add3A_1625, %shift_left3A_1628 : vector<16xi32>
          %shift_right_logical3A_1630 = arith.constant 15 : i32
          %shift_right_logical3A_1631 = vector.broadcast %shift_right_logical3A_1630 : i32 to vector<16xi32>
          %shift_right_logical3A_1632 = arith.shrui %add3A_1625, %shift_right_logical3A_1631 : vector<16xi32>
          %or3A_1633 = arith.ori %shift_left3A_1629, %shift_right_logical3A_1632 : vector<16xi32>
          %xor3A_1634 = arith.xori %or3A_1633, %add3A_1626 : vector<16xi32>
          %add3A_1635 = arith.addi %add3A_1626, %xor3A_1634 : vector<16xi32>
          %shift_left3A_1636 = arith.constant 29 : i32
          %shift_left3A_1637 = vector.broadcast %shift_left3A_1636 : i32 to vector<16xi32>
          %shift_left3A_1638 = arith.shli %xor3A_1634, %shift_left3A_1637 : vector<16xi32>
          %shift_right_logical3A_1639 = arith.constant 3 : i32
          %shift_right_logical3A_1640 = vector.broadcast %shift_right_logical3A_1639 : i32 to vector<16xi32>
          %shift_right_logical3A_1641 = arith.shrui %xor3A_1634, %shift_right_logical3A_1640 : vector<16xi32>
          %or3A_1642 = arith.ori %shift_left3A_1638, %shift_right_logical3A_1641 : vector<16xi32>
          %xor3A_1643 = arith.xori %or3A_1642, %add3A_1635 : vector<16xi32>
          %add3A_1644 = arith.addi %add3A_1635, %xor3A_1643 : vector<16xi32>
          %shift_left3A_1645 = arith.constant 16 : i32
          %shift_left3A_1646 = vector.broadcast %shift_left3A_1645 : i32 to vector<16xi32>
          %shift_left3A_1647 = arith.shli %xor3A_1643, %shift_left3A_1646 : vector<16xi32>
          %shift_right_logical3A_1648 = arith.constant 16 : i32
          %shift_right_logical3A_1649 = vector.broadcast %shift_right_logical3A_1648 : i32 to vector<16xi32>
          %shift_right_logical3A_1650 = arith.shrui %xor3A_1643, %shift_right_logical3A_1649 : vector<16xi32>
          %or3A_1651 = arith.ori %shift_left3A_1647, %shift_right_logical3A_1650 : vector<16xi32>
          %xor3A_1652 = arith.xori %or3A_1651, %add3A_1644 : vector<16xi32>
          %add3A_1653 = arith.addi %add3A_1644, %xor3A_1652 : vector<16xi32>
          %shift_left3A_1654 = arith.constant 24 : i32
          %shift_left3A_1655 = vector.broadcast %shift_left3A_1654 : i32 to vector<16xi32>
          %shift_left3A_1656 = arith.shli %xor3A_1652, %shift_left3A_1655 : vector<16xi32>
          %shift_right_logical3A_1657 = arith.constant 8 : i32
          %shift_right_logical3A_1658 = vector.broadcast %shift_right_logical3A_1657 : i32 to vector<16xi32>
          %shift_right_logical3A_1659 = arith.shrui %xor3A_1652, %shift_right_logical3A_1658 : vector<16xi32>
          %or3A_1660 = arith.ori %shift_left3A_1656, %shift_right_logical3A_1659 : vector<16xi32>
          %xor3A_1661 = arith.xori %or3A_1660, %add3A_1653 : vector<16xi32>
          %add3A_1662 = arith.addi %add3A_1653, %xor3A_1583 : vector<16xi32>
          %add3A_1663 = arith.addi %xor3A_1661, %get3A_4 : vector<16xi32>
          %add3A_1664 = arith.constant 2 : i32
          %add3A_1665 = vector.broadcast %add3A_1664 : i32 to vector<16xi32>
          %add3A_1666 = arith.addi %add3A_1663, %add3A_1665 : vector<16xi32>
          %add3A_1667 = arith.addi %add3A_1662, %add3A_1666 : vector<16xi32>
          %shift_left3A_1668 = arith.constant 13 : i32
          %shift_left3A_1669 = vector.broadcast %shift_left3A_1668 : i32 to vector<16xi32>
          %shift_left3A_1670 = arith.shli %add3A_1666, %shift_left3A_1669 : vector<16xi32>
          %shift_right_logical3A_1671 = arith.constant 19 : i32
          %shift_right_logical3A_1672 = vector.broadcast %shift_right_logical3A_1671 : i32 to vector<16xi32>
          %shift_right_logical3A_1673 = arith.shrui %add3A_1666, %shift_right_logical3A_1672 : vector<16xi32>
          %or3A_1674 = arith.ori %shift_left3A_1670, %shift_right_logical3A_1673 : vector<16xi32>
          %xor3A_1675 = arith.xori %or3A_1674, %add3A_1667 : vector<16xi32>
          %add3A_1676 = arith.addi %add3A_1667, %xor3A_1675 : vector<16xi32>
          %shift_left3A_1677 = arith.constant 15 : i32
          %shift_left3A_1678 = vector.broadcast %shift_left3A_1677 : i32 to vector<16xi32>
          %shift_left3A_1679 = arith.shli %xor3A_1675, %shift_left3A_1678 : vector<16xi32>
          %shift_right_logical3A_1680 = arith.constant 17 : i32
          %shift_right_logical3A_1681 = vector.broadcast %shift_right_logical3A_1680 : i32 to vector<16xi32>
          %shift_right_logical3A_1682 = arith.shrui %xor3A_1675, %shift_right_logical3A_1681 : vector<16xi32>
          %or3A_1683 = arith.ori %shift_left3A_1679, %shift_right_logical3A_1682 : vector<16xi32>
          %xor3A_1684 = arith.xori %or3A_1683, %add3A_1676 : vector<16xi32>
          %add3A_1685 = arith.addi %add3A_1676, %xor3A_1684 : vector<16xi32>
          %shift_left3A_1686 = arith.constant 26 : i32
          %shift_left3A_1687 = vector.broadcast %shift_left3A_1686 : i32 to vector<16xi32>
          %shift_left3A_1688 = arith.shli %xor3A_1684, %shift_left3A_1687 : vector<16xi32>
          %shift_right_logical3A_1689 = arith.constant 6 : i32
          %shift_right_logical3A_1690 = vector.broadcast %shift_right_logical3A_1689 : i32 to vector<16xi32>
          %shift_right_logical3A_1691 = arith.shrui %xor3A_1684, %shift_right_logical3A_1690 : vector<16xi32>
          %or3A_1692 = arith.ori %shift_left3A_1688, %shift_right_logical3A_1691 : vector<16xi32>
          %xor3A_1693 = arith.xori %or3A_1692, %add3A_1685 : vector<16xi32>
          %add3A_1694 = arith.addi %add3A_1685, %xor3A_1693 : vector<16xi32>
          %shift_left3A_1695 = arith.constant 6 : i32
          %shift_left3A_1696 = vector.broadcast %shift_left3A_1695 : i32 to vector<16xi32>
          %shift_left3A_1697 = arith.shli %xor3A_1693, %shift_left3A_1696 : vector<16xi32>
          %shift_right_logical3A_1698 = arith.constant 26 : i32
          %shift_right_logical3A_1699 = vector.broadcast %shift_right_logical3A_1698 : i32 to vector<16xi32>
          %shift_right_logical3A_1700 = arith.shrui %xor3A_1693, %shift_right_logical3A_1699 : vector<16xi32>
          %or3A_1701 = arith.ori %shift_left3A_1697, %shift_right_logical3A_1700 : vector<16xi32>
          %xor3A_1702 = arith.xori %or3A_1701, %add3A_1694 : vector<16xi32>
          %add3A_1703 = arith.addi %add3A_1694, %get3A_4 : vector<16xi32>
          %add3A_1704 = arith.addi %xor3A_1702, %get3A_9 : vector<16xi32>
          %add3A_1705 = arith.constant 3 : i32
          %add3A_1706 = vector.broadcast %add3A_1705 : i32 to vector<16xi32>
          %add3A_1707 = arith.addi %add3A_1704, %add3A_1706 : vector<16xi32>
          %add3A_1708 = arith.addi %add3A_1703, %add3A_1707 : vector<16xi32>
          %shift_left3A_1709 = arith.constant 17 : i32
          %shift_left3A_1710 = vector.broadcast %shift_left3A_1709 : i32 to vector<16xi32>
          %shift_left3A_1711 = arith.shli %add3A_1707, %shift_left3A_1710 : vector<16xi32>
          %shift_right_logical3A_1712 = arith.constant 15 : i32
          %shift_right_logical3A_1713 = vector.broadcast %shift_right_logical3A_1712 : i32 to vector<16xi32>
          %shift_right_logical3A_1714 = arith.shrui %add3A_1707, %shift_right_logical3A_1713 : vector<16xi32>
          %or3A_1715 = arith.ori %shift_left3A_1711, %shift_right_logical3A_1714 : vector<16xi32>
          %xor3A_1716 = arith.xori %or3A_1715, %add3A_1708 : vector<16xi32>
          %add3A_1717 = arith.addi %add3A_1708, %xor3A_1716 : vector<16xi32>
          %shift_left3A_1718 = arith.constant 29 : i32
          %shift_left3A_1719 = vector.broadcast %shift_left3A_1718 : i32 to vector<16xi32>
          %shift_left3A_1720 = arith.shli %xor3A_1716, %shift_left3A_1719 : vector<16xi32>
          %shift_right_logical3A_1721 = arith.constant 3 : i32
          %shift_right_logical3A_1722 = vector.broadcast %shift_right_logical3A_1721 : i32 to vector<16xi32>
          %shift_right_logical3A_1723 = arith.shrui %xor3A_1716, %shift_right_logical3A_1722 : vector<16xi32>
          %or3A_1724 = arith.ori %shift_left3A_1720, %shift_right_logical3A_1723 : vector<16xi32>
          %xor3A_1725 = arith.xori %or3A_1724, %add3A_1717 : vector<16xi32>
          %add3A_1726 = arith.addi %add3A_1717, %xor3A_1725 : vector<16xi32>
          %shift_left3A_1727 = arith.constant 16 : i32
          %shift_left3A_1728 = vector.broadcast %shift_left3A_1727 : i32 to vector<16xi32>
          %shift_left3A_1729 = arith.shli %xor3A_1725, %shift_left3A_1728 : vector<16xi32>
          %shift_right_logical3A_1730 = arith.constant 16 : i32
          %shift_right_logical3A_1731 = vector.broadcast %shift_right_logical3A_1730 : i32 to vector<16xi32>
          %shift_right_logical3A_1732 = arith.shrui %xor3A_1725, %shift_right_logical3A_1731 : vector<16xi32>
          %or3A_1733 = arith.ori %shift_left3A_1729, %shift_right_logical3A_1732 : vector<16xi32>
          %xor3A_1734 = arith.xori %or3A_1733, %add3A_1726 : vector<16xi32>
          %add3A_1735 = arith.addi %add3A_1726, %xor3A_1734 : vector<16xi32>
          %shift_left3A_1736 = arith.constant 24 : i32
          %shift_left3A_1737 = vector.broadcast %shift_left3A_1736 : i32 to vector<16xi32>
          %shift_left3A_1738 = arith.shli %xor3A_1734, %shift_left3A_1737 : vector<16xi32>
          %shift_right_logical3A_1739 = arith.constant 8 : i32
          %shift_right_logical3A_1740 = vector.broadcast %shift_right_logical3A_1739 : i32 to vector<16xi32>
          %shift_right_logical3A_1741 = arith.shrui %xor3A_1734, %shift_right_logical3A_1740 : vector<16xi32>
          %or3A_1742 = arith.ori %shift_left3A_1738, %shift_right_logical3A_1741 : vector<16xi32>
          %xor3A_1743 = arith.xori %or3A_1742, %add3A_1735 : vector<16xi32>
          %add3A_1744 = arith.addi %add3A_1735, %get3A_9 : vector<16xi32>
          %add3A_1745 = arith.addi %xor3A_1743, %xor3A_1583 : vector<16xi32>
          %add3A_1746 = arith.constant 4 : i32
          %add3A_1747 = vector.broadcast %add3A_1746 : i32 to vector<16xi32>
          %add3A_1748 = arith.addi %add3A_1745, %add3A_1747 : vector<16xi32>
          %add3A_1749 = arith.addi %add3A_1744, %add3A_1748 : vector<16xi32>
          %shift_left3A_1750 = arith.constant 13 : i32
          %shift_left3A_1751 = vector.broadcast %shift_left3A_1750 : i32 to vector<16xi32>
          %shift_left3A_1752 = arith.shli %add3A_1748, %shift_left3A_1751 : vector<16xi32>
          %shift_right_logical3A_1753 = arith.constant 19 : i32
          %shift_right_logical3A_1754 = vector.broadcast %shift_right_logical3A_1753 : i32 to vector<16xi32>
          %shift_right_logical3A_1755 = arith.shrui %add3A_1748, %shift_right_logical3A_1754 : vector<16xi32>
          %or3A_1756 = arith.ori %shift_left3A_1752, %shift_right_logical3A_1755 : vector<16xi32>
          %xor3A_1757 = arith.xori %or3A_1756, %add3A_1749 : vector<16xi32>
          %add3A_1758 = arith.addi %add3A_1749, %xor3A_1757 : vector<16xi32>
          %shift_left3A_1759 = arith.constant 15 : i32
          %shift_left3A_1760 = vector.broadcast %shift_left3A_1759 : i32 to vector<16xi32>
          %shift_left3A_1761 = arith.shli %xor3A_1757, %shift_left3A_1760 : vector<16xi32>
          %shift_right_logical3A_1762 = arith.constant 17 : i32
          %shift_right_logical3A_1763 = vector.broadcast %shift_right_logical3A_1762 : i32 to vector<16xi32>
          %shift_right_logical3A_1764 = arith.shrui %xor3A_1757, %shift_right_logical3A_1763 : vector<16xi32>
          %or3A_1765 = arith.ori %shift_left3A_1761, %shift_right_logical3A_1764 : vector<16xi32>
          %xor3A_1766 = arith.xori %or3A_1765, %add3A_1758 : vector<16xi32>
          %add3A_1767 = arith.addi %add3A_1758, %xor3A_1766 : vector<16xi32>
          %shift_left3A_1768 = arith.constant 26 : i32
          %shift_left3A_1769 = vector.broadcast %shift_left3A_1768 : i32 to vector<16xi32>
          %shift_left3A_1770 = arith.shli %xor3A_1766, %shift_left3A_1769 : vector<16xi32>
          %shift_right_logical3A_1771 = arith.constant 6 : i32
          %shift_right_logical3A_1772 = vector.broadcast %shift_right_logical3A_1771 : i32 to vector<16xi32>
          %shift_right_logical3A_1773 = arith.shrui %xor3A_1766, %shift_right_logical3A_1772 : vector<16xi32>
          %or3A_1774 = arith.ori %shift_left3A_1770, %shift_right_logical3A_1773 : vector<16xi32>
          %xor3A_1775 = arith.xori %or3A_1774, %add3A_1767 : vector<16xi32>
          %add3A_1776 = arith.addi %add3A_1767, %xor3A_1775 : vector<16xi32>
          %shift_left3A_1777 = arith.constant 6 : i32
          %shift_left3A_1778 = vector.broadcast %shift_left3A_1777 : i32 to vector<16xi32>
          %shift_left3A_1779 = arith.shli %xor3A_1775, %shift_left3A_1778 : vector<16xi32>
          %shift_right_logical3A_1780 = arith.constant 26 : i32
          %shift_right_logical3A_1781 = vector.broadcast %shift_right_logical3A_1780 : i32 to vector<16xi32>
          %shift_right_logical3A_1782 = arith.shrui %xor3A_1775, %shift_right_logical3A_1781 : vector<16xi32>
          %or3A_1783 = arith.ori %shift_left3A_1779, %shift_right_logical3A_1782 : vector<16xi32>
          %xor3A_1784 = arith.xori %or3A_1783, %add3A_1776 : vector<16xi32>
          %add3A_1785 = arith.addi %add3A_1776, %xor3A_1583 : vector<16xi32>
          %add3A_1786 = arith.addi %xor3A_1784, %get3A_4 : vector<16xi32>
          %add3A_1787 = arith.constant 5 : i32
          %add3A_1788 = vector.broadcast %add3A_1787 : i32 to vector<16xi32>
          %add3A_1789 = arith.addi %add3A_1786, %add3A_1788 : vector<16xi32>
          %xor3A_1790 = arith.xori %add3A_1785, %add3A_1789 : vector<16xi32>
          %swap3A_1791 = arith.index_cast %add3A_35 : i32 to index
          %swap3A_1792 = arith.constant 112 : index
          %swap3A_1793 = tpu.vector_load %arg4[%swap3A_1791, %swap3A_1792] {strides = array<i32>} : memref<40x128xi32, #tpu.memory_space<vmem>>, vector<1x16xi32>,
          %swap3A_1794 = vector.shape_cast %swap3A_1793 : vector<1x16xi32> to vector<16xi32>
          %swap3A_1795 = vector.shape_cast %xor3A_1790 : vector<16xi32> to vector<1x16xi32>
          tpu.vector_store %arg4[%swap3A_1791, %swap3A_1792], %swap3A_1795 {strides = array<i32>} : memref<40x128xi32, #tpu.memory_space<vmem>>, vector<1x16xi32>,
        }
        %scan3A_30 = arith.constant 40 : i32
        "tpu.region"() ({
          %run_scoped3A = tpu.sem_alloc : memref<!tpu.dma_semaphore, #tpu.memory_space<semaphore_mem>>
          %dma_start3A = arith.constant 0 : i32
          %dma_start3A_31 = tpu.memref_slice %arg3[%dma_start3A, %multiple_of3A] : memref<40x100352xi32, #tpu.memory_space<hbm>> -> memref<40x128xi32, #tpu.memory_space<hbm>>
          %dma_start3A_32 = arith.constant 0 : i32
          %dma_start3A_33 = tpu.memref_slice %arg3[%dma_start3A_32, %multiple_of3A] : memref<40x100352xi32, #tpu.memory_space<hbm>> -> memref<40x128xi32, #tpu.memory_space<hbm>>
          tpu.enqueue_dma source(%arg4 : memref<40x128xi32, #tpu.memory_space<vmem>>) target(%dma_start3A_33 : memref<40x128xi32, #tpu.memory_space<hbm>>) target_semaphore(%run_scoped3A : memref<!tpu.dma_semaphore, #tpu.memory_space<semaphore_mem>>)
          %dma_wait3A = arith.constant 0 : i32
          %dma_wait3A_34 = tpu.memref_slice %arg3[%dma_wait3A, %multiple_of3A] : memref<40x100352xi32, #tpu.memory_space<hbm>> -> memref<40x128xi32, #tpu.memory_space<hbm>>
          %dma_wait3A_35 = arith.constant 0 : i32
          %dma_wait3A_36 = tpu.memref_slice %arg3[%dma_wait3A_35, %multiple_of3A] : memref<40x100352xi32, #tpu.memory_space<hbm>> -> memref<40x128xi32, #tpu.memory_space<hbm>>
          tpu.wait_dma2 semaphore(%run_scoped3A : memref<!tpu.dma_semaphore, #tpu.memory_space<semaphore_mem>>) src(%arg4 : memref<40x128xi32, #tpu.memory_space<vmem>>) dst(%dma_wait3A_36 : memref<40x128xi32, #tpu.memory_space<hbm>>)
          tpu.yield
        }) : () -> ()
      } else {
      }
    }
    %scan3A_13 = arith.constant 25 : i32
    return
  }
}

module attributes {stable_mosaic.version = 14 : i64} {
  func.func @_body(%arg0: i32, %arg1: memref<6xi32, #tpu.memory_space<smem>>, %arg2: memref<8x100352xf32, #tpu.memory_space<vmem>>, %arg3: memref<8x32xf32, #tpu.memory_space<vmem>>, %arg4: memref<8x1xf32, #tpu.memory_space<vmem>>) attributes {dimension_semantics = [#tpu.dimension_semantics<arbitrary>], iteration_bounds = array<i64: 11>, scalar_prefetch = 0 : i64, scratch_operands = 0 : i64, tpu.core_type = #tpu.core_type<tc>, window_params = [{transform_indices = @transform_0, window_bounds = array<i64: 6>}, {transform_indices = @transform_1, window_bounds = array<i64: 8, 100352>}, {transform_indices = @transform_2, window_bounds = array<i64: 8, 32>}, {transform_indices = @transform_3, window_bounds = array<i64: 8, 1>}]} {
    %add3A = arith.constant 0 : i32
    %add3A_0 = arith.addi %arg0, %add3A : i32
    %get3A = arith.constant 0 : index
    %get3A_1 = memref.load %arg1[%get3A] : memref<6xi32, #tpu.memory_space<smem>>
    %get3A_2 = arith.constant 1 : index
    %get3A_3 = memref.load %arg1[%get3A_2] : memref<6xi32, #tpu.memory_space<smem>>
    %iota3A = tpu.iota {dimensions = array<i32: 0>} : vector<8x1xi32>
    %mul3A = arith.constant 8 : i32
    %mul3A_4 = arith.muli %add3A_0, %mul3A : i32
    %add3A_5 = vector.broadcast %mul3A_4 : i32 to vector<8x1xi32>
    %add3A_6 = arith.addi %iota3A, %add3A_5 : vector<8x1xi32>
    %mul3A_7 = arith.constant 100000 : i32
    %mul3A_8 = vector.broadcast %mul3A_7 : i32 to vector<8x1xi32>
    %mul3A_9 = arith.muli %add3A_6, %mul3A_8 : vector<8x1xi32>
    %iota3A_10 = tpu.iota {dimensions = array<i32: 1>} : vector<8x1024xi32>
    %broadcast_in_dim3A = arith.constant 0xFF800000 : f32
    %broadcast_in_dim3A_11 = vector.broadcast %broadcast_in_dim3A : f32 to vector<8x1024xf32>
    %broadcast_in_dim3A_12 = arith.constant 0 : i32
    %broadcast_in_dim3A_13 = vector.broadcast %broadcast_in_dim3A_12 : i32 to vector<8x1024xi32>
    %scan3A = arith.constant 0 : i32
    %scan3A_14 = arith.constant 48 : i32
    %scan3A_15 = arith.addi %scan3A, %scan3A_14 : i32
    %scan3A_16 = arith.constant 1 : i32
    %scan3A_17:2 = scf.for %scan3A_806 = %scan3A to %scan3A_15 step %scan3A_16 iter_args(%scan3A_807 = %broadcast_in_dim3A_11, %scan3A_808 = %broadcast_in_dim3A_13) -> (vector<8x1024xf32>, vector<8x1024xi32>)  : i32 {
      %mul3A_809 = arith.constant 2 : i32
      %mul3A_810 = arith.muli %scan3A_806, %mul3A_809 : i32
      %mul3A_811 = arith.constant 1024 : i32
      %mul3A_812 = arith.muli %mul3A_810, %mul3A_811 : i32
      %get3A_813 = arith.constant 0 : index
      %get3A_814 = arith.index_cast %mul3A_812 : i32 to index
      %get3A_815 = vector.load %arg2[%get3A_813, %get3A_814] : memref<8x100352xf32, #tpu.memory_space<vmem>>, vector<8x1024xf32>
      %mul3A_816 = arith.constant 1024 : i32
      %mul3A_817 = arith.muli %mul3A_810, %mul3A_816 : i32
      %add3A_818 = vector.broadcast %mul3A_817 : i32 to vector<8x1xi32>
      %add3A_819 = arith.addi %mul3A_9, %add3A_818 : vector<8x1xi32>
      %add3A_820 = vector.broadcast %add3A_819 : vector<8x1xi32> to vector<8x1024xi32>
      %add3A_821 = arith.addi %add3A_820, %iota3A_10 : vector<8x1024xi32>
      %xor3A_822 = arith.xori %get3A_1, %get3A_3 : i32
      %xor3A_823 = arith.constant 466688986 : i32
      %xor3A_824 = arith.xori %xor3A_822, %xor3A_823 : i32
      %add3A_825 = vector.broadcast %get3A_3 : i32 to vector<8x1024xi32>
      %add3A_826 = arith.addi %add3A_821, %add3A_825 : vector<8x1024xi32>
      %add3A_827 = vector.broadcast %get3A_1 : i32 to vector<8x1024xi32>
      %add3A_828 = arith.addi %add3A_827, %add3A_826 : vector<8x1024xi32>
      %shift_left3A_829 = arith.constant 13 : i32
      %shift_left3A_830 = vector.broadcast %shift_left3A_829 : i32 to vector<8x1024xi32>
      %shift_left3A_831 = arith.shli %add3A_826, %shift_left3A_830 : vector<8x1024xi32>
      %shift_right_logical3A_832 = arith.constant 19 : i32
      %shift_right_logical3A_833 = vector.broadcast %shift_right_logical3A_832 : i32 to vector<8x1024xi32>
      %shift_right_logical3A_834 = arith.shrui %add3A_826, %shift_right_logical3A_833 : vector<8x1024xi32>
      %or3A_835 = arith.ori %shift_left3A_831, %shift_right_logical3A_834 : vector<8x1024xi32>
      %xor3A_836 = arith.xori %or3A_835, %add3A_828 : vector<8x1024xi32>
      %add3A_837 = arith.addi %add3A_828, %xor3A_836 : vector<8x1024xi32>
      %shift_left3A_838 = arith.constant 15 : i32
      %shift_left3A_839 = vector.broadcast %shift_left3A_838 : i32 to vector<8x1024xi32>
      %shift_left3A_840 = arith.shli %xor3A_836, %shift_left3A_839 : vector<8x1024xi32>
      %shift_right_logical3A_841 = arith.constant 17 : i32
      %shift_right_logical3A_842 = vector.broadcast %shift_right_logical3A_841 : i32 to vector<8x1024xi32>
      %shift_right_logical3A_843 = arith.shrui %xor3A_836, %shift_right_logical3A_842 : vector<8x1024xi32>
      %or3A_844 = arith.ori %shift_left3A_840, %shift_right_logical3A_843 : vector<8x1024xi32>
      %xor3A_845 = arith.xori %or3A_844, %add3A_837 : vector<8x1024xi32>
      %add3A_846 = arith.addi %add3A_837, %xor3A_845 : vector<8x1024xi32>
      %shift_left3A_847 = arith.constant 26 : i32
      %shift_left3A_848 = vector.broadcast %shift_left3A_847 : i32 to vector<8x1024xi32>
      %shift_left3A_849 = arith.shli %xor3A_845, %shift_left3A_848 : vector<8x1024xi32>
      %shift_right_logical3A_850 = arith.constant 6 : i32
      %shift_right_logical3A_851 = vector.broadcast %shift_right_logical3A_850 : i32 to vector<8x1024xi32>
      %shift_right_logical3A_852 = arith.shrui %xor3A_845, %shift_right_logical3A_851 : vector<8x1024xi32>
      %or3A_853 = arith.ori %shift_left3A_849, %shift_right_logical3A_852 : vector<8x1024xi32>
      %xor3A_854 = arith.xori %or3A_853, %add3A_846 : vector<8x1024xi32>
      %add3A_855 = arith.addi %add3A_846, %xor3A_854 : vector<8x1024xi32>
      %shift_left3A_856 = arith.constant 6 : i32
      %shift_left3A_857 = vector.broadcast %shift_left3A_856 : i32 to vector<8x1024xi32>
      %shift_left3A_858 = arith.shli %xor3A_854, %shift_left3A_857 : vector<8x1024xi32>
      %shift_right_logical3A_859 = arith.constant 26 : i32
      %shift_right_logical3A_860 = vector.broadcast %shift_right_logical3A_859 : i32 to vector<8x1024xi32>
      %shift_right_logical3A_861 = arith.shrui %xor3A_854, %shift_right_logical3A_860 : vector<8x1024xi32>
      %or3A_862 = arith.ori %shift_left3A_858, %shift_right_logical3A_861 : vector<8x1024xi32>
      %xor3A_863 = arith.xori %or3A_862, %add3A_855 : vector<8x1024xi32>
      %add3A_864 = vector.broadcast %get3A_3 : i32 to vector<8x1024xi32>
      %add3A_865 = arith.addi %add3A_855, %add3A_864 : vector<8x1024xi32>
      %add3A_866 = vector.broadcast %xor3A_824 : i32 to vector<8x1024xi32>
      %add3A_867 = arith.addi %xor3A_863, %add3A_866 : vector<8x1024xi32>
      %add3A_868 = arith.constant 1 : i32
      %add3A_869 = vector.broadcast %add3A_868 : i32 to vector<8x1024xi32>
      %add3A_870 = arith.addi %add3A_867, %add3A_869 : vector<8x1024xi32>
      %add3A_871 = arith.addi %add3A_865, %add3A_870 : vector<8x1024xi32>
      %shift_left3A_872 = arith.constant 17 : i32
      %shift_left3A_873 = vector.broadcast %shift_left3A_872 : i32 to vector<8x1024xi32>
      %shift_left3A_874 = arith.shli %add3A_870, %shift_left3A_873 : vector<8x1024xi32>
      %shift_right_logical3A_875 = arith.constant 15 : i32
      %shift_right_logical3A_876 = vector.broadcast %shift_right_logical3A_875 : i32 to vector<8x1024xi32>
      %shift_right_logical3A_877 = arith.shrui %add3A_870, %shift_right_logical3A_876 : vector<8x1024xi32>
      %or3A_878 = arith.ori %shift_left3A_874, %shift_right_logical3A_877 : vector<8x1024xi32>
      %xor3A_879 = arith.xori %or3A_878, %add3A_871 : vector<8x1024xi32>
      %add3A_880 = arith.addi %add3A_871, %xor3A_879 : vector<8x1024xi32>
      %shift_left3A_881 = arith.constant 29 : i32
      %shift_left3A_882 = vector.broadcast %shift_left3A_881 : i32 to vector<8x1024xi32>
      %shift_left3A_883 = arith.shli %xor3A_879, %shift_left3A_882 : vector<8x1024xi32>
      %shift_right_logical3A_884 = arith.constant 3 : i32
      %shift_right_logical3A_885 = vector.broadcast %shift_right_logical3A_884 : i32 to vector<8x1024xi32>
      %shift_right_logical3A_886 = arith.shrui %xor3A_879, %shift_right_logical3A_885 : vector<8x1024xi32>
      %or3A_887 = arith.ori %shift_left3A_883, %shift_right_logical3A_886 : vector<8x1024xi32>
      %xor3A_888 = arith.xori %or3A_887, %add3A_880 : vector<8x1024xi32>
      %add3A_889 = arith.addi %add3A_880, %xor3A_888 : vector<8x1024xi32>
      %shift_left3A_890 = arith.constant 16 : i32
      %shift_left3A_891 = vector.broadcast %shift_left3A_890 : i32 to vector<8x1024xi32>
      %shift_left3A_892 = arith.shli %xor3A_888, %shift_left3A_891 : vector<8x1024xi32>
      %shift_right_logical3A_893 = arith.constant 16 : i32
      %shift_right_logical3A_894 = vector.broadcast %shift_right_logical3A_893 : i32 to vector<8x1024xi32>
      %shift_right_logical3A_895 = arith.shrui %xor3A_888, %shift_right_logical3A_894 : vector<8x1024xi32>
      %or3A_896 = arith.ori %shift_left3A_892, %shift_right_logical3A_895 : vector<8x1024xi32>
      %xor3A_897 = arith.xori %or3A_896, %add3A_889 : vector<8x1024xi32>
      %add3A_898 = arith.addi %add3A_889, %xor3A_897 : vector<8x1024xi32>
      %shift_left3A_899 = arith.constant 24 : i32
      %shift_left3A_900 = vector.broadcast %shift_left3A_899 : i32 to vector<8x1024xi32>
      %shift_left3A_901 = arith.shli %xor3A_897, %shift_left3A_900 : vector<8x1024xi32>
      %shift_right_logical3A_902 = arith.constant 8 : i32
      %shift_right_logical3A_903 = vector.broadcast %shift_right_logical3A_902 : i32 to vector<8x1024xi32>
      %shift_right_logical3A_904 = arith.shrui %xor3A_897, %shift_right_logical3A_903 : vector<8x1024xi32>
      %or3A_905 = arith.ori %shift_left3A_901, %shift_right_logical3A_904 : vector<8x1024xi32>
      %xor3A_906 = arith.xori %or3A_905, %add3A_898 : vector<8x1024xi32>
      %add3A_907 = vector.broadcast %xor3A_824 : i32 to vector<8x1024xi32>
      %add3A_908 = arith.addi %add3A_898, %add3A_907 : vector<8x1024xi32>
      %add3A_909 = vector.broadcast %get3A_1 : i32 to vector<8x1024xi32>
      %add3A_910 = arith.addi %xor3A_906, %add3A_909 : vector<8x1024xi32>
      %add3A_911 = arith.constant 2 : i32
      %add3A_912 = vector.broadcast %add3A_911 : i32 to vector<8x1024xi32>
      %add3A_913 = arith.addi %add3A_910, %add3A_912 : vector<8x1024xi32>
      %add3A_914 = arith.addi %add3A_908, %add3A_913 : vector<8x1024xi32>
      %shift_left3A_915 = arith.constant 13 : i32
      %shift_left3A_916 = vector.broadcast %shift_left3A_915 : i32 to vector<8x1024xi32>
      %shift_left3A_917 = arith.shli %add3A_913, %shift_left3A_916 : vector<8x1024xi32>
      %shift_right_logical3A_918 = arith.constant 19 : i32
      %shift_right_logical3A_919 = vector.broadcast %shift_right_logical3A_918 : i32 to vector<8x1024xi32>
      %shift_right_logical3A_920 = arith.shrui %add3A_913, %shift_right_logical3A_919 : vector<8x1024xi32>
      %or3A_921 = arith.ori %shift_left3A_917, %shift_right_logical3A_920 : vector<8x1024xi32>
      %xor3A_922 = arith.xori %or3A_921, %add3A_914 : vector<8x1024xi32>
      %add3A_923 = arith.addi %add3A_914, %xor3A_922 : vector<8x1024xi32>
      %shift_left3A_924 = arith.constant 15 : i32
      %shift_left3A_925 = vector.broadcast %shift_left3A_924 : i32 to vector<8x1024xi32>
      %shift_left3A_926 = arith.shli %xor3A_922, %shift_left3A_925 : vector<8x1024xi32>
      %shift_right_logical3A_927 = arith.constant 17 : i32
      %shift_right_logical3A_928 = vector.broadcast %shift_right_logical3A_927 : i32 to vector<8x1024xi32>
      %shift_right_logical3A_929 = arith.shrui %xor3A_922, %shift_right_logical3A_928 : vector<8x1024xi32>
      %or3A_930 = arith.ori %shift_left3A_926, %shift_right_logical3A_929 : vector<8x1024xi32>
      %xor3A_931 = arith.xori %or3A_930, %add3A_923 : vector<8x1024xi32>
      %add3A_932 = arith.addi %add3A_923, %xor3A_931 : vector<8x1024xi32>
      %shift_left3A_933 = arith.constant 26 : i32
      %shift_left3A_934 = vector.broadcast %shift_left3A_933 : i32 to vector<8x1024xi32>
      %shift_left3A_935 = arith.shli %xor3A_931, %shift_left3A_934 : vector<8x1024xi32>
      %shift_right_logical3A_936 = arith.constant 6 : i32
      %shift_right_logical3A_937 = vector.broadcast %shift_right_logical3A_936 : i32 to vector<8x1024xi32>
      %shift_right_logical3A_938 = arith.shrui %xor3A_931, %shift_right_logical3A_937 : vector<8x1024xi32>
      %or3A_939 = arith.ori %shift_left3A_935, %shift_right_logical3A_938 : vector<8x1024xi32>
      %xor3A_940 = arith.xori %or3A_939, %add3A_932 : vector<8x1024xi32>
      %add3A_941 = arith.addi %add3A_932, %xor3A_940 : vector<8x1024xi32>
      %shift_left3A_942 = arith.constant 6 : i32
      %shift_left3A_943 = vector.broadcast %shift_left3A_942 : i32 to vector<8x1024xi32>
      %shift_left3A_944 = arith.shli %xor3A_940, %shift_left3A_943 : vector<8x1024xi32>
      %shift_right_logical3A_945 = arith.constant 26 : i32
      %shift_right_logical3A_946 = vector.broadcast %shift_right_logical3A_945 : i32 to vector<8x1024xi32>
      %shift_right_logical3A_947 = arith.shrui %xor3A_940, %shift_right_logical3A_946 : vector<8x1024xi32>
      %or3A_948 = arith.ori %shift_left3A_944, %shift_right_logical3A_947 : vector<8x1024xi32>
      %xor3A_949 = arith.xori %or3A_948, %add3A_941 : vector<8x1024xi32>
      %add3A_950 = vector.broadcast %get3A_1 : i32 to vector<8x1024xi32>
      %add3A_951 = arith.addi %add3A_941, %add3A_950 : vector<8x1024xi32>
      %add3A_952 = vector.broadcast %get3A_3 : i32 to vector<8x1024xi32>
      %add3A_953 = arith.addi %xor3A_949, %add3A_952 : vector<8x1024xi32>
      %add3A_954 = arith.constant 3 : i32
      %add3A_955 = vector.broadcast %add3A_954 : i32 to vector<8x1024xi32>
      %add3A_956 = arith.addi %add3A_953, %add3A_955 : vector<8x1024xi32>
      %add3A_957 = arith.addi %add3A_951, %add3A_956 : vector<8x1024xi32>
      %shift_left3A_958 = arith.constant 17 : i32
      %shift_left3A_959 = vector.broadcast %shift_left3A_958 : i32 to vector<8x1024xi32>
      %shift_left3A_960 = arith.shli %add3A_956, %shift_left3A_959 : vector<8x1024xi32>
      %shift_right_logical3A_961 = arith.constant 15 : i32
      %shift_right_logical3A_962 = vector.broadcast %shift_right_logical3A_961 : i32 to vector<8x1024xi32>
      %shift_right_logical3A_963 = arith.shrui %add3A_956, %shift_right_logical3A_962 : vector<8x1024xi32>
      %or3A_964 = arith.ori %shift_left3A_960, %shift_right_logical3A_963 : vector<8x1024xi32>
      %xor3A_965 = arith.xori %or3A_964, %add3A_957 : vector<8x1024xi32>
      %add3A_966 = arith.addi %add3A_957, %xor3A_965 : vector<8x1024xi32>
      %shift_left3A_967 = arith.constant 29 : i32
      %shift_left3A_968 = vector.broadcast %shift_left3A_967 : i32 to vector<8x1024xi32>
      %shift_left3A_969 = arith.shli %xor3A_965, %shift_left3A_968 : vector<8x1024xi32>
      %shift_right_logical3A_970 = arith.constant 3 : i32
      %shift_right_logical3A_971 = vector.broadcast %shift_right_logical3A_970 : i32 to vector<8x1024xi32>
      %shift_right_logical3A_972 = arith.shrui %xor3A_965, %shift_right_logical3A_971 : vector<8x1024xi32>
      %or3A_973 = arith.ori %shift_left3A_969, %shift_right_logical3A_972 : vector<8x1024xi32>
      %xor3A_974 = arith.xori %or3A_973, %add3A_966 : vector<8x1024xi32>
      %add3A_975 = arith.addi %add3A_966, %xor3A_974 : vector<8x1024xi32>
      %shift_left3A_976 = arith.constant 16 : i32
      %shift_left3A_977 = vector.broadcast %shift_left3A_976 : i32 to vector<8x1024xi32>
      %shift_left3A_978 = arith.shli %xor3A_974, %shift_left3A_977 : vector<8x1024xi32>
      %shift_right_logical3A_979 = arith.constant 16 : i32
      %shift_right_logical3A_980 = vector.broadcast %shift_right_logical3A_979 : i32 to vector<8x1024xi32>
      %shift_right_logical3A_981 = arith.shrui %xor3A_974, %shift_right_logical3A_980 : vector<8x1024xi32>
      %or3A_982 = arith.ori %shift_left3A_978, %shift_right_logical3A_981 : vector<8x1024xi32>
      %xor3A_983 = arith.xori %or3A_982, %add3A_975 : vector<8x1024xi32>
      %add3A_984 = arith.addi %add3A_975, %xor3A_983 : vector<8x1024xi32>
      %shift_left3A_985 = arith.constant 24 : i32
      %shift_left3A_986 = vector.broadcast %shift_left3A_985 : i32 to vector<8x1024xi32>
      %shift_left3A_987 = arith.shli %xor3A_983, %shift_left3A_986 : vector<8x1024xi32>
      %shift_right_logical3A_988 = arith.constant 8 : i32
      %shift_right_logical3A_989 = vector.broadcast %shift_right_logical3A_988 : i32 to vector<8x1024xi32>
      %shift_right_logical3A_990 = arith.shrui %xor3A_983, %shift_right_logical3A_989 : vector<8x1024xi32>
      %or3A_991 = arith.ori %shift_left3A_987, %shift_right_logical3A_990 : vector<8x1024xi32>
      %xor3A_992 = arith.xori %or3A_991, %add3A_984 : vector<8x1024xi32>
      %add3A_993 = vector.broadcast %get3A_3 : i32 to vector<8x1024xi32>
      %add3A_994 = arith.addi %add3A_984, %add3A_993 : vector<8x1024xi32>
      %add3A_995 = vector.broadcast %xor3A_824 : i32 to vector<8x1024xi32>
      %add3A_996 = arith.addi %xor3A_992, %add3A_995 : vector<8x1024xi32>
      %add3A_997 = arith.constant 4 : i32
      %add3A_998 = vector.broadcast %add3A_997 : i32 to vector<8x1024xi32>
      %add3A_999 = arith.addi %add3A_996, %add3A_998 : vector<8x1024xi32>
      %add3A_1000 = arith.addi %add3A_994, %add3A_999 : vector<8x1024xi32>
      %shift_left3A_1001 = arith.constant 13 : i32
      %shift_left3A_1002 = vector.broadcast %shift_left3A_1001 : i32 to vector<8x1024xi32>
      %shift_left3A_1003 = arith.shli %add3A_999, %shift_left3A_1002 : vector<8x1024xi32>
      %shift_right_logical3A_1004 = arith.constant 19 : i32
      %shift_right_logical3A_1005 = vector.broadcast %shift_right_logical3A_1004 : i32 to vector<8x1024xi32>
      %shift_right_logical3A_1006 = arith.shrui %add3A_999, %shift_right_logical3A_1005 : vector<8x1024xi32>
      %or3A_1007 = arith.ori %shift_left3A_1003, %shift_right_logical3A_1006 : vector<8x1024xi32>
      %xor3A_1008 = arith.xori %or3A_1007, %add3A_1000 : vector<8x1024xi32>
      %add3A_1009 = arith.addi %add3A_1000, %xor3A_1008 : vector<8x1024xi32>
      %shift_left3A_1010 = arith.constant 15 : i32
      %shift_left3A_1011 = vector.broadcast %shift_left3A_1010 : i32 to vector<8x1024xi32>
      %shift_left3A_1012 = arith.shli %xor3A_1008, %shift_left3A_1011 : vector<8x1024xi32>
      %shift_right_logical3A_1013 = arith.constant 17 : i32
      %shift_right_logical3A_1014 = vector.broadcast %shift_right_logical3A_1013 : i32 to vector<8x1024xi32>
      %shift_right_logical3A_1015 = arith.shrui %xor3A_1008, %shift_right_logical3A_1014 : vector<8x1024xi32>
      %or3A_1016 = arith.ori %shift_left3A_1012, %shift_right_logical3A_1015 : vector<8x1024xi32>
      %xor3A_1017 = arith.xori %or3A_1016, %add3A_1009 : vector<8x1024xi32>
      %add3A_1018 = arith.addi %add3A_1009, %xor3A_1017 : vector<8x1024xi32>
      %shift_left3A_1019 = arith.constant 26 : i32
      %shift_left3A_1020 = vector.broadcast %shift_left3A_1019 : i32 to vector<8x1024xi32>
      %shift_left3A_1021 = arith.shli %xor3A_1017, %shift_left3A_1020 : vector<8x1024xi32>
      %shift_right_logical3A_1022 = arith.constant 6 : i32
      %shift_right_logical3A_1023 = vector.broadcast %shift_right_logical3A_1022 : i32 to vector<8x1024xi32>
      %shift_right_logical3A_1024 = arith.shrui %xor3A_1017, %shift_right_logical3A_1023 : vector<8x1024xi32>
      %or3A_1025 = arith.ori %shift_left3A_1021, %shift_right_logical3A_1024 : vector<8x1024xi32>
      %xor3A_1026 = arith.xori %or3A_1025, %add3A_1018 : vector<8x1024xi32>
      %add3A_1027 = arith.addi %add3A_1018, %xor3A_1026 : vector<8x1024xi32>
      %shift_left3A_1028 = arith.constant 6 : i32
      %shift_left3A_1029 = vector.broadcast %shift_left3A_1028 : i32 to vector<8x1024xi32>
      %shift_left3A_1030 = arith.shli %xor3A_1026, %shift_left3A_1029 : vector<8x1024xi32>
      %shift_right_logical3A_1031 = arith.constant 26 : i32
      %shift_right_logical3A_1032 = vector.broadcast %shift_right_logical3A_1031 : i32 to vector<8x1024xi32>
      %shift_right_logical3A_1033 = arith.shrui %xor3A_1026, %shift_right_logical3A_1032 : vector<8x1024xi32>
      %or3A_1034 = arith.ori %shift_left3A_1030, %shift_right_logical3A_1033 : vector<8x1024xi32>
      %xor3A_1035 = arith.xori %or3A_1034, %add3A_1027 : vector<8x1024xi32>
      %add3A_1036 = vector.broadcast %xor3A_824 : i32 to vector<8x1024xi32>
      %add3A_1037 = arith.addi %add3A_1027, %add3A_1036 : vector<8x1024xi32>
      %add3A_1038 = vector.broadcast %get3A_1 : i32 to vector<8x1024xi32>
      %add3A_1039 = arith.addi %xor3A_1035, %add3A_1038 : vector<8x1024xi32>
      %add3A_1040 = arith.constant 5 : i32
      %add3A_1041 = vector.broadcast %add3A_1040 : i32 to vector<8x1024xi32>
      %add3A_1042 = arith.addi %add3A_1039, %add3A_1041 : vector<8x1024xi32>
      %xor3A_1043 = arith.xori %add3A_1037, %add3A_1042 : vector<8x1024xi32>
      %shift_right_logical3A_1044 = arith.constant 9 : i32
      %shift_right_logical3A_1045 = vector.broadcast %shift_right_logical3A_1044 : i32 to vector<8x1024xi32>
      %shift_right_logical3A_1046 = arith.shrui %xor3A_1043, %shift_right_logical3A_1045 : vector<8x1024xi32>
      %or3A_1047 = arith.constant 1065353216 : i32
      %or3A_1048 = vector.broadcast %or3A_1047 : i32 to vector<8x1024xi32>
      %or3A_1049 = arith.ori %shift_right_logical3A_1046, %or3A_1048 : vector<8x1024xi32>
      %bitcast_convert_type3A_1050 = tpu.bitcast %or3A_1049 : vector<8x1024xi32> -> vector<8x1024xf32>
      %sub3A_1051 = arith.constant 1.000000e+00 : f32
      %sub3A_1052 = vector.broadcast %sub3A_1051 : f32 to vector<8x1024xf32>
      %sub3A_1053 = arith.subf %bitcast_convert_type3A_1050, %sub3A_1052 : vector<8x1024xf32>
      %add3A_1054 = arith.constant 1.17549435E-38 : f32
      %add3A_1055 = vector.broadcast %add3A_1054 : f32 to vector<8x1024xf32>
      %add3A_1056 = arith.addf %sub3A_1053, %add3A_1055 : vector<8x1024xf32>
      %log3A_1057 = math.log %add3A_1056 : vector<8x1024xf32>
      %neg3A_1058 = arith.constant 0.000000e+00 : f32
      %neg3A_1059 = vector.broadcast %neg3A_1058 : f32 to vector<8x1024xf32>
      %neg3A_1060 = arith.subf %neg3A_1059, %log3A_1057 : vector<8x1024xf32>
      %log3A_1061 = math.log %neg3A_1060 : vector<8x1024xf32>
      %neg3A_1062 = arith.constant 0.000000e+00 : f32
      %neg3A_1063 = vector.broadcast %neg3A_1062 : f32 to vector<8x1024xf32>
      %neg3A_1064 = arith.subf %neg3A_1063, %log3A_1061 : vector<8x1024xf32>
      %add3A_1065 = arith.addf %get3A_815, %neg3A_1064 : vector<8x1024xf32>
      %mul3A_1066 = arith.constant 2 : i32
      %mul3A_1067 = arith.muli %scan3A_806, %mul3A_1066 : i32
      %add3A_1068 = arith.constant 1 : i32
      %add3A_1069 = arith.addi %mul3A_1067, %add3A_1068 : i32
      %mul3A_1070 = arith.constant 1024 : i32
      %mul3A_1071 = arith.muli %add3A_1069, %mul3A_1070 : i32
      %get3A_1072 = arith.constant 0 : index
      %get3A_1073 = arith.index_cast %mul3A_1071 : i32 to index
      %get3A_1074 = vector.load %arg2[%get3A_1072, %get3A_1073] : memref<8x100352xf32, #tpu.memory_space<vmem>>, vector<8x1024xf32>
      %mul3A_1075 = arith.constant 1024 : i32
      %mul3A_1076 = arith.muli %add3A_1069, %mul3A_1075 : i32
      %add3A_1077 = vector.broadcast %mul3A_1076 : i32 to vector<8x1xi32>
      %add3A_1078 = arith.addi %mul3A_9, %add3A_1077 : vector<8x1xi32>
      %add3A_1079 = vector.broadcast %add3A_1078 : vector<8x1xi32> to vector<8x1024xi32>
      %add3A_1080 = arith.addi %add3A_1079, %iota3A_10 : vector<8x1024xi32>
      %xor3A_1081 = arith.xori %get3A_1, %get3A_3 : i32
      %xor3A_1082 = arith.constant 466688986 : i32
      %xor3A_1083 = arith.xori %xor3A_1081, %xor3A_1082 : i32
      %add3A_1084 = vector.broadcast %get3A_3 : i32 to vector<8x1024xi32>
      %add3A_1085 = arith.addi %add3A_1080, %add3A_1084 : vector<8x1024xi32>
      %add3A_1086 = vector.broadcast %get3A_1 : i32 to vector<8x1024xi32>
      %add3A_1087 = arith.addi %add3A_1086, %add3A_1085 : vector<8x1024xi32>
      %shift_left3A_1088 = arith.constant 13 : i32
      %shift_left3A_1089 = vector.broadcast %shift_left3A_1088 : i32 to vector<8x1024xi32>
      %shift_left3A_1090 = arith.shli %add3A_1085, %shift_left3A_1089 : vector<8x1024xi32>
      %shift_right_logical3A_1091 = arith.constant 19 : i32
      %shift_right_logical3A_1092 = vector.broadcast %shift_right_logical3A_1091 : i32 to vector<8x1024xi32>
      %shift_right_logical3A_1093 = arith.shrui %add3A_1085, %shift_right_logical3A_1092 : vector<8x1024xi32>
      %or3A_1094 = arith.ori %shift_left3A_1090, %shift_right_logical3A_1093 : vector<8x1024xi32>
      %xor3A_1095 = arith.xori %or3A_1094, %add3A_1087 : vector<8x1024xi32>
      %add3A_1096 = arith.addi %add3A_1087, %xor3A_1095 : vector<8x1024xi32>
      %shift_left3A_1097 = arith.constant 15 : i32
      %shift_left3A_1098 = vector.broadcast %shift_left3A_1097 : i32 to vector<8x1024xi32>
      %shift_left3A_1099 = arith.shli %xor3A_1095, %shift_left3A_1098 : vector<8x1024xi32>
      %shift_right_logical3A_1100 = arith.constant 17 : i32
      %shift_right_logical3A_1101 = vector.broadcast %shift_right_logical3A_1100 : i32 to vector<8x1024xi32>
      %shift_right_logical3A_1102 = arith.shrui %xor3A_1095, %shift_right_logical3A_1101 : vector<8x1024xi32>
      %or3A_1103 = arith.ori %shift_left3A_1099, %shift_right_logical3A_1102 : vector<8x1024xi32>
      %xor3A_1104 = arith.xori %or3A_1103, %add3A_1096 : vector<8x1024xi32>
      %add3A_1105 = arith.addi %add3A_1096, %xor3A_1104 : vector<8x1024xi32>
      %shift_left3A_1106 = arith.constant 26 : i32
      %shift_left3A_1107 = vector.broadcast %shift_left3A_1106 : i32 to vector<8x1024xi32>
      %shift_left3A_1108 = arith.shli %xor3A_1104, %shift_left3A_1107 : vector<8x1024xi32>
      %shift_right_logical3A_1109 = arith.constant 6 : i32
      %shift_right_logical3A_1110 = vector.broadcast %shift_right_logical3A_1109 : i32 to vector<8x1024xi32>
      %shift_right_logical3A_1111 = arith.shrui %xor3A_1104, %shift_right_logical3A_1110 : vector<8x1024xi32>
      %or3A_1112 = arith.ori %shift_left3A_1108, %shift_right_logical3A_1111 : vector<8x1024xi32>
      %xor3A_1113 = arith.xori %or3A_1112, %add3A_1105 : vector<8x1024xi32>
      %add3A_1114 = arith.addi %add3A_1105, %xor3A_1113 : vector<8x1024xi32>
      %shift_left3A_1115 = arith.constant 6 : i32
      %shift_left3A_1116 = vector.broadcast %shift_left3A_1115 : i32 to vector<8x1024xi32>
      %shift_left3A_1117 = arith.shli %xor3A_1113, %shift_left3A_1116 : vector<8x1024xi32>
      %shift_right_logical3A_1118 = arith.constant 26 : i32
      %shift_right_logical3A_1119 = vector.broadcast %shift_right_logical3A_1118 : i32 to vector<8x1024xi32>
      %shift_right_logical3A_1120 = arith.shrui %xor3A_1113, %shift_right_logical3A_1119 : vector<8x1024xi32>
      %or3A_1121 = arith.ori %shift_left3A_1117, %shift_right_logical3A_1120 : vector<8x1024xi32>
      %xor3A_1122 = arith.xori %or3A_1121, %add3A_1114 : vector<8x1024xi32>
      %add3A_1123 = vector.broadcast %get3A_3 : i32 to vector<8x1024xi32>
      %add3A_1124 = arith.addi %add3A_1114, %add3A_1123 : vector<8x1024xi32>
      %add3A_1125 = vector.broadcast %xor3A_1083 : i32 to vector<8x1024xi32>
      %add3A_1126 = arith.addi %xor3A_1122, %add3A_1125 : vector<8x1024xi32>
      %add3A_1127 = arith.constant 1 : i32
      %add3A_1128 = vector.broadcast %add3A_1127 : i32 to vector<8x1024xi32>
      %add3A_1129 = arith.addi %add3A_1126, %add3A_1128 : vector<8x1024xi32>
      %add3A_1130 = arith.addi %add3A_1124, %add3A_1129 : vector<8x1024xi32>
      %shift_left3A_1131 = arith.constant 17 : i32
      %shift_left3A_1132 = vector.broadcast %shift_left3A_1131 : i32 to vector<8x1024xi32>
      %shift_left3A_1133 = arith.shli %add3A_1129, %shift_left3A_1132 : vector<8x1024xi32>
      %shift_right_logical3A_1134 = arith.constant 15 : i32
      %shift_right_logical3A_1135 = vector.broadcast %shift_right_logical3A_1134 : i32 to vector<8x1024xi32>
      %shift_right_logical3A_1136 = arith.shrui %add3A_1129, %shift_right_logical3A_1135 : vector<8x1024xi32>
      %or3A_1137 = arith.ori %shift_left3A_1133, %shift_right_logical3A_1136 : vector<8x1024xi32>
      %xor3A_1138 = arith.xori %or3A_1137, %add3A_1130 : vector<8x1024xi32>
      %add3A_1139 = arith.addi %add3A_1130, %xor3A_1138 : vector<8x1024xi32>
      %shift_left3A_1140 = arith.constant 29 : i32
      %shift_left3A_1141 = vector.broadcast %shift_left3A_1140 : i32 to vector<8x1024xi32>
      %shift_left3A_1142 = arith.shli %xor3A_1138, %shift_left3A_1141 : vector<8x1024xi32>
      %shift_right_logical3A_1143 = arith.constant 3 : i32
      %shift_right_logical3A_1144 = vector.broadcast %shift_right_logical3A_1143 : i32 to vector<8x1024xi32>
      %shift_right_logical3A_1145 = arith.shrui %xor3A_1138, %shift_right_logical3A_1144 : vector<8x1024xi32>
      %or3A_1146 = arith.ori %shift_left3A_1142, %shift_right_logical3A_1145 : vector<8x1024xi32>
      %xor3A_1147 = arith.xori %or3A_1146, %add3A_1139 : vector<8x1024xi32>
      %add3A_1148 = arith.addi %add3A_1139, %xor3A_1147 : vector<8x1024xi32>
      %shift_left3A_1149 = arith.constant 16 : i32
      %shift_left3A_1150 = vector.broadcast %shift_left3A_1149 : i32 to vector<8x1024xi32>
      %shift_left3A_1151 = arith.shli %xor3A_1147, %shift_left3A_1150 : vector<8x1024xi32>
      %shift_right_logical3A_1152 = arith.constant 16 : i32
      %shift_right_logical3A_1153 = vector.broadcast %shift_right_logical3A_1152 : i32 to vector<8x1024xi32>
      %shift_right_logical3A_1154 = arith.shrui %xor3A_1147, %shift_right_logical3A_1153 : vector<8x1024xi32>
      %or3A_1155 = arith.ori %shift_left3A_1151, %shift_right_logical3A_1154 : vector<8x1024xi32>
      %xor3A_1156 = arith.xori %or3A_1155, %add3A_1148 : vector<8x1024xi32>
      %add3A_1157 = arith.addi %add3A_1148, %xor3A_1156 : vector<8x1024xi32>
      %shift_left3A_1158 = arith.constant 24 : i32
      %shift_left3A_1159 = vector.broadcast %shift_left3A_1158 : i32 to vector<8x1024xi32>
      %shift_left3A_1160 = arith.shli %xor3A_1156, %shift_left3A_1159 : vector<8x1024xi32>
      %shift_right_logical3A_1161 = arith.constant 8 : i32
      %shift_right_logical3A_1162 = vector.broadcast %shift_right_logical3A_1161 : i32 to vector<8x1024xi32>
      %shift_right_logical3A_1163 = arith.shrui %xor3A_1156, %shift_right_logical3A_1162 : vector<8x1024xi32>
      %or3A_1164 = arith.ori %shift_left3A_1160, %shift_right_logical3A_1163 : vector<8x1024xi32>
      %xor3A_1165 = arith.xori %or3A_1164, %add3A_1157 : vector<8x1024xi32>
      %add3A_1166 = vector.broadcast %xor3A_1083 : i32 to vector<8x1024xi32>
      %add3A_1167 = arith.addi %add3A_1157, %add3A_1166 : vector<8x1024xi32>
      %add3A_1168 = vector.broadcast %get3A_1 : i32 to vector<8x1024xi32>
      %add3A_1169 = arith.addi %xor3A_1165, %add3A_1168 : vector<8x1024xi32>
      %add3A_1170 = arith.constant 2 : i32
      %add3A_1171 = vector.broadcast %add3A_1170 : i32 to vector<8x1024xi32>
      %add3A_1172 = arith.addi %add3A_1169, %add3A_1171 : vector<8x1024xi32>
      %add3A_1173 = arith.addi %add3A_1167, %add3A_1172 : vector<8x1024xi32>
      %shift_left3A_1174 = arith.constant 13 : i32
      %shift_left3A_1175 = vector.broadcast %shift_left3A_1174 : i32 to vector<8x1024xi32>
      %shift_left3A_1176 = arith.shli %add3A_1172, %shift_left3A_1175 : vector<8x1024xi32>
      %shift_right_logical3A_1177 = arith.constant 19 : i32
      %shift_right_logical3A_1178 = vector.broadcast %shift_right_logical3A_1177 : i32 to vector<8x1024xi32>
      %shift_right_logical3A_1179 = arith.shrui %add3A_1172, %shift_right_logical3A_1178 : vector<8x1024xi32>
      %or3A_1180 = arith.ori %shift_left3A_1176, %shift_right_logical3A_1179 : vector<8x1024xi32>
      %xor3A_1181 = arith.xori %or3A_1180, %add3A_1173 : vector<8x1024xi32>
      %add3A_1182 = arith.addi %add3A_1173, %xor3A_1181 : vector<8x1024xi32>
      %shift_left3A_1183 = arith.constant 15 : i32
      %shift_left3A_1184 = vector.broadcast %shift_left3A_1183 : i32 to vector<8x1024xi32>
      %shift_left3A_1185 = arith.shli %xor3A_1181, %shift_left3A_1184 : vector<8x1024xi32>
      %shift_right_logical3A_1186 = arith.constant 17 : i32
      %shift_right_logical3A_1187 = vector.broadcast %shift_right_logical3A_1186 : i32 to vector<8x1024xi32>
      %shift_right_logical3A_1188 = arith.shrui %xor3A_1181, %shift_right_logical3A_1187 : vector<8x1024xi32>
      %or3A_1189 = arith.ori %shift_left3A_1185, %shift_right_logical3A_1188 : vector<8x1024xi32>
      %xor3A_1190 = arith.xori %or3A_1189, %add3A_1182 : vector<8x1024xi32>
      %add3A_1191 = arith.addi %add3A_1182, %xor3A_1190 : vector<8x1024xi32>
      %shift_left3A_1192 = arith.constant 26 : i32
      %shift_left3A_1193 = vector.broadcast %shift_left3A_1192 : i32 to vector<8x1024xi32>
      %shift_left3A_1194 = arith.shli %xor3A_1190, %shift_left3A_1193 : vector<8x1024xi32>
      %shift_right_logical3A_1195 = arith.constant 6 : i32
      %shift_right_logical3A_1196 = vector.broadcast %shift_right_logical3A_1195 : i32 to vector<8x1024xi32>
      %shift_right_logical3A_1197 = arith.shrui %xor3A_1190, %shift_right_logical3A_1196 : vector<8x1024xi32>
      %or3A_1198 = arith.ori %shift_left3A_1194, %shift_right_logical3A_1197 : vector<8x1024xi32>
      %xor3A_1199 = arith.xori %or3A_1198, %add3A_1191 : vector<8x1024xi32>
      %add3A_1200 = arith.addi %add3A_1191, %xor3A_1199 : vector<8x1024xi32>
      %shift_left3A_1201 = arith.constant 6 : i32
      %shift_left3A_1202 = vector.broadcast %shift_left3A_1201 : i32 to vector<8x1024xi32>
      %shift_left3A_1203 = arith.shli %xor3A_1199, %shift_left3A_1202 : vector<8x1024xi32>
      %shift_right_logical3A_1204 = arith.constant 26 : i32
      %shift_right_logical3A_1205 = vector.broadcast %shift_right_logical3A_1204 : i32 to vector<8x1024xi32>
      %shift_right_logical3A_1206 = arith.shrui %xor3A_1199, %shift_right_logical3A_1205 : vector<8x1024xi32>
      %or3A_1207 = arith.ori %shift_left3A_1203, %shift_right_logical3A_1206 : vector<8x1024xi32>
      %xor3A_1208 = arith.xori %or3A_1207, %add3A_1200 : vector<8x1024xi32>
      %add3A_1209 = vector.broadcast %get3A_1 : i32 to vector<8x1024xi32>
      %add3A_1210 = arith.addi %add3A_1200, %add3A_1209 : vector<8x1024xi32>
      %add3A_1211 = vector.broadcast %get3A_3 : i32 to vector<8x1024xi32>
      %add3A_1212 = arith.addi %xor3A_1208, %add3A_1211 : vector<8x1024xi32>
      %add3A_1213 = arith.constant 3 : i32
      %add3A_1214 = vector.broadcast %add3A_1213 : i32 to vector<8x1024xi32>
      %add3A_1215 = arith.addi %add3A_1212, %add3A_1214 : vector<8x1024xi32>
      %add3A_1216 = arith.addi %add3A_1210, %add3A_1215 : vector<8x1024xi32>
      %shift_left3A_1217 = arith.constant 17 : i32
      %shift_left3A_1218 = vector.broadcast %shift_left3A_1217 : i32 to vector<8x1024xi32>
      %shift_left3A_1219 = arith.shli %add3A_1215, %shift_left3A_1218 : vector<8x1024xi32>
      %shift_right_logical3A_1220 = arith.constant 15 : i32
      %shift_right_logical3A_1221 = vector.broadcast %shift_right_logical3A_1220 : i32 to vector<8x1024xi32>
      %shift_right_logical3A_1222 = arith.shrui %add3A_1215, %shift_right_logical3A_1221 : vector<8x1024xi32>
      %or3A_1223 = arith.ori %shift_left3A_1219, %shift_right_logical3A_1222 : vector<8x1024xi32>
      %xor3A_1224 = arith.xori %or3A_1223, %add3A_1216 : vector<8x1024xi32>
      %add3A_1225 = arith.addi %add3A_1216, %xor3A_1224 : vector<8x1024xi32>
      %shift_left3A_1226 = arith.constant 29 : i32
      %shift_left3A_1227 = vector.broadcast %shift_left3A_1226 : i32 to vector<8x1024xi32>
      %shift_left3A_1228 = arith.shli %xor3A_1224, %shift_left3A_1227 : vector<8x1024xi32>
      %shift_right_logical3A_1229 = arith.constant 3 : i32
      %shift_right_logical3A_1230 = vector.broadcast %shift_right_logical3A_1229 : i32 to vector<8x1024xi32>
      %shift_right_logical3A_1231 = arith.shrui %xor3A_1224, %shift_right_logical3A_1230 : vector<8x1024xi32>
      %or3A_1232 = arith.ori %shift_left3A_1228, %shift_right_logical3A_1231 : vector<8x1024xi32>
      %xor3A_1233 = arith.xori %or3A_1232, %add3A_1225 : vector<8x1024xi32>
      %add3A_1234 = arith.addi %add3A_1225, %xor3A_1233 : vector<8x1024xi32>
      %shift_left3A_1235 = arith.constant 16 : i32
      %shift_left3A_1236 = vector.broadcast %shift_left3A_1235 : i32 to vector<8x1024xi32>
      %shift_left3A_1237 = arith.shli %xor3A_1233, %shift_left3A_1236 : vector<8x1024xi32>
      %shift_right_logical3A_1238 = arith.constant 16 : i32
      %shift_right_logical3A_1239 = vector.broadcast %shift_right_logical3A_1238 : i32 to vector<8x1024xi32>
      %shift_right_logical3A_1240 = arith.shrui %xor3A_1233, %shift_right_logical3A_1239 : vector<8x1024xi32>
      %or3A_1241 = arith.ori %shift_left3A_1237, %shift_right_logical3A_1240 : vector<8x1024xi32>
      %xor3A_1242 = arith.xori %or3A_1241, %add3A_1234 : vector<8x1024xi32>
      %add3A_1243 = arith.addi %add3A_1234, %xor3A_1242 : vector<8x1024xi32>
      %shift_left3A_1244 = arith.constant 24 : i32
      %shift_left3A_1245 = vector.broadcast %shift_left3A_1244 : i32 to vector<8x1024xi32>
      %shift_left3A_1246 = arith.shli %xor3A_1242, %shift_left3A_1245 : vector<8x1024xi32>
      %shift_right_logical3A_1247 = arith.constant 8 : i32
      %shift_right_logical3A_1248 = vector.broadcast %shift_right_logical3A_1247 : i32 to vector<8x1024xi32>
      %shift_right_logical3A_1249 = arith.shrui %xor3A_1242, %shift_right_logical3A_1248 : vector<8x1024xi32>
      %or3A_1250 = arith.ori %shift_left3A_1246, %shift_right_logical3A_1249 : vector<8x1024xi32>
      %xor3A_1251 = arith.xori %or3A_1250, %add3A_1243 : vector<8x1024xi32>
      %add3A_1252 = vector.broadcast %get3A_3 : i32 to vector<8x1024xi32>
      %add3A_1253 = arith.addi %add3A_1243, %add3A_1252 : vector<8x1024xi32>
      %add3A_1254 = vector.broadcast %xor3A_1083 : i32 to vector<8x1024xi32>
      %add3A_1255 = arith.addi %xor3A_1251, %add3A_1254 : vector<8x1024xi32>
      %add3A_1256 = arith.constant 4 : i32
      %add3A_1257 = vector.broadcast %add3A_1256 : i32 to vector<8x1024xi32>
      %add3A_1258 = arith.addi %add3A_1255, %add3A_1257 : vector<8x1024xi32>
      %add3A_1259 = arith.addi %add3A_1253, %add3A_1258 : vector<8x1024xi32>
      %shift_left3A_1260 = arith.constant 13 : i32
      %shift_left3A_1261 = vector.broadcast %shift_left3A_1260 : i32 to vector<8x1024xi32>
      %shift_left3A_1262 = arith.shli %add3A_1258, %shift_left3A_1261 : vector<8x1024xi32>
      %shift_right_logical3A_1263 = arith.constant 19 : i32
      %shift_right_logical3A_1264 = vector.broadcast %shift_right_logical3A_1263 : i32 to vector<8x1024xi32>
      %shift_right_logical3A_1265 = arith.shrui %add3A_1258, %shift_right_logical3A_1264 : vector<8x1024xi32>
      %or3A_1266 = arith.ori %shift_left3A_1262, %shift_right_logical3A_1265 : vector<8x1024xi32>
      %xor3A_1267 = arith.xori %or3A_1266, %add3A_1259 : vector<8x1024xi32>
      %add3A_1268 = arith.addi %add3A_1259, %xor3A_1267 : vector<8x1024xi32>
      %shift_left3A_1269 = arith.constant 15 : i32
      %shift_left3A_1270 = vector.broadcast %shift_left3A_1269 : i32 to vector<8x1024xi32>
      %shift_left3A_1271 = arith.shli %xor3A_1267, %shift_left3A_1270 : vector<8x1024xi32>
      %shift_right_logical3A_1272 = arith.constant 17 : i32
      %shift_right_logical3A_1273 = vector.broadcast %shift_right_logical3A_1272 : i32 to vector<8x1024xi32>
      %shift_right_logical3A_1274 = arith.shrui %xor3A_1267, %shift_right_logical3A_1273 : vector<8x1024xi32>
      %or3A_1275 = arith.ori %shift_left3A_1271, %shift_right_logical3A_1274 : vector<8x1024xi32>
      %xor3A_1276 = arith.xori %or3A_1275, %add3A_1268 : vector<8x1024xi32>
      %add3A_1277 = arith.addi %add3A_1268, %xor3A_1276 : vector<8x1024xi32>
      %shift_left3A_1278 = arith.constant 26 : i32
      %shift_left3A_1279 = vector.broadcast %shift_left3A_1278 : i32 to vector<8x1024xi32>
      %shift_left3A_1280 = arith.shli %xor3A_1276, %shift_left3A_1279 : vector<8x1024xi32>
      %shift_right_logical3A_1281 = arith.constant 6 : i32
      %shift_right_logical3A_1282 = vector.broadcast %shift_right_logical3A_1281 : i32 to vector<8x1024xi32>
      %shift_right_logical3A_1283 = arith.shrui %xor3A_1276, %shift_right_logical3A_1282 : vector<8x1024xi32>
      %or3A_1284 = arith.ori %shift_left3A_1280, %shift_right_logical3A_1283 : vector<8x1024xi32>
      %xor3A_1285 = arith.xori %or3A_1284, %add3A_1277 : vector<8x1024xi32>
      %add3A_1286 = arith.addi %add3A_1277, %xor3A_1285 : vector<8x1024xi32>
      %shift_left3A_1287 = arith.constant 6 : i32
      %shift_left3A_1288 = vector.broadcast %shift_left3A_1287 : i32 to vector<8x1024xi32>
      %shift_left3A_1289 = arith.shli %xor3A_1285, %shift_left3A_1288 : vector<8x1024xi32>
      %shift_right_logical3A_1290 = arith.constant 26 : i32
      %shift_right_logical3A_1291 = vector.broadcast %shift_right_logical3A_1290 : i32 to vector<8x1024xi32>
      %shift_right_logical3A_1292 = arith.shrui %xor3A_1285, %shift_right_logical3A_1291 : vector<8x1024xi32>
      %or3A_1293 = arith.ori %shift_left3A_1289, %shift_right_logical3A_1292 : vector<8x1024xi32>
      %xor3A_1294 = arith.xori %or3A_1293, %add3A_1286 : vector<8x1024xi32>
      %add3A_1295 = vector.broadcast %xor3A_1083 : i32 to vector<8x1024xi32>
      %add3A_1296 = arith.addi %add3A_1286, %add3A_1295 : vector<8x1024xi32>
      %add3A_1297 = vector.broadcast %get3A_1 : i32 to vector<8x1024xi32>
      %add3A_1298 = arith.addi %xor3A_1294, %add3A_1297 : vector<8x1024xi32>
      %add3A_1299 = arith.constant 5 : i32
      %add3A_1300 = vector.broadcast %add3A_1299 : i32 to vector<8x1024xi32>
      %add3A_1301 = arith.addi %add3A_1298, %add3A_1300 : vector<8x1024xi32>
      %xor3A_1302 = arith.xori %add3A_1296, %add3A_1301 : vector<8x1024xi32>
      %shift_right_logical3A_1303 = arith.constant 9 : i32
      %shift_right_logical3A_1304 = vector.broadcast %shift_right_logical3A_1303 : i32 to vector<8x1024xi32>
      %shift_right_logical3A_1305 = arith.shrui %xor3A_1302, %shift_right_logical3A_1304 : vector<8x1024xi32>
      %or3A_1306 = arith.constant 1065353216 : i32
      %or3A_1307 = vector.broadcast %or3A_1306 : i32 to vector<8x1024xi32>
      %or3A_1308 = arith.ori %shift_right_logical3A_1305, %or3A_1307 : vector<8x1024xi32>
      %bitcast_convert_type3A_1309 = tpu.bitcast %or3A_1308 : vector<8x1024xi32> -> vector<8x1024xf32>
      %sub3A_1310 = arith.constant 1.000000e+00 : f32
      %sub3A_1311 = vector.broadcast %sub3A_1310 : f32 to vector<8x1024xf32>
      %sub3A_1312 = arith.subf %bitcast_convert_type3A_1309, %sub3A_1311 : vector<8x1024xf32>
      %add3A_1313 = arith.constant 1.17549435E-38 : f32
      %add3A_1314 = vector.broadcast %add3A_1313 : f32 to vector<8x1024xf32>
      %add3A_1315 = arith.addf %sub3A_1312, %add3A_1314 : vector<8x1024xf32>
      %log3A_1316 = math.log %add3A_1315 : vector<8x1024xf32>
      %neg3A_1317 = arith.constant 0.000000e+00 : f32
      %neg3A_1318 = vector.broadcast %neg3A_1317 : f32 to vector<8x1024xf32>
      %neg3A_1319 = arith.subf %neg3A_1318, %log3A_1316 : vector<8x1024xf32>
      %log3A_1320 = math.log %neg3A_1319 : vector<8x1024xf32>
      %neg3A_1321 = arith.constant 0.000000e+00 : f32
      %neg3A_1322 = vector.broadcast %neg3A_1321 : f32 to vector<8x1024xf32>
      %neg3A_1323 = arith.subf %neg3A_1322, %log3A_1320 : vector<8x1024xf32>
      %add3A_1324 = arith.addf %get3A_1074, %neg3A_1323 : vector<8x1024xf32>
      %mul3A_1325 = arith.constant 2 : i32
      %mul3A_1326 = arith.muli %scan3A_806, %mul3A_1325 : i32
      %gt3A_1327 = arith.cmpf ogt, %add3A_1065, %scan3A_807 : vector<8x1024xf32>
      %select_n3A_1328 = arith.select %gt3A_1327, %add3A_1065, %scan3A_807 : vector<8x1024xi1>, vector<8x1024xf32>
      %broadcast_in_dim3A_1329 = vector.broadcast %mul3A_1326 : i32 to vector<8x1024xi32>
      %select_n3A_1330 = arith.select %gt3A_1327, %broadcast_in_dim3A_1329, %scan3A_808 : vector<8x1024xi1>, vector<8x1024xi32>
      %mul3A_1331 = arith.constant 2 : i32
      %mul3A_1332 = arith.muli %scan3A_806, %mul3A_1331 : i32
      %add3A_1333 = arith.constant 1 : i32
      %add3A_1334 = arith.addi %mul3A_1332, %add3A_1333 : i32
      %gt3A_1335 = arith.cmpf ogt, %add3A_1324, %select_n3A_1328 : vector<8x1024xf32>
      %select_n3A_1336 = arith.select %gt3A_1335, %add3A_1324, %select_n3A_1328 : vector<8x1024xi1>, vector<8x1024xf32>
      %broadcast_in_dim3A_1337 = vector.broadcast %add3A_1334 : i32 to vector<8x1024xi32>
      %select_n3A_1338 = arith.select %gt3A_1335, %broadcast_in_dim3A_1337, %select_n3A_1330 : vector<8x1024xi1>, vector<8x1024xi32>
      scf.yield %select_n3A_1336, %select_n3A_1338 : vector<8x1024xf32>, vector<8x1024xi32>
    }
    %scan3A_18 = arith.constant 48 : i32
    %get3A_19 = arith.constant 0 : index
    %get3A_20 = arith.constant 98304 : index
    %get3A_21 = vector.load %arg2[%get3A_19, %get3A_20] : memref<8x100352xf32, #tpu.memory_space<vmem>>, vector<8x1024xf32>
    %add3A_22 = arith.constant 98304 : i32
    %add3A_23 = vector.broadcast %add3A_22 : i32 to vector<8x1xi32>
    %add3A_24 = arith.addi %mul3A_9, %add3A_23 : vector<8x1xi32>
    %add3A_25 = vector.broadcast %add3A_24 : vector<8x1xi32> to vector<8x1024xi32>
    %add3A_26 = arith.addi %add3A_25, %iota3A_10 : vector<8x1024xi32>
    %xor3A = arith.xori %get3A_1, %get3A_3 : i32
    %xor3A_27 = arith.constant 466688986 : i32
    %xor3A_28 = arith.xori %xor3A, %xor3A_27 : i32
    %add3A_29 = vector.broadcast %get3A_3 : i32 to vector<8x1024xi32>
    %add3A_30 = arith.addi %add3A_26, %add3A_29 : vector<8x1024xi32>
    %add3A_31 = vector.broadcast %get3A_1 : i32 to vector<8x1024xi32>
    %add3A_32 = arith.addi %add3A_31, %add3A_30 : vector<8x1024xi32>
    %shift_left3A = arith.constant 13 : i32
    %shift_left3A_33 = vector.broadcast %shift_left3A : i32 to vector<8x1024xi32>
    %shift_left3A_34 = arith.shli %add3A_30, %shift_left3A_33 : vector<8x1024xi32>
    %shift_right_logical3A = arith.constant 19 : i32
    %shift_right_logical3A_35 = vector.broadcast %shift_right_logical3A : i32 to vector<8x1024xi32>
    %shift_right_logical3A_36 = arith.shrui %add3A_30, %shift_right_logical3A_35 : vector<8x1024xi32>
    %or3A = arith.ori %shift_left3A_34, %shift_right_logical3A_36 : vector<8x1024xi32>
    %xor3A_37 = arith.xori %or3A, %add3A_32 : vector<8x1024xi32>
    %add3A_38 = arith.addi %add3A_32, %xor3A_37 : vector<8x1024xi32>
    %shift_left3A_39 = arith.constant 15 : i32
    %shift_left3A_40 = vector.broadcast %shift_left3A_39 : i32 to vector<8x1024xi32>
    %shift_left3A_41 = arith.shli %xor3A_37, %shift_left3A_40 : vector<8x1024xi32>
    %shift_right_logical3A_42 = arith.constant 17 : i32
    %shift_right_logical3A_43 = vector.broadcast %shift_right_logical3A_42 : i32 to vector<8x1024xi32>
    %shift_right_logical3A_44 = arith.shrui %xor3A_37, %shift_right_logical3A_43 : vector<8x1024xi32>
    %or3A_45 = arith.ori %shift_left3A_41, %shift_right_logical3A_44 : vector<8x1024xi32>
    %xor3A_46 = arith.xori %or3A_45, %add3A_38 : vector<8x1024xi32>
    %add3A_47 = arith.addi %add3A_38, %xor3A_46 : vector<8x1024xi32>
    %shift_left3A_48 = arith.constant 26 : i32
    %shift_left3A_49 = vector.broadcast %shift_left3A_48 : i32 to vector<8x1024xi32>
    %shift_left3A_50 = arith.shli %xor3A_46, %shift_left3A_49 : vector<8x1024xi32>
    %shift_right_logical3A_51 = arith.constant 6 : i32
    %shift_right_logical3A_52 = vector.broadcast %shift_right_logical3A_51 : i32 to vector<8x1024xi32>
    %shift_right_logical3A_53 = arith.shrui %xor3A_46, %shift_right_logical3A_52 : vector<8x1024xi32>
    %or3A_54 = arith.ori %shift_left3A_50, %shift_right_logical3A_53 : vector<8x1024xi32>
    %xor3A_55 = arith.xori %or3A_54, %add3A_47 : vector<8x1024xi32>
    %add3A_56 = arith.addi %add3A_47, %xor3A_55 : vector<8x1024xi32>
    %shift_left3A_57 = arith.constant 6 : i32
    %shift_left3A_58 = vector.broadcast %shift_left3A_57 : i32 to vector<8x1024xi32>
    %shift_left3A_59 = arith.shli %xor3A_55, %shift_left3A_58 : vector<8x1024xi32>
    %shift_right_logical3A_60 = arith.constant 26 : i32
    %shift_right_logical3A_61 = vector.broadcast %shift_right_logical3A_60 : i32 to vector<8x1024xi32>
    %shift_right_logical3A_62 = arith.shrui %xor3A_55, %shift_right_logical3A_61 : vector<8x1024xi32>
    %or3A_63 = arith.ori %shift_left3A_59, %shift_right_logical3A_62 : vector<8x1024xi32>
    %xor3A_64 = arith.xori %or3A_63, %add3A_56 : vector<8x1024xi32>
    %add3A_65 = vector.broadcast %get3A_3 : i32 to vector<8x1024xi32>
    %add3A_66 = arith.addi %add3A_56, %add3A_65 : vector<8x1024xi32>
    %add3A_67 = vector.broadcast %xor3A_28 : i32 to vector<8x1024xi32>
    %add3A_68 = arith.addi %xor3A_64, %add3A_67 : vector<8x1024xi32>
    %add3A_69 = arith.constant 1 : i32
    %add3A_70 = vector.broadcast %add3A_69 : i32 to vector<8x1024xi32>
    %add3A_71 = arith.addi %add3A_68, %add3A_70 : vector<8x1024xi32>
    %add3A_72 = arith.addi %add3A_66, %add3A_71 : vector<8x1024xi32>
    %shift_left3A_73 = arith.constant 17 : i32
    %shift_left3A_74 = vector.broadcast %shift_left3A_73 : i32 to vector<8x1024xi32>
    %shift_left3A_75 = arith.shli %add3A_71, %shift_left3A_74 : vector<8x1024xi32>
    %shift_right_logical3A_76 = arith.constant 15 : i32
    %shift_right_logical3A_77 = vector.broadcast %shift_right_logical3A_76 : i32 to vector<8x1024xi32>
    %shift_right_logical3A_78 = arith.shrui %add3A_71, %shift_right_logical3A_77 : vector<8x1024xi32>
    %or3A_79 = arith.ori %shift_left3A_75, %shift_right_logical3A_78 : vector<8x1024xi32>
    %xor3A_80 = arith.xori %or3A_79, %add3A_72 : vector<8x1024xi32>
    %add3A_81 = arith.addi %add3A_72, %xor3A_80 : vector<8x1024xi32>
    %shift_left3A_82 = arith.constant 29 : i32
    %shift_left3A_83 = vector.broadcast %shift_left3A_82 : i32 to vector<8x1024xi32>
    %shift_left3A_84 = arith.shli %xor3A_80, %shift_left3A_83 : vector<8x1024xi32>
    %shift_right_logical3A_85 = arith.constant 3 : i32
    %shift_right_logical3A_86 = vector.broadcast %shift_right_logical3A_85 : i32 to vector<8x1024xi32>
    %shift_right_logical3A_87 = arith.shrui %xor3A_80, %shift_right_logical3A_86 : vector<8x1024xi32>
    %or3A_88 = arith.ori %shift_left3A_84, %shift_right_logical3A_87 : vector<8x1024xi32>
    %xor3A_89 = arith.xori %or3A_88, %add3A_81 : vector<8x1024xi32>
    %add3A_90 = arith.addi %add3A_81, %xor3A_89 : vector<8x1024xi32>
    %shift_left3A_91 = arith.constant 16 : i32
    %shift_left3A_92 = vector.broadcast %shift_left3A_91 : i32 to vector<8x1024xi32>
    %shift_left3A_93 = arith.shli %xor3A_89, %shift_left3A_92 : vector<8x1024xi32>
    %shift_right_logical3A_94 = arith.constant 16 : i32
    %shift_right_logical3A_95 = vector.broadcast %shift_right_logical3A_94 : i32 to vector<8x1024xi32>
    %shift_right_logical3A_96 = arith.shrui %xor3A_89, %shift_right_logical3A_95 : vector<8x1024xi32>
    %or3A_97 = arith.ori %shift_left3A_93, %shift_right_logical3A_96 : vector<8x1024xi32>
    %xor3A_98 = arith.xori %or3A_97, %add3A_90 : vector<8x1024xi32>
    %add3A_99 = arith.addi %add3A_90, %xor3A_98 : vector<8x1024xi32>
    %shift_left3A_100 = arith.constant 24 : i32
    %shift_left3A_101 = vector.broadcast %shift_left3A_100 : i32 to vector<8x1024xi32>
    %shift_left3A_102 = arith.shli %xor3A_98, %shift_left3A_101 : vector<8x1024xi32>
    %shift_right_logical3A_103 = arith.constant 8 : i32
    %shift_right_logical3A_104 = vector.broadcast %shift_right_logical3A_103 : i32 to vector<8x1024xi32>
    %shift_right_logical3A_105 = arith.shrui %xor3A_98, %shift_right_logical3A_104 : vector<8x1024xi32>
    %or3A_106 = arith.ori %shift_left3A_102, %shift_right_logical3A_105 : vector<8x1024xi32>
    %xor3A_107 = arith.xori %or3A_106, %add3A_99 : vector<8x1024xi32>
    %add3A_108 = vector.broadcast %xor3A_28 : i32 to vector<8x1024xi32>
    %add3A_109 = arith.addi %add3A_99, %add3A_108 : vector<8x1024xi32>
    %add3A_110 = vector.broadcast %get3A_1 : i32 to vector<8x1024xi32>
    %add3A_111 = arith.addi %xor3A_107, %add3A_110 : vector<8x1024xi32>
    %add3A_112 = arith.constant 2 : i32
    %add3A_113 = vector.broadcast %add3A_112 : i32 to vector<8x1024xi32>
    %add3A_114 = arith.addi %add3A_111, %add3A_113 : vector<8x1024xi32>
    %add3A_115 = arith.addi %add3A_109, %add3A_114 : vector<8x1024xi32>
    %shift_left3A_116 = arith.constant 13 : i32
    %shift_left3A_117 = vector.broadcast %shift_left3A_116 : i32 to vector<8x1024xi32>
    %shift_left3A_118 = arith.shli %add3A_114, %shift_left3A_117 : vector<8x1024xi32>
    %shift_right_logical3A_119 = arith.constant 19 : i32
    %shift_right_logical3A_120 = vector.broadcast %shift_right_logical3A_119 : i32 to vector<8x1024xi32>
    %shift_right_logical3A_121 = arith.shrui %add3A_114, %shift_right_logical3A_120 : vector<8x1024xi32>
    %or3A_122 = arith.ori %shift_left3A_118, %shift_right_logical3A_121 : vector<8x1024xi32>
    %xor3A_123 = arith.xori %or3A_122, %add3A_115 : vector<8x1024xi32>
    %add3A_124 = arith.addi %add3A_115, %xor3A_123 : vector<8x1024xi32>
    %shift_left3A_125 = arith.constant 15 : i32
    %shift_left3A_126 = vector.broadcast %shift_left3A_125 : i32 to vector<8x1024xi32>
    %shift_left3A_127 = arith.shli %xor3A_123, %shift_left3A_126 : vector<8x1024xi32>
    %shift_right_logical3A_128 = arith.constant 17 : i32
    %shift_right_logical3A_129 = vector.broadcast %shift_right_logical3A_128 : i32 to vector<8x1024xi32>
    %shift_right_logical3A_130 = arith.shrui %xor3A_123, %shift_right_logical3A_129 : vector<8x1024xi32>
    %or3A_131 = arith.ori %shift_left3A_127, %shift_right_logical3A_130 : vector<8x1024xi32>
    %xor3A_132 = arith.xori %or3A_131, %add3A_124 : vector<8x1024xi32>
    %add3A_133 = arith.addi %add3A_124, %xor3A_132 : vector<8x1024xi32>
    %shift_left3A_134 = arith.constant 26 : i32
    %shift_left3A_135 = vector.broadcast %shift_left3A_134 : i32 to vector<8x1024xi32>
    %shift_left3A_136 = arith.shli %xor3A_132, %shift_left3A_135 : vector<8x1024xi32>
    %shift_right_logical3A_137 = arith.constant 6 : i32
    %shift_right_logical3A_138 = vector.broadcast %shift_right_logical3A_137 : i32 to vector<8x1024xi32>
    %shift_right_logical3A_139 = arith.shrui %xor3A_132, %shift_right_logical3A_138 : vector<8x1024xi32>
    %or3A_140 = arith.ori %shift_left3A_136, %shift_right_logical3A_139 : vector<8x1024xi32>
    %xor3A_141 = arith.xori %or3A_140, %add3A_133 : vector<8x1024xi32>
    %add3A_142 = arith.addi %add3A_133, %xor3A_141 : vector<8x1024xi32>
    %shift_left3A_143 = arith.constant 6 : i32
    %shift_left3A_144 = vector.broadcast %shift_left3A_143 : i32 to vector<8x1024xi32>
    %shift_left3A_145 = arith.shli %xor3A_141, %shift_left3A_144 : vector<8x1024xi32>
    %shift_right_logical3A_146 = arith.constant 26 : i32
    %shift_right_logical3A_147 = vector.broadcast %shift_right_logical3A_146 : i32 to vector<8x1024xi32>
    %shift_right_logical3A_148 = arith.shrui %xor3A_141, %shift_right_logical3A_147 : vector<8x1024xi32>
    %or3A_149 = arith.ori %shift_left3A_145, %shift_right_logical3A_148 : vector<8x1024xi32>
    %xor3A_150 = arith.xori %or3A_149, %add3A_142 : vector<8x1024xi32>
    %add3A_151 = vector.broadcast %get3A_1 : i32 to vector<8x1024xi32>
    %add3A_152 = arith.addi %add3A_142, %add3A_151 : vector<8x1024xi32>
    %add3A_153 = vector.broadcast %get3A_3 : i32 to vector<8x1024xi32>
    %add3A_154 = arith.addi %xor3A_150, %add3A_153 : vector<8x1024xi32>
    %add3A_155 = arith.constant 3 : i32
    %add3A_156 = vector.broadcast %add3A_155 : i32 to vector<8x1024xi32>
    %add3A_157 = arith.addi %add3A_154, %add3A_156 : vector<8x1024xi32>
    %add3A_158 = arith.addi %add3A_152, %add3A_157 : vector<8x1024xi32>
    %shift_left3A_159 = arith.constant 17 : i32
    %shift_left3A_160 = vector.broadcast %shift_left3A_159 : i32 to vector<8x1024xi32>
    %shift_left3A_161 = arith.shli %add3A_157, %shift_left3A_160 : vector<8x1024xi32>
    %shift_right_logical3A_162 = arith.constant 15 : i32
    %shift_right_logical3A_163 = vector.broadcast %shift_right_logical3A_162 : i32 to vector<8x1024xi32>
    %shift_right_logical3A_164 = arith.shrui %add3A_157, %shift_right_logical3A_163 : vector<8x1024xi32>
    %or3A_165 = arith.ori %shift_left3A_161, %shift_right_logical3A_164 : vector<8x1024xi32>
    %xor3A_166 = arith.xori %or3A_165, %add3A_158 : vector<8x1024xi32>
    %add3A_167 = arith.addi %add3A_158, %xor3A_166 : vector<8x1024xi32>
    %shift_left3A_168 = arith.constant 29 : i32
    %shift_left3A_169 = vector.broadcast %shift_left3A_168 : i32 to vector<8x1024xi32>
    %shift_left3A_170 = arith.shli %xor3A_166, %shift_left3A_169 : vector<8x1024xi32>
    %shift_right_logical3A_171 = arith.constant 3 : i32
    %shift_right_logical3A_172 = vector.broadcast %shift_right_logical3A_171 : i32 to vector<8x1024xi32>
    %shift_right_logical3A_173 = arith.shrui %xor3A_166, %shift_right_logical3A_172 : vector<8x1024xi32>
    %or3A_174 = arith.ori %shift_left3A_170, %shift_right_logical3A_173 : vector<8x1024xi32>
    %xor3A_175 = arith.xori %or3A_174, %add3A_167 : vector<8x1024xi32>
    %add3A_176 = arith.addi %add3A_167, %xor3A_175 : vector<8x1024xi32>
    %shift_left3A_177 = arith.constant 16 : i32
    %shift_left3A_178 = vector.broadcast %shift_left3A_177 : i32 to vector<8x1024xi32>
    %shift_left3A_179 = arith.shli %xor3A_175, %shift_left3A_178 : vector<8x1024xi32>
    %shift_right_logical3A_180 = arith.constant 16 : i32
    %shift_right_logical3A_181 = vector.broadcast %shift_right_logical3A_180 : i32 to vector<8x1024xi32>
    %shift_right_logical3A_182 = arith.shrui %xor3A_175, %shift_right_logical3A_181 : vector<8x1024xi32>
    %or3A_183 = arith.ori %shift_left3A_179, %shift_right_logical3A_182 : vector<8x1024xi32>
    %xor3A_184 = arith.xori %or3A_183, %add3A_176 : vector<8x1024xi32>
    %add3A_185 = arith.addi %add3A_176, %xor3A_184 : vector<8x1024xi32>
    %shift_left3A_186 = arith.constant 24 : i32
    %shift_left3A_187 = vector.broadcast %shift_left3A_186 : i32 to vector<8x1024xi32>
    %shift_left3A_188 = arith.shli %xor3A_184, %shift_left3A_187 : vector<8x1024xi32>
    %shift_right_logical3A_189 = arith.constant 8 : i32
    %shift_right_logical3A_190 = vector.broadcast %shift_right_logical3A_189 : i32 to vector<8x1024xi32>
    %shift_right_logical3A_191 = arith.shrui %xor3A_184, %shift_right_logical3A_190 : vector<8x1024xi32>
    %or3A_192 = arith.ori %shift_left3A_188, %shift_right_logical3A_191 : vector<8x1024xi32>
    %xor3A_193 = arith.xori %or3A_192, %add3A_185 : vector<8x1024xi32>
    %add3A_194 = vector.broadcast %get3A_3 : i32 to vector<8x1024xi32>
    %add3A_195 = arith.addi %add3A_185, %add3A_194 : vector<8x1024xi32>
    %add3A_196 = vector.broadcast %xor3A_28 : i32 to vector<8x1024xi32>
    %add3A_197 = arith.addi %xor3A_193, %add3A_196 : vector<8x1024xi32>
    %add3A_198 = arith.constant 4 : i32
    %add3A_199 = vector.broadcast %add3A_198 : i32 to vector<8x1024xi32>
    %add3A_200 = arith.addi %add3A_197, %add3A_199 : vector<8x1024xi32>
    %add3A_201 = arith.addi %add3A_195, %add3A_200 : vector<8x1024xi32>
    %shift_left3A_202 = arith.constant 13 : i32
    %shift_left3A_203 = vector.broadcast %shift_left3A_202 : i32 to vector<8x1024xi32>
    %shift_left3A_204 = arith.shli %add3A_200, %shift_left3A_203 : vector<8x1024xi32>
    %shift_right_logical3A_205 = arith.constant 19 : i32
    %shift_right_logical3A_206 = vector.broadcast %shift_right_logical3A_205 : i32 to vector<8x1024xi32>
    %shift_right_logical3A_207 = arith.shrui %add3A_200, %shift_right_logical3A_206 : vector<8x1024xi32>
    %or3A_208 = arith.ori %shift_left3A_204, %shift_right_logical3A_207 : vector<8x1024xi32>
    %xor3A_209 = arith.xori %or3A_208, %add3A_201 : vector<8x1024xi32>
    %add3A_210 = arith.addi %add3A_201, %xor3A_209 : vector<8x1024xi32>
    %shift_left3A_211 = arith.constant 15 : i32
    %shift_left3A_212 = vector.broadcast %shift_left3A_211 : i32 to vector<8x1024xi32>
    %shift_left3A_213 = arith.shli %xor3A_209, %shift_left3A_212 : vector<8x1024xi32>
    %shift_right_logical3A_214 = arith.constant 17 : i32
    %shift_right_logical3A_215 = vector.broadcast %shift_right_logical3A_214 : i32 to vector<8x1024xi32>
    %shift_right_logical3A_216 = arith.shrui %xor3A_209, %shift_right_logical3A_215 : vector<8x1024xi32>
    %or3A_217 = arith.ori %shift_left3A_213, %shift_right_logical3A_216 : vector<8x1024xi32>
    %xor3A_218 = arith.xori %or3A_217, %add3A_210 : vector<8x1024xi32>
    %add3A_219 = arith.addi %add3A_210, %xor3A_218 : vector<8x1024xi32>
    %shift_left3A_220 = arith.constant 26 : i32
    %shift_left3A_221 = vector.broadcast %shift_left3A_220 : i32 to vector<8x1024xi32>
    %shift_left3A_222 = arith.shli %xor3A_218, %shift_left3A_221 : vector<8x1024xi32>
    %shift_right_logical3A_223 = arith.constant 6 : i32
    %shift_right_logical3A_224 = vector.broadcast %shift_right_logical3A_223 : i32 to vector<8x1024xi32>
    %shift_right_logical3A_225 = arith.shrui %xor3A_218, %shift_right_logical3A_224 : vector<8x1024xi32>
    %or3A_226 = arith.ori %shift_left3A_222, %shift_right_logical3A_225 : vector<8x1024xi32>
    %xor3A_227 = arith.xori %or3A_226, %add3A_219 : vector<8x1024xi32>
    %add3A_228 = arith.addi %add3A_219, %xor3A_227 : vector<8x1024xi32>
    %shift_left3A_229 = arith.constant 6 : i32
    %shift_left3A_230 = vector.broadcast %shift_left3A_229 : i32 to vector<8x1024xi32>
    %shift_left3A_231 = arith.shli %xor3A_227, %shift_left3A_230 : vector<8x1024xi32>
    %shift_right_logical3A_232 = arith.constant 26 : i32
    %shift_right_logical3A_233 = vector.broadcast %shift_right_logical3A_232 : i32 to vector<8x1024xi32>
    %shift_right_logical3A_234 = arith.shrui %xor3A_227, %shift_right_logical3A_233 : vector<8x1024xi32>
    %or3A_235 = arith.ori %shift_left3A_231, %shift_right_logical3A_234 : vector<8x1024xi32>
    %xor3A_236 = arith.xori %or3A_235, %add3A_228 : vector<8x1024xi32>
    %add3A_237 = vector.broadcast %xor3A_28 : i32 to vector<8x1024xi32>
    %add3A_238 = arith.addi %add3A_228, %add3A_237 : vector<8x1024xi32>
    %add3A_239 = vector.broadcast %get3A_1 : i32 to vector<8x1024xi32>
    %add3A_240 = arith.addi %xor3A_236, %add3A_239 : vector<8x1024xi32>
    %add3A_241 = arith.constant 5 : i32
    %add3A_242 = vector.broadcast %add3A_241 : i32 to vector<8x1024xi32>
    %add3A_243 = arith.addi %add3A_240, %add3A_242 : vector<8x1024xi32>
    %xor3A_244 = arith.xori %add3A_238, %add3A_243 : vector<8x1024xi32>
    %shift_right_logical3A_245 = arith.constant 9 : i32
    %shift_right_logical3A_246 = vector.broadcast %shift_right_logical3A_245 : i32 to vector<8x1024xi32>
    %shift_right_logical3A_247 = arith.shrui %xor3A_244, %shift_right_logical3A_246 : vector<8x1024xi32>
    %or3A_248 = arith.constant 1065353216 : i32
    %or3A_249 = vector.broadcast %or3A_248 : i32 to vector<8x1024xi32>
    %or3A_250 = arith.ori %shift_right_logical3A_247, %or3A_249 : vector<8x1024xi32>
    %bitcast_convert_type3A = tpu.bitcast %or3A_250 : vector<8x1024xi32> -> vector<8x1024xf32>
    %sub3A = arith.constant 1.000000e+00 : f32
    %sub3A_251 = vector.broadcast %sub3A : f32 to vector<8x1024xf32>
    %sub3A_252 = arith.subf %bitcast_convert_type3A, %sub3A_251 : vector<8x1024xf32>
    %add3A_253 = arith.constant 1.17549435E-38 : f32
    %add3A_254 = vector.broadcast %add3A_253 : f32 to vector<8x1024xf32>
    %add3A_255 = arith.addf %sub3A_252, %add3A_254 : vector<8x1024xf32>
    %log3A = math.log %add3A_255 : vector<8x1024xf32>
    %neg3A = arith.constant 0.000000e+00 : f32
    %neg3A_256 = vector.broadcast %neg3A : f32 to vector<8x1024xf32>
    %neg3A_257 = arith.subf %neg3A_256, %log3A : vector<8x1024xf32>
    %log3A_258 = math.log %neg3A_257 : vector<8x1024xf32>
    %neg3A_259 = arith.constant 0.000000e+00 : f32
    %neg3A_260 = vector.broadcast %neg3A_259 : f32 to vector<8x1024xf32>
    %neg3A_261 = arith.subf %neg3A_260, %log3A_258 : vector<8x1024xf32>
    %add3A_262 = arith.addf %get3A_21, %neg3A_261 : vector<8x1024xf32>
    %gt3A = arith.cmpf ogt, %add3A_262, %scan3A_17#0 : vector<8x1024xf32>
    %select_n3A = arith.select %gt3A, %add3A_262, %scan3A_17#0 : vector<8x1024xi1>, vector<8x1024xf32>
    %jit3A = arith.constant 96 : i32
    %broadcast_in_dim3A_263 = vector.broadcast %jit3A : i32 to vector<8x1024xi32>
    %select_n3A_264 = arith.select %gt3A, %broadcast_in_dim3A_263, %scan3A_17#1 : vector<8x1024xi1>, vector<8x1024xi32>
    %get3A_265 = arith.constant 0 : index
    %get3A_266 = arith.constant 99328 : index
    %get3A_267 = vector.load %arg2[%get3A_265, %get3A_266] : memref<8x100352xf32, #tpu.memory_space<vmem>>, vector<8x1024xf32>
    %add3A_268 = arith.constant 99328 : i32
    %add3A_269 = vector.broadcast %add3A_268 : i32 to vector<8x1xi32>
    %add3A_270 = arith.addi %mul3A_9, %add3A_269 : vector<8x1xi32>
    %add3A_271 = vector.broadcast %add3A_270 : vector<8x1xi32> to vector<8x1024xi32>
    %add3A_272 = arith.addi %add3A_271, %iota3A_10 : vector<8x1024xi32>
    %xor3A_273 = arith.xori %get3A_1, %get3A_3 : i32
    %xor3A_274 = arith.constant 466688986 : i32
    %xor3A_275 = arith.xori %xor3A_273, %xor3A_274 : i32
    %add3A_276 = vector.broadcast %get3A_3 : i32 to vector<8x1024xi32>
    %add3A_277 = arith.addi %add3A_272, %add3A_276 : vector<8x1024xi32>
    %add3A_278 = vector.broadcast %get3A_1 : i32 to vector<8x1024xi32>
    %add3A_279 = arith.addi %add3A_278, %add3A_277 : vector<8x1024xi32>
    %shift_left3A_280 = arith.constant 13 : i32
    %shift_left3A_281 = vector.broadcast %shift_left3A_280 : i32 to vector<8x1024xi32>
    %shift_left3A_282 = arith.shli %add3A_277, %shift_left3A_281 : vector<8x1024xi32>
    %shift_right_logical3A_283 = arith.constant 19 : i32
    %shift_right_logical3A_284 = vector.broadcast %shift_right_logical3A_283 : i32 to vector<8x1024xi32>
    %shift_right_logical3A_285 = arith.shrui %add3A_277, %shift_right_logical3A_284 : vector<8x1024xi32>
    %or3A_286 = arith.ori %shift_left3A_282, %shift_right_logical3A_285 : vector<8x1024xi32>
    %xor3A_287 = arith.xori %or3A_286, %add3A_279 : vector<8x1024xi32>
    %add3A_288 = arith.addi %add3A_279, %xor3A_287 : vector<8x1024xi32>
    %shift_left3A_289 = arith.constant 15 : i32
    %shift_left3A_290 = vector.broadcast %shift_left3A_289 : i32 to vector<8x1024xi32>
    %shift_left3A_291 = arith.shli %xor3A_287, %shift_left3A_290 : vector<8x1024xi32>
    %shift_right_logical3A_292 = arith.constant 17 : i32
    %shift_right_logical3A_293 = vector.broadcast %shift_right_logical3A_292 : i32 to vector<8x1024xi32>
    %shift_right_logical3A_294 = arith.shrui %xor3A_287, %shift_right_logical3A_293 : vector<8x1024xi32>
    %or3A_295 = arith.ori %shift_left3A_291, %shift_right_logical3A_294 : vector<8x1024xi32>
    %xor3A_296 = arith.xori %or3A_295, %add3A_288 : vector<8x1024xi32>
    %add3A_297 = arith.addi %add3A_288, %xor3A_296 : vector<8x1024xi32>
    %shift_left3A_298 = arith.constant 26 : i32
    %shift_left3A_299 = vector.broadcast %shift_left3A_298 : i32 to vector<8x1024xi32>
    %shift_left3A_300 = arith.shli %xor3A_296, %shift_left3A_299 : vector<8x1024xi32>
    %shift_right_logical3A_301 = arith.constant 6 : i32
    %shift_right_logical3A_302 = vector.broadcast %shift_right_logical3A_301 : i32 to vector<8x1024xi32>
    %shift_right_logical3A_303 = arith.shrui %xor3A_296, %shift_right_logical3A_302 : vector<8x1024xi32>
    %or3A_304 = arith.ori %shift_left3A_300, %shift_right_logical3A_303 : vector<8x1024xi32>
    %xor3A_305 = arith.xori %or3A_304, %add3A_297 : vector<8x1024xi32>
    %add3A_306 = arith.addi %add3A_297, %xor3A_305 : vector<8x1024xi32>
    %shift_left3A_307 = arith.constant 6 : i32
    %shift_left3A_308 = vector.broadcast %shift_left3A_307 : i32 to vector<8x1024xi32>
    %shift_left3A_309 = arith.shli %xor3A_305, %shift_left3A_308 : vector<8x1024xi32>
    %shift_right_logical3A_310 = arith.constant 26 : i32
    %shift_right_logical3A_311 = vector.broadcast %shift_right_logical3A_310 : i32 to vector<8x1024xi32>
    %shift_right_logical3A_312 = arith.shrui %xor3A_305, %shift_right_logical3A_311 : vector<8x1024xi32>
    %or3A_313 = arith.ori %shift_left3A_309, %shift_right_logical3A_312 : vector<8x1024xi32>
    %xor3A_314 = arith.xori %or3A_313, %add3A_306 : vector<8x1024xi32>
    %add3A_315 = vector.broadcast %get3A_3 : i32 to vector<8x1024xi32>
    %add3A_316 = arith.addi %add3A_306, %add3A_315 : vector<8x1024xi32>
    %add3A_317 = vector.broadcast %xor3A_275 : i32 to vector<8x1024xi32>
    %add3A_318 = arith.addi %xor3A_314, %add3A_317 : vector<8x1024xi32>
    %add3A_319 = arith.constant 1 : i32
    %add3A_320 = vector.broadcast %add3A_319 : i32 to vector<8x1024xi32>
    %add3A_321 = arith.addi %add3A_318, %add3A_320 : vector<8x1024xi32>
    %add3A_322 = arith.addi %add3A_316, %add3A_321 : vector<8x1024xi32>
    %shift_left3A_323 = arith.constant 17 : i32
    %shift_left3A_324 = vector.broadcast %shift_left3A_323 : i32 to vector<8x1024xi32>
    %shift_left3A_325 = arith.shli %add3A_321, %shift_left3A_324 : vector<8x1024xi32>
    %shift_right_logical3A_326 = arith.constant 15 : i32
    %shift_right_logical3A_327 = vector.broadcast %shift_right_logical3A_326 : i32 to vector<8x1024xi32>
    %shift_right_logical3A_328 = arith.shrui %add3A_321, %shift_right_logical3A_327 : vector<8x1024xi32>
    %or3A_329 = arith.ori %shift_left3A_325, %shift_right_logical3A_328 : vector<8x1024xi32>
    %xor3A_330 = arith.xori %or3A_329, %add3A_322 : vector<8x1024xi32>
    %add3A_331 = arith.addi %add3A_322, %xor3A_330 : vector<8x1024xi32>
    %shift_left3A_332 = arith.constant 29 : i32
    %shift_left3A_333 = vector.broadcast %shift_left3A_332 : i32 to vector<8x1024xi32>
    %shift_left3A_334 = arith.shli %xor3A_330, %shift_left3A_333 : vector<8x1024xi32>
    %shift_right_logical3A_335 = arith.constant 3 : i32
    %shift_right_logical3A_336 = vector.broadcast %shift_right_logical3A_335 : i32 to vector<8x1024xi32>
    %shift_right_logical3A_337 = arith.shrui %xor3A_330, %shift_right_logical3A_336 : vector<8x1024xi32>
    %or3A_338 = arith.ori %shift_left3A_334, %shift_right_logical3A_337 : vector<8x1024xi32>
    %xor3A_339 = arith.xori %or3A_338, %add3A_331 : vector<8x1024xi32>
    %add3A_340 = arith.addi %add3A_331, %xor3A_339 : vector<8x1024xi32>
    %shift_left3A_341 = arith.constant 16 : i32
    %shift_left3A_342 = vector.broadcast %shift_left3A_341 : i32 to vector<8x1024xi32>
    %shift_left3A_343 = arith.shli %xor3A_339, %shift_left3A_342 : vector<8x1024xi32>
    %shift_right_logical3A_344 = arith.constant 16 : i32
    %shift_right_logical3A_345 = vector.broadcast %shift_right_logical3A_344 : i32 to vector<8x1024xi32>
    %shift_right_logical3A_346 = arith.shrui %xor3A_339, %shift_right_logical3A_345 : vector<8x1024xi32>
    %or3A_347 = arith.ori %shift_left3A_343, %shift_right_logical3A_346 : vector<8x1024xi32>
    %xor3A_348 = arith.xori %or3A_347, %add3A_340 : vector<8x1024xi32>
    %add3A_349 = arith.addi %add3A_340, %xor3A_348 : vector<8x1024xi32>
    %shift_left3A_350 = arith.constant 24 : i32
    %shift_left3A_351 = vector.broadcast %shift_left3A_350 : i32 to vector<8x1024xi32>
    %shift_left3A_352 = arith.shli %xor3A_348, %shift_left3A_351 : vector<8x1024xi32>
    %shift_right_logical3A_353 = arith.constant 8 : i32
    %shift_right_logical3A_354 = vector.broadcast %shift_right_logical3A_353 : i32 to vector<8x1024xi32>
    %shift_right_logical3A_355 = arith.shrui %xor3A_348, %shift_right_logical3A_354 : vector<8x1024xi32>
    %or3A_356 = arith.ori %shift_left3A_352, %shift_right_logical3A_355 : vector<8x1024xi32>
    %xor3A_357 = arith.xori %or3A_356, %add3A_349 : vector<8x1024xi32>
    %add3A_358 = vector.broadcast %xor3A_275 : i32 to vector<8x1024xi32>
    %add3A_359 = arith.addi %add3A_349, %add3A_358 : vector<8x1024xi32>
    %add3A_360 = vector.broadcast %get3A_1 : i32 to vector<8x1024xi32>
    %add3A_361 = arith.addi %xor3A_357, %add3A_360 : vector<8x1024xi32>
    %add3A_362 = arith.constant 2 : i32
    %add3A_363 = vector.broadcast %add3A_362 : i32 to vector<8x1024xi32>
    %add3A_364 = arith.addi %add3A_361, %add3A_363 : vector<8x1024xi32>
    %add3A_365 = arith.addi %add3A_359, %add3A_364 : vector<8x1024xi32>
    %shift_left3A_366 = arith.constant 13 : i32
    %shift_left3A_367 = vector.broadcast %shift_left3A_366 : i32 to vector<8x1024xi32>
    %shift_left3A_368 = arith.shli %add3A_364, %shift_left3A_367 : vector<8x1024xi32>
    %shift_right_logical3A_369 = arith.constant 19 : i32
    %shift_right_logical3A_370 = vector.broadcast %shift_right_logical3A_369 : i32 to vector<8x1024xi32>
    %shift_right_logical3A_371 = arith.shrui %add3A_364, %shift_right_logical3A_370 : vector<8x1024xi32>
    %or3A_372 = arith.ori %shift_left3A_368, %shift_right_logical3A_371 : vector<8x1024xi32>
    %xor3A_373 = arith.xori %or3A_372, %add3A_365 : vector<8x1024xi32>
    %add3A_374 = arith.addi %add3A_365, %xor3A_373 : vector<8x1024xi32>
    %shift_left3A_375 = arith.constant 15 : i32
    %shift_left3A_376 = vector.broadcast %shift_left3A_375 : i32 to vector<8x1024xi32>
    %shift_left3A_377 = arith.shli %xor3A_373, %shift_left3A_376 : vector<8x1024xi32>
    %shift_right_logical3A_378 = arith.constant 17 : i32
    %shift_right_logical3A_379 = vector.broadcast %shift_right_logical3A_378 : i32 to vector<8x1024xi32>
    %shift_right_logical3A_380 = arith.shrui %xor3A_373, %shift_right_logical3A_379 : vector<8x1024xi32>
    %or3A_381 = arith.ori %shift_left3A_377, %shift_right_logical3A_380 : vector<8x1024xi32>
    %xor3A_382 = arith.xori %or3A_381, %add3A_374 : vector<8x1024xi32>
    %add3A_383 = arith.addi %add3A_374, %xor3A_382 : vector<8x1024xi32>
    %shift_left3A_384 = arith.constant 26 : i32
    %shift_left3A_385 = vector.broadcast %shift_left3A_384 : i32 to vector<8x1024xi32>
    %shift_left3A_386 = arith.shli %xor3A_382, %shift_left3A_385 : vector<8x1024xi32>
    %shift_right_logical3A_387 = arith.constant 6 : i32
    %shift_right_logical3A_388 = vector.broadcast %shift_right_logical3A_387 : i32 to vector<8x1024xi32>
    %shift_right_logical3A_389 = arith.shrui %xor3A_382, %shift_right_logical3A_388 : vector<8x1024xi32>
    %or3A_390 = arith.ori %shift_left3A_386, %shift_right_logical3A_389 : vector<8x1024xi32>
    %xor3A_391 = arith.xori %or3A_390, %add3A_383 : vector<8x1024xi32>
    %add3A_392 = arith.addi %add3A_383, %xor3A_391 : vector<8x1024xi32>
    %shift_left3A_393 = arith.constant 6 : i32
    %shift_left3A_394 = vector.broadcast %shift_left3A_393 : i32 to vector<8x1024xi32>
    %shift_left3A_395 = arith.shli %xor3A_391, %shift_left3A_394 : vector<8x1024xi32>
    %shift_right_logical3A_396 = arith.constant 26 : i32
    %shift_right_logical3A_397 = vector.broadcast %shift_right_logical3A_396 : i32 to vector<8x1024xi32>
    %shift_right_logical3A_398 = arith.shrui %xor3A_391, %shift_right_logical3A_397 : vector<8x1024xi32>
    %or3A_399 = arith.ori %shift_left3A_395, %shift_right_logical3A_398 : vector<8x1024xi32>
    %xor3A_400 = arith.xori %or3A_399, %add3A_392 : vector<8x1024xi32>
    %add3A_401 = vector.broadcast %get3A_1 : i32 to vector<8x1024xi32>
    %add3A_402 = arith.addi %add3A_392, %add3A_401 : vector<8x1024xi32>
    %add3A_403 = vector.broadcast %get3A_3 : i32 to vector<8x1024xi32>
    %add3A_404 = arith.addi %xor3A_400, %add3A_403 : vector<8x1024xi32>
    %add3A_405 = arith.constant 3 : i32
    %add3A_406 = vector.broadcast %add3A_405 : i32 to vector<8x1024xi32>
    %add3A_407 = arith.addi %add3A_404, %add3A_406 : vector<8x1024xi32>
    %add3A_408 = arith.addi %add3A_402, %add3A_407 : vector<8x1024xi32>
    %shift_left3A_409 = arith.constant 17 : i32
    %shift_left3A_410 = vector.broadcast %shift_left3A_409 : i32 to vector<8x1024xi32>
    %shift_left3A_411 = arith.shli %add3A_407, %shift_left3A_410 : vector<8x1024xi32>
    %shift_right_logical3A_412 = arith.constant 15 : i32
    %shift_right_logical3A_413 = vector.broadcast %shift_right_logical3A_412 : i32 to vector<8x1024xi32>
    %shift_right_logical3A_414 = arith.shrui %add3A_407, %shift_right_logical3A_413 : vector<8x1024xi32>
    %or3A_415 = arith.ori %shift_left3A_411, %shift_right_logical3A_414 : vector<8x1024xi32>
    %xor3A_416 = arith.xori %or3A_415, %add3A_408 : vector<8x1024xi32>
    %add3A_417 = arith.addi %add3A_408, %xor3A_416 : vector<8x1024xi32>
    %shift_left3A_418 = arith.constant 29 : i32
    %shift_left3A_419 = vector.broadcast %shift_left3A_418 : i32 to vector<8x1024xi32>
    %shift_left3A_420 = arith.shli %xor3A_416, %shift_left3A_419 : vector<8x1024xi32>
    %shift_right_logical3A_421 = arith.constant 3 : i32
    %shift_right_logical3A_422 = vector.broadcast %shift_right_logical3A_421 : i32 to vector<8x1024xi32>
    %shift_right_logical3A_423 = arith.shrui %xor3A_416, %shift_right_logical3A_422 : vector<8x1024xi32>
    %or3A_424 = arith.ori %shift_left3A_420, %shift_right_logical3A_423 : vector<8x1024xi32>
    %xor3A_425 = arith.xori %or3A_424, %add3A_417 : vector<8x1024xi32>
    %add3A_426 = arith.addi %add3A_417, %xor3A_425 : vector<8x1024xi32>
    %shift_left3A_427 = arith.constant 16 : i32
    %shift_left3A_428 = vector.broadcast %shift_left3A_427 : i32 to vector<8x1024xi32>
    %shift_left3A_429 = arith.shli %xor3A_425, %shift_left3A_428 : vector<8x1024xi32>
    %shift_right_logical3A_430 = arith.constant 16 : i32
    %shift_right_logical3A_431 = vector.broadcast %shift_right_logical3A_430 : i32 to vector<8x1024xi32>
    %shift_right_logical3A_432 = arith.shrui %xor3A_425, %shift_right_logical3A_431 : vector<8x1024xi32>
    %or3A_433 = arith.ori %shift_left3A_429, %shift_right_logical3A_432 : vector<8x1024xi32>
    %xor3A_434 = arith.xori %or3A_433, %add3A_426 : vector<8x1024xi32>
    %add3A_435 = arith.addi %add3A_426, %xor3A_434 : vector<8x1024xi32>
    %shift_left3A_436 = arith.constant 24 : i32
    %shift_left3A_437 = vector.broadcast %shift_left3A_436 : i32 to vector<8x1024xi32>
    %shift_left3A_438 = arith.shli %xor3A_434, %shift_left3A_437 : vector<8x1024xi32>
    %shift_right_logical3A_439 = arith.constant 8 : i32
    %shift_right_logical3A_440 = vector.broadcast %shift_right_logical3A_439 : i32 to vector<8x1024xi32>
    %shift_right_logical3A_441 = arith.shrui %xor3A_434, %shift_right_logical3A_440 : vector<8x1024xi32>
    %or3A_442 = arith.ori %shift_left3A_438, %shift_right_logical3A_441 : vector<8x1024xi32>
    %xor3A_443 = arith.xori %or3A_442, %add3A_435 : vector<8x1024xi32>
    %add3A_444 = vector.broadcast %get3A_3 : i32 to vector<8x1024xi32>
    %add3A_445 = arith.addi %add3A_435, %add3A_444 : vector<8x1024xi32>
    %add3A_446 = vector.broadcast %xor3A_275 : i32 to vector<8x1024xi32>
    %add3A_447 = arith.addi %xor3A_443, %add3A_446 : vector<8x1024xi32>
    %add3A_448 = arith.constant 4 : i32
    %add3A_449 = vector.broadcast %add3A_448 : i32 to vector<8x1024xi32>
    %add3A_450 = arith.addi %add3A_447, %add3A_449 : vector<8x1024xi32>
    %add3A_451 = arith.addi %add3A_445, %add3A_450 : vector<8x1024xi32>
    %shift_left3A_452 = arith.constant 13 : i32
    %shift_left3A_453 = vector.broadcast %shift_left3A_452 : i32 to vector<8x1024xi32>
    %shift_left3A_454 = arith.shli %add3A_450, %shift_left3A_453 : vector<8x1024xi32>
    %shift_right_logical3A_455 = arith.constant 19 : i32
    %shift_right_logical3A_456 = vector.broadcast %shift_right_logical3A_455 : i32 to vector<8x1024xi32>
    %shift_right_logical3A_457 = arith.shrui %add3A_450, %shift_right_logical3A_456 : vector<8x1024xi32>
    %or3A_458 = arith.ori %shift_left3A_454, %shift_right_logical3A_457 : vector<8x1024xi32>
    %xor3A_459 = arith.xori %or3A_458, %add3A_451 : vector<8x1024xi32>
    %add3A_460 = arith.addi %add3A_451, %xor3A_459 : vector<8x1024xi32>
    %shift_left3A_461 = arith.constant 15 : i32
    %shift_left3A_462 = vector.broadcast %shift_left3A_461 : i32 to vector<8x1024xi32>
    %shift_left3A_463 = arith.shli %xor3A_459, %shift_left3A_462 : vector<8x1024xi32>
    %shift_right_logical3A_464 = arith.constant 17 : i32
    %shift_right_logical3A_465 = vector.broadcast %shift_right_logical3A_464 : i32 to vector<8x1024xi32>
    %shift_right_logical3A_466 = arith.shrui %xor3A_459, %shift_right_logical3A_465 : vector<8x1024xi32>
    %or3A_467 = arith.ori %shift_left3A_463, %shift_right_logical3A_466 : vector<8x1024xi32>
    %xor3A_468 = arith.xori %or3A_467, %add3A_460 : vector<8x1024xi32>
    %add3A_469 = arith.addi %add3A_460, %xor3A_468 : vector<8x1024xi32>
    %shift_left3A_470 = arith.constant 26 : i32
    %shift_left3A_471 = vector.broadcast %shift_left3A_470 : i32 to vector<8x1024xi32>
    %shift_left3A_472 = arith.shli %xor3A_468, %shift_left3A_471 : vector<8x1024xi32>
    %shift_right_logical3A_473 = arith.constant 6 : i32
    %shift_right_logical3A_474 = vector.broadcast %shift_right_logical3A_473 : i32 to vector<8x1024xi32>
    %shift_right_logical3A_475 = arith.shrui %xor3A_468, %shift_right_logical3A_474 : vector<8x1024xi32>
    %or3A_476 = arith.ori %shift_left3A_472, %shift_right_logical3A_475 : vector<8x1024xi32>
    %xor3A_477 = arith.xori %or3A_476, %add3A_469 : vector<8x1024xi32>
    %add3A_478 = arith.addi %add3A_469, %xor3A_477 : vector<8x1024xi32>
    %shift_left3A_479 = arith.constant 6 : i32
    %shift_left3A_480 = vector.broadcast %shift_left3A_479 : i32 to vector<8x1024xi32>
    %shift_left3A_481 = arith.shli %xor3A_477, %shift_left3A_480 : vector<8x1024xi32>
    %shift_right_logical3A_482 = arith.constant 26 : i32
    %shift_right_logical3A_483 = vector.broadcast %shift_right_logical3A_482 : i32 to vector<8x1024xi32>
    %shift_right_logical3A_484 = arith.shrui %xor3A_477, %shift_right_logical3A_483 : vector<8x1024xi32>
    %or3A_485 = arith.ori %shift_left3A_481, %shift_right_logical3A_484 : vector<8x1024xi32>
    %xor3A_486 = arith.xori %or3A_485, %add3A_478 : vector<8x1024xi32>
    %add3A_487 = vector.broadcast %xor3A_275 : i32 to vector<8x1024xi32>
    %add3A_488 = arith.addi %add3A_478, %add3A_487 : vector<8x1024xi32>
    %add3A_489 = vector.broadcast %get3A_1 : i32 to vector<8x1024xi32>
    %add3A_490 = arith.addi %xor3A_486, %add3A_489 : vector<8x1024xi32>
    %add3A_491 = arith.constant 5 : i32
    %add3A_492 = vector.broadcast %add3A_491 : i32 to vector<8x1024xi32>
    %add3A_493 = arith.addi %add3A_490, %add3A_492 : vector<8x1024xi32>
    %xor3A_494 = arith.xori %add3A_488, %add3A_493 : vector<8x1024xi32>
    %shift_right_logical3A_495 = arith.constant 9 : i32
    %shift_right_logical3A_496 = vector.broadcast %shift_right_logical3A_495 : i32 to vector<8x1024xi32>
    %shift_right_logical3A_497 = arith.shrui %xor3A_494, %shift_right_logical3A_496 : vector<8x1024xi32>
    %or3A_498 = arith.constant 1065353216 : i32
    %or3A_499 = vector.broadcast %or3A_498 : i32 to vector<8x1024xi32>
    %or3A_500 = arith.ori %shift_right_logical3A_497, %or3A_499 : vector<8x1024xi32>
    %bitcast_convert_type3A_501 = tpu.bitcast %or3A_500 : vector<8x1024xi32> -> vector<8x1024xf32>
    %sub3A_502 = arith.constant 1.000000e+00 : f32
    %sub3A_503 = vector.broadcast %sub3A_502 : f32 to vector<8x1024xf32>
    %sub3A_504 = arith.subf %bitcast_convert_type3A_501, %sub3A_503 : vector<8x1024xf32>
    %add3A_505 = arith.constant 1.17549435E-38 : f32
    %add3A_506 = vector.broadcast %add3A_505 : f32 to vector<8x1024xf32>
    %add3A_507 = arith.addf %sub3A_504, %add3A_506 : vector<8x1024xf32>
    %log3A_508 = math.log %add3A_507 : vector<8x1024xf32>
    %neg3A_509 = arith.constant 0.000000e+00 : f32
    %neg3A_510 = vector.broadcast %neg3A_509 : f32 to vector<8x1024xf32>
    %neg3A_511 = arith.subf %neg3A_510, %log3A_508 : vector<8x1024xf32>
    %log3A_512 = math.log %neg3A_511 : vector<8x1024xf32>
    %neg3A_513 = arith.constant 0.000000e+00 : f32
    %neg3A_514 = vector.broadcast %neg3A_513 : f32 to vector<8x1024xf32>
    %neg3A_515 = arith.subf %neg3A_514, %log3A_512 : vector<8x1024xf32>
    %add3A_516 = arith.addf %get3A_267, %neg3A_515 : vector<8x1024xf32>
    %add3A_517 = arith.constant 99328 : i32
    %add3A_518 = vector.broadcast %add3A_517 : i32 to vector<8x1024xi32>
    %add3A_519 = arith.addi %iota3A_10, %add3A_518 : vector<8x1024xi32>
    %lt3A = arith.constant 100000 : i32
    %lt3A_520 = vector.broadcast %lt3A : i32 to vector<8x1024xi32>
    %lt3A_521 = arith.cmpi slt, %add3A_519, %lt3A_520 : vector<8x1024xi32>
    %jit3A_522 = arith.constant 0xFF800000 : f32
    %broadcast_in_dim3A_523 = vector.broadcast %jit3A_522 : f32 to vector<8x1024xf32>
    %select_n3A_524 = arith.select %lt3A_521, %add3A_516, %broadcast_in_dim3A_523 : vector<8x1024xi1>, vector<8x1024xf32>
    %gt3A_525 = arith.cmpf ogt, %select_n3A_524, %select_n3A : vector<8x1024xf32>
    %select_n3A_526 = arith.select %gt3A_525, %select_n3A_524, %select_n3A : vector<8x1024xi1>, vector<8x1024xf32>
    %jit3A_527 = arith.constant 97 : i32
    %broadcast_in_dim3A_528 = vector.broadcast %jit3A_527 : i32 to vector<8x1024xi32>
    %select_n3A_529 = arith.select %gt3A_525, %broadcast_in_dim3A_528, %select_n3A_264 : vector<8x1024xi1>, vector<8x1024xi32>
    %mul3A_530 = arith.constant 1024 : i32
    %mul3A_531 = vector.broadcast %mul3A_530 : i32 to vector<8x1024xi32>
    %mul3A_532 = arith.muli %select_n3A_529, %mul3A_531 : vector<8x1024xi32>
    %add3A_533 = arith.addi %mul3A_532, %iota3A_10 : vector<8x1024xi32>
    %reduce_max3A = arith.constant dense<0xFF800000> : vector<8xf32>
    %reduce_max3A_534 = vector.multi_reduction <maximumf>, %select_n3A_526, %reduce_max3A [1] : vector<8x1024xf32> to vector<8xf32>
    %broadcast_in_dim3A_535 = vector.shape_cast %reduce_max3A_534 : vector<8xf32> to vector<8x1xf32>
    %eq3A = vector.broadcast %broadcast_in_dim3A_535 : vector<8x1xf32> to vector<8x1024xf32>
    %eq3A_536 = arith.cmpf oeq, %select_n3A_526, %eq3A : vector<8x1024xf32>
    %jit3A_537 = arith.constant 2147483647 : i32
    %broadcast_in_dim3A_538 = vector.broadcast %jit3A_537 : i32 to vector<8x1024xi32>
    %select_n3A_539 = arith.select %eq3A_536, %add3A_533, %broadcast_in_dim3A_538 : vector<8x1024xi1>, vector<8x1024xi32>
    %reduce_min3A = arith.constant dense<2147483647> : vector<8xi32>
    %reduce_min3A_540 = vector.multi_reduction <minsi>, %select_n3A_539, %reduce_min3A [1] : vector<8x1024xi32> to vector<8xi32>
    %broadcast_in_dim3A_541 = vector.shape_cast %reduce_min3A_540 : vector<8xi32> to vector<8x1xi32>
    %convert_element_type3A = arith.sitofp %broadcast_in_dim3A_541 : vector<8x1xi32> to vector<8x1xf32>
    %iota3A_542 = tpu.iota {dimensions = array<i32: 0>} : vector<8x1xi32>
    %mul3A_543 = arith.constant 8 : i32
    %mul3A_544 = arith.muli %add3A_0, %mul3A_543 : i32
    %add3A_545 = vector.broadcast %mul3A_544 : i32 to vector<8x1xi32>
    %add3A_546 = arith.addi %iota3A_542, %add3A_545 : vector<8x1xi32>
    %get3A_547 = arith.constant 2 : index
    %get3A_548 = memref.load %arg1[%get3A_547] : memref<6xi32, #tpu.memory_space<smem>>
    %get3A_549 = arith.constant 3 : index
    %get3A_550 = memref.load %arg1[%get3A_549] : memref<6xi32, #tpu.memory_space<smem>>
    %xor3A_551 = arith.xori %get3A_548, %get3A_550 : i32
    %xor3A_552 = arith.constant 466688986 : i32
    %xor3A_553 = arith.xori %xor3A_551, %xor3A_552 : i32
    %add3A_554 = vector.broadcast %get3A_550 : i32 to vector<8x1xi32>
    %add3A_555 = arith.addi %add3A_546, %add3A_554 : vector<8x1xi32>
    %add3A_556 = vector.broadcast %get3A_548 : i32 to vector<8x1xi32>
    %add3A_557 = arith.addi %add3A_556, %add3A_555 : vector<8x1xi32>
    %shift_left3A_558 = arith.constant 13 : i32
    %shift_left3A_559 = vector.broadcast %shift_left3A_558 : i32 to vector<8x1xi32>
    %shift_left3A_560 = arith.shli %add3A_555, %shift_left3A_559 : vector<8x1xi32>
    %shift_right_logical3A_561 = arith.constant 19 : i32
    %shift_right_logical3A_562 = vector.broadcast %shift_right_logical3A_561 : i32 to vector<8x1xi32>
    %shift_right_logical3A_563 = arith.shrui %add3A_555, %shift_right_logical3A_562 : vector<8x1xi32>
    %or3A_564 = arith.ori %shift_left3A_560, %shift_right_logical3A_563 : vector<8x1xi32>
    %xor3A_565 = arith.xori %or3A_564, %add3A_557 : vector<8x1xi32>
    %add3A_566 = arith.addi %add3A_557, %xor3A_565 : vector<8x1xi32>
    %shift_left3A_567 = arith.constant 15 : i32
    %shift_left3A_568 = vector.broadcast %shift_left3A_567 : i32 to vector<8x1xi32>
    %shift_left3A_569 = arith.shli %xor3A_565, %shift_left3A_568 : vector<8x1xi32>
    %shift_right_logical3A_570 = arith.constant 17 : i32
    %shift_right_logical3A_571 = vector.broadcast %shift_right_logical3A_570 : i32 to vector<8x1xi32>
    %shift_right_logical3A_572 = arith.shrui %xor3A_565, %shift_right_logical3A_571 : vector<8x1xi32>
    %or3A_573 = arith.ori %shift_left3A_569, %shift_right_logical3A_572 : vector<8x1xi32>
    %xor3A_574 = arith.xori %or3A_573, %add3A_566 : vector<8x1xi32>
    %add3A_575 = arith.addi %add3A_566, %xor3A_574 : vector<8x1xi32>
    %shift_left3A_576 = arith.constant 26 : i32
    %shift_left3A_577 = vector.broadcast %shift_left3A_576 : i32 to vector<8x1xi32>
    %shift_left3A_578 = arith.shli %xor3A_574, %shift_left3A_577 : vector<8x1xi32>
    %shift_right_logical3A_579 = arith.constant 6 : i32
    %shift_right_logical3A_580 = vector.broadcast %shift_right_logical3A_579 : i32 to vector<8x1xi32>
    %shift_right_logical3A_581 = arith.shrui %xor3A_574, %shift_right_logical3A_580 : vector<8x1xi32>
    %or3A_582 = arith.ori %shift_left3A_578, %shift_right_logical3A_581 : vector<8x1xi32>
    %xor3A_583 = arith.xori %or3A_582, %add3A_575 : vector<8x1xi32>
    %add3A_584 = arith.addi %add3A_575, %xor3A_583 : vector<8x1xi32>
    %shift_left3A_585 = arith.constant 6 : i32
    %shift_left3A_586 = vector.broadcast %shift_left3A_585 : i32 to vector<8x1xi32>
    %shift_left3A_587 = arith.shli %xor3A_583, %shift_left3A_586 : vector<8x1xi32>
    %shift_right_logical3A_588 = arith.constant 26 : i32
    %shift_right_logical3A_589 = vector.broadcast %shift_right_logical3A_588 : i32 to vector<8x1xi32>
    %shift_right_logical3A_590 = arith.shrui %xor3A_583, %shift_right_logical3A_589 : vector<8x1xi32>
    %or3A_591 = arith.ori %shift_left3A_587, %shift_right_logical3A_590 : vector<8x1xi32>
    %xor3A_592 = arith.xori %or3A_591, %add3A_584 : vector<8x1xi32>
    %add3A_593 = vector.broadcast %get3A_550 : i32 to vector<8x1xi32>
    %add3A_594 = arith.addi %add3A_584, %add3A_593 : vector<8x1xi32>
    %add3A_595 = vector.broadcast %xor3A_553 : i32 to vector<8x1xi32>
    %add3A_596 = arith.addi %xor3A_592, %add3A_595 : vector<8x1xi32>
    %add3A_597 = arith.constant 1 : i32
    %add3A_598 = vector.broadcast %add3A_597 : i32 to vector<8x1xi32>
    %add3A_599 = arith.addi %add3A_596, %add3A_598 : vector<8x1xi32>
    %add3A_600 = arith.addi %add3A_594, %add3A_599 : vector<8x1xi32>
    %shift_left3A_601 = arith.constant 17 : i32
    %shift_left3A_602 = vector.broadcast %shift_left3A_601 : i32 to vector<8x1xi32>
    %shift_left3A_603 = arith.shli %add3A_599, %shift_left3A_602 : vector<8x1xi32>
    %shift_right_logical3A_604 = arith.constant 15 : i32
    %shift_right_logical3A_605 = vector.broadcast %shift_right_logical3A_604 : i32 to vector<8x1xi32>
    %shift_right_logical3A_606 = arith.shrui %add3A_599, %shift_right_logical3A_605 : vector<8x1xi32>
    %or3A_607 = arith.ori %shift_left3A_603, %shift_right_logical3A_606 : vector<8x1xi32>
    %xor3A_608 = arith.xori %or3A_607, %add3A_600 : vector<8x1xi32>
    %add3A_609 = arith.addi %add3A_600, %xor3A_608 : vector<8x1xi32>
    %shift_left3A_610 = arith.constant 29 : i32
    %shift_left3A_611 = vector.broadcast %shift_left3A_610 : i32 to vector<8x1xi32>
    %shift_left3A_612 = arith.shli %xor3A_608, %shift_left3A_611 : vector<8x1xi32>
    %shift_right_logical3A_613 = arith.constant 3 : i32
    %shift_right_logical3A_614 = vector.broadcast %shift_right_logical3A_613 : i32 to vector<8x1xi32>
    %shift_right_logical3A_615 = arith.shrui %xor3A_608, %shift_right_logical3A_614 : vector<8x1xi32>
    %or3A_616 = arith.ori %shift_left3A_612, %shift_right_logical3A_615 : vector<8x1xi32>
    %xor3A_617 = arith.xori %or3A_616, %add3A_609 : vector<8x1xi32>
    %add3A_618 = arith.addi %add3A_609, %xor3A_617 : vector<8x1xi32>
    %shift_left3A_619 = arith.constant 16 : i32
    %shift_left3A_620 = vector.broadcast %shift_left3A_619 : i32 to vector<8x1xi32>
    %shift_left3A_621 = arith.shli %xor3A_617, %shift_left3A_620 : vector<8x1xi32>
    %shift_right_logical3A_622 = arith.constant 16 : i32
    %shift_right_logical3A_623 = vector.broadcast %shift_right_logical3A_622 : i32 to vector<8x1xi32>
    %shift_right_logical3A_624 = arith.shrui %xor3A_617, %shift_right_logical3A_623 : vector<8x1xi32>
    %or3A_625 = arith.ori %shift_left3A_621, %shift_right_logical3A_624 : vector<8x1xi32>
    %xor3A_626 = arith.xori %or3A_625, %add3A_618 : vector<8x1xi32>
    %add3A_627 = arith.addi %add3A_618, %xor3A_626 : vector<8x1xi32>
    %shift_left3A_628 = arith.constant 24 : i32
    %shift_left3A_629 = vector.broadcast %shift_left3A_628 : i32 to vector<8x1xi32>
    %shift_left3A_630 = arith.shli %xor3A_626, %shift_left3A_629 : vector<8x1xi32>
    %shift_right_logical3A_631 = arith.constant 8 : i32
    %shift_right_logical3A_632 = vector.broadcast %shift_right_logical3A_631 : i32 to vector<8x1xi32>
    %shift_right_logical3A_633 = arith.shrui %xor3A_626, %shift_right_logical3A_632 : vector<8x1xi32>
    %or3A_634 = arith.ori %shift_left3A_630, %shift_right_logical3A_633 : vector<8x1xi32>
    %xor3A_635 = arith.xori %or3A_634, %add3A_627 : vector<8x1xi32>
    %add3A_636 = vector.broadcast %xor3A_553 : i32 to vector<8x1xi32>
    %add3A_637 = arith.addi %add3A_627, %add3A_636 : vector<8x1xi32>
    %add3A_638 = vector.broadcast %get3A_548 : i32 to vector<8x1xi32>
    %add3A_639 = arith.addi %xor3A_635, %add3A_638 : vector<8x1xi32>
    %add3A_640 = arith.constant 2 : i32
    %add3A_641 = vector.broadcast %add3A_640 : i32 to vector<8x1xi32>
    %add3A_642 = arith.addi %add3A_639, %add3A_641 : vector<8x1xi32>
    %add3A_643 = arith.addi %add3A_637, %add3A_642 : vector<8x1xi32>
    %shift_left3A_644 = arith.constant 13 : i32
    %shift_left3A_645 = vector.broadcast %shift_left3A_644 : i32 to vector<8x1xi32>
    %shift_left3A_646 = arith.shli %add3A_642, %shift_left3A_645 : vector<8x1xi32>
    %shift_right_logical3A_647 = arith.constant 19 : i32
    %shift_right_logical3A_648 = vector.broadcast %shift_right_logical3A_647 : i32 to vector<8x1xi32>
    %shift_right_logical3A_649 = arith.shrui %add3A_642, %shift_right_logical3A_648 : vector<8x1xi32>
    %or3A_650 = arith.ori %shift_left3A_646, %shift_right_logical3A_649 : vector<8x1xi32>
    %xor3A_651 = arith.xori %or3A_650, %add3A_643 : vector<8x1xi32>
    %add3A_652 = arith.addi %add3A_643, %xor3A_651 : vector<8x1xi32>
    %shift_left3A_653 = arith.constant 15 : i32
    %shift_left3A_654 = vector.broadcast %shift_left3A_653 : i32 to vector<8x1xi32>
    %shift_left3A_655 = arith.shli %xor3A_651, %shift_left3A_654 : vector<8x1xi32>
    %shift_right_logical3A_656 = arith.constant 17 : i32
    %shift_right_logical3A_657 = vector.broadcast %shift_right_logical3A_656 : i32 to vector<8x1xi32>
    %shift_right_logical3A_658 = arith.shrui %xor3A_651, %shift_right_logical3A_657 : vector<8x1xi32>
    %or3A_659 = arith.ori %shift_left3A_655, %shift_right_logical3A_658 : vector<8x1xi32>
    %xor3A_660 = arith.xori %or3A_659, %add3A_652 : vector<8x1xi32>
    %add3A_661 = arith.addi %add3A_652, %xor3A_660 : vector<8x1xi32>
    %shift_left3A_662 = arith.constant 26 : i32
    %shift_left3A_663 = vector.broadcast %shift_left3A_662 : i32 to vector<8x1xi32>
    %shift_left3A_664 = arith.shli %xor3A_660, %shift_left3A_663 : vector<8x1xi32>
    %shift_right_logical3A_665 = arith.constant 6 : i32
    %shift_right_logical3A_666 = vector.broadcast %shift_right_logical3A_665 : i32 to vector<8x1xi32>
    %shift_right_logical3A_667 = arith.shrui %xor3A_660, %shift_right_logical3A_666 : vector<8x1xi32>
    %or3A_668 = arith.ori %shift_left3A_664, %shift_right_logical3A_667 : vector<8x1xi32>
    %xor3A_669 = arith.xori %or3A_668, %add3A_661 : vector<8x1xi32>
    %add3A_670 = arith.addi %add3A_661, %xor3A_669 : vector<8x1xi32>
    %shift_left3A_671 = arith.constant 6 : i32
    %shift_left3A_672 = vector.broadcast %shift_left3A_671 : i32 to vector<8x1xi32>
    %shift_left3A_673 = arith.shli %xor3A_669, %shift_left3A_672 : vector<8x1xi32>
    %shift_right_logical3A_674 = arith.constant 26 : i32
    %shift_right_logical3A_675 = vector.broadcast %shift_right_logical3A_674 : i32 to vector<8x1xi32>
    %shift_right_logical3A_676 = arith.shrui %xor3A_669, %shift_right_logical3A_675 : vector<8x1xi32>
    %or3A_677 = arith.ori %shift_left3A_673, %shift_right_logical3A_676 : vector<8x1xi32>
    %xor3A_678 = arith.xori %or3A_677, %add3A_670 : vector<8x1xi32>
    %add3A_679 = vector.broadcast %get3A_548 : i32 to vector<8x1xi32>
    %add3A_680 = arith.addi %add3A_670, %add3A_679 : vector<8x1xi32>
    %add3A_681 = vector.broadcast %get3A_550 : i32 to vector<8x1xi32>
    %add3A_682 = arith.addi %xor3A_678, %add3A_681 : vector<8x1xi32>
    %add3A_683 = arith.constant 3 : i32
    %add3A_684 = vector.broadcast %add3A_683 : i32 to vector<8x1xi32>
    %add3A_685 = arith.addi %add3A_682, %add3A_684 : vector<8x1xi32>
    %add3A_686 = arith.addi %add3A_680, %add3A_685 : vector<8x1xi32>
    %shift_left3A_687 = arith.constant 17 : i32
    %shift_left3A_688 = vector.broadcast %shift_left3A_687 : i32 to vector<8x1xi32>
    %shift_left3A_689 = arith.shli %add3A_685, %shift_left3A_688 : vector<8x1xi32>
    %shift_right_logical3A_690 = arith.constant 15 : i32
    %shift_right_logical3A_691 = vector.broadcast %shift_right_logical3A_690 : i32 to vector<8x1xi32>
    %shift_right_logical3A_692 = arith.shrui %add3A_685, %shift_right_logical3A_691 : vector<8x1xi32>
    %or3A_693 = arith.ori %shift_left3A_689, %shift_right_logical3A_692 : vector<8x1xi32>
    %xor3A_694 = arith.xori %or3A_693, %add3A_686 : vector<8x1xi32>
    %add3A_695 = arith.addi %add3A_686, %xor3A_694 : vector<8x1xi32>
    %shift_left3A_696 = arith.constant 29 : i32
    %shift_left3A_697 = vector.broadcast %shift_left3A_696 : i32 to vector<8x1xi32>
    %shift_left3A_698 = arith.shli %xor3A_694, %shift_left3A_697 : vector<8x1xi32>
    %shift_right_logical3A_699 = arith.constant 3 : i32
    %shift_right_logical3A_700 = vector.broadcast %shift_right_logical3A_699 : i32 to vector<8x1xi32>
    %shift_right_logical3A_701 = arith.shrui %xor3A_694, %shift_right_logical3A_700 : vector<8x1xi32>
    %or3A_702 = arith.ori %shift_left3A_698, %shift_right_logical3A_701 : vector<8x1xi32>
    %xor3A_703 = arith.xori %or3A_702, %add3A_695 : vector<8x1xi32>
    %add3A_704 = arith.addi %add3A_695, %xor3A_703 : vector<8x1xi32>
    %shift_left3A_705 = arith.constant 16 : i32
    %shift_left3A_706 = vector.broadcast %shift_left3A_705 : i32 to vector<8x1xi32>
    %shift_left3A_707 = arith.shli %xor3A_703, %shift_left3A_706 : vector<8x1xi32>
    %shift_right_logical3A_708 = arith.constant 16 : i32
    %shift_right_logical3A_709 = vector.broadcast %shift_right_logical3A_708 : i32 to vector<8x1xi32>
    %shift_right_logical3A_710 = arith.shrui %xor3A_703, %shift_right_logical3A_709 : vector<8x1xi32>
    %or3A_711 = arith.ori %shift_left3A_707, %shift_right_logical3A_710 : vector<8x1xi32>
    %xor3A_712 = arith.xori %or3A_711, %add3A_704 : vector<8x1xi32>
    %add3A_713 = arith.addi %add3A_704, %xor3A_712 : vector<8x1xi32>
    %shift_left3A_714 = arith.constant 24 : i32
    %shift_left3A_715 = vector.broadcast %shift_left3A_714 : i32 to vector<8x1xi32>
    %shift_left3A_716 = arith.shli %xor3A_712, %shift_left3A_715 : vector<8x1xi32>
    %shift_right_logical3A_717 = arith.constant 8 : i32
    %shift_right_logical3A_718 = vector.broadcast %shift_right_logical3A_717 : i32 to vector<8x1xi32>
    %shift_right_logical3A_719 = arith.shrui %xor3A_712, %shift_right_logical3A_718 : vector<8x1xi32>
    %or3A_720 = arith.ori %shift_left3A_716, %shift_right_logical3A_719 : vector<8x1xi32>
    %xor3A_721 = arith.xori %or3A_720, %add3A_713 : vector<8x1xi32>
    %add3A_722 = vector.broadcast %get3A_550 : i32 to vector<8x1xi32>
    %add3A_723 = arith.addi %add3A_713, %add3A_722 : vector<8x1xi32>
    %add3A_724 = vector.broadcast %xor3A_553 : i32 to vector<8x1xi32>
    %add3A_725 = arith.addi %xor3A_721, %add3A_724 : vector<8x1xi32>
    %add3A_726 = arith.constant 4 : i32
    %add3A_727 = vector.broadcast %add3A_726 : i32 to vector<8x1xi32>
    %add3A_728 = arith.addi %add3A_725, %add3A_727 : vector<8x1xi32>
    %add3A_729 = arith.addi %add3A_723, %add3A_728 : vector<8x1xi32>
    %shift_left3A_730 = arith.constant 13 : i32
    %shift_left3A_731 = vector.broadcast %shift_left3A_730 : i32 to vector<8x1xi32>
    %shift_left3A_732 = arith.shli %add3A_728, %shift_left3A_731 : vector<8x1xi32>
    %shift_right_logical3A_733 = arith.constant 19 : i32
    %shift_right_logical3A_734 = vector.broadcast %shift_right_logical3A_733 : i32 to vector<8x1xi32>
    %shift_right_logical3A_735 = arith.shrui %add3A_728, %shift_right_logical3A_734 : vector<8x1xi32>
    %or3A_736 = arith.ori %shift_left3A_732, %shift_right_logical3A_735 : vector<8x1xi32>
    %xor3A_737 = arith.xori %or3A_736, %add3A_729 : vector<8x1xi32>
    %add3A_738 = arith.addi %add3A_729, %xor3A_737 : vector<8x1xi32>
    %shift_left3A_739 = arith.constant 15 : i32
    %shift_left3A_740 = vector.broadcast %shift_left3A_739 : i32 to vector<8x1xi32>
    %shift_left3A_741 = arith.shli %xor3A_737, %shift_left3A_740 : vector<8x1xi32>
    %shift_right_logical3A_742 = arith.constant 17 : i32
    %shift_right_logical3A_743 = vector.broadcast %shift_right_logical3A_742 : i32 to vector<8x1xi32>
    %shift_right_logical3A_744 = arith.shrui %xor3A_737, %shift_right_logical3A_743 : vector<8x1xi32>
    %or3A_745 = arith.ori %shift_left3A_741, %shift_right_logical3A_744 : vector<8x1xi32>
    %xor3A_746 = arith.xori %or3A_745, %add3A_738 : vector<8x1xi32>
    %add3A_747 = arith.addi %add3A_738, %xor3A_746 : vector<8x1xi32>
    %shift_left3A_748 = arith.constant 26 : i32
    %shift_left3A_749 = vector.broadcast %shift_left3A_748 : i32 to vector<8x1xi32>
    %shift_left3A_750 = arith.shli %xor3A_746, %shift_left3A_749 : vector<8x1xi32>
    %shift_right_logical3A_751 = arith.constant 6 : i32
    %shift_right_logical3A_752 = vector.broadcast %shift_right_logical3A_751 : i32 to vector<8x1xi32>
    %shift_right_logical3A_753 = arith.shrui %xor3A_746, %shift_right_logical3A_752 : vector<8x1xi32>
    %or3A_754 = arith.ori %shift_left3A_750, %shift_right_logical3A_753 : vector<8x1xi32>
    %xor3A_755 = arith.xori %or3A_754, %add3A_747 : vector<8x1xi32>
    %add3A_756 = arith.addi %add3A_747, %xor3A_755 : vector<8x1xi32>
    %shift_left3A_757 = arith.constant 6 : i32
    %shift_left3A_758 = vector.broadcast %shift_left3A_757 : i32 to vector<8x1xi32>
    %shift_left3A_759 = arith.shli %xor3A_755, %shift_left3A_758 : vector<8x1xi32>
    %shift_right_logical3A_760 = arith.constant 26 : i32
    %shift_right_logical3A_761 = vector.broadcast %shift_right_logical3A_760 : i32 to vector<8x1xi32>
    %shift_right_logical3A_762 = arith.shrui %xor3A_755, %shift_right_logical3A_761 : vector<8x1xi32>
    %or3A_763 = arith.ori %shift_left3A_759, %shift_right_logical3A_762 : vector<8x1xi32>
    %xor3A_764 = arith.xori %or3A_763, %add3A_756 : vector<8x1xi32>
    %add3A_765 = vector.broadcast %xor3A_553 : i32 to vector<8x1xi32>
    %add3A_766 = arith.addi %add3A_756, %add3A_765 : vector<8x1xi32>
    %add3A_767 = vector.broadcast %get3A_548 : i32 to vector<8x1xi32>
    %add3A_768 = arith.addi %xor3A_764, %add3A_767 : vector<8x1xi32>
    %add3A_769 = arith.constant 5 : i32
    %add3A_770 = vector.broadcast %add3A_769 : i32 to vector<8x1xi32>
    %add3A_771 = arith.addi %add3A_768, %add3A_770 : vector<8x1xi32>
    %xor3A_772 = arith.xori %add3A_766, %add3A_771 : vector<8x1xi32>
    %shift_right_logical3A_773 = arith.constant 9 : i32
    %shift_right_logical3A_774 = vector.broadcast %shift_right_logical3A_773 : i32 to vector<8x1xi32>
    %shift_right_logical3A_775 = arith.shrui %xor3A_772, %shift_right_logical3A_774 : vector<8x1xi32>
    %or3A_776 = arith.constant 1065353216 : i32
    %or3A_777 = vector.broadcast %or3A_776 : i32 to vector<8x1xi32>
    %or3A_778 = arith.ori %shift_right_logical3A_775, %or3A_777 : vector<8x1xi32>
    %bitcast_convert_type3A_779 = tpu.bitcast %or3A_778 : vector<8x1xi32> -> vector<8x1xf32>
    %sub3A_780 = arith.constant 1.000000e+00 : f32
    %sub3A_781 = vector.broadcast %sub3A_780 : f32 to vector<8x1xf32>
    %sub3A_782 = arith.subf %bitcast_convert_type3A_779, %sub3A_781 : vector<8x1xf32>
    %max3A = arith.constant 0.000000e+00 : f32
    %max3A_783 = vector.broadcast %max3A : f32 to vector<8x1xf32>
    %max3A_784 = arith.maximumf %max3A_783, %sub3A_782 : vector<8x1xf32>
    %get3A_785 = arith.constant 0 : index
    %get3A_786 = arith.constant 0 : index
    %get3A_787 = vector.load %arg3[%get3A_785, %get3A_786] : memref<8x32xf32, #tpu.memory_space<vmem>>, vector<8x32xf32>
    %iota3A_788 = tpu.iota {dimensions = array<i32: 1>} : vector<8x32xi32>
    %get3A_789 = arith.constant 4 : index
    %get3A_790 = memref.load %arg1[%get3A_789] : memref<6xi32, #tpu.memory_space<smem>>
    %eq3A_791 = vector.broadcast %get3A_790 : i32 to vector<8x32xi32>
    %eq3A_792 = arith.cmpi eq, %iota3A_788, %eq3A_791 : vector<8x32xi32>
    %jit3A_793 = arith.constant 0.000000e+00 : f32
    %broadcast_in_dim3A_794 = vector.broadcast %jit3A_793 : f32 to vector<8x32xf32>
    %select_n3A_795 = arith.select %eq3A_792, %get3A_787, %broadcast_in_dim3A_794 : vector<8x32xi1>, vector<8x32xf32>
    %reduce_sum3A = arith.constant dense<0.000000e+00> : vector<8xf32>
    %reduce_sum3A_796 = vector.multi_reduction <add>, %select_n3A_795, %reduce_sum3A [1] : vector<8x32xf32> to vector<8xf32>
    %broadcast_in_dim3A_797 = vector.shape_cast %reduce_sum3A_796 : vector<8xf32> to vector<8x1xf32>
    %get3A_798 = arith.constant 5 : index
    %get3A_799 = memref.load %arg1[%get3A_798] : memref<6xi32, #tpu.memory_space<smem>>
    %bitcast_convert_type3A_800 = arith.bitcast %get3A_799 : i32 to f32
    %lt3A_801 = vector.broadcast %bitcast_convert_type3A_800 : f32 to vector<8x1xf32>
    %lt3A_802 = arith.cmpf olt, %max3A_784, %lt3A_801 : vector<8x1xf32>
    %select_n3A_803 = arith.select %lt3A_802, %broadcast_in_dim3A_797, %convert_element_type3A : vector<8x1xi1>, vector<8x1xf32>
    %swap3A = arith.constant 0 : index
    %swap3A_804 = arith.constant 0 : index
    %swap3A_805 = vector.load %arg4[%swap3A, %swap3A_804] : memref<8x1xf32, #tpu.memory_space<vmem>>, vector<8x1xf32>
    tpu.vector_store %arg4[%swap3A, %swap3A_804], %select_n3A_803 {strides = array<i32>} : memref<8x1xf32, #tpu.memory_space<vmem>>, vector<8x1xf32>,
    return
  }
  func.func @transform_0(%arg0: i32) -> i32 {
    %c0_i32 = arith.constant 0 : i32
    %c0_i32_0 = arith.constant 0 : i32
    return %c0_i32 : i32
  }
  func.func @transform_1(%arg0: i32) -> (i32, i32) {
    %c0_i32 = arith.constant 0 : i32
    %c0_i32_0 = arith.constant 0 : i32
    return %arg0, %c0_i32 : i32, i32
  }
  func.func @transform_2(%arg0: i32) -> (i32, i32) {
    %c0_i32 = arith.constant 0 : i32
    %c0_i32_0 = arith.constant 0 : i32
    return %arg0, %c0_i32 : i32, i32
  }
  func.func @transform_3(%arg0: i32) -> (i32, i32) {
    %c0_i32 = arith.constant 0 : i32
    %c0_i32_0 = arith.constant 0 : i32
    return %arg0, %c0_i32 : i32, i32
  }
}

module attributes {stable_mosaic.version = 14 : i64} {
  func.func @_body(%arg0: i32, %arg1: memref<6xi32, #tpu.memory_space<smem>>, %arg2: memref<8x100352xf32, #tpu.memory_space<vmem>>, %arg3: memref<8x32xf32, #tpu.memory_space<vmem>>, %arg4: memref<8x100352xi32, #tpu.memory_space<vmem>>, %arg5: memref<8x1xf32, #tpu.memory_space<vmem>>) attributes {dimension_semantics = [#tpu.dimension_semantics<arbitrary>], iteration_bounds = array<i64: 5>, scalar_prefetch = 0 : i64, scratch_operands = 0 : i64, tpu.core_type = #tpu.core_type<tc>, window_params = [{transform_indices = @transform_0, window_bounds = array<i64: 6>}, {transform_indices = @transform_1, window_bounds = array<i64: 8, 100352>}, {transform_indices = @transform_2, window_bounds = array<i64: 8, 32>}, {transform_indices = @transform_3, window_bounds = array<i64: 8, 100352>}, {transform_indices = @transform_4, window_bounds = array<i64: 8, 1>}]} {
    %add3A = arith.constant 11 : i32
    %add3A_0 = arith.addi %arg0, %add3A : i32
    %iota3A = tpu.iota {dimensions = array<i32: 1>} : vector<8x2048xi32>
    %broadcast_in_dim3A = arith.constant 0xFF800000 : f32
    %broadcast_in_dim3A_1 = vector.broadcast %broadcast_in_dim3A : f32 to vector<8x2048xf32>
    %broadcast_in_dim3A_2 = arith.constant 0 : i32
    %broadcast_in_dim3A_3 = vector.broadcast %broadcast_in_dim3A_2 : i32 to vector<8x2048xi32>
    %scan3A = arith.constant 0 : i32
    %scan3A_4 = arith.constant 24 : i32
    %scan3A_5 = arith.addi %scan3A, %scan3A_4 : i32
    %scan3A_6 = arith.constant 1 : i32
    %scan3A_7:2 = scf.for %scan3A_313 = %scan3A to %scan3A_5 step %scan3A_6 iter_args(%scan3A_314 = %broadcast_in_dim3A_1, %scan3A_315 = %broadcast_in_dim3A_3) -> (vector<8x2048xf32>, vector<8x2048xi32>)  : i32 {
      %mul3A_316 = arith.constant 2 : i32
      %mul3A_317 = arith.muli %scan3A_313, %mul3A_316 : i32
      %mul3A_318 = arith.constant 2048 : i32
      %mul3A_319 = arith.muli %mul3A_317, %mul3A_318 : i32
      %get3A_320 = arith.constant 0 : index
      %get3A_321 = arith.index_cast %mul3A_319 : i32 to index
      %get3A_322 = vector.load %arg2[%get3A_320, %get3A_321] : memref<8x100352xf32, #tpu.memory_space<vmem>>, vector<8x2048xf32>
      %mul3A_323 = arith.constant 2048 : i32
      %mul3A_324 = arith.muli %mul3A_317, %mul3A_323 : i32
      %get3A_325 = arith.constant 0 : index
      %get3A_326 = arith.index_cast %mul3A_324 : i32 to index
      %get3A_327 = vector.load %arg4[%get3A_325, %get3A_326] : memref<8x100352xi32, #tpu.memory_space<vmem>>, vector<8x2048xi32>
      %shift_right_logical3A_328 = arith.constant 9 : i32
      %shift_right_logical3A_329 = vector.broadcast %shift_right_logical3A_328 : i32 to vector<8x2048xi32>
      %shift_right_logical3A_330 = arith.shrui %get3A_327, %shift_right_logical3A_329 : vector<8x2048xi32>
      %or3A_331 = arith.constant 1065353216 : i32
      %or3A_332 = vector.broadcast %or3A_331 : i32 to vector<8x2048xi32>
      %or3A_333 = arith.ori %shift_right_logical3A_330, %or3A_332 : vector<8x2048xi32>
      %bitcast_convert_type3A_334 = tpu.bitcast %or3A_333 : vector<8x2048xi32> -> vector<8x2048xf32>
      %sub3A_335 = arith.constant 1.000000e+00 : f32
      %sub3A_336 = vector.broadcast %sub3A_335 : f32 to vector<8x2048xf32>
      %sub3A_337 = arith.subf %bitcast_convert_type3A_334, %sub3A_336 : vector<8x2048xf32>
      %add3A_338 = arith.constant 1.17549435E-38 : f32
      %add3A_339 = vector.broadcast %add3A_338 : f32 to vector<8x2048xf32>
      %add3A_340 = arith.addf %sub3A_337, %add3A_339 : vector<8x2048xf32>
      %log3A_341 = math.log %add3A_340 : vector<8x2048xf32>
      %neg3A_342 = arith.constant 0.000000e+00 : f32
      %neg3A_343 = vector.broadcast %neg3A_342 : f32 to vector<8x2048xf32>
      %neg3A_344 = arith.subf %neg3A_343, %log3A_341 : vector<8x2048xf32>
      %log3A_345 = math.log %neg3A_344 : vector<8x2048xf32>
      %neg3A_346 = arith.constant 0.000000e+00 : f32
      %neg3A_347 = vector.broadcast %neg3A_346 : f32 to vector<8x2048xf32>
      %neg3A_348 = arith.subf %neg3A_347, %log3A_345 : vector<8x2048xf32>
      %add3A_349 = arith.addf %get3A_322, %neg3A_348 : vector<8x2048xf32>
      %mul3A_350 = arith.constant 2 : i32
      %mul3A_351 = arith.muli %scan3A_313, %mul3A_350 : i32
      %add3A_352 = arith.constant 1 : i32
      %add3A_353 = arith.addi %mul3A_351, %add3A_352 : i32
      %mul3A_354 = arith.constant 2048 : i32
      %mul3A_355 = arith.muli %add3A_353, %mul3A_354 : i32
      %get3A_356 = arith.constant 0 : index
      %get3A_357 = arith.index_cast %mul3A_355 : i32 to index
      %get3A_358 = vector.load %arg2[%get3A_356, %get3A_357] : memref<8x100352xf32, #tpu.memory_space<vmem>>, vector<8x2048xf32>
      %mul3A_359 = arith.constant 2048 : i32
      %mul3A_360 = arith.muli %add3A_353, %mul3A_359 : i32
      %get3A_361 = arith.constant 0 : index
      %get3A_362 = arith.index_cast %mul3A_360 : i32 to index
      %get3A_363 = vector.load %arg4[%get3A_361, %get3A_362] : memref<8x100352xi32, #tpu.memory_space<vmem>>, vector<8x2048xi32>
      %shift_right_logical3A_364 = arith.constant 9 : i32
      %shift_right_logical3A_365 = vector.broadcast %shift_right_logical3A_364 : i32 to vector<8x2048xi32>
      %shift_right_logical3A_366 = arith.shrui %get3A_363, %shift_right_logical3A_365 : vector<8x2048xi32>
      %or3A_367 = arith.constant 1065353216 : i32
      %or3A_368 = vector.broadcast %or3A_367 : i32 to vector<8x2048xi32>
      %or3A_369 = arith.ori %shift_right_logical3A_366, %or3A_368 : vector<8x2048xi32>
      %bitcast_convert_type3A_370 = tpu.bitcast %or3A_369 : vector<8x2048xi32> -> vector<8x2048xf32>
      %sub3A_371 = arith.constant 1.000000e+00 : f32
      %sub3A_372 = vector.broadcast %sub3A_371 : f32 to vector<8x2048xf32>
      %sub3A_373 = arith.subf %bitcast_convert_type3A_370, %sub3A_372 : vector<8x2048xf32>
      %add3A_374 = arith.constant 1.17549435E-38 : f32
      %add3A_375 = vector.broadcast %add3A_374 : f32 to vector<8x2048xf32>
      %add3A_376 = arith.addf %sub3A_373, %add3A_375 : vector<8x2048xf32>
      %log3A_377 = math.log %add3A_376 : vector<8x2048xf32>
      %neg3A_378 = arith.constant 0.000000e+00 : f32
      %neg3A_379 = vector.broadcast %neg3A_378 : f32 to vector<8x2048xf32>
      %neg3A_380 = arith.subf %neg3A_379, %log3A_377 : vector<8x2048xf32>
      %log3A_381 = math.log %neg3A_380 : vector<8x2048xf32>
      %neg3A_382 = arith.constant 0.000000e+00 : f32
      %neg3A_383 = vector.broadcast %neg3A_382 : f32 to vector<8x2048xf32>
      %neg3A_384 = arith.subf %neg3A_383, %log3A_381 : vector<8x2048xf32>
      %add3A_385 = arith.addf %get3A_358, %neg3A_384 : vector<8x2048xf32>
      %mul3A_386 = arith.constant 2 : i32
      %mul3A_387 = arith.muli %scan3A_313, %mul3A_386 : i32
      %gt3A_388 = arith.cmpf ogt, %add3A_349, %scan3A_314 : vector<8x2048xf32>
      %select_n3A_389 = arith.select %gt3A_388, %add3A_349, %scan3A_314 : vector<8x2048xi1>, vector<8x2048xf32>
      %broadcast_in_dim3A_390 = vector.broadcast %mul3A_387 : i32 to vector<8x2048xi32>
      %select_n3A_391 = arith.select %gt3A_388, %broadcast_in_dim3A_390, %scan3A_315 : vector<8x2048xi1>, vector<8x2048xi32>
      %mul3A_392 = arith.constant 2 : i32
      %mul3A_393 = arith.muli %scan3A_313, %mul3A_392 : i32
      %add3A_394 = arith.constant 1 : i32
      %add3A_395 = arith.addi %mul3A_393, %add3A_394 : i32
      %gt3A_396 = arith.cmpf ogt, %add3A_385, %select_n3A_389 : vector<8x2048xf32>
      %select_n3A_397 = arith.select %gt3A_396, %add3A_385, %select_n3A_389 : vector<8x2048xi1>, vector<8x2048xf32>
      %broadcast_in_dim3A_398 = vector.broadcast %add3A_395 : i32 to vector<8x2048xi32>
      %select_n3A_399 = arith.select %gt3A_396, %broadcast_in_dim3A_398, %select_n3A_391 : vector<8x2048xi1>, vector<8x2048xi32>
      scf.yield %select_n3A_397, %select_n3A_399 : vector<8x2048xf32>, vector<8x2048xi32>
    }
    %scan3A_8 = arith.constant 24 : i32
    %get3A = arith.constant 0 : index
    %get3A_9 = arith.constant 98304 : index
    %get3A_10 = vector.load %arg2[%get3A, %get3A_9] : memref<8x100352xf32, #tpu.memory_space<vmem>>, vector<8x2048xf32>
    %get3A_11 = arith.constant 0 : index
    %get3A_12 = arith.constant 98304 : index
    %get3A_13 = vector.load %arg4[%get3A_11, %get3A_12] : memref<8x100352xi32, #tpu.memory_space<vmem>>, vector<8x2048xi32>
    %shift_right_logical3A = arith.constant 9 : i32
    %shift_right_logical3A_14 = vector.broadcast %shift_right_logical3A : i32 to vector<8x2048xi32>
    %shift_right_logical3A_15 = arith.shrui %get3A_13, %shift_right_logical3A_14 : vector<8x2048xi32>
    %or3A = arith.constant 1065353216 : i32
    %or3A_16 = vector.broadcast %or3A : i32 to vector<8x2048xi32>
    %or3A_17 = arith.ori %shift_right_logical3A_15, %or3A_16 : vector<8x2048xi32>
    %bitcast_convert_type3A = tpu.bitcast %or3A_17 : vector<8x2048xi32> -> vector<8x2048xf32>
    %sub3A = arith.constant 1.000000e+00 : f32
    %sub3A_18 = vector.broadcast %sub3A : f32 to vector<8x2048xf32>
    %sub3A_19 = arith.subf %bitcast_convert_type3A, %sub3A_18 : vector<8x2048xf32>
    %add3A_20 = arith.constant 1.17549435E-38 : f32
    %add3A_21 = vector.broadcast %add3A_20 : f32 to vector<8x2048xf32>
    %add3A_22 = arith.addf %sub3A_19, %add3A_21 : vector<8x2048xf32>
    %log3A = math.log %add3A_22 : vector<8x2048xf32>
    %neg3A = arith.constant 0.000000e+00 : f32
    %neg3A_23 = vector.broadcast %neg3A : f32 to vector<8x2048xf32>
    %neg3A_24 = arith.subf %neg3A_23, %log3A : vector<8x2048xf32>
    %log3A_25 = math.log %neg3A_24 : vector<8x2048xf32>
    %neg3A_26 = arith.constant 0.000000e+00 : f32
    %neg3A_27 = vector.broadcast %neg3A_26 : f32 to vector<8x2048xf32>
    %neg3A_28 = arith.subf %neg3A_27, %log3A_25 : vector<8x2048xf32>
    %add3A_29 = arith.addf %get3A_10, %neg3A_28 : vector<8x2048xf32>
    %add3A_30 = arith.constant 98304 : i32
    %add3A_31 = vector.broadcast %add3A_30 : i32 to vector<8x2048xi32>
    %add3A_32 = arith.addi %iota3A, %add3A_31 : vector<8x2048xi32>
    %lt3A = arith.constant 100000 : i32
    %lt3A_33 = vector.broadcast %lt3A : i32 to vector<8x2048xi32>
    %lt3A_34 = arith.cmpi slt, %add3A_32, %lt3A_33 : vector<8x2048xi32>
    %jit3A = arith.constant 0xFF800000 : f32
    %broadcast_in_dim3A_35 = vector.broadcast %jit3A : f32 to vector<8x2048xf32>
    %select_n3A = arith.select %lt3A_34, %add3A_29, %broadcast_in_dim3A_35 : vector<8x2048xi1>, vector<8x2048xf32>
    %gt3A = arith.cmpf ogt, %select_n3A, %scan3A_7#0 : vector<8x2048xf32>
    %select_n3A_36 = arith.select %gt3A, %select_n3A, %scan3A_7#0 : vector<8x2048xi1>, vector<8x2048xf32>
    %jit3A_37 = arith.constant 48 : i32
    %broadcast_in_dim3A_38 = vector.broadcast %jit3A_37 : i32 to vector<8x2048xi32>
    %select_n3A_39 = arith.select %gt3A, %broadcast_in_dim3A_38, %scan3A_7#1 : vector<8x2048xi1>, vector<8x2048xi32>
    %mul3A = arith.constant 2048 : i32
    %mul3A_40 = vector.broadcast %mul3A : i32 to vector<8x2048xi32>
    %mul3A_41 = arith.muli %select_n3A_39, %mul3A_40 : vector<8x2048xi32>
    %add3A_42 = arith.addi %mul3A_41, %iota3A : vector<8x2048xi32>
    %reduce_max3A = arith.constant dense<0xFF800000> : vector<8xf32>
    %reduce_max3A_43 = vector.multi_reduction <maximumf>, %select_n3A_36, %reduce_max3A [1] : vector<8x2048xf32> to vector<8xf32>
    %broadcast_in_dim3A_44 = vector.shape_cast %reduce_max3A_43 : vector<8xf32> to vector<8x1xf32>
    %eq3A = vector.broadcast %broadcast_in_dim3A_44 : vector<8x1xf32> to vector<8x2048xf32>
    %eq3A_45 = arith.cmpf oeq, %select_n3A_36, %eq3A : vector<8x2048xf32>
    %jit3A_46 = arith.constant 2147483647 : i32
    %broadcast_in_dim3A_47 = vector.broadcast %jit3A_46 : i32 to vector<8x2048xi32>
    %select_n3A_48 = arith.select %eq3A_45, %add3A_42, %broadcast_in_dim3A_47 : vector<8x2048xi1>, vector<8x2048xi32>
    %reduce_min3A = arith.constant dense<2147483647> : vector<8xi32>
    %reduce_min3A_49 = vector.multi_reduction <minsi>, %select_n3A_48, %reduce_min3A [1] : vector<8x2048xi32> to vector<8xi32>
    %broadcast_in_dim3A_50 = vector.shape_cast %reduce_min3A_49 : vector<8xi32> to vector<8x1xi32>
    %convert_element_type3A = arith.sitofp %broadcast_in_dim3A_50 : vector<8x1xi32> to vector<8x1xf32>
    %iota3A_51 = tpu.iota {dimensions = array<i32: 0>} : vector<8x1xi32>
    %mul3A_52 = arith.constant 8 : i32
    %mul3A_53 = arith.muli %add3A_0, %mul3A_52 : i32
    %add3A_54 = vector.broadcast %mul3A_53 : i32 to vector<8x1xi32>
    %add3A_55 = arith.addi %iota3A_51, %add3A_54 : vector<8x1xi32>
    %get3A_56 = arith.constant 2 : index
    %get3A_57 = memref.load %arg1[%get3A_56] : memref<6xi32, #tpu.memory_space<smem>>
    %get3A_58 = arith.constant 3 : index
    %get3A_59 = memref.load %arg1[%get3A_58] : memref<6xi32, #tpu.memory_space<smem>>
    %xor3A = arith.xori %get3A_57, %get3A_59 : i32
    %xor3A_60 = arith.constant 466688986 : i32
    %xor3A_61 = arith.xori %xor3A, %xor3A_60 : i32
    %add3A_62 = vector.broadcast %get3A_59 : i32 to vector<8x1xi32>
    %add3A_63 = arith.addi %add3A_55, %add3A_62 : vector<8x1xi32>
    %add3A_64 = vector.broadcast %get3A_57 : i32 to vector<8x1xi32>
    %add3A_65 = arith.addi %add3A_64, %add3A_63 : vector<8x1xi32>
    %shift_left3A = arith.constant 13 : i32
    %shift_left3A_66 = vector.broadcast %shift_left3A : i32 to vector<8x1xi32>
    %shift_left3A_67 = arith.shli %add3A_63, %shift_left3A_66 : vector<8x1xi32>
    %shift_right_logical3A_68 = arith.constant 19 : i32
    %shift_right_logical3A_69 = vector.broadcast %shift_right_logical3A_68 : i32 to vector<8x1xi32>
    %shift_right_logical3A_70 = arith.shrui %add3A_63, %shift_right_logical3A_69 : vector<8x1xi32>
    %or3A_71 = arith.ori %shift_left3A_67, %shift_right_logical3A_70 : vector<8x1xi32>
    %xor3A_72 = arith.xori %or3A_71, %add3A_65 : vector<8x1xi32>
    %add3A_73 = arith.addi %add3A_65, %xor3A_72 : vector<8x1xi32>
    %shift_left3A_74 = arith.constant 15 : i32
    %shift_left3A_75 = vector.broadcast %shift_left3A_74 : i32 to vector<8x1xi32>
    %shift_left3A_76 = arith.shli %xor3A_72, %shift_left3A_75 : vector<8x1xi32>
    %shift_right_logical3A_77 = arith.constant 17 : i32
    %shift_right_logical3A_78 = vector.broadcast %shift_right_logical3A_77 : i32 to vector<8x1xi32>
    %shift_right_logical3A_79 = arith.shrui %xor3A_72, %shift_right_logical3A_78 : vector<8x1xi32>
    %or3A_80 = arith.ori %shift_left3A_76, %shift_right_logical3A_79 : vector<8x1xi32>
    %xor3A_81 = arith.xori %or3A_80, %add3A_73 : vector<8x1xi32>
    %add3A_82 = arith.addi %add3A_73, %xor3A_81 : vector<8x1xi32>
    %shift_left3A_83 = arith.constant 26 : i32
    %shift_left3A_84 = vector.broadcast %shift_left3A_83 : i32 to vector<8x1xi32>
    %shift_left3A_85 = arith.shli %xor3A_81, %shift_left3A_84 : vector<8x1xi32>
    %shift_right_logical3A_86 = arith.constant 6 : i32
    %shift_right_logical3A_87 = vector.broadcast %shift_right_logical3A_86 : i32 to vector<8x1xi32>
    %shift_right_logical3A_88 = arith.shrui %xor3A_81, %shift_right_logical3A_87 : vector<8x1xi32>
    %or3A_89 = arith.ori %shift_left3A_85, %shift_right_logical3A_88 : vector<8x1xi32>
    %xor3A_90 = arith.xori %or3A_89, %add3A_82 : vector<8x1xi32>
    %add3A_91 = arith.addi %add3A_82, %xor3A_90 : vector<8x1xi32>
    %shift_left3A_92 = arith.constant 6 : i32
    %shift_left3A_93 = vector.broadcast %shift_left3A_92 : i32 to vector<8x1xi32>
    %shift_left3A_94 = arith.shli %xor3A_90, %shift_left3A_93 : vector<8x1xi32>
    %shift_right_logical3A_95 = arith.constant 26 : i32
    %shift_right_logical3A_96 = vector.broadcast %shift_right_logical3A_95 : i32 to vector<8x1xi32>
    %shift_right_logical3A_97 = arith.shrui %xor3A_90, %shift_right_logical3A_96 : vector<8x1xi32>
    %or3A_98 = arith.ori %shift_left3A_94, %shift_right_logical3A_97 : vector<8x1xi32>
    %xor3A_99 = arith.xori %or3A_98, %add3A_91 : vector<8x1xi32>
    %add3A_100 = vector.broadcast %get3A_59 : i32 to vector<8x1xi32>
    %add3A_101 = arith.addi %add3A_91, %add3A_100 : vector<8x1xi32>
    %add3A_102 = vector.broadcast %xor3A_61 : i32 to vector<8x1xi32>
    %add3A_103 = arith.addi %xor3A_99, %add3A_102 : vector<8x1xi32>
    %add3A_104 = arith.constant 1 : i32
    %add3A_105 = vector.broadcast %add3A_104 : i32 to vector<8x1xi32>
    %add3A_106 = arith.addi %add3A_103, %add3A_105 : vector<8x1xi32>
    %add3A_107 = arith.addi %add3A_101, %add3A_106 : vector<8x1xi32>
    %shift_left3A_108 = arith.constant 17 : i32
    %shift_left3A_109 = vector.broadcast %shift_left3A_108 : i32 to vector<8x1xi32>
    %shift_left3A_110 = arith.shli %add3A_106, %shift_left3A_109 : vector<8x1xi32>
    %shift_right_logical3A_111 = arith.constant 15 : i32
    %shift_right_logical3A_112 = vector.broadcast %shift_right_logical3A_111 : i32 to vector<8x1xi32>
    %shift_right_logical3A_113 = arith.shrui %add3A_106, %shift_right_logical3A_112 : vector<8x1xi32>
    %or3A_114 = arith.ori %shift_left3A_110, %shift_right_logical3A_113 : vector<8x1xi32>
    %xor3A_115 = arith.xori %or3A_114, %add3A_107 : vector<8x1xi32>
    %add3A_116 = arith.addi %add3A_107, %xor3A_115 : vector<8x1xi32>
    %shift_left3A_117 = arith.constant 29 : i32
    %shift_left3A_118 = vector.broadcast %shift_left3A_117 : i32 to vector<8x1xi32>
    %shift_left3A_119 = arith.shli %xor3A_115, %shift_left3A_118 : vector<8x1xi32>
    %shift_right_logical3A_120 = arith.constant 3 : i32
    %shift_right_logical3A_121 = vector.broadcast %shift_right_logical3A_120 : i32 to vector<8x1xi32>
    %shift_right_logical3A_122 = arith.shrui %xor3A_115, %shift_right_logical3A_121 : vector<8x1xi32>
    %or3A_123 = arith.ori %shift_left3A_119, %shift_right_logical3A_122 : vector<8x1xi32>
    %xor3A_124 = arith.xori %or3A_123, %add3A_116 : vector<8x1xi32>
    %add3A_125 = arith.addi %add3A_116, %xor3A_124 : vector<8x1xi32>
    %shift_left3A_126 = arith.constant 16 : i32
    %shift_left3A_127 = vector.broadcast %shift_left3A_126 : i32 to vector<8x1xi32>
    %shift_left3A_128 = arith.shli %xor3A_124, %shift_left3A_127 : vector<8x1xi32>
    %shift_right_logical3A_129 = arith.constant 16 : i32
    %shift_right_logical3A_130 = vector.broadcast %shift_right_logical3A_129 : i32 to vector<8x1xi32>
    %shift_right_logical3A_131 = arith.shrui %xor3A_124, %shift_right_logical3A_130 : vector<8x1xi32>
    %or3A_132 = arith.ori %shift_left3A_128, %shift_right_logical3A_131 : vector<8x1xi32>
    %xor3A_133 = arith.xori %or3A_132, %add3A_125 : vector<8x1xi32>
    %add3A_134 = arith.addi %add3A_125, %xor3A_133 : vector<8x1xi32>
    %shift_left3A_135 = arith.constant 24 : i32
    %shift_left3A_136 = vector.broadcast %shift_left3A_135 : i32 to vector<8x1xi32>
    %shift_left3A_137 = arith.shli %xor3A_133, %shift_left3A_136 : vector<8x1xi32>
    %shift_right_logical3A_138 = arith.constant 8 : i32
    %shift_right_logical3A_139 = vector.broadcast %shift_right_logical3A_138 : i32 to vector<8x1xi32>
    %shift_right_logical3A_140 = arith.shrui %xor3A_133, %shift_right_logical3A_139 : vector<8x1xi32>
    %or3A_141 = arith.ori %shift_left3A_137, %shift_right_logical3A_140 : vector<8x1xi32>
    %xor3A_142 = arith.xori %or3A_141, %add3A_134 : vector<8x1xi32>
    %add3A_143 = vector.broadcast %xor3A_61 : i32 to vector<8x1xi32>
    %add3A_144 = arith.addi %add3A_134, %add3A_143 : vector<8x1xi32>
    %add3A_145 = vector.broadcast %get3A_57 : i32 to vector<8x1xi32>
    %add3A_146 = arith.addi %xor3A_142, %add3A_145 : vector<8x1xi32>
    %add3A_147 = arith.constant 2 : i32
    %add3A_148 = vector.broadcast %add3A_147 : i32 to vector<8x1xi32>
    %add3A_149 = arith.addi %add3A_146, %add3A_148 : vector<8x1xi32>
    %add3A_150 = arith.addi %add3A_144, %add3A_149 : vector<8x1xi32>
    %shift_left3A_151 = arith.constant 13 : i32
    %shift_left3A_152 = vector.broadcast %shift_left3A_151 : i32 to vector<8x1xi32>
    %shift_left3A_153 = arith.shli %add3A_149, %shift_left3A_152 : vector<8x1xi32>
    %shift_right_logical3A_154 = arith.constant 19 : i32
    %shift_right_logical3A_155 = vector.broadcast %shift_right_logical3A_154 : i32 to vector<8x1xi32>
    %shift_right_logical3A_156 = arith.shrui %add3A_149, %shift_right_logical3A_155 : vector<8x1xi32>
    %or3A_157 = arith.ori %shift_left3A_153, %shift_right_logical3A_156 : vector<8x1xi32>
    %xor3A_158 = arith.xori %or3A_157, %add3A_150 : vector<8x1xi32>
    %add3A_159 = arith.addi %add3A_150, %xor3A_158 : vector<8x1xi32>
    %shift_left3A_160 = arith.constant 15 : i32
    %shift_left3A_161 = vector.broadcast %shift_left3A_160 : i32 to vector<8x1xi32>
    %shift_left3A_162 = arith.shli %xor3A_158, %shift_left3A_161 : vector<8x1xi32>
    %shift_right_logical3A_163 = arith.constant 17 : i32
    %shift_right_logical3A_164 = vector.broadcast %shift_right_logical3A_163 : i32 to vector<8x1xi32>
    %shift_right_logical3A_165 = arith.shrui %xor3A_158, %shift_right_logical3A_164 : vector<8x1xi32>
    %or3A_166 = arith.ori %shift_left3A_162, %shift_right_logical3A_165 : vector<8x1xi32>
    %xor3A_167 = arith.xori %or3A_166, %add3A_159 : vector<8x1xi32>
    %add3A_168 = arith.addi %add3A_159, %xor3A_167 : vector<8x1xi32>
    %shift_left3A_169 = arith.constant 26 : i32
    %shift_left3A_170 = vector.broadcast %shift_left3A_169 : i32 to vector<8x1xi32>
    %shift_left3A_171 = arith.shli %xor3A_167, %shift_left3A_170 : vector<8x1xi32>
    %shift_right_logical3A_172 = arith.constant 6 : i32
    %shift_right_logical3A_173 = vector.broadcast %shift_right_logical3A_172 : i32 to vector<8x1xi32>
    %shift_right_logical3A_174 = arith.shrui %xor3A_167, %shift_right_logical3A_173 : vector<8x1xi32>
    %or3A_175 = arith.ori %shift_left3A_171, %shift_right_logical3A_174 : vector<8x1xi32>
    %xor3A_176 = arith.xori %or3A_175, %add3A_168 : vector<8x1xi32>
    %add3A_177 = arith.addi %add3A_168, %xor3A_176 : vector<8x1xi32>
    %shift_left3A_178 = arith.constant 6 : i32
    %shift_left3A_179 = vector.broadcast %shift_left3A_178 : i32 to vector<8x1xi32>
    %shift_left3A_180 = arith.shli %xor3A_176, %shift_left3A_179 : vector<8x1xi32>
    %shift_right_logical3A_181 = arith.constant 26 : i32
    %shift_right_logical3A_182 = vector.broadcast %shift_right_logical3A_181 : i32 to vector<8x1xi32>
    %shift_right_logical3A_183 = arith.shrui %xor3A_176, %shift_right_logical3A_182 : vector<8x1xi32>
    %or3A_184 = arith.ori %shift_left3A_180, %shift_right_logical3A_183 : vector<8x1xi32>
    %xor3A_185 = arith.xori %or3A_184, %add3A_177 : vector<8x1xi32>
    %add3A_186 = vector.broadcast %get3A_57 : i32 to vector<8x1xi32>
    %add3A_187 = arith.addi %add3A_177, %add3A_186 : vector<8x1xi32>
    %add3A_188 = vector.broadcast %get3A_59 : i32 to vector<8x1xi32>
    %add3A_189 = arith.addi %xor3A_185, %add3A_188 : vector<8x1xi32>
    %add3A_190 = arith.constant 3 : i32
    %add3A_191 = vector.broadcast %add3A_190 : i32 to vector<8x1xi32>
    %add3A_192 = arith.addi %add3A_189, %add3A_191 : vector<8x1xi32>
    %add3A_193 = arith.addi %add3A_187, %add3A_192 : vector<8x1xi32>
    %shift_left3A_194 = arith.constant 17 : i32
    %shift_left3A_195 = vector.broadcast %shift_left3A_194 : i32 to vector<8x1xi32>
    %shift_left3A_196 = arith.shli %add3A_192, %shift_left3A_195 : vector<8x1xi32>
    %shift_right_logical3A_197 = arith.constant 15 : i32
    %shift_right_logical3A_198 = vector.broadcast %shift_right_logical3A_197 : i32 to vector<8x1xi32>
    %shift_right_logical3A_199 = arith.shrui %add3A_192, %shift_right_logical3A_198 : vector<8x1xi32>
    %or3A_200 = arith.ori %shift_left3A_196, %shift_right_logical3A_199 : vector<8x1xi32>
    %xor3A_201 = arith.xori %or3A_200, %add3A_193 : vector<8x1xi32>
    %add3A_202 = arith.addi %add3A_193, %xor3A_201 : vector<8x1xi32>
    %shift_left3A_203 = arith.constant 29 : i32
    %shift_left3A_204 = vector.broadcast %shift_left3A_203 : i32 to vector<8x1xi32>
    %shift_left3A_205 = arith.shli %xor3A_201, %shift_left3A_204 : vector<8x1xi32>
    %shift_right_logical3A_206 = arith.constant 3 : i32
    %shift_right_logical3A_207 = vector.broadcast %shift_right_logical3A_206 : i32 to vector<8x1xi32>
    %shift_right_logical3A_208 = arith.shrui %xor3A_201, %shift_right_logical3A_207 : vector<8x1xi32>
    %or3A_209 = arith.ori %shift_left3A_205, %shift_right_logical3A_208 : vector<8x1xi32>
    %xor3A_210 = arith.xori %or3A_209, %add3A_202 : vector<8x1xi32>
    %add3A_211 = arith.addi %add3A_202, %xor3A_210 : vector<8x1xi32>
    %shift_left3A_212 = arith.constant 16 : i32
    %shift_left3A_213 = vector.broadcast %shift_left3A_212 : i32 to vector<8x1xi32>
    %shift_left3A_214 = arith.shli %xor3A_210, %shift_left3A_213 : vector<8x1xi32>
    %shift_right_logical3A_215 = arith.constant 16 : i32
    %shift_right_logical3A_216 = vector.broadcast %shift_right_logical3A_215 : i32 to vector<8x1xi32>
    %shift_right_logical3A_217 = arith.shrui %xor3A_210, %shift_right_logical3A_216 : vector<8x1xi32>
    %or3A_218 = arith.ori %shift_left3A_214, %shift_right_logical3A_217 : vector<8x1xi32>
    %xor3A_219 = arith.xori %or3A_218, %add3A_211 : vector<8x1xi32>
    %add3A_220 = arith.addi %add3A_211, %xor3A_219 : vector<8x1xi32>
    %shift_left3A_221 = arith.constant 24 : i32
    %shift_left3A_222 = vector.broadcast %shift_left3A_221 : i32 to vector<8x1xi32>
    %shift_left3A_223 = arith.shli %xor3A_219, %shift_left3A_222 : vector<8x1xi32>
    %shift_right_logical3A_224 = arith.constant 8 : i32
    %shift_right_logical3A_225 = vector.broadcast %shift_right_logical3A_224 : i32 to vector<8x1xi32>
    %shift_right_logical3A_226 = arith.shrui %xor3A_219, %shift_right_logical3A_225 : vector<8x1xi32>
    %or3A_227 = arith.ori %shift_left3A_223, %shift_right_logical3A_226 : vector<8x1xi32>
    %xor3A_228 = arith.xori %or3A_227, %add3A_220 : vector<8x1xi32>
    %add3A_229 = vector.broadcast %get3A_59 : i32 to vector<8x1xi32>
    %add3A_230 = arith.addi %add3A_220, %add3A_229 : vector<8x1xi32>
    %add3A_231 = vector.broadcast %xor3A_61 : i32 to vector<8x1xi32>
    %add3A_232 = arith.addi %xor3A_228, %add3A_231 : vector<8x1xi32>
    %add3A_233 = arith.constant 4 : i32
    %add3A_234 = vector.broadcast %add3A_233 : i32 to vector<8x1xi32>
    %add3A_235 = arith.addi %add3A_232, %add3A_234 : vector<8x1xi32>
    %add3A_236 = arith.addi %add3A_230, %add3A_235 : vector<8x1xi32>
    %shift_left3A_237 = arith.constant 13 : i32
    %shift_left3A_238 = vector.broadcast %shift_left3A_237 : i32 to vector<8x1xi32>
    %shift_left3A_239 = arith.shli %add3A_235, %shift_left3A_238 : vector<8x1xi32>
    %shift_right_logical3A_240 = arith.constant 19 : i32
    %shift_right_logical3A_241 = vector.broadcast %shift_right_logical3A_240 : i32 to vector<8x1xi32>
    %shift_right_logical3A_242 = arith.shrui %add3A_235, %shift_right_logical3A_241 : vector<8x1xi32>
    %or3A_243 = arith.ori %shift_left3A_239, %shift_right_logical3A_242 : vector<8x1xi32>
    %xor3A_244 = arith.xori %or3A_243, %add3A_236 : vector<8x1xi32>
    %add3A_245 = arith.addi %add3A_236, %xor3A_244 : vector<8x1xi32>
    %shift_left3A_246 = arith.constant 15 : i32
    %shift_left3A_247 = vector.broadcast %shift_left3A_246 : i32 to vector<8x1xi32>
    %shift_left3A_248 = arith.shli %xor3A_244, %shift_left3A_247 : vector<8x1xi32>
    %shift_right_logical3A_249 = arith.constant 17 : i32
    %shift_right_logical3A_250 = vector.broadcast %shift_right_logical3A_249 : i32 to vector<8x1xi32>
    %shift_right_logical3A_251 = arith.shrui %xor3A_244, %shift_right_logical3A_250 : vector<8x1xi32>
    %or3A_252 = arith.ori %shift_left3A_248, %shift_right_logical3A_251 : vector<8x1xi32>
    %xor3A_253 = arith.xori %or3A_252, %add3A_245 : vector<8x1xi32>
    %add3A_254 = arith.addi %add3A_245, %xor3A_253 : vector<8x1xi32>
    %shift_left3A_255 = arith.constant 26 : i32
    %shift_left3A_256 = vector.broadcast %shift_left3A_255 : i32 to vector<8x1xi32>
    %shift_left3A_257 = arith.shli %xor3A_253, %shift_left3A_256 : vector<8x1xi32>
    %shift_right_logical3A_258 = arith.constant 6 : i32
    %shift_right_logical3A_259 = vector.broadcast %shift_right_logical3A_258 : i32 to vector<8x1xi32>
    %shift_right_logical3A_260 = arith.shrui %xor3A_253, %shift_right_logical3A_259 : vector<8x1xi32>
    %or3A_261 = arith.ori %shift_left3A_257, %shift_right_logical3A_260 : vector<8x1xi32>
    %xor3A_262 = arith.xori %or3A_261, %add3A_254 : vector<8x1xi32>
    %add3A_263 = arith.addi %add3A_254, %xor3A_262 : vector<8x1xi32>
    %shift_left3A_264 = arith.constant 6 : i32
    %shift_left3A_265 = vector.broadcast %shift_left3A_264 : i32 to vector<8x1xi32>
    %shift_left3A_266 = arith.shli %xor3A_262, %shift_left3A_265 : vector<8x1xi32>
    %shift_right_logical3A_267 = arith.constant 26 : i32
    %shift_right_logical3A_268 = vector.broadcast %shift_right_logical3A_267 : i32 to vector<8x1xi32>
    %shift_right_logical3A_269 = arith.shrui %xor3A_262, %shift_right_logical3A_268 : vector<8x1xi32>
    %or3A_270 = arith.ori %shift_left3A_266, %shift_right_logical3A_269 : vector<8x1xi32>
    %xor3A_271 = arith.xori %or3A_270, %add3A_263 : vector<8x1xi32>
    %add3A_272 = vector.broadcast %xor3A_61 : i32 to vector<8x1xi32>
    %add3A_273 = arith.addi %add3A_263, %add3A_272 : vector<8x1xi32>
    %add3A_274 = vector.broadcast %get3A_57 : i32 to vector<8x1xi32>
    %add3A_275 = arith.addi %xor3A_271, %add3A_274 : vector<8x1xi32>
    %add3A_276 = arith.constant 5 : i32
    %add3A_277 = vector.broadcast %add3A_276 : i32 to vector<8x1xi32>
    %add3A_278 = arith.addi %add3A_275, %add3A_277 : vector<8x1xi32>
    %xor3A_279 = arith.xori %add3A_273, %add3A_278 : vector<8x1xi32>
    %shift_right_logical3A_280 = arith.constant 9 : i32
    %shift_right_logical3A_281 = vector.broadcast %shift_right_logical3A_280 : i32 to vector<8x1xi32>
    %shift_right_logical3A_282 = arith.shrui %xor3A_279, %shift_right_logical3A_281 : vector<8x1xi32>
    %or3A_283 = arith.constant 1065353216 : i32
    %or3A_284 = vector.broadcast %or3A_283 : i32 to vector<8x1xi32>
    %or3A_285 = arith.ori %shift_right_logical3A_282, %or3A_284 : vector<8x1xi32>
    %bitcast_convert_type3A_286 = tpu.bitcast %or3A_285 : vector<8x1xi32> -> vector<8x1xf32>
    %sub3A_287 = arith.constant 1.000000e+00 : f32
    %sub3A_288 = vector.broadcast %sub3A_287 : f32 to vector<8x1xf32>
    %sub3A_289 = arith.subf %bitcast_convert_type3A_286, %sub3A_288 : vector<8x1xf32>
    %max3A = arith.constant 0.000000e+00 : f32
    %max3A_290 = vector.broadcast %max3A : f32 to vector<8x1xf32>
    %max3A_291 = arith.maximumf %max3A_290, %sub3A_289 : vector<8x1xf32>
    %get3A_292 = arith.constant 0 : index
    %get3A_293 = arith.constant 0 : index
    %get3A_294 = vector.load %arg3[%get3A_292, %get3A_293] : memref<8x32xf32, #tpu.memory_space<vmem>>, vector<8x32xf32>
    %iota3A_295 = tpu.iota {dimensions = array<i32: 1>} : vector<8x32xi32>
    %get3A_296 = arith.constant 4 : index
    %get3A_297 = memref.load %arg1[%get3A_296] : memref<6xi32, #tpu.memory_space<smem>>
    %eq3A_298 = vector.broadcast %get3A_297 : i32 to vector<8x32xi32>
    %eq3A_299 = arith.cmpi eq, %iota3A_295, %eq3A_298 : vector<8x32xi32>
    %jit3A_300 = arith.constant 0.000000e+00 : f32
    %broadcast_in_dim3A_301 = vector.broadcast %jit3A_300 : f32 to vector<8x32xf32>
    %select_n3A_302 = arith.select %eq3A_299, %get3A_294, %broadcast_in_dim3A_301 : vector<8x32xi1>, vector<8x32xf32>
    %reduce_sum3A = arith.constant dense<0.000000e+00> : vector<8xf32>
    %reduce_sum3A_303 = vector.multi_reduction <add>, %select_n3A_302, %reduce_sum3A [1] : vector<8x32xf32> to vector<8xf32>
    %broadcast_in_dim3A_304 = vector.shape_cast %reduce_sum3A_303 : vector<8xf32> to vector<8x1xf32>
    %get3A_305 = arith.constant 5 : index
    %get3A_306 = memref.load %arg1[%get3A_305] : memref<6xi32, #tpu.memory_space<smem>>
    %bitcast_convert_type3A_307 = arith.bitcast %get3A_306 : i32 to f32
    %lt3A_308 = vector.broadcast %bitcast_convert_type3A_307 : f32 to vector<8x1xf32>
    %lt3A_309 = arith.cmpf olt, %max3A_291, %lt3A_308 : vector<8x1xf32>
    %select_n3A_310 = arith.select %lt3A_309, %broadcast_in_dim3A_304, %convert_element_type3A : vector<8x1xi1>, vector<8x1xf32>
    %swap3A = arith.constant 0 : index
    %swap3A_311 = arith.constant 0 : index
    %swap3A_312 = vector.load %arg5[%swap3A, %swap3A_311] : memref<8x1xf32, #tpu.memory_space<vmem>>, vector<8x1xf32>
    tpu.vector_store %arg5[%swap3A, %swap3A_311], %select_n3A_310 {strides = array<i32>} : memref<8x1xf32, #tpu.memory_space<vmem>>, vector<8x1xf32>,
    return
  }
  func.func @transform_0(%arg0: i32) -> i32 {
    %c0_i32 = arith.constant 0 : i32
    %c0_i32_0 = arith.constant 0 : i32
    return %c0_i32 : i32
  }
  func.func @transform_1(%arg0: i32) -> (i32, i32) {
    %add3A = arith.constant 11 : i32
    %add3A_0 = arith.addi %arg0, %add3A : i32
    %c0_i32 = arith.constant 0 : i32
    %c0_i32_1 = arith.constant 0 : i32
    return %add3A_0, %c0_i32 : i32, i32
  }
  func.func @transform_2(%arg0: i32) -> (i32, i32) {
    %add3A = arith.constant 11 : i32
    %add3A_0 = arith.addi %arg0, %add3A : i32
    %c0_i32 = arith.constant 0 : i32
    %c0_i32_1 = arith.constant 0 : i32
    return %add3A_0, %c0_i32 : i32, i32
  }
  func.func @transform_3(%arg0: i32) -> (i32, i32) {
    %c0_i32 = arith.constant 0 : i32
    %c0_i32_0 = arith.constant 0 : i32
    return %arg0, %c0_i32 : i32, i32
  }
  func.func @transform_4(%arg0: i32) -> (i32, i32) {
    %c0_i32 = arith.constant 0 : i32
    %c0_i32_0 = arith.constant 0 : i32
    return %arg0, %c0_i32 : i32, i32
  }
}

</mosaic_0001>

<sc_bundles>
// kernel: kernel.9.cloned.1.call-start
scs
__scs_entry_jumppad:
0x0: {  	(pc) =	sbr.rel $0x88, $3  }
0x1: {  	(tag) =	ssettag $0x0;
	lr =	simm.s32 $0x1  }
0x2: {  	[smem:$0x3F9D] =	sst lr;
	_ =	strace $0xD0000000  }
0x3: {  	_ = 	snop  }
0x4: {  	_ = 	snop  }
0x5: {  	_ = 	snop  }
0x6: {  	_ = 	snop  }
0x7: {  	_ = 	snop  }
__scs_overlays_trampoline_lowered:
0x8: {  	[smem:$0x3FAC] =	sst s0  }
0x9: {  	[smem:$0x3FAD] =	sst s1  }
0xa: {  	[smem:$0x3FAE] =	sst s2  }
0xb: {  	[smem:$0x3FAF] =	sst s3  }
0xc: {  	[smem:$0x3FB0] =	sst s4  }
0xd: {  	[smem:$0x3FB1] =	sst s5  }
0xe: {  	[smem:$0x3FB2] =	sst s6  }
0xf: {  	[smem:$0x3FB3] =	sst s7  }
0x10: {  	[smem:$0x3FB4] =	sst s8  }
0x11: {  	[smem:$0x3FB5] =	sst s9;
	s0 =	simm.s32 @!p0 $0x0  }
0x12: {  	s1 =	sld [smem:$0x3F9B];
	s0 =	simm.s32 @p0 $0x1  }
0x13: {  	[smem:$0x3FB6] =	sst s0;
	s0 =	simm.s32 @!p1 $0x0  }
0x14: {  	s2 =	sld [smem:$0x3F9A];
	s0 =	simm.s32 @p1 $0x1  }
0x15: {  	[smem:$0x3FB7] =	sst s0;
	s0 =	simm.s32 @!p2 $0x0  }
0x16: {  	s3 =	sld [smem:$0x3FDB];
	s0 =	simm.s32 @p2 $0x1  }
0x17: {  	s4 =	simm.s32 $0x1BF5;
	[smem:$0x3FB9] =	sst s0  }
0x18: {  	s0 =	sld [smem:$0x3F9C];
	_ =	swait.ge [sflag:s4], $0x0  }
0x19: {  	s7 =	sld [smem:$0x3F9D]  }
0x1a: {  	s8 =	sadd.s32 $0xFFFFE003, lr  }
0x1b: {  	s9 =	sadd.s32 $0xFFFFFEF7, lr;
	s5 =	simm.s32 $0xFFFFFFFF;
	p2 =	slt.u32 s8, $0xFFFFF086  }
0x1c: {  	p1 =	slt.u32 s9, $0xF7A;
	s5 =	simm.s32 @!p2 $0x0  }
0x1d: {  	s5 =	simm.s32 @p1 $0x1;
	p0 =	seq.s32 s7, s2  }
0x1e: {  	s7 =	smul.u32 @!p0 $0xF7A, s2;
	p2 =	seq.s32 @!p0 s5, $0x0  }
0x1f: {  	s9 =	smul.u32 $0xF7A, s1;
	s8 =	simm.s32 @!p0 $0x1BF5;
	p2 =	por !p2, p0  }
0x20: {  	[sflag:s8] =	ssyncset.s32 @!p0 $0xFFFFF086;
	s6 =	sadd.s32 @!p0 s3, s7;
	s7 =	simm.s32 @!p0 $0x108  }
0x21: {  	s3 =	sadd.s32 s3, s9;
	s6 =	sadd.s32 @!p0 $0x88, s6;
	s7 =	simm.s32 @p2 $0x1082  }
0x22: {  	[simem:s7], [sflag:s8] =	dma.local @!p0 [hbm:s6], $0xF7A  }
0x23: {  	s9 =	sor.u32 $0xD0000000, s2;
	s6 =	simm.s32 $0x108;
	_ =	swait.ge @!p0 [sflag:s8], $0x0  }
0x24: {  	s3 =	sadd.s32 $0x88, s3;
	s6 =	simm.s32 @!p1 $0x1082;
	[sflag:s4] =	ssyncset.s32 $0xFFFFF086  }
0x25: {  	[simem:s6], [sflag:s4] =	dma.local [hbm:s3], $0xF7A  }
0x26: {  	[smem:$0x3F9D] =	sst s1;
	(tag) =	ssettag s2;
	_ =	strace s9  }
0x27: {  	s1 =	sld [smem:$0x3FAD]  }
0x28: {  	s2 =	sld [smem:$0x3FAE]  }
0x29: {  	s4 =	sld [smem:$0x3FB0]  }
0x2a: {  	p0 =	seq.s32 s5, $0x0;
	s5 =	sld [smem:$0x3FB1]  }
0x2b: {  	s6 =	sld [smem:$0x3FB2]  }
0x2c: {  	s7 =	sld [smem:$0x3FB3]  }
0x2d: {  	s3 =	simm.s32 $0x108;
	s8 =	sld [smem:$0x3FB4]  }
0x2e: {  	s3 =	simm.s32 @!p0 $0x1082;
	s9 =	sld [smem:$0x3FB5]  }
0x2f: {  	lr =	sadd.s32 s0, s3;
	s0 =	sld [smem:$0x3FAC]  }
0x30: {  	s3 =	sld [smem:$0x3FAF]  }
0x31: {  	[smem:$0x3FB8] =	sst s10  }
0x32: {  	s10 =	sld [smem:$0x3FB6];
	_ =	sdelay $0x3  }
0x33: {  	p0 =	seq.s32 s10, $0x1;
	s10 =	sld [smem:$0x3FB8];
	_ =	sdelay $0x3  }
0x34: {  	[smem:$0x3FB8] =	sst s10  }
0x35: {  	s10 =	sld [smem:$0x3FB7];
	_ =	sdelay $0x3  }
0x36: {  	p1 =	seq.s32 s10, $0x1;
	s10 =	sld [smem:$0x3FB8];
	_ =	sdelay $0x3  }
0x37: {  	[smem:$0x3FB8] =	sst s10  }
0x38: {  	s10 =	sld [smem:$0x3FB9]  }
0x39: {  	_ = 	snop;
	(pc) =	sbr.ind lr, $3  }
0x3a: {  	_ = 	snop  }
0x3b: {  	_ = 	snop  }
0x3c: {  	p2 =	seq.s32 s10, $0x1;
	s10 =	sld [smem:$0x3FB8]  }
0x3d: {  	_ =	shalt  }
0x3e: {  	_ =	shalt  }
0x3f: {  	_ =	shalt  }
0x40: {  	_ =	shalt  }
0x41: {  	_ =	shalt  }
0x42: {  	_ =	shalt  }
0x43: {  	_ =	shalt  }
0x44: {  	_ =	shalt  }
0x45: {  	_ =	shalt  }
0x46: {  	_ =	shalt  }
0x47: {  	_ =	shalt  }
0x48: {  	_ =	shalt  }
0x49: {  	_ =	shalt  }
0x4a: {  	_ =	shalt  }
0x4b: {  	_ =	shalt  }
0x4c: {  	_ =	shalt  }
0x4d: {  	_ =	shalt  }
0x4e: {  	_ =	shalt  }
0x4f: {  	_ =	shalt  }
0x50: {  	_ =	shalt  }
0x51: {  	_ =	shalt  }
0x52: {  	_ =	shalt  }
0x53: {  	_ =	shalt  }
0x54: {  	_ =	shalt  }
0x55: {  	_ =	shalt  }
0x56: {  	_ =	shalt  }
0x57: {  	_ =	shalt  }
0x58: {  	_ =	shalt  }
0x59: {  	_ =	shalt  }
0x5a: {  	_ =	shalt  }
0x5b: {  	_ =	shalt  }
0x5c: {  	_ =	shalt  }
0x5d: {  	_ =	shalt  }
0x5e: {  	_ =	shalt  }
0x5f: {  	_ =	shalt  }
0x60: {  	_ =	shalt  }
0x61: {  	_ =	shalt  }
0x62: {  	_ =	shalt  }
0x63: {  	_ =	shalt  }
0x64: {  	_ =	shalt  }
0x65: {  	_ =	shalt  }
0x66: {  	_ =	shalt  }
0x67: {  	_ =	shalt  }
0x68: {  	_ =	shalt  }
0x69: {  	_ =	shalt  }
0x6a: {  	_ =	shalt  }
0x6b: {  	_ =	shalt  }
0x6c: {  	_ =	shalt  }
0x6d: {  	_ =	shalt  }
0x6e: {  	_ =	shalt  }
0x6f: {  	_ =	shalt  }
0x70: {  	_ =	shalt  }
0x71: {  	_ =	shalt  }
0x72: {  	_ =	shalt  }
0x73: {  	_ =	shalt  }
0x74: {  	_ =	shalt  }
0x75: {  	_ =	shalt  }
0x76: {  	_ =	shalt  }
0x77: {  	_ =	shalt  }
0x78: {  	_ =	shalt  }
0x79: {  	_ =	shalt  }
0x7a: {  	_ =	shalt  }
0x7b: {  	_ =	shalt  }
0x7c: {  	_ =	shalt  }
0x7d: {  	_ =	shalt  }
0x7e: {  	_ =	shalt  }
0x7f: {  	_ =	shalt  }
0x80: {  	_ =	shalt  }
0x81: {  	_ =	shalt  }
0x82: {  	_ =	shalt  }
0x83: {  	_ =	shalt  }
0x84: {  	_ =	shalt  }
0x85: {  	_ =	shalt  }
0x86: {  	_ =	shalt  }
0x87: {  	_ =	shalt  }
.Lfunc_end0:
.L_simem_size_0:
called_computation_lowered:
.L_overlay_start_0:
0x88: {  	s2 =	sld [smem:$0x3FD9]  }
0x89: {  	s3 =	sld [smem:$0x3FFE];
	_ =	sdelay $0x1  }
0x8a: {  	s1 =	srdreg.scid  }
0x8b: {  	s0 =	sand.u32 $0x1, s1  }
0x8c: {  	s16 =	sshll.u32 s0, $0xA;
	s2 =	sadd.s32 s3, s2  }
0x8d: {  	s2 =	sadd.s32 s2, s16  }
0x8e: {  	[smem:$0x3FC4] =	sst s2  }
0x8f: {  	_ = 	snop  }
0x90: {  	(tm) =	ssettm $0x1  }
0x91: {  	s17 =	sld [smem:$0x3FFB];
	_ =	sdelay $0x3  }
0x92: {  	_ =	strace s17  }
0x93: {  	s2 =	sld [smem:$0x3FFC];
	_ =	sdelay $0x3  }
0x94: {  	_ =	strace s2  }
0x95: {  	s2 =	sld [smem:$0x3FFD];
	_ =	sdelay $0x3  }
0x96: {  	_ =	strace s2  }
0x97: {  	_ =	strace $0x8FFFFFFF  }
0x98: {  	s18 =	sld [smem:$0x3FDB];
	_ =	sdelay $0x1  }
0x99: {  	s19 =	simm.s32 $_scs_section_size  }
0x9a: {  	s4 =	simm.s32 $_size__tile_overlayer_lowered;
	s5 =	simm.s32 $_tile_overlayer_lowered  }
0x9b: {  	s22 =	simm.s32 $0x1BFF;
	s21 =	sshll.u32 s5, $0x1;
	s2 =	sadd.s32 s19, s18  }
0x9c: {  	s6 =	simm.s32 $0x0;
	s20 =	sshll.u32 s4, $0x1;
	s4 =	sadd.s32 s21, s2  }
0x9d: {  	[timem:s6], [sflag:s22] =	dma.local [hbm:s4], s20  }
0x9e: {  	_ =	swait.ge [sflag:s22], s20  }
0x9f: {  	s3 =	ssub.s32 $0x0, s20;
	[sflag:s22] =	ssyncset.done $0x0  }
0xa0: {  	[sflag:s22] =	ssyncadd.s32 s3;
	_ =	sdelay $0x1  }
0xa1: {  	s23 =	simm.s32 $0x1B8B  }
0xa2: {  	_ =	swait.ge [sflag:s23], $0x1  }
0xa3: {  	[sflag:s23] =	ssyncset.done $0x0  }
0xa4: {  	s25 =	simm.s32 $0x1B8E;
	s24 =	sld [smem:$0x3FFE];
	[sflag:s23] =	ssyncadd.s32 $0xFFFFFFFF  }
0xa5: {  	s26 =	simm.s32 $execute0_lowered;
	[smem:$0x3FD2] =	sst s25  }
0xa6: {  	s4 =	sshll.u32 s26, $0x1;
	_ =	strace $0x80000046;
	[dreg:$0x1] =	wrdreg $0xFFFFFFFF  }
0xa7: {  	s28 =	simm.s32 $_size_execute0_lowered;
	s2 =	sadd.s32 s2, s4;
	[dreg:$0x0] =	wrdreg $0x0  }
0xa8: {  	s4 =	sshll.u32 s28, $0x1;
	[dreg:$0x2] =	wrdreg s2  }
0xa9: {  	[dreg:$0x3] =	wrdreg s4  }
0xaa: {  	[dreg:$0x4] =	wrdreg $0xC0  }
0xab: {  	_ =	task [dreg:s6], $0x5FFFF  }
0xac: {  	[dreg:$0x1] =	wrdreg $0xFFFFFFFF  }
0xad: {  	[dreg:$0x0] =	wrdreg $0x60  }
0xae: {  	[dreg:$0x2] =	wrdreg s24  }
0xaf: {  	[dreg:$0x3] =	wrdreg $0x9  }
0xb0: {  	_ =	task.clear_ibuf [dreg:s6], $0x4FFFF;
	_ =	strace $0x90000046  }
0xb1: {  	s29 =	simm.s32 $0x9;
	_ =	strace $0x80000048  }
0xb2: {  	_ =	swait.ge [sflag:s29], $0x1  }
0xb3: {  	[sflag:s29] =	ssyncadd.s32 $0xFFFFFFFF  }
0xb4: {  	_ =	strace $0x90000048  }
0xb5: {  	_ =	sfence  }
0xb6: {  	s30 =	sld [smem:$0x0];
	_ =	sdelay $0x2  }
0xb7: {  	s31 =	sshll.u32 s1, $0xD;
	s1 =	sshrl.u32 s1, $0x2  }
0xb8: {  	s3 =	sand.u32 $0x4000, s31;
	s1 =	sadd.s32 s1, s30  }
0xb9: {  	s0 =	sor.u32 s3, s0;
	s1 =	sshll.u32 s1, $0x11  }
0xba: {  	s0 =	sor.u32 s1, s0  }
0xbb: {  	s0 =	sadd.s32 $0x8F2B, s0  }
0xbc: {  	[sflag:s0] =	ssyncadd.remote.s32 $0x1  }
0xbd: {  	_ =	sfence.sel $0xFFFF  }
0xbe: {  	[dreg:$0x0] =	wrdreg $0xFFFFFFFF;
	(pc) =	sbr.abs _section_cstart, $3  }
0xbf: {  	[dreg:$0x1] =	wrdreg $0xFFFFFFFF  }
0xc0: {  	_ =	task.clear_ibuf [dreg:s6], $0x2FFFF;
	_ =	strace $0x9FFFFFFF  }
0xc1: {  	(tm) =	ssettm $0x7FFFFFFF  }
tec
execute0_lowered:
.L_overlay_start_1:
0x0: {  	(tag) =	ssettag $0x1  }
0x1: {  	s5 =	rddreg [dreg:$0x0]  }
0x2: {  	s0 =	rddreg [dreg:$0x1];
	s1 =	simm.s32 $0x0  }
0x3: {  	s2 =	srdreg.scid;
	s10 =	simm.s32 $0x1;
	s11 =	simm.s32 $0x400  }
0x4: {  	s12 =	simm.s32 $0xC4000;
	s13 =	simm.s32 $0x0;
	[smem:$0x7FF] =	sst s1  }
.Ltmp0:
0x5: {  	s3 =	sand.u32 $0x1, s2;
	s4 =	sadd.s32 $0xE00, s5;
	(pc) =	sbr.rel .LBB2_1-.Ltmp0, $4  }
0x6: {  	s2 =	stileid.u32;
	s5 =	sadd.s32 $0x1000, s5;
	s6 =	ssub.s32 $0x2, s3  }
0x7: {  	s8 =	sshll.u32 s2, $0x8;
	s9 =	sshll.u32 s3, $0x7;
	s7 =	sshrl.u32 s6, $0x1  }
0x8: {  	_ =	strace $0x80000047;
	s8 =	sor.u32 s9, s8;
	s7 =	ssub.s32 s6, s7  }
0x9: {  	v0 =	vlaneseq.u32;
	s9 =	simm.s32 $0x1400;
	s6 =	sshll.u32 s2, $0x1;
	s7 =	smax.u32 s7, $0x1  }
.LBB2_7:
0xa: {  	s13 =	sadd.s32 $0x1, s13  }
0xb: {  	p0 =	sne.s32 s13, s7  }
.Ltmp1:
0xc: {  	_ = 	snop;
	(pc) =	sbr.rel @!p0 .LBB2_8-.Ltmp1, $1  }
0xd: {  	_ =	sdelay $0x3  }
.LBB2_1:
0xe: {  	[tilespmem:s9], [sflag:$0x1] =	stream.linear.gather [hbm4b:s4+s1], $0x100, $0x38;
	[tilespmem:$0x1500] =	vst v63  }
0xf: {  	_ =	swait.ge [sflag:s10], $0x100  }
0x10: {  	[sflag:s10] =	ssyncset.done $0x0  }
0x11: {  	[sflag:s10] =	ssyncadd.s32 $0xFFFFFF00  }
0x12: {  	v1 =	vld [tilespmem:$0x1400]  }
0x13: {  	v2 =	vld [tilespmem:$0x1480];
	_ =	sdelay $0x2  }
.Ltmp2:
0x14: {  	_ = 	snop;
	(pc) =	sbr.rel .LBB2_2-.Ltmp2, $4  }
0x15: {  	_ = 	snop  }
0x16: {  	v3 =	vxor.u32 v2, v1  }
0x17: {  	v5 =	vadd.s32 $0x2, v1;
	v6 =	vadd.s32 $0x3, v2;
	v3 =	vxor.u32 $0x1BD11BDA, v3  }
0x18: {  	s14 =	smov.u32 s8;
	s15 =	simm.s32 $0x0;
	v8 =	vadd.s32 $0x5, v1;
	v4 =	vadd.s32 $0x1, v3;
	v7 =	vadd.s32 $0x4, v3  }
.LBB2_6:
0x19: {  	s15 =	sadd.s32 $0x1, s15  }
0x1a: {  	p0 =	sne.s32 s15, $0x19  }
.Ltmp3:
0x1b: {  	_ = 	snop;
	(pc) =	sbr.rel @!p0 .LBB2_7-.Ltmp3, $2  }
0x1c: {  	_ =	sdelay $0x2  }
0x1d: {  	s14 =	sadd.s32 $0x1000, s14  }
.LBB2_2:
0x1e: {  	s16 =	sshll.u32 s15, $0x5  }
0x1f: {  	s16 =	sor.u32 s6, s16  }
0x20: {  	p0 =	sgt.u32 s16, $0x30F  }
.Ltmp4:
0x21: {  	_ = 	snop;
	(pc) =	sbr.rel @p0 .LBB2_6-.Ltmp4, $1  }
0x22: {  	_ =	sdelay $0x3  }
0x23: {  	s17 =	sadd.s32 $0x0, s14  }
0x24: {  	s18 =	sadd.s32 $0x864770, s17;
	s19 =	sadd.s32 $0x864700, s17  }
0x25: {  	s20 =	sadd.s32 $0x864710, s17;
	s28 =	sadd.s32 $0x864720, s17  }
0x26: {  	s29 =	sadd.s32 $0x864730, s17;
	s30 =	sadd.s32 $0x864740, s17;
	v9 =	vadd.s32 s18, v2  }
0x27: {  	s31 =	sadd.s32 $0x864750, s17;
	s17 =	sadd.s32 $0x864760, s17;
	v10 =	vadd.s32 s19, v2;
	v11 =	vadd.s32 s20, v2;
	v12 =	vadd.s32 s28, v2  }
0x28: {  	v15 =	vadd.s32 s29, v2;
	v16 =	vadd.s32 s31, v2;
	v17 =	vadd.s32 s17, v2  }
0x29: {  	v9 =	vadd.s32 v0, v9;
	v10 =	vadd.s32 v0, v10;
	v11 =	vadd.s32 v0, v11  }
0x2a: {  	v12 =	vadd.s32 v0, v12;
	v15 =	vadd.s32 v0, v15;
	v16 =	vadd.s32 v0, v16  }
0x2b: {  	v17 =	vadd.s32 v0, v17;
	v13 =	vshrl.u32 v9, $0x13;
	v14 =	vshll.u32 v9, $0xD  }
0x2c: {  	v9 =	vadd.s32 v1, v9;
	v21 =	vshll.u32 v10, $0xD;
	v59 =	vshll.u32 v11, $0xD  }
0x2d: {  	v22 =	vshrl.u32 v12, $0x13;
	v23 =	vshll.u32 v12, $0xD;
	v26 =	vshrl.u32 v15, $0x13  }
0x2e: {  	v60 =	vshll.u32 v15, $0xD;
	v30 =	vshrl.u32 v16, $0x13;
	v62 =	vshll.u32 v16, $0xD  }
0x2f: {  	v63 =	vshrl.u32 v17, $0x13;
	v31 =	vshll.u32 v17, $0xD;
	v12 =	vadd.s32 v1, v12  }
0x30: {  	v15 =	vadd.s32 v1, v15;
	v16 =	vadd.s32 v1, v16;
	v13 =	vor.u32 v13, v14  }
0x31: {  	v17 =	vadd.s32 v1, v17;
	v14 =	vadd.s32 s30, v2;
	v13 =	vxor.u32 v9, v13  }
0x32: {  	v37 =	vor.u32 v30, v62;
	v18 =	vshrl.u32 v13, $0x11;
	v19 =	vshll.u32 v13, $0xF  }
0x33: {  	v14 =	vadd.s32 v0, v14;
	v9 =	vadd.s32 v9, v13;
	v13 =	vor.u32 v18, v19  }
0x34: {  	v38 =	vor.u32 v63, v31;
	v61 =	vshrl.u32 v14, $0x13;
	v13 =	vxor.u32 v9, v13  }
0x35: {  	v27 =	vshll.u32 v14, $0xD;
	v18 =	vshrl.u32 v13, $0x6;
	v19 =	vshll.u32 v13, $0x1A  }
0x36: {  	v14 =	vadd.s32 v1, v14;
	v9 =	vadd.s32 v9, v13;
	v13 =	vor.u32 v18, v19  }
0x37: {  	v36 =	vor.u32 v61, v27;
	v18 =	vshrl.u32 v10, $0x13;
	v13 =	vxor.u32 v9, v13  }
0x38: {  	v10 =	vadd.s32 v1, v10;
	v18 =	vor.u32 v18, v21;
	v19 =	vshrl.u32 v13, $0x1A  }
0x39: {  	v20 =	vshll.u32 v13, $0x6;
	v9 =	vadd.s32 v9, v13;
	v18 =	vxor.u32 v10, v18  }
0x3a: {  	v13 =	vor.u32 v19, v20;
	v19 =	vshrl.u32 v11, $0x13;
	v11 =	vadd.s32 v1, v11  }
0x3b: {  	v47 =	vshrl.u32 v18, $0x11;
	v48 =	vshll.u32 v18, $0xF;
	v13 =	vxor.u32 v9, v13  }
0x3c: {  	v10 =	vadd.s32 v10, v18;
	v19 =	vor.u32 v19, v59;
	v13 =	vadd.s32 v13, v4  }
0x3d: {  	v9 =	vadd.s32 v2, v9;
	v19 =	vxor.u32 v11, v19;
	v24 =	vshrl.u32 v13, $0xF  }
0x3e: {  	v25 =	vshll.u32 v13, $0x11;
	v9 =	vadd.s32 v13, v9;
	v49 =	vshrl.u32 v19, $0x11  }
0x3f: {  	v50 =	vshll.u32 v19, $0xF;
	v11 =	vadd.s32 v11, v19;
	v13 =	vor.u32 v24, v25  }
0x40: {  	v24 =	vxor.u32 v14, v36;
	v25 =	vor.u32 v47, v48;
	v13 =	vxor.u32 v9, v13  }
0x41: {  	v57 =	vshrl.u32 v24, $0x11;
	v28 =	vshrl.u32 v13, $0x3;
	v29 =	vshll.u32 v13, $0x1D  }
0x42: {  	v36 =	vshll.u32 v24, $0xF;
	v9 =	vadd.s32 v9, v13;
	v13 =	vor.u32 v28, v29  }
0x43: {  	v14 =	vadd.s32 v14, v24;
	v63 =	vor.u32 v57, v36;
	v13 =	vxor.u32 v9, v13  }
0x44: {  	v32 =	vshrl.u32 v13, $0x10;
	v33 =	vshll.u32 v13, $0x10;
	v9 =	vadd.s32 v9, v13  }
0x45: {  	v13 =	vor.u32 v32, v33;
	v32 =	vor.u32 v22, v23;
	v33 =	vor.u32 v26, v60  }
0x46: {  	v22 =	vxor.u32 v16, v37;
	v23 =	vxor.u32 v17, v38;
	v26 =	vor.u32 v49, v50  }
0x47: {  	v13 =	vxor.u32 v9, v13;
	v20 =	vxor.u32 v12, v32;
	v21 =	vxor.u32 v15, v33  }
0x48: {  	v58 =	vshrl.u32 v22, $0x11;
	v59 =	vshll.u32 v22, $0xF;
	v37 =	vshrl.u32 v23, $0x11  }
0x49: {  	v16 =	vadd.s32 v16, v22;
	v17 =	vadd.s32 v17, v23;
	v34 =	vshrl.u32 v13, $0x8  }
0x4a: {  	v35 =	vshll.u32 v13, $0x18;
	v9 =	vadd.s32 v9, v13;
	v51 =	vshrl.u32 v20, $0x11  }
0x4b: {  	v54 =	vshll.u32 v20, $0xF;
	v55 =	vshrl.u32 v21, $0x11;
	v56 =	vshll.u32 v21, $0xF  }
0x4c: {  	v36 =	vor.u32 v58, v59;
	v12 =	vadd.s32 v12, v20;
	v13 =	vor.u32 v34, v35  }
0x4d: {  	v15 =	vadd.s32 v15, v21;
	v60 =	vor.u32 v51, v54;
	v13 =	vxor.u32 v9, v13  }
0x4e: {  	v30 =	vor.u32 v55, v56;
	v47 =	vxor.u32 v16, v36;
	v13 =	vadd.s32 v13, v5  }
0x4f: {  	v9 =	vadd.s32 v3, v9;
	v39 =	vshrl.u32 v13, $0x13;
	v40 =	vshll.u32 v13, $0xD  }
0x50: {  	v58 =	vshrl.u32 v47, $0x6;
	v9 =	vadd.s32 v13, v9;
	v13 =	vor.u32 v39, v40  }
0x51: {  	v59 =	vshll.u32 v47, $0x1A;
	v16 =	vadd.s32 v16, v47;
	v13 =	vxor.u32 v9, v13  }
0x52: {  	v40 =	vshll.u32 v23, $0xF;
	v41 =	vshrl.u32 v13, $0x11;
	v42 =	vshll.u32 v13, $0xF  }
0x53: {  	v18 =	vor.u32 v37, v40;
	v9 =	vadd.s32 v9, v13;
	v13 =	vor.u32 v41, v42  }
0x54: {  	v18 =	vxor.u32 v17, v18;
	v41 =	vxor.u32 v11, v26;
	v13 =	vxor.u32 v9, v13  }
0x55: {  	v17 =	vadd.s32 v17, v18;
	v43 =	vshrl.u32 v13, $0x6;
	v44 =	vshll.u32 v13, $0x1A  }
0x56: {  	v11 =	vadd.s32 v11, v41;
	v9 =	vadd.s32 v9, v13;
	v13 =	vor.u32 v43, v44  }
0x57: {  	v44 =	vxor.u32 v12, v60;
	v60 =	vshrl.u32 v18, $0x6;
	v13 =	vxor.u32 v9, v13  }
0x58: {  	v54 =	vshrl.u32 v44, $0x6;
	v45 =	vshrl.u32 v13, $0x1A;
	v46 =	vshll.u32 v13, $0x6  }
0x59: {  	v12 =	vadd.s32 v12, v44;
	v9 =	vadd.s32 v9, v13;
	v13 =	vor.u32 v45, v46  }
0x5a: {  	v45 =	vxor.u32 v15, v30;
	v46 =	vxor.u32 v14, v63;
	v13 =	vxor.u32 v9, v13  }
0x5b: {  	v9 =	vadd.s32 v1, v9;
	v30 =	vshrl.u32 v45, $0x6;
	v13 =	vadd.s32 v13, v6  }
0x5c: {  	v55 =	vshll.u32 v45, $0x1A;
	v52 =	vshrl.u32 v13, $0xF;
	v53 =	vshll.u32 v13, $0x11  }
0x5d: {  	v56 =	vshrl.u32 v46, $0x6;
	v9 =	vadd.s32 v13, v9;
	v13 =	vor.u32 v52, v53  }
0x5e: {  	v57 =	vshll.u32 v46, $0x1A;
	v15 =	vadd.s32 v15, v45;
	v13 =	vxor.u32 v9, v13  }
0x5f: {  	v14 =	vadd.s32 v14, v46;
	v34 =	vshrl.u32 v13, $0x3;
	v35 =	vshll.u32 v13, $0x1D  }
0x60: {  	v63 =	vor.u32 v30, v55;
	v9 =	vadd.s32 v9, v13;
	v13 =	vor.u32 v34, v35  }
0x61: {  	v21 =	vxor.u32 v15, v63;
	v52 =	vshrl.u32 v41, $0x6;
	v13 =	vxor.u32 v9, v13  }
0x62: {  	v46 =	vshrl.u32 v21, $0x1A;
	v38 =	vshrl.u32 v13, $0x10;
	v39 =	vshll.u32 v13, $0x10  }
0x63: {  	v47 =	vshll.u32 v21, $0x6;
	v9 =	vadd.s32 v9, v13;
	v13 =	vor.u32 v38, v39  }
0x64: {  	v53 =	vshll.u32 v41, $0x1A;
	v55 =	vor.u32 v46, v47;
	v13 =	vxor.u32 v9, v13  }
0x65: {  	v61 =	vshrl.u32 v13, $0x8;
	v62 =	vshll.u32 v13, $0x18;
	v9 =	vadd.s32 v9, v13  }
0x66: {  	v13 =	vor.u32 v61, v62;
	v61 =	vshll.u32 v18, $0x1A;
	v62 =	vor.u32 v52, v53  }
0x67: {  	v13 =	vxor.u32 v9, v13;
	v9 =	vadd.s32 v2, v9;
	v18 =	vxor.u32 v11, v62  }
0x68: {  	v13 =	vadd.s32 v13, v7;
	v26 =	vshrl.u32 v18, $0x1A;
	v11 =	vadd.s32 v11, v18  }
0x69: {  	v38 =	vshrl.u32 v13, $0x13;
	v39 =	vshll.u32 v13, $0xD;
	v9 =	vadd.s32 v13, v9  }
0x6a: {  	v13 =	vor.u32 v38, v39;
	v38 =	vor.u32 v56, v57;
	v39 =	vor.u32 v58, v59  }
0x6b: {  	v13 =	vxor.u32 v9, v13;
	v22 =	vxor.u32 v14, v38;
	v41 =	vxor.u32 v16, v39  }
0x6c: {  	v19 =	vshrl.u32 v13, $0x11;
	v40 =	vshll.u32 v13, $0xF;
	v9 =	vadd.s32 v9, v13  }
0x6d: {  	v14 =	vadd.s32 v14, v22;
	v13 =	vor.u32 v19, v40;
	v19 =	vxor.u32 v10, v25  }
0x6e: {  	v13 =	vxor.u32 v9, v13;
	v50 =	vshrl.u32 v19, $0x6;
	v51 =	vshll.u32 v19, $0x1A  }
0x6f: {  	v10 =	vadd.s32 v10, v19;
	v19 =	vor.u32 v60, v61;
	v42 =	vshrl.u32 v13, $0x6  }
0x70: {  	v43 =	vshll.u32 v13, $0x1A;
	v9 =	vadd.s32 v9, v13;
	v25 =	vor.u32 v50, v51  }
0x71: {  	v19 =	vxor.u32 v17, v19;
	v50 =	vshrl.u32 v41, $0x1A;
	v51 =	vshll.u32 v41, $0x6  }
0x72: {  	v13 =	vor.u32 v42, v43;
	v40 =	vxor.u32 v10, v25;
	v43 =	vshll.u32 v18, $0x6  }
0x73: {  	v52 =	vshrl.u32 v19, $0x1A;
	v53 =	vshll.u32 v19, $0x6;
	v57 =	vor.u32 v50, v51  }
0x74: {  	v17 =	vadd.s32 v17, v19;
	v13 =	vxor.u32 v9, v13;
	v42 =	vshrl.u32 v40, $0x1A  }
0x75: {  	v25 =	vshll.u32 v40, $0x6;
	v26 =	vor.u32 v26, v43;
	v10 =	vadd.s32 v10, v40  }
0x76: {  	v48 =	vshrl.u32 v13, $0x1A;
	v49 =	vshll.u32 v13, $0x6;
	v9 =	vadd.s32 v9, v13  }
0x77: {  	v24 =	vor.u32 v42, v25;
	v25 =	vor.u32 v52, v53;
	v18 =	vxor.u32 v11, v26  }
0x78: {  	v11 =	vadd.s32 v2, v11;
	v13 =	vor.u32 v48, v49;
	v48 =	vshrl.u32 v22, $0x1A  }
0x79: {  	v49 =	vshll.u32 v22, $0x6;
	v61 =	vxor.u32 v17, v25;
	v18 =	vadd.s32 v18, v4  }
0x7a: {  	v17 =	vadd.s32 v2, v17;
	v13 =	vxor.u32 v9, v13;
	v9 =	vadd.s32 v3, v9  }
0x7b: {  	v56 =	vor.u32 v48, v49;
	v23 =	vadd.s32 v61, v4;
	v13 =	vadd.s32 v13, v8  }
0x7c: {  	v40 =	vshrl.u32 v18, $0xF;
	v9 =	vxor.u32 v9, v13;
	v13 =	vshll.u32 v44, $0x1A  }
0x7d: {  	v11 =	vadd.s32 v18, v11;
	v59 =	vxor.u32 v14, v56;
	v13 =	vor.u32 v54, v13  }
0x7e: {  	v50 =	vshrl.u32 v23, $0xF;
	v51 =	vshll.u32 v23, $0x11;
	v13 =	vxor.u32 v12, v13  }
0x7f: {  	v14 =	vadd.s32 v2, v14;
	v17 =	vadd.s32 v23, v17;
	v44 =	vshrl.u32 v13, $0x1A  }
0x80: {  	v45 =	vshll.u32 v13, $0x6;
	v12 =	vadd.s32 v12, v13;
	v13 =	vadd.s32 v15, v21  }
0x81: {  	v15 =	vadd.s32 v16, v41;
	v16 =	vxor.u32 v10, v24;
	v21 =	vadd.s32 v59, v4  }
0x82: {  	v41 =	vshll.u32 v18, $0x11;
	v10 =	vadd.s32 v2, v10;
	v54 =	vor.u32 v44, v45  }
0x83: {  	v58 =	vxor.u32 v13, v55;
	v16 =	vadd.s32 v16, v4;
	v60 =	vxor.u32 v15, v57  }
0x84: {  	v46 =	vshrl.u32 v21, $0xF;
	v47 =	vshll.u32 v21, $0x11;
	v13 =	vadd.s32 v2, v13  }
0x85: {  	v15 =	vadd.s32 v2, v15;
	v52 =	vor.u32 v40, v41;
	v14 =	vadd.s32 v21, v14  }
0x86: {  	v19 =	vxor.u32 v12, v54;
	v20 =	vadd.s32 v58, v4;
	v22 =	vadd.s32 v60, v4  }
0x87: {  	v62 =	vshrl.u32 v16, $0xF;
	v63 =	vshll.u32 v16, $0x11;
	v12 =	vadd.s32 v2, v12  }
0x88: {  	v55 =	vor.u32 v46, v47;
	v10 =	vadd.s32 v16, v10;
	v16 =	vor.u32 v50, v51  }
0x89: {  	v19 =	vadd.s32 v19, v4;
	v44 =	vshrl.u32 v20, $0xF;
	v45 =	vshll.u32 v20, $0x11  }
0x8a: {  	v48 =	vshrl.u32 v22, $0xF;
	v49 =	vshll.u32 v22, $0x11;
	v24 =	vor.u32 v62, v63  }
0x8b: {  	v13 =	vadd.s32 v20, v13;
	v15 =	vadd.s32 v22, v15;
	v59 =	vxor.u32 v14, v55  }
0x8c: {  	v16 =	vxor.u32 v17, v16;
	v42 =	vshrl.u32 v19, $0xF;
	v43 =	vshll.u32 v19, $0x11  }
0x8d: {  	v54 =	vor.u32 v44, v45;
	v56 =	vor.u32 v48, v49;
	v12 =	vadd.s32 v19, v12  }
0x8e: {  	v18 =	vxor.u32 v10, v24;
	v19 =	vxor.u32 v11, v52;
	v44 =	vshrl.u32 v59, $0x3  }
0x8f: {  	v45 =	vshll.u32 v59, $0x1D;
	v48 =	vshrl.u32 v16, $0x3;
	v49 =	vshll.u32 v16, $0x1D  }
0x90: {  	v14 =	vadd.s32 v14, v59;
	v16 =	vadd.s32 v17, v16;
	v53 =	vor.u32 v42, v43  }
0x91: {  	v58 =	vxor.u32 v13, v54;
	v60 =	vxor.u32 v15, v56;
	v24 =	vshrl.u32 v18, $0x3  }
0x92: {  	v61 =	vshll.u32 v18, $0x1D;
	v62 =	vshrl.u32 v19, $0x3;
	v63 =	vshll.u32 v19, $0x1D  }
0x93: {  	v52 =	vor.u32 v44, v45;
	v25 =	vor.u32 v48, v49;
	v10 =	vadd.s32 v10, v18  }
0x94: {  	v11 =	vadd.s32 v11, v19;
	v57 =	vxor.u32 v12, v53;
	v42 =	vshrl.u32 v58, $0x3  }
0x95: {  	v43 =	vshll.u32 v58, $0x1D;
	v46 =	vshrl.u32 v60, $0x3;
	v47 =	vshll.u32 v60, $0x1D  }
0x96: {  	v24 =	vor.u32 v24, v61;
	v26 =	vor.u32 v62, v63;
	v13 =	vadd.s32 v13, v58  }
0x97: {  	v15 =	vadd.s32 v15, v60;
	v55 =	vxor.u32 v14, v52;
	v40 =	vshrl.u32 v57, $0x3  }
0x98: {  	v41 =	vshll.u32 v57, $0x1D;
	v51 =	vor.u32 v42, v43;
	v53 =	vor.u32 v46, v47  }
0x99: {  	v12 =	vadd.s32 v12, v57;
	v18 =	vxor.u32 v10, v24;
	v19 =	vxor.u32 v11, v26  }
0x9a: {  	v57 =	vxor.u32 v16, v25;
	v14 =	vadd.s32 v14, v55;
	v50 =	vor.u32 v40, v41  }
0x9b: {  	v54 =	vxor.u32 v13, v51;
	v56 =	vshrl.u32 v18, $0x10;
	v23 =	vxor.u32 v15, v53  }
0x9c: {  	v58 =	vshll.u32 v18, $0x10;
	v26 =	vshrl.u32 v19, $0x10;
	v59 =	vshll.u32 v19, $0x10  }
0x9d: {  	v40 =	vshrl.u32 v55, $0x10;
	v41 =	vshll.u32 v55, $0x10;
	v44 =	vshrl.u32 v57, $0x10  }
0x9e: {  	v46 =	vshll.u32 v57, $0x10;
	v10 =	vadd.s32 v10, v18;
	v11 =	vadd.s32 v11, v19  }
0x9f: {  	v16 =	vadd.s32 v16, v57;
	v17 =	vxor.u32 v12, v50;
	v62 =	vshrl.u32 v54, $0x10  }
0xa0: {  	v63 =	vshll.u32 v54, $0x10;
	v42 =	vshrl.u32 v23, $0x10;
	v43 =	vshll.u32 v23, $0x10  }
0xa1: {  	v22 =	vor.u32 v56, v58;
	v45 =	vor.u32 v26, v59;
	v49 =	vor.u32 v40, v41  }
0xa2: {  	v26 =	vor.u32 v44, v46;
	v13 =	vadd.s32 v13, v54;
	v15 =	vadd.s32 v15, v23  }
0xa3: {  	v60 =	vshrl.u32 v17, $0x10;
	v61 =	vshll.u32 v17, $0x10;
	v48 =	vor.u32 v62, v63  }
0xa4: {  	v18 =	vor.u32 v42, v43;
	v12 =	vadd.s32 v12, v17;
	v17 =	vxor.u32 v10, v22  }
0xa5: {  	v19 =	vxor.u32 v11, v45;
	v52 =	vxor.u32 v14, v49;
	v55 =	vxor.u32 v16, v26  }
0xa6: {  	v47 =	vor.u32 v60, v61;
	v51 =	vxor.u32 v13, v48;
	v18 =	vxor.u32 v15, v18  }
0xa7: {  	v53 =	vshrl.u32 v17, $0x8;
	v54 =	vshll.u32 v17, $0x18;
	v56 =	vshrl.u32 v19, $0x8  }
0xa8: {  	v57 =	vshll.u32 v19, $0x18;
	v62 =	vshrl.u32 v52, $0x8;
	v63 =	vshll.u32 v52, $0x18  }
0xa9: {  	v42 =	vshrl.u32 v55, $0x8;
	v43 =	vshll.u32 v55, $0x18;
	v10 =	vadd.s32 v10, v17  }
0xaa: {  	v11 =	vadd.s32 v11, v19;
	v14 =	vadd.s32 v14, v52;
	v16 =	vadd.s32 v16, v55  }
0xab: {  	v50 =	vxor.u32 v12, v47;
	v60 =	vshrl.u32 v51, $0x8;
	v61 =	vshll.u32 v51, $0x18  }
0xac: {  	v40 =	vshrl.u32 v18, $0x8;
	v41 =	vshll.u32 v18, $0x18;
	v23 =	vor.u32 v53, v54  }
0xad: {  	v44 =	vor.u32 v56, v57;
	v47 =	vor.u32 v62, v63;
	v17 =	vor.u32 v42, v43  }
0xae: {  	v13 =	vadd.s32 v13, v51;
	v15 =	vadd.s32 v15, v18;
	v58 =	vshrl.u32 v50, $0x8  }
0xaf: {  	v59 =	vshll.u32 v50, $0x18;
	v46 =	vor.u32 v60, v61;
	v48 =	vor.u32 v40, v41  }
0xb0: {  	v12 =	vadd.s32 v12, v50;
	v19 =	vxor.u32 v10, v23;
	v18 =	vxor.u32 v11, v44  }
0xb1: {  	v22 =	vxor.u32 v14, v47;
	v17 =	vxor.u32 v16, v17;
	v10 =	vadd.s32 v3, v10  }
0xb2: {  	v11 =	vadd.s32 v3, v11;
	v14 =	vadd.s32 v3, v14;
	v16 =	vadd.s32 v3, v16  }
0xb3: {  	v45 =	vor.u32 v58, v59;
	v21 =	vxor.u32 v13, v46;
	v49 =	vxor.u32 v15, v48  }
0xb4: {  	v19 =	vadd.s32 v19, v5;
	v18 =	vadd.s32 v18, v5;
	v22 =	vadd.s32 v22, v5  }
0xb5: {  	v17 =	vadd.s32 v17, v5;
	v13 =	vadd.s32 v3, v13;
	v15 =	vadd.s32 v3, v15  }
0xb6: {  	v20 =	vxor.u32 v12, v45;
	v21 =	vadd.s32 v21, v5;
	v23 =	vadd.s32 v49, v5  }
0xb7: {  	v50 =	vshrl.u32 v19, $0x13;
	v51 =	vshll.u32 v19, $0xD;
	v52 =	vshrl.u32 v18, $0x13  }
0xb8: {  	v53 =	vshll.u32 v18, $0xD;
	v58 =	vshrl.u32 v22, $0x13;
	v59 =	vshll.u32 v22, $0xD  }
0xb9: {  	v62 =	vshrl.u32 v17, $0x13;
	v63 =	vshll.u32 v17, $0xD;
	v12 =	vadd.s32 v3, v12  }
0xba: {  	v10 =	vadd.s32 v19, v10;
	v11 =	vadd.s32 v18, v11;
	v14 =	vadd.s32 v22, v14  }
0xbb: {  	v16 =	vadd.s32 v17, v16;
	v20 =	vadd.s32 v20, v5;
	v56 =	vshrl.u32 v21, $0x13  }
0xbc: {  	v57 =	vshll.u32 v21, $0xD;
	v60 =	vshrl.u32 v23, $0x13;
	v61 =	vshll.u32 v23, $0xD  }
0xbd: {  	v24 =	vor.u32 v50, v51;
	v39 =	vor.u32 v52, v53;
	v42 =	vor.u32 v58, v59  }
0xbe: {  	v43 =	vor.u32 v62, v63;
	v13 =	vadd.s32 v21, v13;
	v15 =	vadd.s32 v23, v15  }
0xbf: {  	v54 =	vshrl.u32 v20, $0x13;
	v55 =	vshll.u32 v20, $0xD;
	v41 =	vor.u32 v56, v57  }
0xc0: {  	v19 =	vor.u32 v60, v61;
	v12 =	vadd.s32 v20, v12;
	v17 =	vxor.u32 v10, v24  }
0xc1: {  	v18 =	vxor.u32 v11, v39;
	v22 =	vxor.u32 v14, v42;
	v45 =	vxor.u32 v16, v43  }
0xc2: {  	v40 =	vor.u32 v54, v55;
	v21 =	vxor.u32 v13, v41;
	v19 =	vxor.u32 v15, v19  }
0xc3: {  	v44 =	vshrl.u32 v17, $0x11;
	v24 =	vshll.u32 v17, $0xF;
	v46 =	vshrl.u32 v18, $0x11  }
0xc4: {  	v47 =	vshll.u32 v18, $0xF;
	v52 =	vshrl.u32 v22, $0x11;
	v53 =	vshll.u32 v22, $0xF  }
0xc5: {  	v56 =	vshrl.u32 v45, $0x11;
	v57 =	vshll.u32 v45, $0xF;
	v10 =	vadd.s32 v10, v17  }
0xc6: {  	v11 =	vadd.s32 v11, v18;
	v14 =	vadd.s32 v14, v22;
	v16 =	vadd.s32 v16, v45  }
0xc7: {  	v20 =	vxor.u32 v12, v40;
	v50 =	vshrl.u32 v21, $0x11;
	v51 =	vshll.u32 v21, $0xF  }
0xc8: {  	v54 =	vshrl.u32 v19, $0x11;
	v55 =	vshll.u32 v19, $0xF;
	v23 =	vor.u32 v44, v24  }
0xc9: {  	v58 =	vor.u32 v46, v47;
	v61 =	vor.u32 v52, v53;
	v17 =	vor.u32 v56, v57  }
0xca: {  	v13 =	vadd.s32 v13, v21;
	v15 =	vadd.s32 v15, v19;
	v48 =	vshrl.u32 v20, $0x11  }
0xcb: {  	v49 =	vshll.u32 v20, $0xF;
	v60 =	vor.u32 v50, v51;
	v62 =	vor.u32 v54, v55  }
0xcc: {  	v12 =	vadd.s32 v12, v20;
	v18 =	vxor.u32 v10, v23;
	v19 =	vxor.u32 v11, v58  }
0xcd: {  	v22 =	vxor.u32 v14, v61;
	v17 =	vxor.u32 v16, v17;
	v59 =	vor.u32 v48, v49  }
0xce: {  	v21 =	vxor.u32 v13, v60;
	v63 =	vxor.u32 v15, v62;
	v39 =	vshrl.u32 v18, $0x6  }
0xcf: {  	v40 =	vshll.u32 v18, $0x1A;
	v41 =	vshrl.u32 v19, $0x6;
	v42 =	vshll.u32 v19, $0x1A  }
0xd0: {  	v47 =	vshrl.u32 v22, $0x6;
	v48 =	vshll.u32 v22, $0x1A;
	v51 =	vshrl.u32 v17, $0x6  }
0xd1: {  	v52 =	vshll.u32 v17, $0x1A;
	v10 =	vadd.s32 v10, v18;
	v11 =	vadd.s32 v11, v19  }
0xd2: {  	v14 =	vadd.s32 v14, v22;
	v16 =	vadd.s32 v16, v17;
	v20 =	vxor.u32 v12, v59  }
0xd3: {  	v45 =	vshrl.u32 v21, $0x6;
	v46 =	vshll.u32 v21, $0x1A;
	v49 =	vshrl.u32 v63, $0x6  }
0xd4: {  	v50 =	vshll.u32 v63, $0x1A;
	v24 =	vor.u32 v39, v40;
	v26 =	vor.u32 v41, v42  }
0xd5: {  	v55 =	vor.u32 v47, v48;
	v25 =	vor.u32 v51, v52;
	v13 =	vadd.s32 v13, v21  }
0xd6: {  	v15 =	vadd.s32 v15, v63;
	v43 =	vshrl.u32 v20, $0x6;
	v44 =	vshll.u32 v20, $0x1A  }
0xd7: {  	v54 =	vor.u32 v45, v46;
	v56 =	vor.u32 v49, v50;
	v12 =	vadd.s32 v12, v20  }
0xd8: {  	v18 =	vxor.u32 v10, v24;
	v19 =	vxor.u32 v11, v26;
	v58 =	vxor.u32 v14, v55  }
0xd9: {  	v60 =	vxor.u32 v16, v25;
	v53 =	vor.u32 v43, v44;
	v57 =	vxor.u32 v13, v54  }
0xda: {  	v59 =	vshrl.u32 v18, $0x1A;
	v23 =	vxor.u32 v15, v56;
	v61 =	vshll.u32 v18, $0x6  }
0xdb: {  	v26 =	vshrl.u32 v19, $0x1A;
	v62 =	vshll.u32 v19, $0x6;
	v43 =	vshrl.u32 v58, $0x1A  }
0xdc: {  	v44 =	vshll.u32 v58, $0x6;
	v47 =	vshrl.u32 v60, $0x1A;
	v49 =	vshll.u32 v60, $0x6  }
0xdd: {  	v10 =	vadd.s32 v10, v18;
	v11 =	vadd.s32 v11, v19;
	v14 =	vadd.s32 v14, v58  }
0xde: {  	v16 =	vadd.s32 v16, v60;
	v17 =	vxor.u32 v12, v53;
	v41 =	vshrl.u32 v57, $0x1A  }
0xdf: {  	v42 =	vshll.u32 v57, $0x6;
	v45 =	vshrl.u32 v23, $0x1A;
	v46 =	vshll.u32 v23, $0x6  }
0xe0: {  	v22 =	vor.u32 v59, v61;
	v48 =	vor.u32 v26, v62;
	v52 =	vor.u32 v43, v44  }
0xe1: {  	v26 =	vor.u32 v47, v49;
	v13 =	vadd.s32 v13, v57;
	v15 =	vadd.s32 v15, v23  }
0xe2: {  	v63 =	vshrl.u32 v17, $0x1A;
	v40 =	vshll.u32 v17, $0x6;
	v51 =	vor.u32 v41, v42  }
0xe3: {  	v18 =	vor.u32 v45, v46;
	v12 =	vadd.s32 v12, v17;
	v17 =	vxor.u32 v10, v22  }
0xe4: {  	v19 =	vxor.u32 v11, v48;
	v55 =	vxor.u32 v14, v52;
	v56 =	vxor.u32 v16, v26  }
0xe5: {  	v10 =	vadd.s32 v1, v10;
	v11 =	vadd.s32 v1, v11;
	v14 =	vadd.s32 v1, v14  }
0xe6: {  	v16 =	vadd.s32 v1, v16;
	v50 =	vor.u32 v63, v40;
	v54 =	vxor.u32 v13, v51  }
0xe7: {  	v18 =	vxor.u32 v15, v18;
	v17 =	vadd.s32 v17, v6;
	v19 =	vadd.s32 v19, v6  }
0xe8: {  	v22 =	vadd.s32 v55, v6;
	v23 =	vadd.s32 v56, v6;
	v13 =	vadd.s32 v1, v13  }
0xe9: {  	v15 =	vadd.s32 v1, v15;
	v53 =	vxor.u32 v12, v50;
	v21 =	vadd.s32 v54, v6  }
0xea: {  	v57 =	vshrl.u32 v17, $0xF;
	v18 =	vadd.s32 v18, v6;
	v58 =	vshll.u32 v17, $0x11  }
0xeb: {  	v59 =	vshrl.u32 v19, $0xF;
	v60 =	vshll.u32 v19, $0x11;
	v41 =	vshrl.u32 v22, $0xF  }
0xec: {  	v42 =	vshll.u32 v22, $0x11;
	v45 =	vshrl.u32 v23, $0xF;
	v46 =	vshll.u32 v23, $0x11  }
0xed: {  	v12 =	vadd.s32 v1, v12;
	v10 =	vadd.s32 v17, v10;
	v11 =	vadd.s32 v19, v11  }
0xee: {  	v14 =	vadd.s32 v22, v14;
	v16 =	vadd.s32 v23, v16;
	v20 =	vadd.s32 v53, v6  }
0xef: {  	v63 =	vshrl.u32 v21, $0xF;
	v40 =	vshll.u32 v21, $0x11;
	v43 =	vshrl.u32 v18, $0xF  }
0xf0: {  	v44 =	vshll.u32 v18, $0x11;
	v24 =	vor.u32 v57, v58;
	v47 =	vor.u32 v59, v60  }
0xf1: {  	v50 =	vor.u32 v41, v42;
	v52 =	vor.u32 v45, v46;
	v13 =	vadd.s32 v21, v13  }
0xf2: {  	v15 =	vadd.s32 v18, v15;
	v61 =	vshrl.u32 v20, $0xF;
	v62 =	vshll.u32 v20, $0x11  }
0xf3: {  	v49 =	vor.u32 v63, v40;
	v51 =	vor.u32 v43, v44;
	v12 =	vadd.s32 v20, v12  }
0xf4: {  	v17 =	vxor.u32 v10, v24;
	v18 =	vxor.u32 v11, v47;
	v54 =	vxor.u32 v14, v50  }
0xf5: {  	v57 =	vxor.u32 v16, v52;
	v48 =	vor.u32 v61, v62;
	v53 =	vxor.u32 v13, v49  }
0xf6: {  	v55 =	vshrl.u32 v17, $0x3;
	v56 =	vxor.u32 v15, v51;
	v58 =	vshll.u32 v17, $0x1D  }
0xf7: {  	v59 =	vshrl.u32 v18, $0x3;
	v60 =	vshll.u32 v18, $0x1D;
	v41 =	vshrl.u32 v54, $0x3  }
0xf8: {  	v42 =	vshll.u32 v54, $0x1D;
	v45 =	vshrl.u32 v57, $0x3;
	v47 =	vshll.u32 v57, $0x1D  }
0xf9: {  	v10 =	vadd.s32 v10, v17;
	v11 =	vadd.s32 v11, v18;
	v14 =	vadd.s32 v14, v54  }
0xfa: {  	v16 =	vadd.s32 v16, v57;
	v19 =	vxor.u32 v12, v48;
	v63 =	vshrl.u32 v53, $0x3  }
0xfb: {  	v40 =	vshll.u32 v53, $0x1D;
	v43 =	vshrl.u32 v56, $0x3;
	v44 =	vshll.u32 v56, $0x1D  }
0xfc: {  	v22 =	vor.u32 v55, v58;
	v46 =	vor.u32 v59, v60;
	v50 =	vor.u32 v41, v42  }
0xfd: {  	v26 =	vor.u32 v45, v47;
	v13 =	vadd.s32 v13, v53;
	v15 =	vadd.s32 v15, v56  }
0xfe: {  	v61 =	vshrl.u32 v19, $0x3;
	v62 =	vshll.u32 v19, $0x1D;
	v49 =	vor.u32 v63, v40  }
0xff: {  	v17 =	vor.u32 v43, v44;
	v12 =	vadd.s32 v12, v19;
	v18 =	vxor.u32 v10, v22  }
0x100: {  	v19 =	vxor.u32 v11, v46;
	v53 =	vxor.u32 v14, v50;
	v56 =	vxor.u32 v16, v26  }
0x101: {  	v48 =	vor.u32 v61, v62;
	v52 =	vxor.u32 v13, v49;
	v17 =	vxor.u32 v15, v17  }
0x102: {  	v54 =	vshrl.u32 v18, $0x10;
	v55 =	vshll.u32 v18, $0x10;
	v57 =	vshrl.u32 v19, $0x10  }
0x103: {  	v58 =	vshll.u32 v19, $0x10;
	v63 =	vshrl.u32 v53, $0x10;
	v40 =	vshll.u32 v53, $0x10  }
0x104: {  	v43 =	vshrl.u32 v56, $0x10;
	v44 =	vshll.u32 v56, $0x10;
	v10 =	vadd.s32 v10, v18  }
0x105: {  	v11 =	vadd.s32 v11, v19;
	v14 =	vadd.s32 v14, v53;
	v16 =	vadd.s32 v16, v56  }
0x106: {  	v51 =	vxor.u32 v12, v48;
	v61 =	vshrl.u32 v52, $0x10;
	v62 =	vshll.u32 v52, $0x10  }
0x107: {  	v41 =	vshrl.u32 v17, $0x10;
	v42 =	vshll.u32 v17, $0x10;
	v23 =	vor.u32 v54, v55  }
0x108: {  	v45 =	vor.u32 v57, v58;
	v48 =	vor.u32 v63, v40;
	v18 =	vor.u32 v43, v44  }
0x109: {  	v13 =	vadd.s32 v13, v52;
	v15 =	vadd.s32 v15, v17;
	v59 =	vshrl.u32 v51, $0x10  }
0x10a: {  	v60 =	vshll.u32 v51, $0x10;
	v47 =	vor.u32 v61, v62;
	v49 =	vor.u32 v41, v42  }
0x10b: {  	v12 =	vadd.s32 v12, v51;
	v19 =	vxor.u32 v10, v23;
	v17 =	vxor.u32 v11, v45  }
0x10c: {  	v22 =	vxor.u32 v14, v48;
	v18 =	vxor.u32 v16, v18;
	v46 =	vor.u32 v59, v60  }
0x10d: {  	v21 =	vxor.u32 v13, v47;
	v50 =	vxor.u32 v15, v49;
	v51 =	vshrl.u32 v19, $0x8  }
0x10e: {  	v52 =	vshll.u32 v19, $0x18;
	v53 =	vshrl.u32 v17, $0x8;
	v54 =	vshll.u32 v17, $0x18  }
0x10f: {  	v59 =	vshrl.u32 v22, $0x8;
	v60 =	vshll.u32 v22, $0x18;
	v63 =	vshrl.u32 v18, $0x8  }
0x110: {  	v40 =	vshll.u32 v18, $0x18;
	v10 =	vadd.s32 v10, v19;
	v11 =	vadd.s32 v11, v17  }
0x111: {  	v14 =	vadd.s32 v14, v22;
	v16 =	vadd.s32 v16, v18;
	v20 =	vxor.u32 v12, v46  }
0x112: {  	v57 =	vshrl.u32 v21, $0x8;
	v58 =	vshll.u32 v21, $0x18;
	v61 =	vshrl.u32 v50, $0x8  }
0x113: {  	v62 =	vshll.u32 v50, $0x18;
	v24 =	vor.u32 v51, v52;
	v26 =	vor.u32 v53, v54  }
0x114: {  	v43 =	vor.u32 v59, v60;
	v25 =	vor.u32 v63, v40;
	v13 =	vadd.s32 v13, v21  }
0x115: {  	v15 =	vadd.s32 v15, v50;
	v55 =	vshrl.u32 v20, $0x8;
	v56 =	vshll.u32 v20, $0x18  }
0x116: {  	v42 =	vor.u32 v57, v58;
	v44 =	vor.u32 v61, v62;
	v12 =	vadd.s32 v12, v20  }
0x117: {  	v17 =	vxor.u32 v10, v24;
	v19 =	vxor.u32 v11, v26;
	v46 =	vxor.u32 v14, v43  }
0x118: {  	v48 =	vxor.u32 v16, v25;
	v10 =	vadd.s32 v2, v10;
	v11 =	vadd.s32 v2, v11  }
0x119: {  	v14 =	vadd.s32 v2, v14;
	v16 =	vadd.s32 v2, v16;
	v41 =	vor.u32 v55, v56  }
0x11a: {  	v45 =	vxor.u32 v13, v42;
	v17 =	vadd.s32 v17, v7;
	v47 =	vxor.u32 v15, v44  }
0x11b: {  	v19 =	vadd.s32 v19, v7;
	v21 =	vadd.s32 v46, v7;
	v23 =	vadd.s32 v48, v7  }
0x11c: {  	v13 =	vadd.s32 v2, v13;
	v15 =	vadd.s32 v2, v15;
	v18 =	vxor.u32 v12, v41  }
0x11d: {  	v20 =	vadd.s32 v45, v7;
	v22 =	vadd.s32 v47, v7;
	v49 =	vshrl.u32 v17, $0x13  }
0x11e: {  	v50 =	vshll.u32 v17, $0xD;
	v51 =	vshrl.u32 v19, $0x13;
	v52 =	vshll.u32 v19, $0xD  }
0x11f: {  	v57 =	vshrl.u32 v21, $0x13;
	v58 =	vshll.u32 v21, $0xD;
	v61 =	vshrl.u32 v23, $0x13  }
0x120: {  	v62 =	vshll.u32 v23, $0xD;
	v12 =	vadd.s32 v2, v12;
	v10 =	vadd.s32 v17, v10  }
0x121: {  	v11 =	vadd.s32 v19, v11;
	v14 =	vadd.s32 v21, v14;
	v16 =	vadd.s32 v23, v16  }
0x122: {  	v18 =	vadd.s32 v18, v7;
	v55 =	vshrl.u32 v20, $0x13;
	v56 =	vshll.u32 v20, $0xD  }
0x123: {  	v59 =	vshrl.u32 v22, $0x13;
	v60 =	vshll.u32 v22, $0xD;
	v24 =	vor.u32 v49, v50  }
0x124: {  	v63 =	vor.u32 v51, v52;
	v40 =	vor.u32 v57, v58;
	v17 =	vor.u32 v61, v62  }
0x125: {  	v13 =	vadd.s32 v20, v13;
	v15 =	vadd.s32 v22, v15;
	v53 =	vshrl.u32 v18, $0x13  }
0x126: {  	v54 =	vshll.u32 v18, $0xD;
	v39 =	vor.u32 v55, v56;
	v41 =	vor.u32 v59, v60  }
0x127: {  	v12 =	vadd.s32 v18, v12;
	v18 =	vxor.u32 v10, v24;
	v19 =	vxor.u32 v11, v63  }
0x128: {  	v44 =	vxor.u32 v14, v40;
	v17 =	vxor.u32 v16, v17;
	v38 =	vor.u32 v53, v54  }
0x129: {  	v43 =	vxor.u32 v13, v39;
	v45 =	vxor.u32 v15, v41;
	v24 =	vshrl.u32 v18, $0x11  }
0x12a: {  	v46 =	vshll.u32 v18, $0xF;
	v47 =	vshrl.u32 v19, $0x11;
	v48 =	vshll.u32 v19, $0xF  }
0x12b: {  	v53 =	vshrl.u32 v44, $0x11;
	v54 =	vshll.u32 v44, $0xF;
	v57 =	vshrl.u32 v17, $0x11  }
0x12c: {  	v58 =	vshll.u32 v17, $0xF;
	v10 =	vadd.s32 v10, v18;
	v11 =	vadd.s32 v11, v19  }
0x12d: {  	v14 =	vadd.s32 v14, v44;
	v16 =	vadd.s32 v16, v17;
	v42 =	vxor.u32 v12, v38  }
0x12e: {  	v51 =	vshrl.u32 v43, $0x11;
	v52 =	vshll.u32 v43, $0xF;
	v55 =	vshrl.u32 v45, $0x11  }
0x12f: {  	v56 =	vshll.u32 v45, $0xF;
	v24 =	vor.u32 v24, v46;
	v26 =	vor.u32 v47, v48  }
0x130: {  	v61 =	vor.u32 v53, v54;
	v25 =	vor.u32 v57, v58;
	v13 =	vadd.s32 v13, v43  }
0x131: {  	v15 =	vadd.s32 v15, v45;
	v49 =	vshrl.u32 v42, $0x11;
	v50 =	vshll.u32 v42, $0xF  }
0x132: {  	v60 =	vor.u32 v51, v52;
	v62 =	vor.u32 v55, v56;
	v12 =	vadd.s32 v12, v42  }
0x133: {  	v18 =	vxor.u32 v10, v24;
	v19 =	vxor.u32 v11, v26;
	v40 =	vxor.u32 v14, v61  }
0x134: {  	v42 =	vxor.u32 v16, v25;
	v59 =	vor.u32 v49, v50;
	v63 =	vxor.u32 v13, v60  }
0x135: {  	v41 =	vshrl.u32 v18, $0x6;
	v23 =	vxor.u32 v15, v62;
	v43 =	vshll.u32 v18, $0x1A  }
0x136: {  	v26 =	vshrl.u32 v19, $0x6;
	v44 =	vshll.u32 v19, $0x1A;
	v49 =	vshrl.u32 v40, $0x6  }
0x137: {  	v50 =	vshll.u32 v40, $0x1A;
	v53 =	vshrl.u32 v42, $0x6;
	v55 =	vshll.u32 v42, $0x1A  }
0x138: {  	v10 =	vadd.s32 v10, v18;
	v11 =	vadd.s32 v11, v19;
	v14 =	vadd.s32 v14, v40  }
0x139: {  	v16 =	vadd.s32 v16, v42;
	v17 =	vxor.u32 v12, v59;
	v47 =	vshrl.u32 v63, $0x6  }
0x13a: {  	v48 =	vshll.u32 v63, $0x1A;
	v51 =	vshrl.u32 v23, $0x6;
	v52 =	vshll.u32 v23, $0x1A  }
0x13b: {  	v22 =	vor.u32 v41, v43;
	v54 =	vor.u32 v26, v44;
	v58 =	vor.u32 v49, v50  }
0x13c: {  	v26 =	vor.u32 v53, v55;
	v13 =	vadd.s32 v13, v63;
	v15 =	vadd.s32 v15, v23  }
0x13d: {  	v45 =	vshrl.u32 v17, $0x6;
	v46 =	vshll.u32 v17, $0x1A;
	v57 =	vor.u32 v47, v48  }
0x13e: {  	v18 =	vor.u32 v51, v52;
	v12 =	vadd.s32 v12, v17;
	v17 =	vxor.u32 v10, v22  }
0x13f: {  	v19 =	vxor.u32 v11, v54;
	v61 =	vxor.u32 v14, v58;
	v40 =	vxor.u32 v16, v26  }
0x140: {  	v56 =	vor.u32 v45, v46;
	v60 =	vxor.u32 v13, v57;
	v18 =	vxor.u32 v15, v18  }
0x141: {  	v62 =	vshrl.u32 v17, $0x1A;
	v63 =	vshll.u32 v17, $0x6;
	v41 =	vshrl.u32 v19, $0x1A  }
0x142: {  	v42 =	vshll.u32 v19, $0x6;
	v47 =	vshrl.u32 v61, $0x1A;
	v48 =	vshll.u32 v61, $0x6  }
0x143: {  	v51 =	vshrl.u32 v40, $0x1A;
	v52 =	vshll.u32 v40, $0x6;
	v10 =	vadd.s32 v10, v17  }
0x144: {  	v17 =	vadd.s32 v11, v19;
	v14 =	vadd.s32 v14, v61;
	v16 =	vadd.s32 v16, v40  }
0x145: {  	v59 =	vxor.u32 v12, v56;
	v45 =	vshrl.u32 v60, $0x1A;
	v46 =	vshll.u32 v60, $0x6  }
0x146: {  	v49 =	vshrl.u32 v18, $0x1A;
	v50 =	vshll.u32 v18, $0x6;
	v23 =	vor.u32 v62, v63  }
0x147: {  	v53 =	vor.u32 v41, v42;
	v56 =	vor.u32 v47, v48;
	v11 =	vor.u32 v51, v52  }
0x148: {  	v19 =	vadd.s32 v13, v60;
	v18 =	vadd.s32 v15, v18;
	v62 =	vadd.s32 v3, v17  }
0x149: {  	v43 =	vshrl.u32 v59, $0x1A;
	v44 =	vshll.u32 v59, $0x6;
	v55 =	vor.u32 v45, v46  }
0x14a: {  	v57 =	vor.u32 v49, v50;
	v12 =	vadd.s32 v12, v59;
	v13 =	vxor.u32 v10, v23  }
0x14b: {  	v15 =	vxor.u32 v17, v53;
	v22 =	vxor.u32 v14, v56;
	v59 =	vxor.u32 v16, v11  }
0x14c: {  	v10 =	vadd.s32 v3, v10;
	v14 =	vadd.s32 v3, v14;
	v17 =	vadd.s32 v3, v18  }
0x14d: {  	v16 =	vadd.s32 v3, v16;
	v54 =	vor.u32 v43, v44;
	v21 =	vxor.u32 v19, v55  }
0x14e: {  	v58 =	vxor.u32 v18, v57;
	v60 =	vadd.s32 v13, v8;
	v61 =	vadd.s32 v15, v8  }
0x14f: {  	v13 =	vadd.s32 v22, v8;
	v15 =	vadd.s32 v59, v8;
	v63 =	vadd.s32 v3, v12  }
0x150: {  	s17 =	simm.s32 $0x40;
	v19 =	vadd.s32 v3, v19;
	v20 =	vxor.u32 v12, v54;
	v21 =	vadd.s32 v21, v8  }
0x151: {  	s16 =	sor.u32 s3, s16;
	[tilespmem:s17+$0x30] =	vst v9;
	v11 =	vadd.s32 v58, v8;
	v9 =	vxor.u32 v10, v60;
	v20 =	vadd.s32 v20, v8  }
0x152: {  	s16 =	sshll.u32 s16, $0x7;
	s19 =	sadd.s32 $0x186A0, s14;
	s18 =	simm.s32 $0x30D40;
	v12 =	vxor.u32 v62, v61;
	[tilespmem:s17+$0xFFFFFFC0] =	vst v9;
	v9 =	vxor.u32 v19, v21;
	v10 =	vxor.u32 v63, v20  }
.LBB2_4:
0x153: {  	p0 =	sne.s32 s18, $0x3B8260;
	s20 =	sadd.s32 $0x864770, s19;
	[tilespmem:s17+$0xFFFFFFD0] =	vst v12;
	v12 =	vxor.u32 v14, v13;
	v11 =	vxor.u32 v17, v11;
	v13 =	vxor.u32 v16, v15  }
0x154: {  	s21 =	sadd.s32 $0x864700, s19;
	s22 =	sadd.s32 $0x864710, s19;
	v14 =	vadd.s32 s20, v2;
	[tilespmem:s17+$0xFFFFFFE0] =	vst v10  }
0x155: {  	v10 =	vadd.s32 s21, v2;
	v15 =	vadd.s32 s22, v2;
	s20 =	sadd.s32 $0x864720, s19;
	s21 =	sadd.s32 $0x864730, s19;
	v14 =	vadd.s32 v0, v14;
	[tilespmem:s17+$0xFFFFFFF0] =	vst v9  }
0x156: {  	s22 =	sadd.s32 $0x864750, s19;
	v9 =	vadd.s32 s20, v2;
	s20 =	sadd.s32 $0x864740, s19;
	v16 =	vshrl.u32 v14, $0x13;
	v17 =	vshll.u32 v14, $0xD;
	[tilespmem:s17+$0x0] =	vst v12  }
0x157: {  	s19 =	sadd.s32 $0x864760, s19;
	v12 =	vadd.s32 s21, v2;
	v14 =	vadd.s32 v1, v14;
	v16 =	vor.u32 v16, v17;
	[tilespmem:s17+$0x10] =	vst v11  }
0x158: {  	v11 =	vadd.s32 s20, v2;
	v17 =	vadd.s32 s22, v2;
	v16 =	vxor.u32 v14, v16;
	[tilespmem:s17+$0x20] =	vst v13  }
0x159: {  	v13 =	vadd.s32 s19, v2;
	v18 =	vshrl.u32 v16, $0x11;
	v19 =	vshll.u32 v16, $0xF  }
0x15a: {  	v10 =	vadd.s32 v0, v10;
	v14 =	vadd.s32 v14, v16;
	v16 =	vor.u32 v18, v19  }
0x15b: {  	v15 =	vadd.s32 v0, v15;
	v9 =	vadd.s32 v0, v9;
	v16 =	vxor.u32 v14, v16  }
0x15c: {  	v12 =	vadd.s32 v0, v12;
	v18 =	vshrl.u32 v16, $0x6;
	v19 =	vshll.u32 v16, $0x1A  }
0x15d: {  	v11 =	vadd.s32 v0, v11;
	v14 =	vadd.s32 v14, v16;
	v16 =	vor.u32 v18, v19  }
0x15e: {  	v17 =	vadd.s32 v0, v17;
	v13 =	vadd.s32 v0, v13;
	v16 =	vxor.u32 v14, v16  }
0x15f: {  	v18 =	vshrl.u32 v10, $0x13;
	v19 =	vshrl.u32 v16, $0x1A;
	v20 =	vshll.u32 v16, $0x6  }
0x160: {  	v21 =	vshll.u32 v10, $0xD;
	v14 =	vadd.s32 v14, v16;
	v16 =	vor.u32 v19, v20  }
0x161: {  	v19 =	vshrl.u32 v15, $0x13;
	v20 =	vshll.u32 v15, $0xD;
	v16 =	vxor.u32 v14, v16  }
0x162: {  	v22 =	vshrl.u32 v9, $0x13;
	v23 =	vshll.u32 v9, $0xD;
	v16 =	vadd.s32 v16, v4  }
0x163: {  	v14 =	vadd.s32 v2, v14;
	v24 =	vshrl.u32 v16, $0xF;
	v25 =	vshll.u32 v16, $0x11  }
0x164: {  	v26 =	vshrl.u32 v12, $0x13;
	v14 =	vadd.s32 v16, v14;
	v16 =	vor.u32 v24, v25  }
0x165: {  	v24 =	vshll.u32 v12, $0xD;
	v25 =	vshrl.u32 v11, $0x13;
	v16 =	vxor.u32 v14, v16  }
0x166: {  	v27 =	vshll.u32 v11, $0xD;
	v28 =	vshrl.u32 v16, $0x3;
	v29 =	vshll.u32 v16, $0x1D  }
0x167: {  	v30 =	vshrl.u32 v17, $0x13;
	v14 =	vadd.s32 v14, v16;
	v16 =	vor.u32 v28, v29  }
0x168: {  	v28 =	vshll.u32 v17, $0xD;
	v29 =	vshrl.u32 v13, $0x13;
	v16 =	vxor.u32 v14, v16  }
0x169: {  	v31 =	vshll.u32 v13, $0xD;
	v32 =	vshrl.u32 v16, $0x10;
	v33 =	vshll.u32 v16, $0x10  }
0x16a: {  	v18 =	vor.u32 v18, v21;
	v14 =	vadd.s32 v14, v16;
	v16 =	vor.u32 v32, v33  }
0x16b: {  	v19 =	vor.u32 v19, v20;
	v20 =	vor.u32 v22, v23;
	v16 =	vxor.u32 v14, v16  }
0x16c: {  	v21 =	vor.u32 v26, v24;
	v22 =	vshrl.u32 v16, $0x8;
	v23 =	vshll.u32 v16, $0x18  }
0x16d: {  	v24 =	vor.u32 v25, v27;
	v14 =	vadd.s32 v14, v16;
	v16 =	vor.u32 v22, v23  }
0x16e: {  	v22 =	vor.u32 v30, v28;
	v23 =	vor.u32 v29, v31;
	v16 =	vxor.u32 v14, v16  }
0x16f: {  	v10 =	vadd.s32 v1, v10;
	v15 =	vadd.s32 v1, v15;
	v16 =	vadd.s32 v16, v5  }
0x170: {  	v14 =	vadd.s32 v3, v14;
	v25 =	vshrl.u32 v16, $0x13;
	v26 =	vshll.u32 v16, $0xD  }
0x171: {  	v9 =	vadd.s32 v1, v9;
	v14 =	vadd.s32 v16, v14;
	v16 =	vor.u32 v25, v26  }
0x172: {  	v12 =	vadd.s32 v1, v12;
	v11 =	vadd.s32 v1, v11;
	v16 =	vxor.u32 v14, v16  }
0x173: {  	v17 =	vadd.s32 v1, v17;
	v25 =	vshrl.u32 v16, $0x11;
	v26 =	vshll.u32 v16, $0xF  }
0x174: {  	v13 =	vadd.s32 v1, v13;
	v14 =	vadd.s32 v14, v16;
	v16 =	vor.u32 v25, v26  }
0x175: {  	v18 =	vxor.u32 v10, v18;
	v19 =	vxor.u32 v15, v19;
	v16 =	vxor.u32 v14, v16  }
0x176: {  	v20 =	vxor.u32 v9, v20;
	v25 =	vshrl.u32 v16, $0x6;
	v26 =	vshll.u32 v16, $0x1A  }
0x177: {  	v21 =	vxor.u32 v12, v21;
	v14 =	vadd.s32 v14, v16;
	v16 =	vor.u32 v25, v26  }
0x178: {  	v24 =	vxor.u32 v11, v24;
	v22 =	vxor.u32 v17, v22;
	v16 =	vxor.u32 v14, v16  }
0x179: {  	v23 =	vxor.u32 v13, v23;
	v25 =	vshrl.u32 v16, $0x1A;
	v26 =	vshll.u32 v16, $0x6  }
0x17a: {  	v27 =	vshrl.u32 v18, $0x11;
	v14 =	vadd.s32 v14, v16;
	v16 =	vor.u32 v25, v26  }
0x17b: {  	v25 =	vshll.u32 v18, $0xF;
	v26 =	vshrl.u32 v19, $0x11;
	v16 =	vxor.u32 v14, v16  }
0x17c: {  	v28 =	vshll.u32 v19, $0xF;
	v29 =	vshrl.u32 v20, $0x11;
	v16 =	vadd.s32 v16, v6  }
0x17d: {  	v14 =	vadd.s32 v1, v14;
	v30 =	vshrl.u32 v16, $0xF;
	v31 =	vshll.u32 v16, $0x11  }
0x17e: {  	v32 =	vshll.u32 v20, $0xF;
	v14 =	vadd.s32 v16, v14;
	v16 =	vor.u32 v30, v31  }
0x17f: {  	v30 =	vshrl.u32 v21, $0x11;
	v31 =	vshll.u32 v21, $0xF;
	v16 =	vxor.u32 v14, v16  }
0x180: {  	v33 =	vshrl.u32 v24, $0x11;
	v34 =	vshrl.u32 v16, $0x3;
	v35 =	vshll.u32 v16, $0x1D  }
0x181: {  	v36 =	vshll.u32 v24, $0xF;
	v14 =	vadd.s32 v14, v16;
	v16 =	vor.u32 v34, v35  }
0x182: {  	v34 =	vshrl.u32 v22, $0x11;
	v35 =	vshll.u32 v22, $0xF;
	v16 =	vxor.u32 v14, v16  }
0x183: {  	v37 =	vshrl.u32 v23, $0x11;
	v38 =	vshrl.u32 v16, $0x10;
	v39 =	vshll.u32 v16, $0x10  }
0x184: {  	v40 =	vshll.u32 v23, $0xF;
	v14 =	vadd.s32 v14, v16;
	v16 =	vor.u32 v38, v39  }
0x185: {  	v25 =	vor.u32 v27, v25;
	v26 =	vor.u32 v26, v28;
	v16 =	vxor.u32 v14, v16  }
0x186: {  	v27 =	vor.u32 v29, v32;
	v28 =	vshrl.u32 v16, $0x8;
	v29 =	vshll.u32 v16, $0x18  }
0x187: {  	v30 =	vor.u32 v30, v31;
	v14 =	vadd.s32 v14, v16;
	v16 =	vor.u32 v28, v29  }
0x188: {  	v28 =	vor.u32 v33, v36;
	v29 =	vor.u32 v34, v35;
	v16 =	vxor.u32 v14, v16  }
0x189: {  	v10 =	vadd.s32 v10, v18;
	v18 =	vor.u32 v37, v40;
	v16 =	vadd.s32 v16, v7  }
0x18a: {  	v14 =	vadd.s32 v2, v14;
	v31 =	vshrl.u32 v16, $0x13;
	v32 =	vshll.u32 v16, $0xD  }
0x18b: {  	v15 =	vadd.s32 v15, v19;
	v14 =	vadd.s32 v16, v14;
	v16 =	vor.u32 v31, v32  }
0x18c: {  	v9 =	vadd.s32 v9, v20;
	v12 =	vadd.s32 v12, v21;
	v16 =	vxor.u32 v14, v16  }
0x18d: {  	v11 =	vadd.s32 v11, v24;
	v19 =	vshrl.u32 v16, $0x11;
	v20 =	vshll.u32 v16, $0xF  }
0x18e: {  	v17 =	vadd.s32 v17, v22;
	v14 =	vadd.s32 v14, v16;
	v16 =	vor.u32 v19, v20  }
0x18f: {  	v13 =	vadd.s32 v13, v23;
	v19 =	vxor.u32 v10, v25;
	v16 =	vxor.u32 v14, v16  }
0x190: {  	v20 =	vxor.u32 v15, v26;
	v21 =	vshrl.u32 v16, $0x6;
	v22 =	vshll.u32 v16, $0x1A  }
0x191: {  	v23 =	vxor.u32 v9, v27;
	v14 =	vadd.s32 v14, v16;
	v16 =	vor.u32 v21, v22  }
0x192: {  	v21 =	vxor.u32 v12, v30;
	v22 =	vxor.u32 v11, v28;
	v16 =	vxor.u32 v14, v16  }
0x193: {  	v24 =	vxor.u32 v17, v29;
	v25 =	vshrl.u32 v16, $0x1A;
	v26 =	vshll.u32 v16, $0x6  }
0x194: {  	v18 =	vxor.u32 v13, v18;
	v14 =	vadd.s32 v14, v16;
	v16 =	vor.u32 v25, v26  }
0x195: {  	v25 =	vshrl.u32 v19, $0x6;
	v26 =	vshll.u32 v19, $0x1A;
	v16 =	vxor.u32 v14, v16  }
0x196: {  	v27 =	vshrl.u32 v20, $0x6;
	v14 =	vadd.s32 v3, v14;
	v16 =	vadd.s32 v16, v8  }
0x197: {  	s17 =	sadd.s32 $0x80, s17;
	v29 =	vshrl.u32 v23, $0x6;
	v28 =	vshll.u32 v20, $0x1A;
	v14 =	vxor.u32 v14, v16  }
0x198: {  	v30 =	vshrl.u32 v21, $0x6;
	v31 =	vshll.u32 v21, $0x1A;
	v16 =	vshll.u32 v23, $0x1A;
	[tilespmem:s17+$0x30] =	vst v14  }
0x199: {  	v33 =	vshrl.u32 v24, $0x6;
	v32 =	vshll.u32 v22, $0x1A;
	v14 =	vshrl.u32 v22, $0x6  }
0x19a: {  	v35 =	vshrl.u32 v18, $0x6;
	v36 =	vshll.u32 v18, $0x1A;
	v34 =	vshll.u32 v24, $0x1A  }
0x19b: {  	v25 =	vor.u32 v25, v26;
	v26 =	vor.u32 v27, v28;
	v16 =	vor.u32 v29, v16  }
0x19c: {  	v27 =	vor.u32 v30, v31;
	v28 =	vor.u32 v33, v34;
	v14 =	vor.u32 v14, v32  }
0x19d: {  	v10 =	vadd.s32 v10, v19;
	v15 =	vadd.s32 v15, v20;
	v19 =	vor.u32 v35, v36  }
0x19e: {  	v9 =	vadd.s32 v9, v23;
	v12 =	vadd.s32 v12, v21;
	v11 =	vadd.s32 v11, v22  }
0x19f: {  	v13 =	vadd.s32 v13, v18;
	v17 =	vadd.s32 v17, v24;
	v20 =	vxor.u32 v10, v25  }
0x1a0: {  	v18 =	vxor.u32 v15, v26;
	v21 =	vxor.u32 v12, v27;
	v16 =	vxor.u32 v9, v16  }
0x1a1: {  	v19 =	vxor.u32 v13, v19;
	v22 =	vxor.u32 v17, v28;
	v14 =	vxor.u32 v11, v14  }
0x1a2: {  	v23 =	vshrl.u32 v20, $0x1A;
	v24 =	vshll.u32 v20, $0x6;
	v25 =	vshrl.u32 v18, $0x1A  }
0x1a3: {  	v26 =	vshll.u32 v18, $0x6;
	v27 =	vshrl.u32 v16, $0x1A;
	v28 =	vshll.u32 v16, $0x6  }
0x1a4: {  	v30 =	vshll.u32 v21, $0x6;
	v29 =	vshrl.u32 v21, $0x1A;
	v31 =	vshrl.u32 v14, $0x1A  }
0x1a5: {  	v33 =	vshrl.u32 v22, $0x1A;
	v34 =	vshll.u32 v22, $0x6;
	v32 =	vshll.u32 v14, $0x6  }
0x1a6: {  	v35 =	vshll.u32 v19, $0x6;
	v23 =	vor.u32 v23, v24;
	v24 =	vshrl.u32 v19, $0x1A  }
0x1a7: {  	v25 =	vor.u32 v25, v26;
	v26 =	vor.u32 v27, v28;
	v27 =	vor.u32 v29, v30  }
0x1a8: {  	v24 =	vor.u32 v24, v35;
	v29 =	vor.u32 v33, v34;
	v28 =	vor.u32 v31, v32  }
0x1a9: {  	v10 =	vadd.s32 v10, v20;
	v15 =	vadd.s32 v15, v18;
	v9 =	vadd.s32 v9, v16  }
0x1aa: {  	v12 =	vadd.s32 v12, v21;
	v11 =	vadd.s32 v11, v14;
	v14 =	vadd.s32 v17, v22  }
0x1ab: {  	v13 =	vadd.s32 v13, v19;
	v16 =	vxor.u32 v10, v23;
	v17 =	vxor.u32 v15, v25  }
0x1ac: {  	v18 =	vxor.u32 v9, v26;
	v19 =	vxor.u32 v12, v27;
	v20 =	vxor.u32 v11, v28  }
0x1ad: {  	v16 =	vadd.s32 v16, v4;
	v22 =	vxor.u32 v13, v24;
	v21 =	vxor.u32 v14, v29  }
0x1ae: {  	v17 =	vadd.s32 v17, v4;
	v18 =	vadd.s32 v18, v4;
	v19 =	vadd.s32 v19, v4  }
0x1af: {  	v22 =	vadd.s32 v22, v4;
	v21 =	vadd.s32 v21, v4;
	v20 =	vadd.s32 v20, v4  }
0x1b0: {  	v23 =	vshrl.u32 v16, $0xF;
	v24 =	vshll.u32 v16, $0x11;
	v25 =	vshrl.u32 v17, $0xF  }
0x1b1: {  	v26 =	vshll.u32 v17, $0x11;
	v27 =	vshrl.u32 v18, $0xF;
	v28 =	vshll.u32 v18, $0x11  }
0x1b2: {  	v29 =	vshrl.u32 v19, $0xF;
	v30 =	vshll.u32 v19, $0x11;
	v31 =	vshrl.u32 v20, $0xF  }
0x1b3: {  	v33 =	vshrl.u32 v21, $0xF;
	v34 =	vshll.u32 v21, $0x11;
	v32 =	vshll.u32 v20, $0x11  }
0x1b4: {  	v10 =	vadd.s32 v2, v10;
	v35 =	vshrl.u32 v22, $0xF;
	v36 =	vshll.u32 v22, $0x11  }
0x1b5: {  	v15 =	vadd.s32 v2, v15;
	v9 =	vadd.s32 v2, v9;
	v12 =	vadd.s32 v2, v12  }
0x1b6: {  	v13 =	vadd.s32 v2, v13;
	v14 =	vadd.s32 v2, v14;
	v11 =	vadd.s32 v2, v11  }
0x1b7: {  	v23 =	vor.u32 v23, v24;
	v24 =	vor.u32 v25, v26;
	v25 =	vor.u32 v27, v28  }
0x1b8: {  	v26 =	vor.u32 v29, v30;
	v28 =	vor.u32 v33, v34;
	v27 =	vor.u32 v31, v32  }
0x1b9: {  	v10 =	vadd.s32 v16, v10;
	v15 =	vadd.s32 v17, v15;
	v16 =	vor.u32 v35, v36  }
0x1ba: {  	v9 =	vadd.s32 v18, v9;
	v12 =	vadd.s32 v19, v12;
	v11 =	vadd.s32 v20, v11  }
0x1bb: {  	v13 =	vadd.s32 v22, v13;
	v17 =	vxor.u32 v10, v23;
	v14 =	vadd.s32 v21, v14  }
0x1bc: {  	v18 =	vxor.u32 v15, v24;
	v19 =	vxor.u32 v9, v25;
	v20 =	vxor.u32 v12, v26  }
0x1bd: {  	v16 =	vxor.u32 v13, v16;
	v22 =	vxor.u32 v14, v28;
	v21 =	vxor.u32 v11, v27  }
0x1be: {  	v23 =	vshrl.u32 v17, $0x3;
	v24 =	vshll.u32 v17, $0x1D;
	v25 =	vshrl.u32 v18, $0x3  }
0x1bf: {  	v26 =	vshll.u32 v18, $0x1D;
	v27 =	vshrl.u32 v19, $0x3;
	v28 =	vshll.u32 v19, $0x1D  }
0x1c0: {  	v29 =	vshrl.u32 v20, $0x3;
	v30 =	vshll.u32 v20, $0x1D;
	v31 =	vshrl.u32 v21, $0x3  }
0x1c1: {  	v33 =	vshrl.u32 v22, $0x3;
	v34 =	vshll.u32 v22, $0x1D;
	v32 =	vshll.u32 v21, $0x1D  }
0x1c2: {  	v23 =	vor.u32 v23, v24;
	v24 =	vshrl.u32 v16, $0x3;
	v35 =	vshll.u32 v16, $0x1D  }
0x1c3: {  	v25 =	vor.u32 v25, v26;
	v26 =	vor.u32 v27, v28;
	v27 =	vor.u32 v29, v30  }
0x1c4: {  	v24 =	vor.u32 v24, v35;
	v29 =	vor.u32 v33, v34;
	v28 =	vor.u32 v31, v32  }
0x1c5: {  	v10 =	vadd.s32 v10, v17;
	v15 =	vadd.s32 v15, v18;
	v9 =	vadd.s32 v9, v19  }
0x1c6: {  	v12 =	vadd.s32 v12, v20;
	v14 =	vadd.s32 v14, v22;
	v11 =	vadd.s32 v11, v21  }
0x1c7: {  	v13 =	vadd.s32 v13, v16;
	v17 =	vxor.u32 v10, v23;
	v18 =	vxor.u32 v15, v25  }
0x1c8: {  	v16 =	vxor.u32 v9, v26;
	v19 =	vxor.u32 v12, v27;
	v20 =	vxor.u32 v11, v28  }
0x1c9: {  	v21 =	vshrl.u32 v17, $0x10;
	v23 =	vxor.u32 v13, v24;
	v22 =	vxor.u32 v14, v29  }
0x1ca: {  	v24 =	vshll.u32 v17, $0x10;
	v25 =	vshrl.u32 v18, $0x10;
	v26 =	vshll.u32 v18, $0x10  }
0x1cb: {  	v27 =	vshrl.u32 v16, $0x10;
	v28 =	vshll.u32 v16, $0x10;
	v29 =	vshrl.u32 v19, $0x10  }
0x1cc: {  	v30 =	vshll.u32 v19, $0x10;
	v31 =	vshrl.u32 v20, $0x10;
	v32 =	vshll.u32 v20, $0x10  }
0x1cd: {  	v35 =	vshrl.u32 v23, $0x10;
	v33 =	vshrl.u32 v22, $0x10;
	v34 =	vshll.u32 v22, $0x10  }
0x1ce: {  	v21 =	vor.u32 v21, v24;
	v24 =	vor.u32 v25, v26;
	v25 =	vshll.u32 v23, $0x10  }
0x1cf: {  	v26 =	vor.u32 v27, v28;
	v27 =	vor.u32 v29, v30;
	v28 =	vor.u32 v31, v32  }
0x1d0: {  	v10 =	vadd.s32 v10, v17;
	v17 =	vor.u32 v33, v34;
	v25 =	vor.u32 v35, v25  }
0x1d1: {  	v15 =	vadd.s32 v15, v18;
	v9 =	vadd.s32 v9, v16;
	v12 =	vadd.s32 v12, v19  }
0x1d2: {  	v13 =	vadd.s32 v13, v23;
	v14 =	vadd.s32 v14, v22;
	v11 =	vadd.s32 v11, v20  }
0x1d3: {  	v16 =	vxor.u32 v10, v21;
	v18 =	vxor.u32 v15, v24;
	v19 =	vxor.u32 v9, v26  }
0x1d4: {  	v20 =	vxor.u32 v12, v27;
	v17 =	vxor.u32 v14, v17;
	v21 =	vxor.u32 v11, v28  }
0x1d5: {  	v22 =	vshrl.u32 v16, $0x8;
	v23 =	vshll.u32 v16, $0x18;
	v24 =	vxor.u32 v13, v25  }
0x1d6: {  	v25 =	vshrl.u32 v18, $0x8;
	v26 =	vshll.u32 v18, $0x18;
	v27 =	vshrl.u32 v19, $0x8  }
0x1d7: {  	v28 =	vshll.u32 v19, $0x18;
	v29 =	vshrl.u32 v20, $0x8;
	v30 =	vshll.u32 v20, $0x18  }
0x1d8: {  	v33 =	vshrl.u32 v17, $0x8;
	v31 =	vshrl.u32 v21, $0x8;
	v32 =	vshll.u32 v21, $0x18  }
0x1d9: {  	v34 =	vshll.u32 v17, $0x18;
	v35 =	vshrl.u32 v24, $0x8;
	v36 =	vshll.u32 v24, $0x18  }
0x1da: {  	v22 =	vor.u32 v22, v23;
	v23 =	vor.u32 v25, v26;
	v25 =	vor.u32 v27, v28  }
0x1db: {  	v26 =	vor.u32 v29, v30;
	v28 =	vor.u32 v33, v34;
	v27 =	vor.u32 v31, v32  }
0x1dc: {  	v10 =	vadd.s32 v10, v16;
	v15 =	vadd.s32 v15, v18;
	v16 =	vor.u32 v35, v36  }
0x1dd: {  	v9 =	vadd.s32 v9, v19;
	v12 =	vadd.s32 v12, v20;
	v11 =	vadd.s32 v11, v21  }
0x1de: {  	v18 =	vxor.u32 v10, v22;
	v14 =	vadd.s32 v14, v17;
	v13 =	vadd.s32 v13, v24  }
0x1df: {  	v17 =	vxor.u32 v15, v23;
	v19 =	vxor.u32 v9, v25;
	v20 =	vxor.u32 v12, v26  }
0x1e0: {  	v22 =	vxor.u32 v14, v28;
	v16 =	vxor.u32 v13, v16;
	v21 =	vxor.u32 v11, v27  }
0x1e1: {  	v18 =	vadd.s32 v18, v5;
	v17 =	vadd.s32 v17, v5;
	v19 =	vadd.s32 v19, v5  }
0x1e2: {  	v20 =	vadd.s32 v20, v5;
	v22 =	vadd.s32 v22, v5;
	v21 =	vadd.s32 v21, v5  }
0x1e3: {  	v23 =	vshrl.u32 v18, $0x13;
	v24 =	vshll.u32 v18, $0xD;
	v16 =	vadd.s32 v16, v5  }
0x1e4: {  	v25 =	vshrl.u32 v17, $0x13;
	v26 =	vshll.u32 v17, $0xD;
	v27 =	vshrl.u32 v19, $0x13  }
0x1e5: {  	v28 =	vshll.u32 v19, $0xD;
	v29 =	vshrl.u32 v20, $0x13;
	v30 =	vshll.u32 v20, $0xD  }
0x1e6: {  	v33 =	vshrl.u32 v22, $0x13;
	v31 =	vshrl.u32 v21, $0x13;
	v32 =	vshll.u32 v21, $0xD  }
0x1e7: {  	v34 =	vshll.u32 v22, $0xD;
	v35 =	vshrl.u32 v16, $0x13;
	v36 =	vshll.u32 v16, $0xD  }
0x1e8: {  	v10 =	vadd.s32 v3, v10;
	v15 =	vadd.s32 v3, v15;
	v9 =	vadd.s32 v3, v9  }
0x1e9: {  	v12 =	vadd.s32 v3, v12;
	v14 =	vadd.s32 v3, v14;
	v11 =	vadd.s32 v3, v11  }
0x1ea: {  	v13 =	vadd.s32 v3, v13;
	v23 =	vor.u32 v23, v24;
	v24 =	vor.u32 v25, v26  }
0x1eb: {  	v25 =	vor.u32 v27, v28;
	v26 =	vor.u32 v29, v30;
	v27 =	vor.u32 v31, v32  }
0x1ec: {  	v10 =	vadd.s32 v18, v10;
	v18 =	vor.u32 v33, v34;
	v28 =	vor.u32 v35, v36  }
0x1ed: {  	v15 =	vadd.s32 v17, v15;
	v9 =	vadd.s32 v19, v9;
	v12 =	vadd.s32 v20, v12  }
0x1ee: {  	v14 =	vadd.s32 v22, v14;
	v13 =	vadd.s32 v16, v13;
	v11 =	vadd.s32 v21, v11  }
0x1ef: {  	v16 =	vxor.u32 v10, v23;
	v17 =	vxor.u32 v15, v24;
	v19 =	vxor.u32 v9, v25  }
0x1f0: {  	v20 =	vxor.u32 v12, v26;
	v18 =	vxor.u32 v14, v18;
	v21 =	vxor.u32 v11, v27  }
0x1f1: {  	v22 =	vshrl.u32 v16, $0x11;
	v23 =	vshll.u32 v16, $0xF;
	v24 =	vxor.u32 v13, v28  }
0x1f2: {  	v25 =	vshrl.u32 v17, $0x11;
	v26 =	vshll.u32 v17, $0xF;
	v27 =	vshrl.u32 v19, $0x11  }
0x1f3: {  	v28 =	vshll.u32 v19, $0xF;
	v29 =	vshrl.u32 v20, $0x11;
	v30 =	vshll.u32 v20, $0xF  }
0x1f4: {  	v33 =	vshrl.u32 v18, $0x11;
	v31 =	vshrl.u32 v21, $0x11;
	v32 =	vshll.u32 v21, $0xF  }
0x1f5: {  	v34 =	vshll.u32 v18, $0xF;
	v35 =	vshrl.u32 v24, $0x11;
	v36 =	vshll.u32 v24, $0xF  }
0x1f6: {  	v22 =	vor.u32 v22, v23;
	v23 =	vor.u32 v25, v26;
	v25 =	vor.u32 v27, v28  }
0x1f7: {  	v26 =	vor.u32 v29, v30;
	v28 =	vor.u32 v33, v34;
	v27 =	vor.u32 v31, v32  }
0x1f8: {  	v10 =	vadd.s32 v10, v16;
	v15 =	vadd.s32 v15, v17;
	v16 =	vor.u32 v35, v36  }
0x1f9: {  	v9 =	vadd.s32 v9, v19;
	v12 =	vadd.s32 v12, v20;
	v11 =	vadd.s32 v11, v21  }
0x1fa: {  	v17 =	vxor.u32 v10, v22;
	v14 =	vadd.s32 v14, v18;
	v13 =	vadd.s32 v13, v24  }
0x1fb: {  	v18 =	vxor.u32 v15, v23;
	v19 =	vxor.u32 v9, v25;
	v20 =	vxor.u32 v12, v26  }
0x1fc: {  	v22 =	vxor.u32 v14, v28;
	v16 =	vxor.u32 v13, v16;
	v21 =	vxor.u32 v11, v27  }
0x1fd: {  	v23 =	vshrl.u32 v17, $0x6;
	v24 =	vshll.u32 v17, $0x1A;
	v25 =	vshrl.u32 v18, $0x6  }
0x1fe: {  	v26 =	vshll.u32 v18, $0x1A;
	v27 =	vshrl.u32 v19, $0x6;
	v28 =	vshll.u32 v19, $0x1A  }
0x1ff: {  	v29 =	vshrl.u32 v20, $0x6;
	v30 =	vshll.u32 v20, $0x1A;
	v31 =	vshrl.u32 v21, $0x6  }
0x200: {  	v33 =	vshrl.u32 v22, $0x6;
	v34 =	vshll.u32 v22, $0x1A;
	v32 =	vshll.u32 v21, $0x1A  }
0x201: {  	v23 =	vor.u32 v23, v24;
	v24 =	vshrl.u32 v16, $0x6;
	v35 =	vshll.u32 v16, $0x1A  }
0x202: {  	v25 =	vor.u32 v25, v26;
	v26 =	vor.u32 v27, v28;
	v27 =	vor.u32 v29, v30  }
0x203: {  	v29 =	vor.u32 v33, v34;
	v24 =	vor.u32 v24, v35;
	v28 =	vor.u32 v31, v32  }
0x204: {  	v10 =	vadd.s32 v10, v17;
	v15 =	vadd.s32 v15, v18;
	v9 =	vadd.s32 v9, v19  }
0x205: {  	v12 =	vadd.s32 v12, v20;
	v14 =	vadd.s32 v14, v22;
	v11 =	vadd.s32 v11, v21  }
0x206: {  	v17 =	vxor.u32 v10, v23;
	v13 =	vadd.s32 v13, v16;
	v18 =	vxor.u32 v15, v25  }
0x207: {  	v16 =	vxor.u32 v9, v26;
	v19 =	vxor.u32 v12, v27;
	v20 =	vxor.u32 v11, v28  }
0x208: {  	v21 =	vshrl.u32 v17, $0x1A;
	v22 =	vxor.u32 v14, v29;
	v23 =	vxor.u32 v13, v24  }
0x209: {  	v24 =	vshll.u32 v17, $0x6;
	v25 =	vshrl.u32 v18, $0x1A;
	v26 =	vshll.u32 v18, $0x6  }
0x20a: {  	v27 =	vshrl.u32 v16, $0x1A;
	v28 =	vshll.u32 v16, $0x6;
	v29 =	vshrl.u32 v19, $0x1A  }
0x20b: {  	v30 =	vshll.u32 v19, $0x6;
	v31 =	vshrl.u32 v20, $0x1A;
	v32 =	vshll.u32 v20, $0x6  }
0x20c: {  	v33 =	vshrl.u32 v22, $0x1A;
	v34 =	vshll.u32 v22, $0x6;
	v35 =	vshrl.u32 v23, $0x1A  }
0x20d: {  	v21 =	vor.u32 v21, v24;
	v24 =	vor.u32 v25, v26;
	v25 =	vshll.u32 v23, $0x6  }
0x20e: {  	v26 =	vor.u32 v27, v28;
	v27 =	vor.u32 v29, v30;
	v28 =	vor.u32 v31, v32  }
0x20f: {  	v10 =	vadd.s32 v10, v17;
	v17 =	vor.u32 v33, v34;
	v25 =	vor.u32 v35, v25  }
0x210: {  	v15 =	vadd.s32 v15, v18;
	v9 =	vadd.s32 v9, v16;
	v12 =	vadd.s32 v12, v19  }
0x211: {  	v14 =	vadd.s32 v14, v22;
	v13 =	vadd.s32 v13, v23;
	v11 =	vadd.s32 v11, v20  }
0x212: {  	v16 =	vxor.u32 v10, v21;
	v18 =	vxor.u32 v15, v24;
	v19 =	vxor.u32 v9, v26  }
0x213: {  	v20 =	vxor.u32 v12, v27;
	v17 =	vxor.u32 v14, v17;
	v21 =	vxor.u32 v11, v28  }
0x214: {  	v16 =	vadd.s32 v16, v6;
	v18 =	vadd.s32 v18, v6;
	v22 =	vxor.u32 v13, v25  }
0x215: {  	v19 =	vadd.s32 v19, v6;
	v20 =	vadd.s32 v20, v6;
	v21 =	vadd.s32 v21, v6  }
0x216: {  	v23 =	vshrl.u32 v16, $0xF;
	v17 =	vadd.s32 v17, v6;
	v22 =	vadd.s32 v22, v6  }
0x217: {  	v24 =	vshll.u32 v16, $0x11;
	v25 =	vshrl.u32 v18, $0xF;
	v26 =	vshll.u32 v18, $0x11  }
0x218: {  	v27 =	vshrl.u32 v19, $0xF;
	v28 =	vshll.u32 v19, $0x11;
	v29 =	vshrl.u32 v20, $0xF  }
0x219: {  	v30 =	vshll.u32 v20, $0x11;
	v31 =	vshrl.u32 v21, $0xF;
	v32 =	vshll.u32 v21, $0x11  }
0x21a: {  	v33 =	vshrl.u32 v17, $0xF;
	v34 =	vshll.u32 v17, $0x11;
	v35 =	vshrl.u32 v22, $0xF  }
0x21b: {  	v10 =	vadd.s32 v1, v10;
	v15 =	vadd.s32 v1, v15;
	v36 =	vshll.u32 v22, $0x11  }
0x21c: {  	v9 =	vadd.s32 v1, v9;
	v12 =	vadd.s32 v1, v12;
	v11 =	vadd.s32 v1, v11  }
0x21d: {  	v14 =	vadd.s32 v1, v14;
	v13 =	vadd.s32 v1, v13;
	v23 =	vor.u32 v23, v24  }
0x21e: {  	v24 =	vor.u32 v25, v26;
	v25 =	vor.u32 v27, v28;
	v26 =	vor.u32 v29, v30  }
0x21f: {  	v28 =	vor.u32 v33, v34;
	v29 =	vor.u32 v35, v36;
	v27 =	vor.u32 v31, v32  }
0x220: {  	v10 =	vadd.s32 v16, v10;
	v15 =	vadd.s32 v18, v15;
	v9 =	vadd.s32 v19, v9  }
0x221: {  	v12 =	vadd.s32 v20, v12;
	v14 =	vadd.s32 v17, v14;
	v11 =	vadd.s32 v21, v11  }
0x222: {  	v13 =	vadd.s32 v22, v13;
	v16 =	vxor.u32 v10, v23;
	v17 =	vxor.u32 v15, v24  }
0x223: {  	v18 =	vxor.u32 v9, v25;
	v19 =	vxor.u32 v12, v26;
	v20 =	vxor.u32 v11, v27  }
0x224: {  	v21 =	vshrl.u32 v16, $0x3;
	v22 =	vxor.u32 v14, v28;
	v23 =	vxor.u32 v13, v29  }
0x225: {  	v24 =	vshll.u32 v16, $0x1D;
	v25 =	vshrl.u32 v17, $0x3;
	v26 =	vshll.u32 v17, $0x1D  }
0x226: {  	v27 =	vshrl.u32 v18, $0x3;
	v28 =	vshll.u32 v18, $0x1D;
	v29 =	vshrl.u32 v19, $0x3  }
0x227: {  	v30 =	vshll.u32 v19, $0x1D;
	v31 =	vshrl.u32 v20, $0x3;
	v32 =	vshll.u32 v20, $0x1D  }
0x228: {  	v33 =	vshrl.u32 v22, $0x3;
	v34 =	vshll.u32 v22, $0x1D;
	v35 =	vshrl.u32 v23, $0x3  }
0x229: {  	v21 =	vor.u32 v21, v24;
	v24 =	vor.u32 v25, v26;
	v25 =	vshll.u32 v23, $0x1D  }
0x22a: {  	v26 =	vor.u32 v27, v28;
	v27 =	vor.u32 v29, v30;
	v28 =	vor.u32 v31, v32  }
0x22b: {  	v10 =	vadd.s32 v10, v16;
	v16 =	vor.u32 v33, v34;
	v25 =	vor.u32 v35, v25  }
0x22c: {  	v15 =	vadd.s32 v15, v17;
	v9 =	vadd.s32 v9, v18;
	v12 =	vadd.s32 v12, v19  }
0x22d: {  	v14 =	vadd.s32 v14, v22;
	v13 =	vadd.s32 v13, v23;
	v11 =	vadd.s32 v11, v20  }
0x22e: {  	v17 =	vxor.u32 v10, v21;
	v18 =	vxor.u32 v15, v24;
	v19 =	vxor.u32 v9, v26  }
0x22f: {  	v20 =	vxor.u32 v12, v27;
	v16 =	vxor.u32 v14, v16;
	v21 =	vxor.u32 v11, v28  }
0x230: {  	v22 =	vshrl.u32 v17, $0x10;
	v23 =	vshll.u32 v17, $0x10;
	v24 =	vxor.u32 v13, v25  }
0x231: {  	v25 =	vshrl.u32 v18, $0x10;
	v26 =	vshll.u32 v18, $0x10;
	v27 =	vshrl.u32 v19, $0x10  }
0x232: {  	v28 =	vshll.u32 v19, $0x10;
	v29 =	vshrl.u32 v20, $0x10;
	v30 =	vshll.u32 v20, $0x10  }
0x233: {  	v33 =	vshrl.u32 v16, $0x10;
	v31 =	vshrl.u32 v21, $0x10;
	v32 =	vshll.u32 v21, $0x10  }
0x234: {  	v34 =	vshll.u32 v16, $0x10;
	v35 =	vshrl.u32 v24, $0x10;
	v36 =	vshll.u32 v24, $0x10  }
0x235: {  	v22 =	vor.u32 v22, v23;
	v23 =	vor.u32 v25, v26;
	v25 =	vor.u32 v27, v28  }
0x236: {  	v26 =	vor.u32 v29, v30;
	v28 =	vor.u32 v33, v34;
	v27 =	vor.u32 v31, v32  }
0x237: {  	v10 =	vadd.s32 v10, v17;
	v15 =	vadd.s32 v15, v18;
	v17 =	vor.u32 v35, v36  }
0x238: {  	v9 =	vadd.s32 v9, v19;
	v12 =	vadd.s32 v12, v20;
	v11 =	vadd.s32 v11, v21  }
0x239: {  	v14 =	vadd.s32 v14, v16;
	v13 =	vadd.s32 v13, v24;
	v18 =	vxor.u32 v10, v22  }
0x23a: {  	v16 =	vxor.u32 v15, v23;
	v19 =	vxor.u32 v9, v25;
	v20 =	vxor.u32 v12, v26  }
0x23b: {  	v22 =	vxor.u32 v14, v28;
	v17 =	vxor.u32 v13, v17;
	v21 =	vxor.u32 v11, v27  }
0x23c: {  	v23 =	vshrl.u32 v18, $0x8;
	v24 =	vshll.u32 v18, $0x18;
	v25 =	vshrl.u32 v16, $0x8  }
0x23d: {  	v26 =	vshll.u32 v16, $0x18;
	v27 =	vshrl.u32 v19, $0x8;
	v28 =	vshll.u32 v19, $0x18  }
0x23e: {  	v29 =	vshrl.u32 v20, $0x8;
	v30 =	vshll.u32 v20, $0x18;
	v31 =	vshrl.u32 v21, $0x8  }
0x23f: {  	v33 =	vshrl.u32 v22, $0x8;
	v34 =	vshll.u32 v22, $0x18;
	v32 =	vshll.u32 v21, $0x18  }
0x240: {  	v23 =	vor.u32 v23, v24;
	v24 =	vshrl.u32 v17, $0x8;
	v35 =	vshll.u32 v17, $0x18  }
0x241: {  	v25 =	vor.u32 v25, v26;
	v26 =	vor.u32 v27, v28;
	v27 =	vor.u32 v29, v30  }
0x242: {  	v29 =	vor.u32 v33, v34;
	v24 =	vor.u32 v24, v35;
	v28 =	vor.u32 v31, v32  }
0x243: {  	v10 =	vadd.s32 v10, v18;
	v15 =	vadd.s32 v15, v16;
	v9 =	vadd.s32 v9, v19  }
0x244: {  	v12 =	vadd.s32 v12, v20;
	v14 =	vadd.s32 v14, v22;
	v11 =	vadd.s32 v11, v21  }
0x245: {  	v13 =	vadd.s32 v13, v17;
	v16 =	vxor.u32 v10, v23;
	v18 =	vxor.u32 v15, v25  }
0x246: {  	v17 =	vxor.u32 v9, v26;
	v19 =	vxor.u32 v12, v27;
	v20 =	vxor.u32 v11, v28  }
0x247: {  	v16 =	vadd.s32 v16, v7;
	v21 =	vxor.u32 v14, v29;
	v22 =	vxor.u32 v13, v24  }
0x248: {  	v18 =	vadd.s32 v18, v7;
	v17 =	vadd.s32 v17, v7;
	v19 =	vadd.s32 v19, v7  }
0x249: {  	v21 =	vadd.s32 v21, v7;
	v22 =	vadd.s32 v22, v7;
	v20 =	vadd.s32 v20, v7  }
0x24a: {  	v23 =	vshrl.u32 v16, $0x13;
	v24 =	vshll.u32 v16, $0xD;
	v25 =	vshrl.u32 v18, $0x13  }
0x24b: {  	v26 =	vshll.u32 v18, $0xD;
	v27 =	vshrl.u32 v17, $0x13;
	v28 =	vshll.u32 v17, $0xD  }
0x24c: {  	v29 =	vshrl.u32 v19, $0x13;
	v30 =	vshll.u32 v19, $0xD;
	v31 =	vshrl.u32 v20, $0x13  }
0x24d: {  	v33 =	vshrl.u32 v21, $0x13;
	v34 =	vshll.u32 v21, $0xD;
	v32 =	vshll.u32 v20, $0xD  }
0x24e: {  	v10 =	vadd.s32 v2, v10;
	v35 =	vshrl.u32 v22, $0x13;
	v36 =	vshll.u32 v22, $0xD  }
0x24f: {  	v15 =	vadd.s32 v2, v15;
	v9 =	vadd.s32 v2, v9;
	v12 =	vadd.s32 v2, v12  }
0x250: {  	v14 =	vadd.s32 v2, v14;
	v13 =	vadd.s32 v2, v13;
	v11 =	vadd.s32 v2, v11  }
0x251: {  	v23 =	vor.u32 v23, v24;
	v24 =	vor.u32 v25, v26;
	v25 =	vor.u32 v27, v28  }
0x252: {  	v26 =	vor.u32 v29, v30;
	v28 =	vor.u32 v33, v34;
	v27 =	vor.u32 v31, v32  }
0x253: {  	v10 =	vadd.s32 v16, v10;
	v15 =	vadd.s32 v18, v15;
	v16 =	vor.u32 v35, v36  }
0x254: {  	v9 =	vadd.s32 v17, v9;
	v12 =	vadd.s32 v19, v12;
	v11 =	vadd.s32 v20, v11  }
0x255: {  	v14 =	vadd.s32 v21, v14;
	v13 =	vadd.s32 v22, v13;
	v17 =	vxor.u32 v10, v23  }
0x256: {  	v18 =	vxor.u32 v15, v24;
	v19 =	vxor.u32 v9, v25;
	v20 =	vxor.u32 v12, v26  }
0x257: {  	v22 =	vxor.u32 v14, v28;
	v16 =	vxor.u32 v13, v16;
	v21 =	vxor.u32 v11, v27  }
0x258: {  	v23 =	vshrl.u32 v17, $0x11;
	v24 =	vshll.u32 v17, $0xF;
	v25 =	vshrl.u32 v18, $0x11  }
0x259: {  	v26 =	vshll.u32 v18, $0xF;
	v27 =	vshrl.u32 v19, $0x11;
	v28 =	vshll.u32 v19, $0xF  }
0x25a: {  	v29 =	vshrl.u32 v20, $0x11;
	v30 =	vshll.u32 v20, $0xF;
	v31 =	vshrl.u32 v21, $0x11  }
0x25b: {  	v33 =	vshrl.u32 v22, $0x11;
	v34 =	vshll.u32 v22, $0xF;
	v32 =	vshll.u32 v21, $0xF  }
0x25c: {  	v23 =	vor.u32 v23, v24;
	v24 =	vshrl.u32 v16, $0x11;
	v35 =	vshll.u32 v16, $0xF  }
0x25d: {  	v25 =	vor.u32 v25, v26;
	v26 =	vor.u32 v27, v28;
	v27 =	vor.u32 v29, v30  }
0x25e: {  	v29 =	vor.u32 v33, v34;
	v24 =	vor.u32 v24, v35;
	v28 =	vor.u32 v31, v32  }
0x25f: {  	v10 =	vadd.s32 v10, v17;
	v15 =	vadd.s32 v15, v18;
	v9 =	vadd.s32 v9, v19  }
0x260: {  	v12 =	vadd.s32 v12, v20;
	v14 =	vadd.s32 v14, v22;
	v11 =	vadd.s32 v11, v21  }
0x261: {  	v13 =	vadd.s32 v13, v16;
	v17 =	vxor.u32 v10, v23;
	v18 =	vxor.u32 v15, v25  }
0x262: {  	v16 =	vxor.u32 v9, v26;
	v19 =	vxor.u32 v12, v27;
	v20 =	vxor.u32 v11, v28  }
0x263: {  	v21 =	vshrl.u32 v17, $0x6;
	v22 =	vxor.u32 v14, v29;
	v23 =	vxor.u32 v13, v24  }
0x264: {  	v24 =	vshll.u32 v17, $0x1A;
	v25 =	vshrl.u32 v18, $0x6;
	v26 =	vshll.u32 v18, $0x1A  }
0x265: {  	v27 =	vshrl.u32 v16, $0x6;
	v28 =	vshll.u32 v16, $0x1A;
	v29 =	vshrl.u32 v19, $0x6  }
0x266: {  	v30 =	vshll.u32 v19, $0x1A;
	v31 =	vshrl.u32 v20, $0x6;
	v32 =	vshll.u32 v20, $0x1A  }
0x267: {  	v33 =	vshrl.u32 v22, $0x6;
	v34 =	vshll.u32 v22, $0x1A;
	v35 =	vshrl.u32 v23, $0x6  }
0x268: {  	v21 =	vor.u32 v21, v24;
	v24 =	vor.u32 v25, v26;
	v25 =	vshll.u32 v23, $0x1A  }
0x269: {  	v26 =	vor.u32 v27, v28;
	v27 =	vor.u32 v29, v30;
	v28 =	vor.u32 v31, v32  }
0x26a: {  	v10 =	vadd.s32 v10, v17;
	v17 =	vor.u32 v33, v34;
	v25 =	vor.u32 v35, v25  }
0x26b: {  	v15 =	vadd.s32 v15, v18;
	v9 =	vadd.s32 v9, v16;
	v12 =	vadd.s32 v12, v19  }
0x26c: {  	v14 =	vadd.s32 v14, v22;
	v13 =	vadd.s32 v13, v23;
	v11 =	vadd.s32 v11, v20  }
0x26d: {  	v16 =	vxor.u32 v10, v21;
	v18 =	vxor.u32 v15, v24;
	v19 =	vxor.u32 v9, v26  }
0x26e: {  	v20 =	vxor.u32 v12, v27;
	v17 =	vxor.u32 v14, v17;
	v21 =	vxor.u32 v11, v28  }
0x26f: {  	v22 =	vshrl.u32 v16, $0x1A;
	v23 =	vshll.u32 v16, $0x6;
	v24 =	vxor.u32 v13, v25  }
0x270: {  	v25 =	vshrl.u32 v18, $0x1A;
	v26 =	vshll.u32 v18, $0x6;
	v27 =	vshrl.u32 v19, $0x1A  }
0x271: {  	v28 =	vshll.u32 v19, $0x6;
	v29 =	vshrl.u32 v20, $0x1A;
	v30 =	vshll.u32 v20, $0x6  }
0x272: {  	v33 =	vshrl.u32 v17, $0x1A;
	v31 =	vshrl.u32 v21, $0x1A;
	v32 =	vshll.u32 v21, $0x6  }
0x273: {  	v34 =	vshll.u32 v17, $0x6;
	v35 =	vshrl.u32 v24, $0x1A;
	v36 =	vshll.u32 v24, $0x6  }
0x274: {  	v22 =	vor.u32 v22, v23;
	v23 =	vor.u32 v25, v26;
	v25 =	vor.u32 v27, v28  }
0x275: {  	v26 =	vor.u32 v29, v30;
	v28 =	vor.u32 v33, v34;
	v27 =	vor.u32 v31, v32  }
0x276: {  	v10 =	vadd.s32 v10, v16;
	v15 =	vadd.s32 v15, v18;
	v16 =	vor.u32 v35, v36  }
0x277: {  	v9 =	vadd.s32 v9, v19;
	v12 =	vadd.s32 v12, v20;
	v18 =	vadd.s32 v11, v21  }
0x278: {  	v17 =	vadd.s32 v14, v17;
	v19 =	vadd.s32 v13, v24;
	v11 =	vxor.u32 v10, v22  }
0x279: {  	v13 =	vxor.u32 v15, v23;
	v14 =	vxor.u32 v9, v25;
	v20 =	vxor.u32 v12, v26  }
0x27a: {  	v22 =	vxor.u32 v17, v28;
	v16 =	vxor.u32 v19, v16;
	v21 =	vxor.u32 v18, v27  }
0x27b: {  	v23 =	vadd.s32 v11, v8;
	v24 =	vadd.s32 v13, v8;
	v25 =	vadd.s32 v14, v8  }
.Ltmp5:
0x27c: {  	v20 =	vadd.s32 v20, v8;
	v11 =	vadd.s32 v22, v8;
	v13 =	vadd.s32 v21, v8;
	(pc) =	sbr.rel @p0 .LBB2_4-.Ltmp5, $4  }
0x27d: {  	v10 =	vadd.s32 v3, v10;
	v21 =	vadd.s32 v3, v15;
	v15 =	vadd.s32 v16, v8  }
0x27e: {  	v9 =	vadd.s32 v3, v9;
	v22 =	vadd.s32 v3, v12;
	v14 =	vadd.s32 v3, v18  }
0x27f: {  	v17 =	vadd.s32 v3, v17;
	v10 =	vxor.u32 v10, v23;
	v16 =	vadd.s32 v3, v19  }
0x280: {  	s19 =	sadd.s32 s18, s14;
	s18 =	sadd.s32 $0x186A0, s18;
	v12 =	vxor.u32 v21, v24;
	[tilespmem:s17+$0xFFFFFFC0] =	vst v10;
	v10 =	vxor.u32 v9, v25;
	v9 =	vxor.u32 v22, v20  }
0x281: {  	s18 =	sadd.s32 $0x864770, s19;
	s25 =	sadd.s32 $0x864700, s19  }
0x282: {  	v14 =	vxor.u32 v14, v13;
	v13 =	vxor.u32 v17, v11;
	v11 =	vxor.u32 v16, v15;
	s20 =	sadd.s32 $0x864710, s19;
	s26 =	sadd.s32 $0x864720, s19  }
0x283: {  	s28 =	sadd.s32 $0x864730, s19;
	s29 =	sadd.s32 $0x864740, s19;
	v18 =	vadd.s32 s18, v2;
	v35 =	vadd.s32 s25, v2;
	v36 =	vadd.s32 s20, v2  }
0x284: {  	s21 =	sadd.s32 $0x864750, s19;
	s30 =	sadd.s32 $0x864760, s19;
	v37 =	vadd.s32 s26, v2;
	v22 =	vadd.s32 s28, v2;
	v39 =	vadd.s32 s29, v2  }
0x285: {  	v40 =	vadd.s32 s21, v2;
	v23 =	vadd.s32 s30, v2;
	v18 =	vadd.s32 v0, v18  }
0x286: {  	v17 =	vadd.s32 v0, v35;
	v22 =	vadd.s32 v0, v22;
	v23 =	vadd.s32 v0, v23  }
0x287: {  	v32 =	vshrl.u32 v18, $0x13;
	v19 =	vshll.u32 v18, $0xD;
	v33 =	vadd.s32 v1, v18  }
0x288: {  	v18 =	vadd.s32 v0, v36;
	v45 =	vshrl.u32 v17, $0x13;
	v46 =	vshll.u32 v17, $0xD  }
0x289: {  	v51 =	vshll.u32 v22, $0xD;
	v55 =	vshrl.u32 v23, $0x13;
	v17 =	vadd.s32 v1, v17  }
0x28a: {  	v34 =	vor.u32 v32, v19;
	v19 =	vadd.s32 v0, v37;
	v28 =	vshrl.u32 v18, $0x13  }
0x28b: {  	v48 =	vshll.u32 v18, $0xD;
	v32 =	vshrl.u32 v22, $0x13;
	v37 =	vshll.u32 v23, $0xD  }
0x28c: {  	v18 =	vadd.s32 v1, v18;
	v22 =	vadd.s32 v1, v22;
	v23 =	vadd.s32 v1, v23  }
0x28d: {  	v16 =	vxor.u32 v33, v34;
	v49 =	vshrl.u32 v19, $0x13;
	v29 =	vshll.u32 v19, $0xD  }
0x28e: {  	v57 =	vor.u32 v28, v48;
	v59 =	vor.u32 v32, v51;
	v37 =	vor.u32 v55, v37  }
0x28f: {  	v19 =	vadd.s32 v1, v19;
	v20 =	vshrl.u32 v16, $0x11;
	v21 =	vshll.u32 v16, $0xF  }
0x290: {  	v15 =	vadd.s32 v33, v16;
	v58 =	vor.u32 v49, v29;
	v29 =	vxor.u32 v23, v37  }
0x291: {  	v38 =	vor.u32 v20, v21;
	v20 =	vadd.s32 v0, v39;
	v21 =	vadd.s32 v0, v40  }
0x292: {  	v23 =	vadd.s32 v23, v29;
	v16 =	vxor.u32 v15, v38;
	v52 =	vshrl.u32 v20, $0x13  }
0x293: {  	v33 =	vshll.u32 v20, $0xD;
	v36 =	vshrl.u32 v21, $0x13;
	v54 =	vshll.u32 v21, $0xD  }
0x294: {  	v20 =	vadd.s32 v1, v20;
	v24 =	vshrl.u32 v16, $0x6;
	v25 =	vshll.u32 v16, $0x1A  }
0x295: {  	v21 =	vadd.s32 v1, v21;
	v15 =	vadd.s32 v15, v16;
	v41 =	vor.u32 v24, v25  }
0x296: {  	v60 =	vor.u32 v52, v33;
	v63 =	vor.u32 v36, v54;
	v16 =	vxor.u32 v15, v41  }
0x297: {  	v24 =	vor.u32 v45, v46;
	v42 =	vshrl.u32 v16, $0x1A;
	v43 =	vshll.u32 v16, $0x6  }
0x298: {  	v25 =	vxor.u32 v18, v57;
	v15 =	vadd.s32 v15, v16;
	v44 =	vor.u32 v42, v43  }
0x299: {  	v28 =	vxor.u32 v20, v60;
	v24 =	vxor.u32 v17, v24;
	v16 =	vxor.u32 v15, v44  }
0x29a: {  	v52 =	vshrl.u32 v25, $0x11;
	v18 =	vadd.s32 v18, v25;
	v16 =	vadd.s32 v16, v4  }
0x29b: {  	v15 =	vadd.s32 v2, v15;
	v26 =	vshrl.u32 v16, $0xF;
	v27 =	vshll.u32 v16, $0x11  }
0x29c: {  	v20 =	vadd.s32 v20, v28;
	v15 =	vadd.s32 v16, v15;
	v47 =	vor.u32 v26, v27  }
0x29d: {  	v17 =	vadd.s32 v17, v24;
	v26 =	vxor.u32 v19, v58;
	v16 =	vxor.u32 v15, v47  }
0x29e: {  	v27 =	vxor.u32 v22, v59;
	v30 =	vshrl.u32 v16, $0x3;
	v31 =	vshll.u32 v16, $0x1D  }
0x29f: {  	v47 =	vshrl.u32 v24, $0x11;
	v15 =	vadd.s32 v15, v16;
	v50 =	vor.u32 v30, v31  }
0x2a0: {  	v54 =	vshrl.u32 v26, $0x11;
	v57 =	vshll.u32 v26, $0xF;
	v16 =	vxor.u32 v15, v50  }
0x2a1: {  	v59 =	vshrl.u32 v27, $0x11;
	v34 =	vshrl.u32 v16, $0x10;
	v35 =	vshll.u32 v16, $0x10  }
0x2a2: {  	v60 =	vshll.u32 v27, $0xF;
	v15 =	vadd.s32 v15, v16;
	v53 =	vor.u32 v34, v35  }
0x2a3: {  	v19 =	vadd.s32 v19, v26;
	v22 =	vadd.s32 v22, v27;
	v16 =	vxor.u32 v15, v53  }
0x2a4: {  	v30 =	vxor.u32 v21, v63;
	v38 =	vshrl.u32 v16, $0x8;
	v39 =	vshll.u32 v16, $0x18  }
0x2a5: {  	v63 =	vshll.u32 v28, $0xF;
	v15 =	vadd.s32 v15, v16;
	v56 =	vor.u32 v38, v39  }
0x2a6: {  	v50 =	vshll.u32 v24, $0xF;
	v21 =	vadd.s32 v21, v30;
	v16 =	vxor.u32 v15, v56  }
0x2a7: {  	v31 =	vor.u32 v47, v50;
	v35 =	vor.u32 v54, v57;
	v16 =	vadd.s32 v16, v5  }
0x2a8: {  	v15 =	vadd.s32 v3, v15;
	v61 =	vshrl.u32 v16, $0x13;
	v62 =	vshll.u32 v16, $0xD  }
0x2a9: {  	v53 =	vshll.u32 v25, $0xF;
	v15 =	vadd.s32 v16, v15;
	v36 =	vor.u32 v61, v62  }
0x2aa: {  	v25 =	vxor.u32 v17, v31;
	v26 =	vxor.u32 v19, v35;
	v16 =	vxor.u32 v15, v36  }
0x2ab: {  	v32 =	vor.u32 v52, v53;
	v38 =	vshrl.u32 v16, $0x11;
	v39 =	vshll.u32 v16, $0xF  }
0x2ac: {  	v35 =	vshrl.u32 v26, $0x6;
	v15 =	vadd.s32 v15, v16;
	v40 =	vor.u32 v38, v39  }
0x2ad: {  	v17 =	vadd.s32 v17, v25;
	v19 =	vadd.s32 v19, v26;
	v16 =	vxor.u32 v15, v40  }
0x2ae: {  	v62 =	vshrl.u32 v28, $0x11;
	v41 =	vshrl.u32 v16, $0x6;
	v42 =	vshll.u32 v16, $0x1A  }
0x2af: {  	v28 =	vxor.u32 v18, v32;
	v15 =	vadd.s32 v15, v16;
	v43 =	vor.u32 v41, v42  }
0x2b0: {  	v36 =	vor.u32 v59, v60;
	v18 =	vadd.s32 v18, v28;
	v16 =	vxor.u32 v15, v43  }
0x2b1: {  	v59 =	vxor.u32 v22, v36;
	v44 =	vshrl.u32 v16, $0x1A;
	v45 =	vshll.u32 v16, $0x6  }
0x2b2: {  	v36 =	vshrl.u32 v59, $0x6;
	v15 =	vadd.s32 v15, v16;
	v46 =	vor.u32 v44, v45  }
0x2b3: {  	v22 =	vadd.s32 v22, v59;
	v44 =	vshrl.u32 v30, $0x11;
	v16 =	vxor.u32 v15, v46  }
0x2b4: {  	v45 =	vshll.u32 v30, $0xF;
	v15 =	vadd.s32 v1, v15;
	v16 =	vadd.s32 v16, v6  }
0x2b5: {  	v33 =	vor.u32 v44, v45;
	v48 =	vshrl.u32 v16, $0xF;
	v49 =	vshll.u32 v16, $0x11  }
0x2b6: {  	v60 =	vxor.u32 v21, v33;
	v15 =	vadd.s32 v16, v15;
	v51 =	vor.u32 v48, v49  }
0x2b7: {  	v45 =	vshrl.u32 v25, $0x6;
	v21 =	vadd.s32 v21, v60;
	v16 =	vxor.u32 v15, v51  }
0x2b8: {  	v48 =	vshrl.u32 v29, $0x11;
	v55 =	vshrl.u32 v16, $0x3;
	v56 =	vshll.u32 v16, $0x1D  }
0x2b9: {  	v49 =	vshll.u32 v29, $0xF;
	v15 =	vadd.s32 v15, v16;
	v58 =	vor.u32 v55, v56  }
0x2ba: {  	v38 =	vor.u32 v48, v49;
	v48 =	vshll.u32 v28, $0x1A;
	v16 =	vxor.u32 v15, v58  }
0x2bb: {  	v49 =	vshll.u32 v26, $0x1A;
	v61 =	vshrl.u32 v16, $0x10;
	v40 =	vshll.u32 v16, $0x10  }
0x2bc: {  	v15 =	vadd.s32 v15, v16;
	v16 =	vor.u32 v62, v63;
	v39 =	vor.u32 v61, v40  }
0x2bd: {  	v63 =	vxor.u32 v23, v38;
	v16 =	vxor.u32 v20, v16;
	v39 =	vxor.u32 v15, v39  }
0x2be: {  	v23 =	vadd.s32 v23, v63;
	v46 =	vshrl.u32 v39, $0x8;
	v47 =	vshll.u32 v39, $0x18  }
0x2bf: {  	v15 =	vadd.s32 v15, v39;
	v37 =	vor.u32 v46, v47;
	v46 =	vshll.u32 v25, $0x1A  }
0x2c0: {  	v47 =	vshrl.u32 v28, $0x6;
	v37 =	vxor.u32 v15, v37;
	v15 =	vadd.s32 v2, v15  }
0x2c1: {  	v30 =	vor.u32 v45, v46;
	v33 =	vor.u32 v47, v48;
	v50 =	vadd.s32 v37, v7  }
0x2c2: {  	v51 =	vshrl.u32 v50, $0x13;
	v37 =	vshll.u32 v50, $0xD;
	v15 =	vadd.s32 v50, v15  }
0x2c3: {  	v50 =	vshll.u32 v59, $0x1A;
	v59 =	vxor.u32 v17, v30;
	v52 =	vor.u32 v51, v37  }
0x2c4: {  	v51 =	vshrl.u32 v16, $0x6;
	v36 =	vor.u32 v36, v50;
	v30 =	vshrl.u32 v59, $0x1A  }
0x2c5: {  	v17 =	vadd.s32 v17, v59;
	v24 =	vxor.u32 v15, v52;
	v52 =	vshll.u32 v16, $0x1A  }
0x2c6: {  	v16 =	vadd.s32 v20, v16;
	v27 =	vxor.u32 v22, v36;
	v53 =	vshrl.u32 v24, $0x11  }
0x2c7: {  	v54 =	vshll.u32 v24, $0xF;
	v15 =	vadd.s32 v15, v24;
	v36 =	vshrl.u32 v27, $0x1A  }
0x2c8: {  	v46 =	vshll.u32 v27, $0x6;
	v20 =	vadd.s32 v22, v27;
	v55 =	vor.u32 v53, v54  }
0x2c9: {  	v53 =	vshrl.u32 v60, $0x6;
	v54 =	vshll.u32 v60, $0x1A;
	v60 =	vxor.u32 v18, v33  }
0x2ca: {  	v36 =	vor.u32 v36, v46;
	v24 =	vxor.u32 v15, v55;
	v55 =	vshrl.u32 v63, $0x6  }
0x2cb: {  	v31 =	vor.u32 v53, v54;
	v33 =	vshll.u32 v60, $0x6;
	v18 =	vadd.s32 v18, v60  }
0x2cc: {  	v56 =	vshrl.u32 v24, $0x6;
	v57 =	vshll.u32 v24, $0x1A;
	v15 =	vadd.s32 v15, v24  }
0x2cd: {  	v29 =	vxor.u32 v21, v31;
	v58 =	vor.u32 v56, v57;
	v56 =	vshll.u32 v63, $0x1A  }
0x2ce: {  	v57 =	vor.u32 v51, v52;
	v63 =	vshrl.u32 v60, $0x1A;
	v50 =	vshll.u32 v29, $0x6  }
0x2cf: {  	v21 =	vadd.s32 v21, v29;
	v24 =	vxor.u32 v15, v58;
	v58 =	vor.u32 v55, v56  }
0x2d0: {  	v32 =	vor.u32 v63, v33;
	v61 =	vshrl.u32 v24, $0x1A;
	v62 =	vshll.u32 v24, $0x6  }
0x2d1: {  	v15 =	vadd.s32 v15, v24;
	v25 =	vxor.u32 v23, v58;
	v55 =	vxor.u32 v18, v32  }
0x2d2: {  	v18 =	vadd.s32 v2, v18;
	v44 =	vor.u32 v61, v62;
	v61 =	vxor.u32 v16, v57  }
0x2d3: {  	v62 =	vshll.u32 v59, $0x6;
	v51 =	vshrl.u32 v25, $0x1A;
	v52 =	vshll.u32 v25, $0x6  }
0x2d4: {  	v23 =	vadd.s32 v23, v25;
	v57 =	vxor.u32 v20, v36;
	v20 =	vadd.s32 v2, v20  }
0x2d5: {  	v24 =	vxor.u32 v15, v44;
	v15 =	vadd.s32 v3, v15;
	v47 =	vshrl.u32 v61, $0x1A  }
0x2d6: {  	v48 =	vshll.u32 v61, $0x6;
	v30 =	vor.u32 v30, v62;
	v33 =	vor.u32 v51, v52  }
0x2d7: {  	v16 =	vadd.s32 v16, v61;
	v26 =	vadd.s32 v57, v4;
	v24 =	vadd.s32 v24, v8  }
0x2d8: {  	v53 =	vor.u32 v47, v48;
	v54 =	vxor.u32 v17, v30;
	v60 =	vxor.u32 v23, v33  }
0x2d9: {  	v47 =	vshrl.u32 v26, $0xF;
	v48 =	vshll.u32 v26, $0x11;
	v17 =	vadd.s32 v2, v17  }
0x2da: {  	v23 =	vadd.s32 v2, v23;
	v20 =	vadd.s32 v26, v20;
	v15 =	vxor.u32 v15, v24  }
0x2db: {  	v24 =	vor.u32 v35, v49;
	v49 =	vshrl.u32 v29, $0x1A;
	v58 =	vxor.u32 v16, v53  }
0x2dc: {  	v22 =	vadd.s32 v54, v4;
	v29 =	vadd.s32 v60, v4;
	v16 =	vadd.s32 v2, v16  }
0x2dd: {  	v36 =	vor.u32 v47, v48;
	v24 =	vxor.u32 v19, v24;
	v31 =	vor.u32 v49, v50  }
0x2de: {  	v27 =	vadd.s32 v58, v4;
	v61 =	vshrl.u32 v22, $0xF;
	v62 =	vshll.u32 v22, $0x11  }
0x2df: {  	v53 =	vshrl.u32 v29, $0xF;
	v54 =	vshll.u32 v29, $0x11;
	v17 =	vadd.s32 v22, v17  }
0x2e0: {  	v23 =	vadd.s32 v29, v23;
	v60 =	vxor.u32 v20, v36;
	v44 =	vshrl.u32 v24, $0x1A  }
0x2e1: {  	v45 =	vshll.u32 v24, $0x6;
	v19 =	vadd.s32 v19, v24;
	v59 =	vxor.u32 v21, v31  }
0x2e2: {  	v24 =	vadd.s32 v55, v4;
	v49 =	vshrl.u32 v27, $0xF;
	v50 =	vshll.u32 v27, $0x11  }
0x2e3: {  	v30 =	vor.u32 v61, v62;
	v21 =	vadd.s32 v2, v21;
	v16 =	vadd.s32 v27, v16  }
0x2e4: {  	v36 =	vshrl.u32 v60, $0x3;
	v20 =	vadd.s32 v20, v60;
	v34 =	vor.u32 v44, v45  }
0x2e5: {  	v28 =	vadd.s32 v59, v4;
	v63 =	vshrl.u32 v24, $0xF;
	v44 =	vshll.u32 v24, $0x11  }
0x2e6: {  	v55 =	vor.u32 v49, v50;
	v18 =	vadd.s32 v24, v18;
	v57 =	vxor.u32 v17, v30  }
0x2e7: {  	v56 =	vxor.u32 v19, v34;
	v51 =	vshrl.u32 v28, $0xF;
	v52 =	vshll.u32 v28, $0x11  }
0x2e8: {  	v32 =	vor.u32 v63, v44;
	v19 =	vadd.s32 v2, v19;
	v21 =	vadd.s32 v28, v21  }
0x2e9: {  	v61 =	vxor.u32 v16, v55;
	v30 =	vshrl.u32 v57, $0x3;
	v63 =	vshll.u32 v57, $0x1D  }
0x2ea: {  	v17 =	vadd.s32 v17, v57;
	v25 =	vadd.s32 v56, v4;
	v31 =	vor.u32 v51, v52  }
0x2eb: {  	v56 =	vor.u32 v53, v54;
	v58 =	vxor.u32 v18, v32;
	v47 =	vshrl.u32 v61, $0x3  }
0x2ec: {  	v48 =	vshll.u32 v61, $0x1D;
	v30 =	vor.u32 v30, v63;
	v16 =	vadd.s32 v16, v61  }
0x2ed: {  	v45 =	vshrl.u32 v25, $0xF;
	v46 =	vshll.u32 v25, $0x11;
	v19 =	vadd.s32 v25, v19  }
0x2ee: {  	v62 =	vxor.u32 v21, v31;
	v22 =	vxor.u32 v23, v56;
	v32 =	vshrl.u32 v58, $0x3  }
0x2ef: {  	v44 =	vshll.u32 v58, $0x1D;
	v53 =	vor.u32 v47, v48;
	v18 =	vadd.s32 v18, v58  }
0x2f0: {  	v24 =	vxor.u32 v17, v30;
	v34 =	vor.u32 v45, v46;
	v46 =	vshll.u32 v60, $0x1D  }
0x2f1: {  	v49 =	vshrl.u32 v62, $0x3;
	v50 =	vshll.u32 v62, $0x1D;
	v32 =	vor.u32 v32, v44  }
0x2f2: {  	v51 =	vshrl.u32 v22, $0x3;
	v52 =	vshll.u32 v22, $0x1D;
	v21 =	vadd.s32 v21, v62  }
0x2f3: {  	v22 =	vadd.s32 v23, v22;
	v56 =	vxor.u32 v16, v53;
	v57 =	vshrl.u32 v24, $0x10  }
0x2f4: {  	v17 =	vadd.s32 v17, v24;
	v59 =	vxor.u32 v19, v34;
	v36 =	vor.u32 v36, v46  }
0x2f5: {  	v31 =	vor.u32 v49, v50;
	v33 =	vor.u32 v51, v52;
	v25 =	vxor.u32 v18, v32  }
0x2f6: {  	v63 =	vshrl.u32 v56, $0x10;
	v44 =	vshll.u32 v56, $0x10;
	v16 =	vadd.s32 v16, v56  }
0x2f7: {  	v34 =	vshrl.u32 v59, $0x3;
	v45 =	vshll.u32 v59, $0x1D;
	v19 =	vadd.s32 v19, v59  }
0x2f8: {  	v55 =	vxor.u32 v20, v36;
	v29 =	vxor.u32 v21, v31;
	v58 =	vxor.u32 v22, v33  }
0x2f9: {  	v59 =	vshll.u32 v24, $0x10;
	v32 =	vshrl.u32 v25, $0x10;
	v60 =	vshll.u32 v25, $0x10  }
0x2fa: {  	v49 =	vor.u32 v63, v44;
	v18 =	vadd.s32 v18, v25;
	v34 =	vor.u32 v34, v45  }
0x2fb: {  	v36 =	vshrl.u32 v55, $0x10;
	v62 =	vshll.u32 v55, $0x10;
	v45 =	vshrl.u32 v29, $0x10  }
0x2fc: {  	v28 =	vor.u32 v57, v59;
	v46 =	vshll.u32 v29, $0x10;
	v32 =	vor.u32 v32, v60  }
0x2fd: {  	v47 =	vshrl.u32 v58, $0x10;
	v48 =	vshll.u32 v58, $0x10;
	v20 =	vadd.s32 v20, v55  }
0x2fe: {  	v21 =	vadd.s32 v21, v29;
	v22 =	vadd.s32 v22, v58;
	v55 =	vxor.u32 v16, v49  }
0x2ff: {  	v54 =	vxor.u32 v19, v34;
	v36 =	vor.u32 v36, v62;
	v50 =	vor.u32 v45, v46  }
0x300: {  	v51 =	vor.u32 v47, v48;
	v52 =	vxor.u32 v17, v28;
	v25 =	vxor.u32 v18, v32  }
0x301: {  	v62 =	vshll.u32 v55, $0x18;
	v16 =	vadd.s32 v16, v55;
	v34 =	vshrl.u32 v54, $0x10  }
0x302: {  	v61 =	vshll.u32 v54, $0x10;
	v19 =	vadd.s32 v19, v54;
	v54 =	vxor.u32 v20, v36  }
0x303: {  	v24 =	vxor.u32 v21, v50;
	v56 =	vshrl.u32 v52, $0x8;
	v57 =	vshll.u32 v52, $0x18  }
0x304: {  	v31 =	vxor.u32 v22, v51;
	v32 =	vshrl.u32 v25, $0x8;
	v58 =	vshll.u32 v25, $0x18  }
0x305: {  	v17 =	vadd.s32 v17, v52;
	v18 =	vadd.s32 v18, v25;
	v34 =	vor.u32 v34, v61  }
0x306: {  	v36 =	vshrl.u32 v54, $0x8;
	v60 =	vshll.u32 v54, $0x18;
	v61 =	vshrl.u32 v55, $0x8  }
0x307: {  	v63 =	vshrl.u32 v24, $0x8;
	v29 =	vor.u32 v56, v57;
	v43 =	vshll.u32 v24, $0x18  }
0x308: {  	v32 =	vor.u32 v32, v58;
	v44 =	vshrl.u32 v31, $0x8;
	v45 =	vshll.u32 v31, $0x18  }
0x309: {  	v20 =	vadd.s32 v20, v54;
	v21 =	vadd.s32 v21, v24;
	v22 =	vadd.s32 v22, v31  }
0x30a: {  	v53 =	vxor.u32 v19, v34;
	v36 =	vor.u32 v36, v60;
	v46 =	vor.u32 v61, v62  }
0x30b: {  	v30 =	vor.u32 v63, v43;
	v47 =	vor.u32 v44, v45;
	v48 =	vxor.u32 v17, v29  }
0x30c: {  	v49 =	vxor.u32 v18, v32;
	v17 =	vadd.s32 v3, v17;
	v18 =	vadd.s32 v3, v18  }
0x30d: {  	v34 =	vshrl.u32 v53, $0x8;
	v59 =	vshll.u32 v53, $0x18;
	v19 =	vadd.s32 v19, v53  }
0x30e: {  	v27 =	vxor.u32 v20, v36;
	v28 =	vxor.u32 v16, v46;
	v50 =	vxor.u32 v21, v30  }
0x30f: {  	v23 =	vxor.u32 v22, v47;
	v25 =	vadd.s32 v48, v5;
	v24 =	vadd.s32 v49, v5  }
0x310: {  	v20 =	vadd.s32 v3, v20;
	v16 =	vadd.s32 v3, v16;
	v21 =	vadd.s32 v3, v21  }
0x311: {  	v22 =	vadd.s32 v3, v22;
	v34 =	vor.u32 v34, v59;
	v27 =	vadd.s32 v27, v5  }
0x312: {  	v28 =	vadd.s32 v28, v5;
	v29 =	vadd.s32 v50, v5;
	v51 =	vshrl.u32 v25, $0x13  }
0x313: {  	v52 =	vshll.u32 v25, $0xD;
	v23 =	vadd.s32 v23, v5;
	v53 =	vshrl.u32 v24, $0x13  }
0x314: {  	v54 =	vshll.u32 v24, $0xD;
	v17 =	vadd.s32 v25, v17;
	v18 =	vadd.s32 v24, v18  }
0x315: {  	v26 =	vxor.u32 v19, v34;
	v57 =	vshrl.u32 v27, $0x13;
	v58 =	vshll.u32 v27, $0xD  }
0x316: {  	v59 =	vshrl.u32 v28, $0x13;
	v60 =	vshll.u32 v28, $0xD;
	v61 =	vshrl.u32 v29, $0x13  }
0x317: {  	v30 =	vor.u32 v51, v52;
	v62 =	vshll.u32 v29, $0xD;
	v32 =	vor.u32 v53, v54  }
0x318: {  	v63 =	vshrl.u32 v23, $0x13;
	v41 =	vshll.u32 v23, $0xD;
	v19 =	vadd.s32 v3, v19  }
0x319: {  	v20 =	vadd.s32 v27, v20;
	v16 =	vadd.s32 v28, v16;
	v21 =	vadd.s32 v29, v21  }
0x31a: {  	v22 =	vadd.s32 v23, v22;
	v26 =	vadd.s32 v26, v5;
	v36 =	vor.u32 v57, v58  }
0x31b: {  	v42 =	vor.u32 v59, v60;
	v43 =	vor.u32 v61, v62;
	v44 =	vor.u32 v63, v41  }
0x31c: {  	v45 =	vxor.u32 v17, v30;
	v24 =	vxor.u32 v18, v32;
	v55 =	vshrl.u32 v26, $0x13  }
0x31d: {  	v56 =	vshll.u32 v26, $0xD;
	v19 =	vadd.s32 v26, v19;
	v27 =	vxor.u32 v20, v36  }
0x31e: {  	v28 =	vxor.u32 v16, v42;
	v25 =	vxor.u32 v21, v43;
	v46 =	vshrl.u32 v45, $0x11  }
0x31f: {  	v30 =	vshll.u32 v45, $0xF;
	v31 =	vxor.u32 v22, v44;
	v32 =	vshrl.u32 v24, $0x11  }
0x320: {  	v47 =	vshll.u32 v24, $0xF;
	v17 =	vadd.s32 v17, v45;
	v18 =	vadd.s32 v18, v24  }
0x321: {  	v34 =	vor.u32 v55, v56;
	v36 =	vshrl.u32 v27, $0x11;
	v49 =	vshll.u32 v27, $0xF  }
0x322: {  	v50 =	vshrl.u32 v28, $0x11;
	v51 =	vshll.u32 v28, $0xF;
	v52 =	vshrl.u32 v25, $0x11  }
0x323: {  	v29 =	vor.u32 v46, v30;
	v53 =	vshll.u32 v25, $0xF;
	v32 =	vor.u32 v32, v47  }
0x324: {  	v54 =	vshrl.u32 v31, $0x11;
	v55 =	vshll.u32 v31, $0xF;
	v20 =	vadd.s32 v20, v27  }
0x325: {  	v16 =	vadd.s32 v16, v28;
	v21 =	vadd.s32 v21, v25;
	v22 =	vadd.s32 v22, v31  }
0x326: {  	v26 =	vxor.u32 v19, v34;
	v36 =	vor.u32 v36, v49;
	v56 =	vor.u32 v50, v51  }
0x327: {  	v30 =	vor.u32 v52, v53;
	v57 =	vor.u32 v54, v55;
	v58 =	vxor.u32 v17, v29  }
0x328: {  	v59 =	vxor.u32 v18, v32;
	v34 =	vshrl.u32 v26, $0x11;
	v48 =	vshll.u32 v26, $0xF  }
0x329: {  	v19 =	vadd.s32 v19, v26;
	v27 =	vxor.u32 v20, v36;
	v28 =	vxor.u32 v16, v56  }
0x32a: {  	v60 =	vxor.u32 v21, v30;
	v23 =	vxor.u32 v22, v57;
	v61 =	vshrl.u32 v58, $0x6  }
0x32b: {  	v62 =	vshll.u32 v58, $0x1A;
	v32 =	vshrl.u32 v59, $0x6;
	v63 =	vshll.u32 v59, $0x1A  }
0x32c: {  	v17 =	vadd.s32 v17, v58;
	v18 =	vadd.s32 v18, v59;
	v34 =	vor.u32 v34, v48  }
0x32d: {  	v36 =	vshrl.u32 v27, $0x6;
	v45 =	vshll.u32 v27, $0x1A;
	v46 =	vshrl.u32 v28, $0x6  }
0x32e: {  	v47 =	vshll.u32 v28, $0x1A;
	v48 =	vshrl.u32 v60, $0x6;
	v30 =	vor.u32 v61, v62  }
0x32f: {  	v49 =	vshll.u32 v60, $0x1A;
	v32 =	vor.u32 v32, v63;
	v50 =	vshrl.u32 v23, $0x6  }
0x330: {  	v51 =	vshll.u32 v23, $0x1A;
	v20 =	vadd.s32 v20, v27;
	v16 =	vadd.s32 v16, v28  }
0x331: {  	v21 =	vadd.s32 v21, v60;
	v22 =	vadd.s32 v22, v23;
	v26 =	vxor.u32 v19, v34  }
0x332: {  	v36 =	vor.u32 v36, v45;
	v52 =	vor.u32 v46, v47;
	v31 =	vor.u32 v48, v49  }
0x333: {  	v33 =	vor.u32 v50, v51;
	v24 =	vxor.u32 v17, v30;
	v25 =	vxor.u32 v18, v32  }
0x334: {  	v34 =	vshrl.u32 v26, $0x6;
	v44 =	vshll.u32 v26, $0x1A;
	v19 =	vadd.s32 v19, v26  }
0x335: {  	v54 =	vxor.u32 v20, v36;
	v55 =	vxor.u32 v16, v52;
	v56 =	vshrl.u32 v24, $0x1A  }
0x336: {  	v29 =	vxor.u32 v21, v31;
	v57 =	vxor.u32 v22, v33;
	v58 =	vshll.u32 v24, $0x6  }
0x337: {  	v32 =	vshrl.u32 v25, $0x1A;
	v59 =	vshll.u32 v25, $0x6;
	v17 =	vadd.s32 v17, v24  }
0x338: {  	v18 =	vadd.s32 v18, v25;
	v34 =	vor.u32 v34, v44;
	v36 =	vshrl.u32 v54, $0x1A  }
0x339: {  	v61 =	vshll.u32 v54, $0x6;
	v62 =	vshrl.u32 v55, $0x1A;
	v63 =	vshll.u32 v55, $0x6  }
0x33a: {  	v44 =	vshrl.u32 v29, $0x1A;
	v28 =	vor.u32 v56, v58;
	v45 =	vshll.u32 v29, $0x6  }
0x33b: {  	v32 =	vor.u32 v32, v59;
	v46 =	vshrl.u32 v57, $0x1A;
	v47 =	vshll.u32 v57, $0x6  }
0x33c: {  	v20 =	vadd.s32 v20, v54;
	v16 =	vadd.s32 v16, v55;
	v21 =	vadd.s32 v21, v29  }
0x33d: {  	v22 =	vadd.s32 v22, v57;
	v53 =	vxor.u32 v19, v34;
	v36 =	vor.u32 v36, v61  }
0x33e: {  	v48 =	vor.u32 v62, v63;
	v49 =	vor.u32 v44, v45;
	v50 =	vor.u32 v46, v47  }
0x33f: {  	v51 =	vxor.u32 v17, v28;
	v25 =	vxor.u32 v18, v32;
	v17 =	vadd.s32 v1, v17  }
0x340: {  	v18 =	vadd.s32 v1, v18;
	v34 =	vshrl.u32 v53, $0x1A;
	v60 =	vshll.u32 v53, $0x6  }
0x341: {  	v19 =	vadd.s32 v19, v53;
	v53 =	vxor.u32 v20, v36;
	v54 =	vxor.u32 v16, v48  }
0x342: {  	v24 =	vxor.u32 v21, v49;
	v23 =	vadd.s32 v51, v6;
	v25 =	vadd.s32 v25, v6  }
0x343: {  	v55 =	vxor.u32 v22, v50;
	v20 =	vadd.s32 v1, v20;
	v16 =	vadd.s32 v1, v16  }
0x344: {  	v21 =	vadd.s32 v1, v21;
	v22 =	vadd.s32 v1, v22;
	v34 =	vor.u32 v34, v60  }
0x345: {  	v27 =	vadd.s32 v53, v6;
	v28 =	vadd.s32 v54, v6;
	v56 =	vshrl.u32 v23, $0xF  }
0x346: {  	v24 =	vadd.s32 v24, v6;
	v29 =	vadd.s32 v55, v6;
	v57 =	vshll.u32 v23, $0x11  }
0x347: {  	v58 =	vshrl.u32 v25, $0xF;
	v59 =	vshll.u32 v25, $0x11;
	v17 =	vadd.s32 v23, v17  }
0x348: {  	v18 =	vadd.s32 v25, v18;
	v52 =	vxor.u32 v19, v34;
	v62 =	vshrl.u32 v27, $0xF  }
0x349: {  	v63 =	vshll.u32 v27, $0x11;
	v44 =	vshrl.u32 v28, $0xF;
	v45 =	vshll.u32 v28, $0x11  }
0x34a: {  	v46 =	vshrl.u32 v24, $0xF;
	v30 =	vor.u32 v56, v57;
	v47 =	vshll.u32 v24, $0x11  }
0x34b: {  	v32 =	vor.u32 v58, v59;
	v48 =	vshrl.u32 v29, $0xF;
	v49 =	vshll.u32 v29, $0x11  }
0x34c: {  	v19 =	vadd.s32 v1, v19;
	v20 =	vadd.s32 v27, v20;
	v16 =	vadd.s32 v28, v16  }
0x34d: {  	v21 =	vadd.s32 v24, v21;
	v22 =	vadd.s32 v29, v22;
	v26 =	vadd.s32 v52, v6  }
0x34e: {  	v36 =	vor.u32 v62, v63;
	v50 =	vor.u32 v44, v45;
	v31 =	vor.u32 v46, v47  }
0x34f: {  	v33 =	vor.u32 v48, v49;
	v23 =	vxor.u32 v17, v30;
	v51 =	vxor.u32 v18, v32  }
0x350: {  	v60 =	vshrl.u32 v26, $0xF;
	v61 =	vshll.u32 v26, $0x11;
	v19 =	vadd.s32 v26, v19  }
0x351: {  	v53 =	vxor.u32 v20, v36;
	v54 =	vxor.u32 v16, v50;
	v55 =	vshrl.u32 v23, $0x3  }
0x352: {  	v56 =	vxor.u32 v21, v31;
	v57 =	vxor.u32 v22, v33;
	v58 =	vshll.u32 v23, $0x1D  }
0x353: {  	v32 =	vshrl.u32 v51, $0x3;
	v59 =	vshll.u32 v51, $0x1D;
	v17 =	vadd.s32 v17, v23  }
0x354: {  	v18 =	vadd.s32 v18, v51;
	v34 =	vor.u32 v60, v61;
	v36 =	vshrl.u32 v53, $0x3  }
0x355: {  	v61 =	vshll.u32 v53, $0x1D;
	v62 =	vshrl.u32 v54, $0x3;
	v63 =	vshll.u32 v54, $0x1D  }
0x356: {  	v44 =	vshrl.u32 v56, $0x3;
	v28 =	vor.u32 v55, v58;
	v45 =	vshll.u32 v56, $0x1D  }
0x357: {  	v32 =	vor.u32 v32, v59;
	v46 =	vshrl.u32 v57, $0x3;
	v47 =	vshll.u32 v57, $0x1D  }
0x358: {  	v20 =	vadd.s32 v20, v53;
	v16 =	vadd.s32 v16, v54;
	v21 =	vadd.s32 v21, v56  }
0x359: {  	v22 =	vadd.s32 v22, v57;
	v52 =	vxor.u32 v19, v34;
	v36 =	vor.u32 v36, v61  }
0x35a: {  	v48 =	vor.u32 v62, v63;
	v49 =	vor.u32 v44, v45;
	v50 =	vor.u32 v46, v47  }
0x35b: {  	v51 =	vxor.u32 v17, v28;
	v34 =	vshrl.u32 v52, $0x3;
	v60 =	vshll.u32 v52, $0x1D  }
0x35c: {  	v19 =	vadd.s32 v19, v52;
	v52 =	vxor.u32 v18, v32;
	v54 =	vxor.u32 v20, v36  }
0x35d: {  	v55 =	vxor.u32 v16, v48;
	v23 =	vxor.u32 v21, v49;
	v56 =	vshrl.u32 v51, $0x10  }
0x35e: {  	v57 =	vshll.u32 v51, $0x10;
	v31 =	vxor.u32 v22, v50;
	v17 =	vadd.s32 v17, v51  }
0x35f: {  	v34 =	vor.u32 v34, v60;
	v32 =	vshrl.u32 v52, $0x10;
	v58 =	vshll.u32 v52, $0x10  }
0x360: {  	v36 =	vshrl.u32 v54, $0x10;
	v60 =	vshll.u32 v54, $0x10;
	v61 =	vshrl.u32 v55, $0x10  }
0x361: {  	v62 =	vshll.u32 v55, $0x10;
	v63 =	vshrl.u32 v23, $0x10;
	v29 =	vor.u32 v56, v57  }
0x362: {  	v44 =	vshll.u32 v23, $0x10;
	v45 =	vshrl.u32 v31, $0x10;
	v46 =	vshll.u32 v31, $0x10  }
0x363: {  	v18 =	vadd.s32 v18, v52;
	v20 =	vadd.s32 v20, v54;
	v16 =	vadd.s32 v16, v55  }
0x364: {  	v21 =	vadd.s32 v21, v23;
	v22 =	vadd.s32 v22, v31;
	v53 =	vxor.u32 v19, v34  }
0x365: {  	v32 =	vor.u32 v32, v58;
	v36 =	vor.u32 v36, v60;
	v47 =	vor.u32 v61, v62  }
0x366: {  	v30 =	vor.u32 v63, v44;
	v48 =	vor.u32 v45, v46;
	v49 =	vxor.u32 v17, v29  }
0x367: {  	v34 =	vshrl.u32 v53, $0x10;
	v59 =	vshll.u32 v53, $0x10;
	v19 =	vadd.s32 v19, v53  }
0x368: {  	v50 =	vxor.u32 v18, v32;
	v27 =	vxor.u32 v20, v36;
	v28 =	vxor.u32 v16, v47  }
0x369: {  	v51 =	vxor.u32 v21, v30;
	v24 =	vxor.u32 v22, v48;
	v52 =	vshrl.u32 v49, $0x8  }
0x36a: {  	v53 =	vshll.u32 v49, $0x18;
	v17 =	vadd.s32 v17, v49;
	v34 =	vor.u32 v34, v59  }
0x36b: {  	v32 =	vshrl.u32 v50, $0x8;
	v54 =	vshll.u32 v50, $0x18;
	v36 =	vshrl.u32 v27, $0x8  }
0x36c: {  	v56 =	vshll.u32 v27, $0x18;
	v57 =	vshrl.u32 v28, $0x8;
	v58 =	vshll.u32 v28, $0x18  }
0x36d: {  	v59 =	vshrl.u32 v51, $0x8;
	v30 =	vor.u32 v52, v53;
	v60 =	vshll.u32 v51, $0x18  }
0x36e: {  	v61 =	vshrl.u32 v24, $0x8;
	v62 =	vshll.u32 v24, $0x18;
	v18 =	vadd.s32 v18, v50  }
0x36f: {  	v20 =	vadd.s32 v20, v27;
	v16 =	vadd.s32 v16, v28;
	v21 =	vadd.s32 v21, v51  }
0x370: {  	v22 =	vadd.s32 v22, v24;
	v26 =	vxor.u32 v19, v34;
	v32 =	vor.u32 v32, v54  }
0x371: {  	v36 =	vor.u32 v36, v56;
	v63 =	vor.u32 v57, v58;
	v31 =	vor.u32 v59, v60  }
0x372: {  	v33 =	vor.u32 v61, v62;
	v35 =	vxor.u32 v17, v30;
	v17 =	vadd.s32 v2, v17  }
0x373: {  	v34 =	vshrl.u32 v26, $0x8;
	v55 =	vshll.u32 v26, $0x18;
	v19 =	vadd.s32 v19, v26  }
0x374: {  	v38 =	vxor.u32 v18, v32;
	v40 =	vxor.u32 v20, v36;
	v41 =	vxor.u32 v16, v63  }
0x375: {  	v23 =	vadd.s32 v35, v7;
	v42 =	vxor.u32 v21, v31;
	v43 =	vxor.u32 v22, v33  }
0x376: {  	v18 =	vadd.s32 v2, v18;
	v20 =	vadd.s32 v2, v20;
	v16 =	vadd.s32 v2, v16  }
0x377: {  	v21 =	vadd.s32 v2, v21;
	v22 =	vadd.s32 v2, v22;
	v34 =	vor.u32 v34, v55  }
0x378: {  	v25 =	vadd.s32 v38, v7;
	v26 =	vadd.s32 v40, v7;
	v27 =	vadd.s32 v41, v7  }
0x379: {  	v28 =	vadd.s32 v42, v7;
	v29 =	vadd.s32 v43, v7;
	v44 =	vshrl.u32 v23, $0x13  }
0x37a: {  	v45 =	vshll.u32 v23, $0xD;
	v17 =	vadd.s32 v23, v17;
	v39 =	vxor.u32 v19, v34  }
0x37b: {  	v46 =	vshrl.u32 v25, $0x13;
	v47 =	vshll.u32 v25, $0xD;
	v50 =	vshrl.u32 v26, $0x13  }
0x37c: {  	v51 =	vshll.u32 v26, $0xD;
	v52 =	vshrl.u32 v27, $0x13;
	v53 =	vshll.u32 v27, $0xD  }
0x37d: {  	v54 =	vshrl.u32 v28, $0x13;
	v30 =	vor.u32 v44, v45;
	v55 =	vshll.u32 v28, $0xD  }
0x37e: {  	v56 =	vshrl.u32 v29, $0x13;
	v57 =	vshll.u32 v29, $0xD;
	v19 =	vadd.s32 v2, v19  }
0x37f: {  	v18 =	vadd.s32 v25, v18;
	v20 =	vadd.s32 v26, v20;
	v16 =	vadd.s32 v27, v16  }
0x380: {  	v21 =	vadd.s32 v28, v21;
	v22 =	vadd.s32 v29, v22;
	v24 =	vadd.s32 v39, v7  }
0x381: {  	v32 =	vor.u32 v46, v47;
	v36 =	vor.u32 v50, v51;
	v58 =	vor.u32 v52, v53  }
0x382: {  	v31 =	vor.u32 v54, v55;
	v59 =	vor.u32 v56, v57;
	v60 =	vxor.u32 v17, v30  }
0x383: {  	v48 =	vshrl.u32 v24, $0x13;
	v49 =	vshll.u32 v24, $0xD;
	v19 =	vadd.s32 v24, v19  }
0x384: {  	v25 =	vxor.u32 v18, v32;
	v62 =	vxor.u32 v20, v36;
	v63 =	vxor.u32 v16, v58  }
0x385: {  	v44 =	vxor.u32 v21, v31;
	v23 =	vxor.u32 v22, v59;
	v30 =	vshrl.u32 v60, $0x11  }
0x386: {  	v45 =	vshll.u32 v60, $0xF;
	v17 =	vadd.s32 v17, v60;
	v34 =	vor.u32 v48, v49  }
0x387: {  	v32 =	vshrl.u32 v25, $0x11;
	v46 =	vshll.u32 v25, $0xF;
	v36 =	vshrl.u32 v62, $0x11  }
0x388: {  	v48 =	vshll.u32 v62, $0xF;
	v49 =	vshrl.u32 v63, $0x11;
	v50 =	vshll.u32 v63, $0xF  }
0x389: {  	v51 =	vshrl.u32 v44, $0x11;
	v30 =	vor.u32 v30, v45;
	v52 =	vshll.u32 v44, $0xF  }
0x38a: {  	v53 =	vshrl.u32 v23, $0x11;
	v54 =	vshll.u32 v23, $0xF;
	v18 =	vadd.s32 v18, v25  }
0x38b: {  	v20 =	vadd.s32 v20, v62;
	v16 =	vadd.s32 v16, v63;
	v21 =	vadd.s32 v21, v44  }
0x38c: {  	v22 =	vadd.s32 v22, v23;
	v61 =	vxor.u32 v19, v34;
	v32 =	vor.u32 v32, v46  }
0x38d: {  	v36 =	vor.u32 v36, v48;
	v55 =	vor.u32 v49, v50;
	v31 =	vor.u32 v51, v52  }
0x38e: {  	v33 =	vor.u32 v53, v54;
	v24 =	vxor.u32 v17, v30;
	v34 =	vshrl.u32 v61, $0x11  }
0x38f: {  	v47 =	vshll.u32 v61, $0xF;
	v19 =	vadd.s32 v19, v61;
	v25 =	vxor.u32 v18, v32  }
0x390: {  	v57 =	vxor.u32 v20, v36;
	v58 =	vxor.u32 v16, v55;
	v59 =	vshrl.u32 v24, $0x6  }
0x391: {  	v29 =	vxor.u32 v21, v31;
	v60 =	vxor.u32 v22, v33;
	v61 =	vshll.u32 v24, $0x1A  }
0x392: {  	v17 =	vadd.s32 v17, v24;
	v34 =	vor.u32 v34, v47;
	v32 =	vshrl.u32 v25, $0x6  }
0x393: {  	v62 =	vshll.u32 v25, $0x1A;
	v36 =	vshrl.u32 v57, $0x6;
	v44 =	vshll.u32 v57, $0x1A  }
0x394: {  	v45 =	vshrl.u32 v58, $0x6;
	v46 =	vshll.u32 v58, $0x1A;
	v47 =	vshrl.u32 v29, $0x6  }
0x395: {  	v28 =	vor.u32 v59, v61;
	v48 =	vshll.u32 v29, $0x1A;
	v49 =	vshrl.u32 v60, $0x6  }
0x396: {  	v50 =	vshll.u32 v60, $0x1A;
	v18 =	vadd.s32 v18, v25;
	v20 =	vadd.s32 v20, v57  }
0x397: {  	v16 =	vadd.s32 v16, v58;
	v21 =	vadd.s32 v21, v29;
	v22 =	vadd.s32 v22, v60  }
0x398: {  	v56 =	vxor.u32 v19, v34;
	v32 =	vor.u32 v32, v62;
	v36 =	vor.u32 v36, v44  }
0x399: {  	v51 =	vor.u32 v45, v46;
	v52 =	vor.u32 v47, v48;
	v53 =	vor.u32 v49, v50  }
0x39a: {  	v54 =	vxor.u32 v17, v28;
	v34 =	vshrl.u32 v56, $0x6;
	v63 =	vshll.u32 v56, $0x1A  }
0x39b: {  	v19 =	vadd.s32 v19, v56;
	v25 =	vxor.u32 v18, v32;
	v56 =	vxor.u32 v20, v36  }
0x39c: {  	v57 =	vxor.u32 v16, v51;
	v24 =	vxor.u32 v21, v52;
	v58 =	vshrl.u32 v54, $0x1A  }
0x39d: {  	v59 =	vshll.u32 v54, $0x6;
	v31 =	vxor.u32 v22, v53;
	v17 =	vadd.s32 v17, v54  }
0x39e: {  	v34 =	vor.u32 v34, v63;
	v32 =	vshrl.u32 v25, $0x1A;
	v60 =	vshll.u32 v25, $0x6  }
0x39f: {  	v36 =	vshrl.u32 v56, $0x1A;
	v62 =	vshll.u32 v56, $0x6;
	v63 =	vshrl.u32 v57, $0x1A  }
0x3a0: {  	v44 =	vshll.u32 v57, $0x6;
	v45 =	vshrl.u32 v24, $0x1A;
	v29 =	vor.u32 v58, v59  }
0x3a1: {  	v46 =	vshll.u32 v24, $0x6;
	v47 =	vshrl.u32 v31, $0x1A;
	v48 =	vshll.u32 v31, $0x6  }
0x3a2: {  	[tilespmem:s17+$0xFFFFFFF0] =	vst v9;
	v18 =	vadd.s32 v18, v25;
	v20 =	vadd.s32 v20, v56;
	v9 =	vadd.s32 v16, v57  }
0x3a3: {  	v21 =	vadd.s32 v21, v24;
	v52 =	vadd.s32 v22, v31;
	v57 =	vadd.s32 v3, v17  }
0x3a4: {  	v55 =	vxor.u32 v19, v34;
	v32 =	vor.u32 v32, v60;
	v36 =	vor.u32 v36, v62  }
0x3a5: {  	[tilespmem:s17+$0xFFFFFFE0] =	vst v10;
	v49 =	vor.u32 v63, v44;
	v50 =	vor.u32 v45, v46;
	v10 =	vor.u32 v47, v48  }
0x3a6: {  	[tilespmem:s17+$0xFFFFFFD0] =	vst v12;
	v51 =	vxor.u32 v17, v29;
	v59 =	vadd.s32 v3, v18;
	v62 =	vadd.s32 v3, v20  }
0x3a7: {  	[tilespmem:s17+$0x0] =	vst v14;
	v63 =	vadd.s32 v3, v21;
	v34 =	vshrl.u32 v55, $0x1A;
	v61 =	vshll.u32 v55, $0x6  }
0x3a8: {  	[tilespmem:s17+$0x10] =	vst v13;
	v19 =	vadd.s32 v19, v55;
	v53 =	vxor.u32 v18, v32;
	v55 =	vxor.u32 v20, v36  }
0x3a9: {  	s31 =	sadd.s32 $0x80, s17;
	[tilespmem:s17+$0x20] =	vst v11;
	v56 =	vxor.u32 v9, v49;
	v12 =	vxor.u32 v21, v50;
	v11 =	vadd.s32 v51, v8  }
0x3aa: {  	[tilespmem:s31+$0x30] =	vst v15;
	v10 =	vxor.u32 v52, v10;
	v58 =	vadd.s32 v53, v8;
	v11 =	vxor.u32 v57, v11  }
0x3ab: {  	v34 =	vor.u32 v34, v61;
	v13 =	vadd.s32 v55, v8;
	[tilespmem:s31+$0xFFFFFFC0] =	vst v11;
	v11 =	vxor.u32 v59, v58  }
0x3ac: {  	v12 =	vadd.s32 v12, v8;
	v54 =	vxor.u32 v19, v34;
	v13 =	vxor.u32 v62, v13;
	[tilespmem:s31+$0xFFFFFFD0] =	vst v11  }
0x3ad: {  	v61 =	vadd.s32 v3, v19;
	v12 =	vxor.u32 v63, v12;
	v60 =	vadd.s32 v54, v8;
	[tilespmem:s31+$0xFFFFFFF0] =	vst v13  }
0x3ae: {  	v9 =	vadd.s32 v3, v9;
	v11 =	vadd.s32 v56, v8;
	[tilespmem:s31+$0x10] =	vst v12;
	v16 =	vxor.u32 v61, v60  }
0x3af: {  	v10 =	vadd.s32 v10, v8;
	v9 =	vxor.u32 v9, v11;
	v11 =	vadd.s32 v3, v52;
	[tilespmem:s31+$0xFFFFFFE0] =	vst v16  }
0x3b0: {  	[tilespmem:s31+$0x0] =	vst v9;
	v9 =	vxor.u32 v11, v10  }
.Ltmp6:
0x3b1: {  	s16 =	sadd.s32 s5, s16;
	[tilespmem:s31+$0x20] =	vst v9;
	(pc) =	sbr.rel .LBB2_6-.Ltmp6, $4  }
0x3b2: {  	[hbm4b:s16+s11] =	stream.strided.scatter [tilespmem:s1], [sflag:$0x1], $0x1400, s12, s11, $0x38;
	[tilespmem:$0x1500] =	vst v63  }
0x3b3: {  	_ =	swait.ge [sflag:s10], $0x1400  }
0x3b4: {  	[sflag:s10] =	ssyncset.done $0x0  }
0x3b5: {  	[sflag:s10] =	ssyncadd.s32 $0xFFFFEC00  }
.LBB2_8:
0x3b6: {  	_ =	sfence.sel $0x180000  }
0x3b7: {  	[bflag:$0x0] =	sbarrier.arrive $0xFFFF  }
0x3b8: {  	p0 =	sne.s32 s2, $0x0;
	_ =	strace $0x90000047  }
0x3b9: {  	s0 =	sadd.s32 @!p0 $0x100000, s0;
	[bflag:$0x2] =	sbarrier.arrive $0xFFFF  }
0x3ba: {  	[sflag:s0] =	ssyncadd.tile.s32 @!p0 $0x1;
	_ =	shalt  }
.Lfunc_end2:
_tile_overlayer_lowered:
.L_overlay_start_2:
0x3bb: {  	(tag) =	ssettag $0x2  }
0x3bc: {  	s0 =	rddreg [dreg:$0x0];
	s2 =	stileid.u32  }
0x3bd: {  	s1 =	rddreg [dreg:$0x1];
	p0 =	sne.s32 s2, $0x0  }
0x3be: {  	s3 =	rddreg [dreg:$0x2];
	[bflag:$0x3] =	sbarrier.arrive $0xFFFF;
	s2 =	simm.s32 @!p0 $0x1C01  }
0x3bf: {  	[timem:s3], [sflag:s2] =	dma.local @!p0 [hbm:s0], s1  }
0x3c0: {  	s0 =	simm.s32 @!p0 $0x1  }
0x3c1: {  	_ =	swait.ge @!p0 [sflag:s0], s1  }
0x3c2: {  	s1 =	ssub.s32 @!p0 $0x0, s1;
	[sflag:s0] =	ssyncset.done @!p0 $0x0  }
0x3c3: {  	[sflag:s0] =	ssyncadd.s32 @!p0 s1  }
0x3c4: {  	[bflag:$0x3] =	sbarrier.arrive $0xFFFF  }
0x3c5: {  	_ =	shalt  }

</sc_bundles>
